<compile_context>
chip_gen: v7x
topology: tpu7x:2x2x1
jax: 0.10.2.dev20260603
libtpu: 0.0.44.dev20260713+nightly
codegen_flags: <defaults>
</compile_context>

<pallas_src>
import functools

import jax
import jax.numpy as jnp
from jax import lax
from jax.experimental import pallas as pl
from jax.experimental.pallas import tpu as pltpu
from jax.experimental.pallas import tpu_sc as plsc

N = 10000
E = 320000
F = 128
A = 16
H = 128
NC = 2
NS = 16
TILES = NC * NS
HH = H // 2
EPT = E // NS
K = 80
NCHUNK = EPT // K
GRP = K // 16
WT = 10
RPT = N // WT
F32 = jnp.float32



def _prep_body(eaT, We1p, ae1p, We2p, ae2p, x, W1, actp, C1,
               outF, h_out, asadT_out):
    ea0 = eaT[0:1, :]
    ea1 = eaT[1:2, :]
    wv10 = jnp.sum(We1p[0:1, :] * ae1p[0:1, :])
    wv11 = jnp.sum(We1p[1:2, :] * ae1p[0:1, :])
    wv20 = jnp.sum(We2p[0:1, :] * ae2p[0:1, :])
    wv21 = jnp.sum(We2p[1:2, :] * ae2p[0:1, :])
    outF[0:1, :] = ea0 * wv10 + ea1 * wv11
    outF[1:2, :] = ea0 * wv20 + ea1 * wv21
    Wx = W1[0:F, :]
    Wa = W1[F:F + A, :]
    c1 = jnp.dot(actp[0:1, :], Wa, preferred_element_type=F32)
    h = jnp.dot(x[...], Wx, preferred_element_type=F32) + c1
    h_out[...] = h
    asadT_out[...] = jnp.dot(h, C1[...], preferred_element_type=F32)


def _finalize1_body(acc_h, acc_t, h1, asadT1, b1p, W2, C2,
                    We1p, ae1p, We2p, ae2p, h2_out, asadT2_out):
    num = jnp.concatenate((acc_h[0], acc_h[1]), axis=1)
    t = acc_t[...]
    den = t[:, 0:1]
    deg = jnp.maximum(t[:, 1:2], 1.0)
    la0 = t[:, 2:3] / deg
    la1 = t[:, 3:4] / deg
    wv10 = jnp.sum(We1p[0:1, :] * ae1p[0:1, :])
    wv11 = jnp.sum(We1p[1:2, :] * ae1p[0:1, :])
    wv20 = jnp.sum(We2p[0:1, :] * ae2p[0:1, :])
    wv21 = jnp.sum(We2p[1:2, :] * ae2p[0:1, :])
    ae_s1 = la0 * wv10 + la1 * wv11
    asum = asadT1[:, 0:1] + asadT1[:, 1:2] + ae_s1
    asum = jnp.maximum(asum, 0.2 * asum)
    aw = jnp.exp(asum)
    h1v = h1[...]
    out1 = (num + aw * h1v) / (den + aw + 1e-16) + b1p[0:1, :]
    x2 = jnp.maximum(out1, 0.0)
    h2 = jnp.dot(x2, W2[...], preferred_element_type=F32)
    h2_out[...] = h2
    hC2 = jnp.dot(h2, C2[...], preferred_element_type=F32)
    ae_s2 = la0 * wv20 + la1 * wv21
    ci = lax.broadcasted_iota(jnp.int32, hC2.shape, 1)
    asadT2_out[...] = jnp.where(ci == 2, ae_s2, hC2)


def _finalize2_body(acc_h, acc_t, h2, asadT2, b2p, WfcT, bfcp, out):
    num = jnp.concatenate((acc_h[0], acc_h[1]), axis=1)
    t = acc_t[...]
    den = t[:, 0:1]
    asum = asadT2[:, 0:1] + asadT2[:, 1:2] + asadT2[:, 2:3]
    asum = jnp.maximum(asum, 0.2 * asum)
    aw = jnp.exp(asum)
    h2v = h2[...]
    out2 = (num + aw * h2v) / (den + aw + 1e-16) + b2p[0:1, :]
    x3 = jnp.maximum(out2, 0.0)
    g = jnp.sum(x3, axis=0) / float(N)
    res = jnp.sum(g * WfcT[0, :]) + bfcp[0, 0]
    out[...] = jnp.full((1, 1), res, F32)



def _sc_body(hr_hbm, asad_hbm, epack_hbm, ae_hbm, zrow_hbm, ztail_hbm,
             acc_h_out, acc_t_out,
             asad_v, w_v,
             epk_v0, srcoff_v0, dsts_v0, ae_v0, rows_v0, tail_v0,
             epk_v1, srcoff_v1, dsts_v1, ae_v1, rows_v1, tail_v1,
             acc_h_s, tacc_sh,
             semg0, semr0, semt0, sems0,
             semg1, semr1, semt1, sems1):
    c = lax.axis_index("c")
    s = lax.axis_index("s")
    @pl.when(s < WT)
    def _zero():
        pltpu.sync_copy(zrow_hbm, acc_h_s.at[pl.ds(s * RPT, RPT)])
        pltpu.sync_copy(ztail_hbm, tacc_sh.at[pl.ds(s * RPT, RPT)])
    pltpu.sync_copy(asad_hbm, asad_v)
    def _zt(k, carry):
        tail_v0[k, :] = jnp.zeros((16,), F32)
        tail_v1[k, :] = jnp.zeros((16,), F32)
        return carry
    lax.fori_loop(0, K, _zt, 0)
    plsc.subcore_barrier()

    cbase = s * NCHUNK
    ebase = s * EPT
    iota = lax.broadcasted_iota(jnp.int32, (16,), 0)
    ones = jnp.ones((16,), F32)
    zer = jnp.zeros((16,), jnp.int32)

    bufs = (
        (epk_v0, srcoff_v0, dsts_v0, ae_v0, rows_v0, tail_v0,
         semg0, semr0, semt0, sems0),
        (epk_v1, srcoff_v1, dsts_v1, ae_v1, rows_v1, tail_v1,
         semg1, semr1, semt1, sems1),
    )

    def _issue_smalls(b, i):
        (epk, _, _, ae, _, _, _, _, _, bsem) = b
        pltpu.async_copy(epack_hbm.at[cbase + i], epk, bsem)
        pltpu.async_copy(ae_hbm.at[pl.ds(ebase + i * K, K)], ae, bsem)

    def _wait_smalls(b, i):
        (epk, _, _, ae, _, _, _, _, _, bsem) = b
        pltpu.make_async_copy(epack_hbm.at[cbase + i], epk, bsem).wait()
        pltpu.make_async_copy(ae_hbm.at[pl.ds(ebase + i * K, K)], ae, bsem).wait()

    def _issue_gather(b):
        (epk, boff, _, _, brows, _, bsemg, _, _, _) = b
        for g in range(GRP):
            sl = pl.ds(g * 16, 16)
            boff[sl] = epk[sl] * 2 + c
        pltpu.async_copy(hr_hbm.at[boff], brows, bsemg)

    def _wait_gather(b):
        (_, boff, _, _, brows, _, bsemg, _, _, _) = b
        pltpu.make_async_copy(hr_hbm.at[boff], brows, bsemg).wait()

    def _wait_rows_scatter(b):
        (_, _, bdsts, _, brows, _, _, bsemr, _, _) = b
        pltpu.make_async_copy(brows, acc_h_s.at[bdsts], bsemr).wait()

    def _wait_tail_scatter(b):
        (_, _, bdsts, _, _, btail, _, _, bsemt, _) = b
        @pl.when(c == 0)
        def _w():
            pltpu.make_async_copy(btail, tacc_sh.at[bdsts], bsemt).wait()

    def _compute_w(b):
        (epk, _, bdsts, bae, _, btail, _, _, _, _) = b
        for g in range(GRP):
            sl = pl.ds(g * 16, 16)
            s16 = epk[sl]
            d16 = epk[pl.ds(K + g * 16, 16)]
            bdsts[sl] = d16
            asg = plsc.load_gather(asad_v, [s16 * 2])
            adg = plsc.load_gather(asad_v, [d16 * 2 + 1])
            ea0 = plsc.bitcast(epk[pl.ds(2 * K + g * 16, 16)], F32)
            ea1 = plsc.bitcast(epk[pl.ds(3 * K + g * 16, 16)], F32)
            al = asg + adg + bae[sl]
            al = jnp.maximum(al, 0.2 * al)
            w16 = jnp.exp(al)
            w_v[sl] = w16
            ridx = g * 16 + iota
            plsc.store_scatter(btail, [ridx, zer], w16)
            plsc.store_scatter(btail, [ridx, zer + 1], ones)
            plsc.store_scatter(btail, [ridx, zer + 2], ea0)
            plsc.store_scatter(btail, [ridx, zer + 3], ea1)

    def _scale_scatter(b):
        (_, _, bdsts, _, brows, btail, _, bsemr, bsemt, _) = b
        def _scale(k4, carry2):
            for u in range(4):
                k = k4 * 4 + u
                wspl = plsc.load_gather(w_v, [zer + k])
                for cb in range(HH // 16):
                    csl = pl.ds(cb * 16, 16)
                    brows[k, csl] = brows[k, csl] * wspl
            return carry2
        lax.fori_loop(0, K // 4, _scale, 0)
        pltpu.async_copy(brows, acc_h_s.at[bdsts], bsemr, add=True)
        @pl.when(c == 0)
        def _tadd():
            pltpu.async_copy(btail, tacc_sh.at[bdsts], bsemt, add=True)

    _issue_smalls(bufs[0], 0)
    _wait_smalls(bufs[0], 0)
    _issue_gather(bufs[0])

    def _pair(j, carry):
        i0 = 2 * j
        _issue_smalls(bufs[1], i0 + 1)
        @pl.when(j > 0)
        def _wt0():
            _wait_tail_scatter(bufs[0])
        _compute_w(bufs[0])
        _wait_smalls(bufs[1], i0 + 1)
        @pl.when(j > 0)
        def _wr1():
            _wait_rows_scatter(bufs[1])
        _issue_gather(bufs[1])
        _wait_gather(bufs[0])
        _scale_scatter(bufs[0])
        @pl.when(j < NCHUNK // 2 - 1)
        def _pre0():
            _issue_smalls(bufs[0], i0 + 2)
        @pl.when(j > 0)
        def _wt1():
            _wait_tail_scatter(bufs[1])
        _compute_w(bufs[1])
        @pl.when(j < NCHUNK // 2 - 1)
        def _pre0b():
            _wait_smalls(bufs[0], i0 + 2)
            _wait_rows_scatter(bufs[0])
            _issue_gather(bufs[0])
        _wait_gather(bufs[1])
        _scale_scatter(bufs[1])
        return carry
    lax.fori_loop(0, NCHUNK // 2, _pair, 0)

    _wait_rows_scatter(bufs[0])
    _wait_tail_scatter(bufs[0])
    _wait_rows_scatter(bufs[1])
    _wait_tail_scatter(bufs[1])
    plsc.subcore_barrier()

    @pl.when(s < WT)
    def _writeout():
        pltpu.sync_copy(acc_h_s.at[pl.ds(s * RPT, RPT)],
                        acc_h_out.at[c, pl.ds(s * RPT, RPT)])

    @pl.when((c == 0) & (s == 0))
    def _wt():
        pltpu.sync_copy(tacc_sh, acc_t_out)


def _make_sc_pass():
    mesh = plsc.VectorSubcoreMesh(core_axis_name="c", subcore_axis_name="s")
    return pl.kernel(
        _sc_body,
        out_type=(
            jax.ShapeDtypeStruct((NC, N, HH), F32),
            jax.ShapeDtypeStruct((N, 16), F32),
        ),
        mesh=mesh,
        compiler_params=pltpu.CompilerParams(
            needs_layout_passes=False, use_tc_tiling_on_sc=False),
        scratch_types=[
            pltpu.VMEM((N * 2,), F32),
            pltpu.VMEM((K,), F32),
            pltpu.VMEM((4 * K,), jnp.int32),
            pltpu.VMEM((K,), jnp.int32),
            pltpu.VMEM((K,), jnp.int32),
            pltpu.VMEM((K,), F32),
            pltpu.VMEM((K, HH), F32),
            pltpu.VMEM((K, 16), F32),
            pltpu.VMEM((4 * K,), jnp.int32),
            pltpu.VMEM((K,), jnp.int32),
            pltpu.VMEM((K,), jnp.int32),
            pltpu.VMEM((K,), F32),
            pltpu.VMEM((K, HH), F32),
            pltpu.VMEM((K, 16), F32),
            pltpu.VMEM_SHARED((N, HH), F32),
            pltpu.VMEM_SHARED((N, 16), F32),
            pltpu.SemaphoreType.DMA,
            pltpu.SemaphoreType.DMA,
            pltpu.SemaphoreType.DMA,
            pltpu.SemaphoreType.DMA,
            pltpu.SemaphoreType.DMA,
            pltpu.SemaphoreType.DMA,
            pltpu.SemaphoreType.DMA,
            pltpu.SemaphoreType.DMA,
        ],
    )


_sc_pass = _make_sc_pass()



def kernel(x, edge_index, edge_attr, action, W1, as1, ad1, We1, ae1, b1,
           W2, as2, ad2, We2, ae2, b2, Wfc, bfc):
    f32 = F32
    eaT = edge_attr.T
    We1p = We1
    We2p = We2
    ae1p = ae1[None, :]
    ae2p = ae2[None, :]
    actp = action[None, :]
    C1 = jnp.concatenate([as1[:, None], ad1[:, None], jnp.zeros((H, 6), f32)], axis=1)
    C2 = jnp.concatenate([as2[:, None], ad2[:, None], jnp.zeros((H, 6), f32)], axis=1)
    b1p = b1[None, :]
    b2p = b2[None, :]
    WfcT = Wfc.T
    bfcp = bfc[None, :]
    zrow = jnp.zeros((RPT, HH), f32)
    ztail = jnp.zeros((RPT, 16), f32)

    EB = E // 10
    NB10 = N // 10
    edgeF, h1, asadT1 = pl.pallas_call(
        _prep_body,
        grid=(10,),
        in_specs=[
            pl.BlockSpec((2, EB), lambda i: (0, i)),
            pl.BlockSpec((2, H), lambda i: (0, 0)),
            pl.BlockSpec((1, H), lambda i: (0, 0)),
            pl.BlockSpec((2, H), lambda i: (0, 0)),
            pl.BlockSpec((1, H), lambda i: (0, 0)),
            pl.BlockSpec((NB10, F), lambda i: (i, 0)),
            pl.BlockSpec((F + A, H), lambda i: (0, 0)),
            pl.BlockSpec((1, A), lambda i: (0, 0)),
            pl.BlockSpec((H, 8), lambda i: (0, 0)),
        ],
        out_specs=[
            pl.BlockSpec((2, EB), lambda i: (0, i)),
            pl.BlockSpec((NB10, H), lambda i: (i, 0)),
            pl.BlockSpec((NB10, 8), lambda i: (i, 0)),
        ],
        out_shape=[
            jax.ShapeDtypeStruct((2, E), f32),
            jax.ShapeDtypeStruct((N, H), f32),
            jax.ShapeDtypeStruct((N, 8), f32),
        ],
    )(eaT, We1p, ae1p, We2p, ae2p, x, W1, actp, C1)

    srcE = edge_index[0]
    dstE = edge_index[1]
    ea0i = lax.bitcast_convert_type(edge_attr[:, 0], jnp.int32)
    ea1i = lax.bitcast_convert_type(edge_attr[:, 1], jnp.int32)
    NCHT = E // K
    epack = jnp.stack([srcE.reshape(NCHT, K), dstE.reshape(NCHT, K),
                       ea0i.reshape(NCHT, K), ea1i.reshape(NCHT, K)],
                      axis=1).reshape(NCHT, 4 * K)
    ae1E = edgeF[0]
    ae2E = edgeF[1]

    acc_h1, acc_t1 = _sc_pass(h1.reshape(2 * N, HH),
                              asadT1[:, :2].reshape(N * 2),
                              epack, ae1E, zrow, ztail)

    NB = N // 5
    h2, asadT2 = pl.pallas_call(
        _finalize1_body,
        grid=(5,),
        in_specs=[
            pl.BlockSpec((NC, NB, HH), lambda i: (0, i, 0)),
            pl.BlockSpec((NB, 16), lambda i: (i, 0)),
            pl.BlockSpec((NB, H), lambda i: (i, 0)),
            pl.BlockSpec((NB, 8), lambda i: (i, 0)),
            pl.BlockSpec((1, H), lambda i: (0, 0)),
            pl.BlockSpec((H, H), lambda i: (0, 0)),
            pl.BlockSpec((H, 8), lambda i: (0, 0)),
            pl.BlockSpec((2, H), lambda i: (0, 0)),
            pl.BlockSpec((1, H), lambda i: (0, 0)),
            pl.BlockSpec((2, H), lambda i: (0, 0)),
            pl.BlockSpec((1, H), lambda i: (0, 0)),
        ],
        out_specs=[
            pl.BlockSpec((NB, H), lambda i: (i, 0)),
            pl.BlockSpec((NB, 8), lambda i: (i, 0)),
        ],
        out_shape=[
            jax.ShapeDtypeStruct((N, H), f32),
            jax.ShapeDtypeStruct((N, 8), f32),
        ],
    )(acc_h1, acc_t1, h1, asadT1, b1p, W2, C2, We1p, ae1p, We2p, ae2p)

    acc_h2, acc_t2 = _sc_pass(h2.reshape(2 * N, HH),
                              asadT2[:, :2].reshape(N * 2),
                              epack, ae2E, zrow, ztail)

    res = pl.pallas_call(
        _finalize2_body,
        in_specs=[
            pl.BlockSpec((NC, N, HH), lambda: (0, 0, 0)),
            pl.BlockSpec((N, 16), lambda: (0, 0)),
            pl.BlockSpec((N, H), lambda: (0, 0)),
            pl.BlockSpec((N, 8), lambda: (0, 0)),
            pl.BlockSpec((1, H), lambda: (0, 0)),
            pl.BlockSpec((1, H), lambda: (0, 0)),
            pl.BlockSpec((1, 1), lambda: (0, 0)),
        ],
        out_specs=pl.BlockSpec((1, 1), lambda: (0, 0)),
        out_shape=jax.ShapeDtypeStruct((1, 1), f32),
    )(acc_h2, acc_t2, h2, asadT2, b2p, WfcT, bfcp)

    return res.reshape((1,))

# --- scband reference (transcript-rebuilt; emitter-appended) ---
"""Pipeline reference for scband-gnncritic-48653389529336 (READ-ONLY COPY).

The authoritative reference and input builder live on the scoring server;
editing this copy changes nothing except your own understanding.
"""

import jax, jax.numpy as jnp
import numpy as np


def _gat_conv(x, edge_index, edge_attr, W, att_src, att_dst, We, att_e, bias):
    # Faithful PyG GATConv (heads=1, concat=True, negative_slope=0.2,
    # add_self_loops=True with fill_value='mean' for edge_attr).
    N = x.shape[0]
    E = edge_index.shape[1]
    src0 = edge_index[0]
    dst0 = edge_index[1]
    # self-loop edge_attr = mean of incoming edge attrs per node
    deg = jax.ops.segment_sum(jnp.ones((E,), jnp.float32), dst0, num_segments=N)
    loop_attr = jax.ops.segment_sum(edge_attr, dst0, num_segments=N) / jnp.maximum(deg, 1.0)[:, None]
    loop = jnp.arange(N, dtype=edge_index.dtype)
    src = jnp.concatenate([src0, loop])
    dst = jnp.concatenate([dst0, loop])
    ea = jnp.concatenate([edge_attr, loop_attr], axis=0)
    h = x @ W  # [N, out]
    a_s = (h * att_src).sum(-1)
    a_d = (h * att_dst).sum(-1)
    ee = ea @ We
    a_e = (ee * att_e).sum(-1)
    alpha = jax.nn.leaky_relu(a_s[src] + a_d[dst] + a_e, 0.2)
    amax = jax.ops.segment_max(alpha, dst, num_segments=N)
    ex = jnp.exp(alpha - amax[dst])
    den = jax.ops.segment_sum(ex, dst, num_segments=N)
    coef = ex / (den[dst] + 1e-16)
    out = jax.ops.segment_sum(h[src] * coef[:, None], dst, num_segments=N)
    return out + bias


def setup_inputs(seed: int = 0):
    key = jax.random.key(seed)
    ks = jax.random.split(key, 20)
    N, E, F, A, H = 10000, 320000, 128, 16, 128
    inp = {}
    inp["x"] = jax.random.normal(ks[0], (N, F), jnp.float32)
    inp["edge_index"] = jax.random.randint(ks[1], (2, E), 0, N, dtype=jnp.int32)
    inp["edge_attr"] = jax.random.normal(ks[2], (E, 2), jnp.float32)
    inp["action"] = jax.random.normal(ks[3], (A,), jnp.float32)
    s = 0.05
    inp["W1"] = jax.random.normal(ks[4], (F + A, H), jnp.float32) * s
    inp["as1"] = jax.random.normal(ks[5], (H,), jnp.float32) * s
    inp["ad1"] = jax.random.normal(ks[6], (H,), jnp.float32) * s
    inp["We1"] = jax.random.normal(ks[7], (2, H), jnp.float32) * s
    inp["ae1"] = jax.random.normal(ks[8], (H,), jnp.float32) * s
    inp["b1"] = jnp.zeros((H,), jnp.float32)
    inp["W2"] = jax.random.normal(ks[9], (H, H), jnp.float32) * s
    inp["as2"] = jax.random.normal(ks[10], (H,), jnp.float32) * s
    inp["ad2"] = jax.random.normal(ks[11], (H,), jnp.float32) * s
    inp["We2"] = jax.random.normal(ks[12], (2, H), jnp.float32) * s
    inp["ae2"] = jax.random.normal(ks[13], (H,), jnp.float32) * s
    inp["b2"] = jnp.zeros((H,), jnp.float32)
    inp["Wfc"] = jax.random.normal(ks[14], (H, 1), jnp.float32) * s
    inp["bfc"] = jnp.zeros((1,), jnp.float32)
    return inp


def reference(x, edge_index, edge_attr, action, W1, as1, ad1, We1, ae1, b1, W2, as2, ad2, We2, ae2, b2, Wfc, bfc):
    act = jnp.broadcast_to(action[None, :], (x.shape[0], action.shape[0]))
    h = jnp.concatenate([x, act], axis=1)
    h = jax.nn.relu(_gat_conv(h, edge_index, edge_attr, W1, as1, ad1, We1, ae1, b1))
    h = jax.nn.relu(_gat_conv(h, edge_index, edge_attr, W2, as2, ad2, We2, ae2, b2))
    g = h.mean(axis=0)
    return g @ Wfc + bfc

if __name__ == "__main__":
    import jax
    _d = setup_inputs()
    print(jax.jit(kernel)(*tuple(_d.values())))

</pallas_src>

<mosaic_0001>
#map = affine_map<(d0, d1) -> (0, 0)>
#map1 = affine_map<(d0, d1) -> (0)>
#map2 = affine_map<(d0, d1) -> (0, 0, 0)>
module attributes {stable_mosaic.version = 14 : i64} {
  func.func @_sc_body(%arg0: i32, %arg1: i32, %arg2: memref<20000x64xf32, #tpu.memory_space<hbm>>, %arg3: memref<20000xf32, #tpu.memory_space<hbm>>, %arg4: memref<4000x320xi32, #tpu.memory_space<hbm>>, %arg5: memref<320000xf32, #tpu.memory_space<hbm>>, %arg6: memref<1000x64xf32, #tpu.memory_space<hbm>>, %arg7: memref<1000x16xf32, #tpu.memory_space<hbm>>, %arg8: memref<2x10000x64xf32, #tpu.memory_space<hbm>>, %arg9: memref<10000x16xf32, #tpu.memory_space<hbm>>, %arg10: memref<20000xf32, #tpu.memory_space<vmem>>, %arg11: memref<80xf32, #tpu.memory_space<vmem>>, %arg12: memref<320xi32, #tpu.memory_space<vmem>>, %arg13: memref<80xi32, #tpu.memory_space<vmem>>, %arg14: memref<80xi32, #tpu.memory_space<vmem>>, %arg15: memref<80xf32, #tpu.memory_space<vmem>>, %arg16: memref<80x64xf32, #tpu.memory_space<vmem>>, %arg17: memref<80x16xf32, #tpu.memory_space<vmem>>, %arg18: memref<320xi32, #tpu.memory_space<vmem>>, %arg19: memref<80xi32, #tpu.memory_space<vmem>>, %arg20: memref<80xi32, #tpu.memory_space<vmem>>, %arg21: memref<80xf32, #tpu.memory_space<vmem>>, %arg22: memref<80x64xf32, #tpu.memory_space<vmem>>, %arg23: memref<80x16xf32, #tpu.memory_space<vmem>>, %arg24: memref<10000x64xf32, #tpu.memory_space<vmem_shared>>, %arg25: memref<10000x16xf32, #tpu.memory_space<vmem_shared>>, %arg26: memref<!tpu.dma_semaphore, #tpu.memory_space<semaphore_mem>>, %arg27: memref<!tpu.dma_semaphore, #tpu.memory_space<semaphore_mem>>, %arg28: memref<!tpu.dma_semaphore, #tpu.memory_space<semaphore_mem>>, %arg29: memref<!tpu.dma_semaphore, #tpu.memory_space<semaphore_mem>>, %arg30: memref<!tpu.dma_semaphore, #tpu.memory_space<semaphore_mem>>, %arg31: memref<!tpu.dma_semaphore, #tpu.memory_space<semaphore_mem>>, %arg32: memref<!tpu.dma_semaphore, #tpu.memory_space<semaphore_mem>>, %arg33: memref<!tpu.dma_semaphore, #tpu.memory_space<semaphore_mem>>) attributes {dimension_semantics = [#tpu.dimension_semantics<core_parallel>, #tpu.dimension_semantics<subcore_parallel>], iteration_bounds = array<i64: 2, 16>, scalar_prefetch = 0 : i64, scratch_operands = 24 : i64, tpu.core_type = #tpu.core_type<sc_vector_subcore>, window_params = [{transform_indices = #map}, {transform_indices = #map1}, {transform_indices = #map}, {transform_indices = #map1}, {transform_indices = #map}, {transform_indices = #map}, {transform_indices = #map2}, {transform_indices = #map}]} {
    %lt3A = arith.constant 10 : i32
    %lt3A_0 = arith.cmpi slt, %arg1, %lt3A : i32
    %convert_element_type3A = arith.extui %lt3A_0 : i1 to i32
    %cond3A = arith.constant 0 : i32
    %cond3A_1 = arith.cmpi ne, %convert_element_type3A, %cond3A : i32
    scf.if %cond3A_1 {
      %mul3A_114 = arith.constant 1000 : i32
      %mul3A_115 = arith.muli %arg1, %mul3A_114 : i32
      "tpu.region"() ({
        %run_scoped3A = tpu.sem_alloc : memref<!tpu.dma_semaphore, #tpu.memory_space<semaphore_mem>>
        %dma_start3A_118 = arith.constant 0 : i32
        %dma_start3A_119 = tpu.memref_slice %arg24[%mul3A_115, %dma_start3A_118] : memref<10000x64xf32, #tpu.memory_space<vmem_shared>> -> memref<1000x64xf32, #tpu.memory_space<vmem_shared>>
        tpu.enqueue_dma source(%arg6 : memref<1000x64xf32, #tpu.memory_space<hbm>>) target(%dma_start3A_119 : memref<1000x64xf32, #tpu.memory_space<vmem_shared>>) target_semaphore(%run_scoped3A : memref<!tpu.dma_semaphore, #tpu.memory_space<semaphore_mem>>)
        %dma_wait3A_120 = arith.constant 0 : i32
        %dma_wait3A_121 = tpu.memref_slice %arg24[%mul3A_115, %dma_wait3A_120] : memref<10000x64xf32, #tpu.memory_space<vmem_shared>> -> memref<1000x64xf32, #tpu.memory_space<vmem_shared>>
        tpu.wait_dma2 semaphore(%run_scoped3A : memref<!tpu.dma_semaphore, #tpu.memory_space<semaphore_mem>>) src(%arg6 : memref<1000x64xf32, #tpu.memory_space<hbm>>) dst(%dma_wait3A_121 : memref<1000x64xf32, #tpu.memory_space<vmem_shared>>)
        tpu.yield
      }) : () -> ()
      %mul3A_116 = arith.constant 1000 : i32
      %mul3A_117 = arith.muli %arg1, %mul3A_116 : i32
      "tpu.region"() ({
        %run_scoped3A = tpu.sem_alloc : memref<!tpu.dma_semaphore, #tpu.memory_space<semaphore_mem>>
        %dma_start3A_118 = arith.constant 0 : i32
        %dma_start3A_119 = tpu.memref_slice %arg25[%mul3A_117, %dma_start3A_118] : memref<10000x16xf32, #tpu.memory_space<vmem_shared>> -> memref<1000x16xf32, #tpu.memory_space<vmem_shared>>
        tpu.enqueue_dma source(%arg7 : memref<1000x16xf32, #tpu.memory_space<hbm>>) target(%dma_start3A_119 : memref<1000x16xf32, #tpu.memory_space<vmem_shared>>) target_semaphore(%run_scoped3A : memref<!tpu.dma_semaphore, #tpu.memory_space<semaphore_mem>>)
        %dma_wait3A_120 = arith.constant 0 : i32
        %dma_wait3A_121 = tpu.memref_slice %arg25[%mul3A_117, %dma_wait3A_120] : memref<10000x16xf32, #tpu.memory_space<vmem_shared>> -> memref<1000x16xf32, #tpu.memory_space<vmem_shared>>
        tpu.wait_dma2 semaphore(%run_scoped3A : memref<!tpu.dma_semaphore, #tpu.memory_space<semaphore_mem>>) src(%arg7 : memref<1000x16xf32, #tpu.memory_space<hbm>>) dst(%dma_wait3A_121 : memref<1000x16xf32, #tpu.memory_space<vmem_shared>>)
        tpu.yield
      }) : () -> ()
    } else {
    }
    "tpu.region"() ({
      %run_scoped3A = tpu.sem_alloc : memref<!tpu.dma_semaphore, #tpu.memory_space<semaphore_mem>>
      tpu.enqueue_dma source(%arg3 : memref<20000xf32, #tpu.memory_space<hbm>>) target(%arg10 : memref<20000xf32, #tpu.memory_space<vmem>>) target_semaphore(%run_scoped3A : memref<!tpu.dma_semaphore, #tpu.memory_space<semaphore_mem>>)
      tpu.wait_dma2 semaphore(%run_scoped3A : memref<!tpu.dma_semaphore, #tpu.memory_space<semaphore_mem>>) src(%arg3 : memref<20000xf32, #tpu.memory_space<hbm>>) dst(%arg10 : memref<20000xf32, #tpu.memory_space<vmem>>)
      tpu.yield
    }) : () -> ()
    %scan3A = arith.constant 0 : i32
    %scan3A_2 = arith.constant 0 : i32
    %scan3A_3 = arith.constant 80 : i32
    %scan3A_4 = arith.addi %scan3A_2, %scan3A_3 : i32
    %scan3A_5 = arith.constant 1 : i32
    scf.for %scan3A_114 = %scan3A_2 to %scan3A_4 step %scan3A_5  : i32 {
      %broadcast_in_dim3A_115 = arith.constant 0.000000e+00 : f32
      %broadcast_in_dim3A_116 = vector.broadcast %broadcast_in_dim3A_115 : f32 to vector<16xf32>
      %swap3A_117 = arith.index_cast %scan3A_114 : i32 to index
      %swap3A_118 = arith.constant 0 : index
      %swap3A_119 = tpu.vector_load %arg17[%swap3A_117, %swap3A_118] {strides = array<i32>} : memref<80x16xf32, #tpu.memory_space<vmem>>, vector<16xf32>,
      tpu.vector_store %arg17[%swap3A_117, %swap3A_118], %broadcast_in_dim3A_116 {strides = array<i32>} : memref<80x16xf32, #tpu.memory_space<vmem>>, vector<16xf32>,
      %broadcast_in_dim3A_120 = arith.constant 0.000000e+00 : f32
      %broadcast_in_dim3A_121 = vector.broadcast %broadcast_in_dim3A_120 : f32 to vector<16xf32>
      %swap3A_122 = arith.index_cast %scan3A_114 : i32 to index
      %swap3A_123 = arith.constant 0 : index
      %swap3A_124 = tpu.vector_load %arg23[%swap3A_122, %swap3A_123] {strides = array<i32>} : memref<80x16xf32, #tpu.memory_space<vmem>>, vector<16xf32>,
      tpu.vector_store %arg23[%swap3A_122, %swap3A_123], %broadcast_in_dim3A_121 {strides = array<i32>} : memref<80x16xf32, #tpu.memory_space<vmem>>, vector<16xf32>,
    }
    %scan3A_6 = arith.constant 80 : i32
    %barrier3A = arith.constant 0 : index
    tpu.barrier barrier_id(%barrier3A)
    %mul3A = arith.constant 250 : i32
    %mul3A_7 = arith.muli %arg1, %mul3A : i32
    %mul3A_8 = arith.constant 20000 : i32
    %mul3A_9 = arith.muli %arg1, %mul3A_8 : i32
    %iota3A = tpu.iota {dimensions = array<i32: 0>} : vector<16xi32>
    %broadcast_in_dim3A = arith.constant 1.000000e+00 : f32
    %broadcast_in_dim3A_10 = vector.broadcast %broadcast_in_dim3A : f32 to vector<16xf32>
    %broadcast_in_dim3A_11 = arith.constant 0 : i32
    %broadcast_in_dim3A_12 = vector.broadcast %broadcast_in_dim3A_11 : i32 to vector<16xi32>
    %add3A = arith.constant 0 : i32
    %add3A_13 = arith.addi %mul3A_7, %add3A : i32
    %dma_start3A = arith.constant 0 : i32
    %dma_start3A_14 = tpu.memref_slice %arg4[%add3A_13, %dma_start3A] : memref<4000x320xi32, #tpu.memory_space<hbm>> -> memref<1x320xi32, #tpu.memory_space<hbm>>
    %dma_start3A_15 = tpu.memref_squeeze %dma_start3A_14 : memref<1x320xi32, #tpu.memory_space<hbm>> -> memref<320xi32, #tpu.memory_space<hbm>>
    %dma_start3A_16 = arith.constant 0 : i32
    %dma_start3A_17 = tpu.memref_slice %arg4[%add3A_13, %dma_start3A_16] : memref<4000x320xi32, #tpu.memory_space<hbm>> -> memref<1x320xi32, #tpu.memory_space<hbm>>
    %dma_start3A_18 = tpu.memref_squeeze %dma_start3A_17 : memref<1x320xi32, #tpu.memory_space<hbm>> -> memref<320xi32, #tpu.memory_space<hbm>>
    tpu.enqueue_dma source(%dma_start3A_18 : memref<320xi32, #tpu.memory_space<hbm>>) target(%arg12 : memref<320xi32, #tpu.memory_space<vmem>>) target_semaphore(%arg29 : memref<!tpu.dma_semaphore, #tpu.memory_space<semaphore_mem>>)
    %add3A_19 = arith.constant 0 : i32
    %add3A_20 = arith.addi %mul3A_9, %add3A_19 : i32
    %dma_start3A_21 = tpu.memref_slice %arg5[%add3A_20] : memref<320000xf32, #tpu.memory_space<hbm>> -> memref<80xf32, #tpu.memory_space<hbm>>
    %dma_start3A_22 = tpu.memref_slice %arg5[%add3A_20] : memref<320000xf32, #tpu.memory_space<hbm>> -> memref<80xf32, #tpu.memory_space<hbm>>
    tpu.enqueue_dma source(%dma_start3A_22 : memref<80xf32, #tpu.memory_space<hbm>>) target(%arg15 : memref<80xf32, #tpu.memory_space<vmem>>) target_semaphore(%arg29 : memref<!tpu.dma_semaphore, #tpu.memory_space<semaphore_mem>>)
    %add3A_23 = arith.constant 0 : i32
    %add3A_24 = arith.addi %mul3A_7, %add3A_23 : i32
    %dma_wait3A = arith.constant 0 : i32
    %dma_wait3A_25 = tpu.memref_slice %arg4[%add3A_24, %dma_wait3A] : memref<4000x320xi32, #tpu.memory_space<hbm>> -> memref<1x320xi32, #tpu.memory_space<hbm>>
    %dma_wait3A_26 = tpu.memref_squeeze %dma_wait3A_25 : memref<1x320xi32, #tpu.memory_space<hbm>> -> memref<320xi32, #tpu.memory_space<hbm>>
    %dma_wait3A_27 = arith.constant 0 : i32
    %dma_wait3A_28 = tpu.memref_slice %arg4[%add3A_24, %dma_wait3A_27] : memref<4000x320xi32, #tpu.memory_space<hbm>> -> memref<1x320xi32, #tpu.memory_space<hbm>>
    %dma_wait3A_29 = tpu.memref_squeeze %dma_wait3A_28 : memref<1x320xi32, #tpu.memory_space<hbm>> -> memref<320xi32, #tpu.memory_space<hbm>>
    tpu.wait_dma2 semaphore(%arg29 : memref<!tpu.dma_semaphore, #tpu.memory_space<semaphore_mem>>) src(%dma_wait3A_29 : memref<320xi32, #tpu.memory_space<hbm>>) dst(%arg12 : memref<320xi32, #tpu.memory_space<vmem>>)
    %add3A_30 = arith.constant 0 : i32
    %add3A_31 = arith.addi %mul3A_9, %add3A_30 : i32
    %dma_wait3A_32 = tpu.memref_slice %arg5[%add3A_31] : memref<320000xf32, #tpu.memory_space<hbm>> -> memref<80xf32, #tpu.memory_space<hbm>>
    %dma_wait3A_33 = tpu.memref_slice %arg5[%add3A_31] : memref<320000xf32, #tpu.memory_space<hbm>> -> memref<80xf32, #tpu.memory_space<hbm>>
    tpu.wait_dma2 semaphore(%arg29 : memref<!tpu.dma_semaphore, #tpu.memory_space<semaphore_mem>>) src(%dma_wait3A_33 : memref<80xf32, #tpu.memory_space<hbm>>) dst(%arg15 : memref<80xf32, #tpu.memory_space<vmem>>)
    %get3A = arith.constant 0 : index
    %get3A_34 = tpu.vector_load %arg12[%get3A] {strides = array<i32>} : memref<320xi32, #tpu.memory_space<vmem>>, vector<16xi32>,
    %mul3A_35 = arith.constant 2 : i32
    %mul3A_36 = vector.broadcast %mul3A_35 : i32 to vector<16xi32>
    %mul3A_37 = arith.muli %get3A_34, %mul3A_36 : vector<16xi32>
    %add3A_38 = vector.broadcast %arg0 : i32 to vector<16xi32>
    %add3A_39 = arith.addi %mul3A_37, %add3A_38 : vector<16xi32>
    %swap3A = arith.constant 0 : index
    %swap3A_40 = tpu.vector_load %arg13[%swap3A] {strides = array<i32>} : memref<80xi32, #tpu.memory_space<vmem>>, vector<16xi32>,
    tpu.vector_store %arg13[%swap3A], %add3A_39 {strides = array<i32>} : memref<80xi32, #tpu.memory_space<vmem>>, vector<16xi32>,
    %get3A_41 = arith.constant 16 : index
    %get3A_42 = tpu.vector_load %arg12[%get3A_41] {strides = array<i32>} : memref<320xi32, #tpu.memory_space<vmem>>, vector<16xi32>,
    %mul3A_43 = arith.constant 2 : i32
    %mul3A_44 = vector.broadcast %mul3A_43 : i32 to vector<16xi32>
    %mul3A_45 = arith.muli %get3A_42, %mul3A_44 : vector<16xi32>
    %add3A_46 = vector.broadcast %arg0 : i32 to vector<16xi32>
    %add3A_47 = arith.addi %mul3A_45, %add3A_46 : vector<16xi32>
    %swap3A_48 = arith.constant 16 : index
    %swap3A_49 = tpu.vector_load %arg13[%swap3A_48] {strides = array<i32>} : memref<80xi32, #tpu.memory_space<vmem>>, vector<16xi32>,
    tpu.vector_store %arg13[%swap3A_48], %add3A_47 {strides = array<i32>} : memref<80xi32, #tpu.memory_space<vmem>>, vector<16xi32>,
    %get3A_50 = arith.constant 32 : index
    %get3A_51 = tpu.vector_load %arg12[%get3A_50] {strides = array<i32>} : memref<320xi32, #tpu.memory_space<vmem>>, vector<16xi32>,
    %mul3A_52 = arith.constant 2 : i32
    %mul3A_53 = vector.broadcast %mul3A_52 : i32 to vector<16xi32>
    %mul3A_54 = arith.muli %get3A_51, %mul3A_53 : vector<16xi32>
    %add3A_55 = vector.broadcast %arg0 : i32 to vector<16xi32>
    %add3A_56 = arith.addi %mul3A_54, %add3A_55 : vector<16xi32>
    %swap3A_57 = arith.constant 32 : index
    %swap3A_58 = tpu.vector_load %arg13[%swap3A_57] {strides = array<i32>} : memref<80xi32, #tpu.memory_space<vmem>>, vector<16xi32>,
    tpu.vector_store %arg13[%swap3A_57], %add3A_56 {strides = array<i32>} : memref<80xi32, #tpu.memory_space<vmem>>, vector<16xi32>,
    %get3A_59 = arith.constant 48 : index
    %get3A_60 = tpu.vector_load %arg12[%get3A_59] {strides = array<i32>} : memref<320xi32, #tpu.memory_space<vmem>>, vector<16xi32>,
    %mul3A_61 = arith.constant 2 : i32
    %mul3A_62 = vector.broadcast %mul3A_61 : i32 to vector<16xi32>
    %mul3A_63 = arith.muli %get3A_60, %mul3A_62 : vector<16xi32>
    %add3A_64 = vector.broadcast %arg0 : i32 to vector<16xi32>
    %add3A_65 = arith.addi %mul3A_63, %add3A_64 : vector<16xi32>
    %swap3A_66 = arith.constant 48 : index
    %swap3A_67 = tpu.vector_load %arg13[%swap3A_66] {strides = array<i32>} : memref<80xi32, #tpu.memory_space<vmem>>, vector<16xi32>,
    tpu.vector_store %arg13[%swap3A_66], %add3A_65 {strides = array<i32>} : memref<80xi32, #tpu.memory_space<vmem>>, vector<16xi32>,
    %get3A_68 = arith.constant 64 : index
    %get3A_69 = tpu.vector_load %arg12[%get3A_68] {strides = array<i32>} : memref<320xi32, #tpu.memory_space<vmem>>, vector<16xi32>,
    %mul3A_70 = arith.constant 2 : i32
    %mul3A_71 = vector.broadcast %mul3A_70 : i32 to vector<16xi32>
    %mul3A_72 = arith.muli %get3A_69, %mul3A_71 : vector<16xi32>
    %add3A_73 = vector.broadcast %arg0 : i32 to vector<16xi32>
    %add3A_74 = arith.addi %mul3A_72, %add3A_73 : vector<16xi32>
    %swap3A_75 = arith.constant 64 : index
    %swap3A_76 = tpu.vector_load %arg13[%swap3A_75] {strides = array<i32>} : memref<80xi32, #tpu.memory_space<vmem>>, vector<16xi32>,
    tpu.vector_store %arg13[%swap3A_75], %add3A_74 {strides = array<i32>} : memref<80xi32, #tpu.memory_space<vmem>>, vector<16xi32>,
    %dma_start3A_77 = arith.constant 0 : i32
    %dma_start3A_78 = arith.constant 0 : i32
    %dma_start3A_79 = tpu.memref_slice %arg2[%dma_start3A_77, %dma_start3A_78] : memref<20000x64xf32, #tpu.memory_space<hbm>> -> memref<20000x64xf32, #tpu.memory_space<hbm>>
    tpu.enqueue_indirect_dma source(%dma_start3A_79 : memref<20000x64xf32, #tpu.memory_space<hbm>>) target(%arg16 : memref<80x64xf32, #tpu.memory_space<vmem>>) offsets(%arg13 : memref<80xi32, #tpu.memory_space<vmem>>) semaphore(%arg26 : memref<!tpu.dma_semaphore, #tpu.memory_space<semaphore_mem>>)
    %scan3A_80 = arith.constant 0 : i32
    %scan3A_81 = arith.constant 0 : i32
    %scan3A_82 = arith.constant 125 : i32
    %scan3A_83 = arith.addi %scan3A_81, %scan3A_82 : i32
    %scan3A_84 = arith.constant 1 : i32
    scf.for %scan3A_114 = %scan3A_81 to %scan3A_83 step %scan3A_84  : i32 {
      %mul3A_115 = arith.constant 2 : i32
      %mul3A_116 = arith.muli %mul3A_115, %scan3A_114 : i32
      %add3A_117 = arith.constant 1 : i32
      %add3A_118 = arith.addi %mul3A_116, %add3A_117 : i32
      %add3A_119 = arith.addi %mul3A_7, %add3A_118 : i32
      %dma_start3A_120 = arith.constant 0 : i32
      %dma_start3A_121 = tpu.memref_slice %arg4[%add3A_119, %dma_start3A_120] : memref<4000x320xi32, #tpu.memory_space<hbm>> -> memref<1x320xi32, #tpu.memory_space<hbm>>
      %dma_start3A_122 = tpu.memref_squeeze %dma_start3A_121 : memref<1x320xi32, #tpu.memory_space<hbm>> -> memref<320xi32, #tpu.memory_space<hbm>>
      %dma_start3A_123 = arith.constant 0 : i32
      %dma_start3A_124 = tpu.memref_slice %arg4[%add3A_119, %dma_start3A_123] : memref<4000x320xi32, #tpu.memory_space<hbm>> -> memref<1x320xi32, #tpu.memory_space<hbm>>
      %dma_start3A_125 = tpu.memref_squeeze %dma_start3A_124 : memref<1x320xi32, #tpu.memory_space<hbm>> -> memref<320xi32, #tpu.memory_space<hbm>>
      tpu.enqueue_dma source(%dma_start3A_125 : memref<320xi32, #tpu.memory_space<hbm>>) target(%arg18 : memref<320xi32, #tpu.memory_space<vmem>>) target_semaphore(%arg33 : memref<!tpu.dma_semaphore, #tpu.memory_space<semaphore_mem>>)
      %mul3A_126 = arith.constant 80 : i32
      %mul3A_127 = arith.muli %add3A_118, %mul3A_126 : i32
      %add3A_128 = arith.addi %mul3A_9, %mul3A_127 : i32
      %dma_start3A_129 = tpu.memref_slice %arg5[%add3A_128] : memref<320000xf32, #tpu.memory_space<hbm>> -> memref<80xf32, #tpu.memory_space<hbm>>
      %dma_start3A_130 = tpu.memref_slice %arg5[%add3A_128] : memref<320000xf32, #tpu.memory_space<hbm>> -> memref<80xf32, #tpu.memory_space<hbm>>
      tpu.enqueue_dma source(%dma_start3A_130 : memref<80xf32, #tpu.memory_space<hbm>>) target(%arg21 : memref<80xf32, #tpu.memory_space<vmem>>) target_semaphore(%arg33 : memref<!tpu.dma_semaphore, #tpu.memory_space<semaphore_mem>>)
      %gt3A = arith.constant 0 : i32
      %gt3A_131 = arith.cmpi sgt, %scan3A_114, %gt3A : i32
      %convert_element_type3A_132 = arith.extui %gt3A_131 : i1 to i32
      %cond3A_133 = arith.constant 0 : i32
      %cond3A_134 = arith.cmpi ne, %convert_element_type3A_132, %cond3A_133 : i32
      scf.if %cond3A_134 {
        %eq3A_707 = arith.constant 0 : i32
        %eq3A_708 = arith.cmpi eq, %arg0, %eq3A_707 : i32
        %convert_element_type3A_709 = arith.extui %eq3A_708 : i1 to i32
        %cond3A_710 = arith.constant 0 : i32
        %cond3A_711 = arith.cmpi ne, %convert_element_type3A_709, %cond3A_710 : i32
        scf.if %cond3A_711 {
          %dma_wait3A_712 = arith.constant 0 : i32
          %dma_wait3A_713 = arith.constant 0 : i32
          %dma_wait3A_714 = tpu.memref_slice %arg25[%dma_wait3A_712, %dma_wait3A_713] : memref<10000x16xf32, #tpu.memory_space<vmem_shared>> -> memref<10000x16xf32, #tpu.memory_space<vmem_shared>>
          tpu.wait_indirect_dma semaphore(%arg28 : memref<!tpu.dma_semaphore, #tpu.memory_space<semaphore_mem>>) src(%arg17 : memref<80x16xf32, #tpu.memory_space<vmem>>) dst(%dma_wait3A_714 : memref<10000x16xf32, #tpu.memory_space<vmem_shared>>)
        } else {
        }
      } else {
      }
      %get3A_135 = arith.constant 0 : index
      %get3A_136 = tpu.vector_load %arg12[%get3A_135] {strides = array<i32>} : memref<320xi32, #tpu.memory_space<vmem>>, vector<16xi32>,
      %get3A_137 = arith.constant 80 : index
      %get3A_138 = tpu.vector_load %arg12[%get3A_137] {strides = array<i32>} : memref<320xi32, #tpu.memory_space<vmem>>, vector<16xi32>,
      %swap3A_139 = arith.constant 0 : index
      %swap3A_140 = tpu.vector_load %arg14[%swap3A_139] {strides = array<i32>} : memref<80xi32, #tpu.memory_space<vmem>>, vector<16xi32>,
      tpu.vector_store %arg14[%swap3A_139], %get3A_138 {strides = array<i32>} : memref<80xi32, #tpu.memory_space<vmem>>, vector<16xi32>,
      %mul3A_141 = arith.constant 2 : i32
      %mul3A_142 = vector.broadcast %mul3A_141 : i32 to vector<16xi32>
      %mul3A_143 = arith.muli %get3A_136, %mul3A_142 : vector<16xi32>
      %gather3A = tpu.vector_load_idx %arg10[%mul3A_143] : memref<20000xf32, #tpu.memory_space<vmem>>[vector<16xi32>], vector<16xf32>,
      %mul3A_144 = arith.constant 2 : i32
      %mul3A_145 = vector.broadcast %mul3A_144 : i32 to vector<16xi32>
      %mul3A_146 = arith.muli %get3A_138, %mul3A_145 : vector<16xi32>
      %add3A_147 = arith.constant 1 : i32
      %add3A_148 = vector.broadcast %add3A_147 : i32 to vector<16xi32>
      %add3A_149 = arith.addi %mul3A_146, %add3A_148 : vector<16xi32>
      %gather3A_150 = tpu.vector_load_idx %arg10[%add3A_149] : memref<20000xf32, #tpu.memory_space<vmem>>[vector<16xi32>], vector<16xf32>,
      %get3A_151 = arith.constant 160 : index
      %get3A_152 = tpu.vector_load %arg12[%get3A_151] {strides = array<i32>} : memref<320xi32, #tpu.memory_space<vmem>>, vector<16xi32>,
      %bitcast3A = vector.bitcast %get3A_152 : vector<16xi32> to vector<16xf32>
      %get3A_153 = arith.constant 240 : index
      %get3A_154 = tpu.vector_load %arg12[%get3A_153] {strides = array<i32>} : memref<320xi32, #tpu.memory_space<vmem>>, vector<16xi32>,
      %bitcast3A_155 = vector.bitcast %get3A_154 : vector<16xi32> to vector<16xf32>
      %add3A_156 = arith.addf %gather3A, %gather3A_150 : vector<16xf32>
      %get3A_157 = arith.constant 0 : index
      %get3A_158 = tpu.vector_load %arg15[%get3A_157] {strides = array<i32>} : memref<80xf32, #tpu.memory_space<vmem>>, vector<16xf32>,
      %add3A_159 = arith.addf %add3A_156, %get3A_158 : vector<16xf32>
      %mul3A_160 = arith.constant 2.000000e-01 : f32
      %mul3A_161 = vector.broadcast %mul3A_160 : f32 to vector<16xf32>
      %mul3A_162 = arith.mulf %mul3A_161, %add3A_159 : vector<16xf32>
      %max3A = arith.maximumf %add3A_159, %mul3A_162 : vector<16xf32>
      %exp3A = math.exp %max3A : vector<16xf32>
      %swap3A_163 = arith.constant 0 : index
      %swap3A_164 = tpu.vector_load %arg11[%swap3A_163] {strides = array<i32>} : memref<80xf32, #tpu.memory_space<vmem>>, vector<16xf32>,
      tpu.vector_store %arg11[%swap3A_163], %exp3A {strides = array<i32>} : memref<80xf32, #tpu.memory_space<vmem>>, vector<16xf32>,
      %add3A_165 = arith.constant 0 : i32
      %add3A_166 = vector.broadcast %add3A_165 : i32 to vector<16xi32>
      %add3A_167 = arith.addi %add3A_166, %iota3A : vector<16xi32>
      tpu.vector_store_idx %arg17[%add3A_167, %broadcast_in_dim3A_12], %exp3A : memref<80x16xf32, #tpu.memory_space<vmem>>[vector<16xi32>, vector<16xi32>], vector<16xf32>,
      %add3A_168 = arith.constant 1 : i32
      %add3A_169 = vector.broadcast %add3A_168 : i32 to vector<16xi32>
      %add3A_170 = arith.addi %broadcast_in_dim3A_12, %add3A_169 : vector<16xi32>
      tpu.vector_store_idx %arg17[%add3A_167, %add3A_170], %broadcast_in_dim3A_10 : memref<80x16xf32, #tpu.memory_space<vmem>>[vector<16xi32>, vector<16xi32>], vector<16xf32>,
      %add3A_171 = arith.constant 2 : i32
      %add3A_172 = vector.broadcast %add3A_171 : i32 to vector<16xi32>
      %add3A_173 = arith.addi %broadcast_in_dim3A_12, %add3A_172 : vector<16xi32>
      tpu.vector_store_idx %arg17[%add3A_167, %add3A_173], %bitcast3A : memref<80x16xf32, #tpu.memory_space<vmem>>[vector<16xi32>, vector<16xi32>], vector<16xf32>,
      %add3A_174 = arith.constant 3 : i32
      %add3A_175 = vector.broadcast %add3A_174 : i32 to vector<16xi32>
      %add3A_176 = arith.addi %broadcast_in_dim3A_12, %add3A_175 : vector<16xi32>
      tpu.vector_store_idx %arg17[%add3A_167, %add3A_176], %bitcast3A_155 : memref<80x16xf32, #tpu.memory_space<vmem>>[vector<16xi32>, vector<16xi32>], vector<16xf32>,
      %get3A_177 = arith.constant 16 : index
      %get3A_178 = tpu.vector_load %arg12[%get3A_177] {strides = array<i32>} : memref<320xi32, #tpu.memory_space<vmem>>, vector<16xi32>,
      %get3A_179 = arith.constant 96 : index
      %get3A_180 = tpu.vector_load %arg12[%get3A_179] {strides = array<i32>} : memref<320xi32, #tpu.memory_space<vmem>>, vector<16xi32>,
      %swap3A_181 = arith.constant 16 : index
      %swap3A_182 = tpu.vector_load %arg14[%swap3A_181] {strides = array<i32>} : memref<80xi32, #tpu.memory_space<vmem>>, vector<16xi32>,
      tpu.vector_store %arg14[%swap3A_181], %get3A_180 {strides = array<i32>} : memref<80xi32, #tpu.memory_space<vmem>>, vector<16xi32>,
      %mul3A_183 = arith.constant 2 : i32
      %mul3A_184 = vector.broadcast %mul3A_183 : i32 to vector<16xi32>
      %mul3A_185 = arith.muli %get3A_178, %mul3A_184 : vector<16xi32>
      %gather3A_186 = tpu.vector_load_idx %arg10[%mul3A_185] : memref<20000xf32, #tpu.memory_space<vmem>>[vector<16xi32>], vector<16xf32>,
      %mul3A_187 = arith.constant 2 : i32
      %mul3A_188 = vector.broadcast %mul3A_187 : i32 to vector<16xi32>
      %mul3A_189 = arith.muli %get3A_180, %mul3A_188 : vector<16xi32>
      %add3A_190 = arith.constant 1 : i32
      %add3A_191 = vector.broadcast %add3A_190 : i32 to vector<16xi32>
      %add3A_192 = arith.addi %mul3A_189, %add3A_191 : vector<16xi32>
      %gather3A_193 = tpu.vector_load_idx %arg10[%add3A_192] : memref<20000xf32, #tpu.memory_space<vmem>>[vector<16xi32>], vector<16xf32>,
      %get3A_194 = arith.constant 176 : index
      %get3A_195 = tpu.vector_load %arg12[%get3A_194] {strides = array<i32>} : memref<320xi32, #tpu.memory_space<vmem>>, vector<16xi32>,
      %bitcast3A_196 = vector.bitcast %get3A_195 : vector<16xi32> to vector<16xf32>
      %get3A_197 = arith.constant 256 : index
      %get3A_198 = tpu.vector_load %arg12[%get3A_197] {strides = array<i32>} : memref<320xi32, #tpu.memory_space<vmem>>, vector<16xi32>,
      %bitcast3A_199 = vector.bitcast %get3A_198 : vector<16xi32> to vector<16xf32>
      %add3A_200 = arith.addf %gather3A_186, %gather3A_193 : vector<16xf32>
      %get3A_201 = arith.constant 16 : index
      %get3A_202 = tpu.vector_load %arg15[%get3A_201] {strides = array<i32>} : memref<80xf32, #tpu.memory_space<vmem>>, vector<16xf32>,
      %add3A_203 = arith.addf %add3A_200, %get3A_202 : vector<16xf32>
      %mul3A_204 = arith.constant 2.000000e-01 : f32
      %mul3A_205 = vector.broadcast %mul3A_204 : f32 to vector<16xf32>
      %mul3A_206 = arith.mulf %mul3A_205, %add3A_203 : vector<16xf32>
      %max3A_207 = arith.maximumf %add3A_203, %mul3A_206 : vector<16xf32>
      %exp3A_208 = math.exp %max3A_207 : vector<16xf32>
      %swap3A_209 = arith.constant 16 : index
      %swap3A_210 = tpu.vector_load %arg11[%swap3A_209] {strides = array<i32>} : memref<80xf32, #tpu.memory_space<vmem>>, vector<16xf32>,
      tpu.vector_store %arg11[%swap3A_209], %exp3A_208 {strides = array<i32>} : memref<80xf32, #tpu.memory_space<vmem>>, vector<16xf32>,
      %add3A_211 = arith.constant 16 : i32
      %add3A_212 = vector.broadcast %add3A_211 : i32 to vector<16xi32>
      %add3A_213 = arith.addi %add3A_212, %iota3A : vector<16xi32>
      tpu.vector_store_idx %arg17[%add3A_213, %broadcast_in_dim3A_12], %exp3A_208 : memref<80x16xf32, #tpu.memory_space<vmem>>[vector<16xi32>, vector<16xi32>], vector<16xf32>,
      %add3A_214 = arith.constant 1 : i32
      %add3A_215 = vector.broadcast %add3A_214 : i32 to vector<16xi32>
      %add3A_216 = arith.addi %broadcast_in_dim3A_12, %add3A_215 : vector<16xi32>
      tpu.vector_store_idx %arg17[%add3A_213, %add3A_216], %broadcast_in_dim3A_10 : memref<80x16xf32, #tpu.memory_space<vmem>>[vector<16xi32>, vector<16xi32>], vector<16xf32>,
      %add3A_217 = arith.constant 2 : i32
      %add3A_218 = vector.broadcast %add3A_217 : i32 to vector<16xi32>
      %add3A_219 = arith.addi %broadcast_in_dim3A_12, %add3A_218 : vector<16xi32>
      tpu.vector_store_idx %arg17[%add3A_213, %add3A_219], %bitcast3A_196 : memref<80x16xf32, #tpu.memory_space<vmem>>[vector<16xi32>, vector<16xi32>], vector<16xf32>,
      %add3A_220 = arith.constant 3 : i32
      %add3A_221 = vector.broadcast %add3A_220 : i32 to vector<16xi32>
      %add3A_222 = arith.addi %broadcast_in_dim3A_12, %add3A_221 : vector<16xi32>
      tpu.vector_store_idx %arg17[%add3A_213, %add3A_222], %bitcast3A_199 : memref<80x16xf32, #tpu.memory_space<vmem>>[vector<16xi32>, vector<16xi32>], vector<16xf32>,
      %get3A_223 = arith.constant 32 : index
      %get3A_224 = tpu.vector_load %arg12[%get3A_223] {strides = array<i32>} : memref<320xi32, #tpu.memory_space<vmem>>, vector<16xi32>,
      %get3A_225 = arith.constant 112 : index
      %get3A_226 = tpu.vector_load %arg12[%get3A_225] {strides = array<i32>} : memref<320xi32, #tpu.memory_space<vmem>>, vector<16xi32>,
      %swap3A_227 = arith.constant 32 : index
      %swap3A_228 = tpu.vector_load %arg14[%swap3A_227] {strides = array<i32>} : memref<80xi32, #tpu.memory_space<vmem>>, vector<16xi32>,
      tpu.vector_store %arg14[%swap3A_227], %get3A_226 {strides = array<i32>} : memref<80xi32, #tpu.memory_space<vmem>>, vector<16xi32>,
      %mul3A_229 = arith.constant 2 : i32
      %mul3A_230 = vector.broadcast %mul3A_229 : i32 to vector<16xi32>
      %mul3A_231 = arith.muli %get3A_224, %mul3A_230 : vector<16xi32>
      %gather3A_232 = tpu.vector_load_idx %arg10[%mul3A_231] : memref<20000xf32, #tpu.memory_space<vmem>>[vector<16xi32>], vector<16xf32>,
      %mul3A_233 = arith.constant 2 : i32
      %mul3A_234 = vector.broadcast %mul3A_233 : i32 to vector<16xi32>
      %mul3A_235 = arith.muli %get3A_226, %mul3A_234 : vector<16xi32>
      %add3A_236 = arith.constant 1 : i32
      %add3A_237 = vector.broadcast %add3A_236 : i32 to vector<16xi32>
      %add3A_238 = arith.addi %mul3A_235, %add3A_237 : vector<16xi32>
      %gather3A_239 = tpu.vector_load_idx %arg10[%add3A_238] : memref<20000xf32, #tpu.memory_space<vmem>>[vector<16xi32>], vector<16xf32>,
      %get3A_240 = arith.constant 192 : index
      %get3A_241 = tpu.vector_load %arg12[%get3A_240] {strides = array<i32>} : memref<320xi32, #tpu.memory_space<vmem>>, vector<16xi32>,
      %bitcast3A_242 = vector.bitcast %get3A_241 : vector<16xi32> to vector<16xf32>
      %get3A_243 = arith.constant 272 : index
      %get3A_244 = tpu.vector_load %arg12[%get3A_243] {strides = array<i32>} : memref<320xi32, #tpu.memory_space<vmem>>, vector<16xi32>,
      %bitcast3A_245 = vector.bitcast %get3A_244 : vector<16xi32> to vector<16xf32>
      %add3A_246 = arith.addf %gather3A_232, %gather3A_239 : vector<16xf32>
      %get3A_247 = arith.constant 32 : index
      %get3A_248 = tpu.vector_load %arg15[%get3A_247] {strides = array<i32>} : memref<80xf32, #tpu.memory_space<vmem>>, vector<16xf32>,
      %add3A_249 = arith.addf %add3A_246, %get3A_248 : vector<16xf32>
      %mul3A_250 = arith.constant 2.000000e-01 : f32
      %mul3A_251 = vector.broadcast %mul3A_250 : f32 to vector<16xf32>
      %mul3A_252 = arith.mulf %mul3A_251, %add3A_249 : vector<16xf32>
      %max3A_253 = arith.maximumf %add3A_249, %mul3A_252 : vector<16xf32>
      %exp3A_254 = math.exp %max3A_253 : vector<16xf32>
      %swap3A_255 = arith.constant 32 : index
      %swap3A_256 = tpu.vector_load %arg11[%swap3A_255] {strides = array<i32>} : memref<80xf32, #tpu.memory_space<vmem>>, vector<16xf32>,
      tpu.vector_store %arg11[%swap3A_255], %exp3A_254 {strides = array<i32>} : memref<80xf32, #tpu.memory_space<vmem>>, vector<16xf32>,
      %add3A_257 = arith.constant 32 : i32
      %add3A_258 = vector.broadcast %add3A_257 : i32 to vector<16xi32>
      %add3A_259 = arith.addi %add3A_258, %iota3A : vector<16xi32>
      tpu.vector_store_idx %arg17[%add3A_259, %broadcast_in_dim3A_12], %exp3A_254 : memref<80x16xf32, #tpu.memory_space<vmem>>[vector<16xi32>, vector<16xi32>], vector<16xf32>,
      %add3A_260 = arith.constant 1 : i32
      %add3A_261 = vector.broadcast %add3A_260 : i32 to vector<16xi32>
      %add3A_262 = arith.addi %broadcast_in_dim3A_12, %add3A_261 : vector<16xi32>
      tpu.vector_store_idx %arg17[%add3A_259, %add3A_262], %broadcast_in_dim3A_10 : memref<80x16xf32, #tpu.memory_space<vmem>>[vector<16xi32>, vector<16xi32>], vector<16xf32>,
      %add3A_263 = arith.constant 2 : i32
      %add3A_264 = vector.broadcast %add3A_263 : i32 to vector<16xi32>
      %add3A_265 = arith.addi %broadcast_in_dim3A_12, %add3A_264 : vector<16xi32>
      tpu.vector_store_idx %arg17[%add3A_259, %add3A_265], %bitcast3A_242 : memref<80x16xf32, #tpu.memory_space<vmem>>[vector<16xi32>, vector<16xi32>], vector<16xf32>,
      %add3A_266 = arith.constant 3 : i32
      %add3A_267 = vector.broadcast %add3A_266 : i32 to vector<16xi32>
      %add3A_268 = arith.addi %broadcast_in_dim3A_12, %add3A_267 : vector<16xi32>
      tpu.vector_store_idx %arg17[%add3A_259, %add3A_268], %bitcast3A_245 : memref<80x16xf32, #tpu.memory_space<vmem>>[vector<16xi32>, vector<16xi32>], vector<16xf32>,
      %get3A_269 = arith.constant 48 : index
      %get3A_270 = tpu.vector_load %arg12[%get3A_269] {strides = array<i32>} : memref<320xi32, #tpu.memory_space<vmem>>, vector<16xi32>,
      %get3A_271 = arith.constant 128 : index
      %get3A_272 = tpu.vector_load %arg12[%get3A_271] {strides = array<i32>} : memref<320xi32, #tpu.memory_space<vmem>>, vector<16xi32>,
      %swap3A_273 = arith.constant 48 : index
      %swap3A_274 = tpu.vector_load %arg14[%swap3A_273] {strides = array<i32>} : memref<80xi32, #tpu.memory_space<vmem>>, vector<16xi32>,
      tpu.vector_store %arg14[%swap3A_273], %get3A_272 {strides = array<i32>} : memref<80xi32, #tpu.memory_space<vmem>>, vector<16xi32>,
      %mul3A_275 = arith.constant 2 : i32
      %mul3A_276 = vector.broadcast %mul3A_275 : i32 to vector<16xi32>
      %mul3A_277 = arith.muli %get3A_270, %mul3A_276 : vector<16xi32>
      %gather3A_278 = tpu.vector_load_idx %arg10[%mul3A_277] : memref<20000xf32, #tpu.memory_space<vmem>>[vector<16xi32>], vector<16xf32>,
      %mul3A_279 = arith.constant 2 : i32
      %mul3A_280 = vector.broadcast %mul3A_279 : i32 to vector<16xi32>
      %mul3A_281 = arith.muli %get3A_272, %mul3A_280 : vector<16xi32>
      %add3A_282 = arith.constant 1 : i32
      %add3A_283 = vector.broadcast %add3A_282 : i32 to vector<16xi32>
      %add3A_284 = arith.addi %mul3A_281, %add3A_283 : vector<16xi32>
      %gather3A_285 = tpu.vector_load_idx %arg10[%add3A_284] : memref<20000xf32, #tpu.memory_space<vmem>>[vector<16xi32>], vector<16xf32>,
      %get3A_286 = arith.constant 208 : index
      %get3A_287 = tpu.vector_load %arg12[%get3A_286] {strides = array<i32>} : memref<320xi32, #tpu.memory_space<vmem>>, vector<16xi32>,
      %bitcast3A_288 = vector.bitcast %get3A_287 : vector<16xi32> to vector<16xf32>
      %get3A_289 = arith.constant 288 : index
      %get3A_290 = tpu.vector_load %arg12[%get3A_289] {strides = array<i32>} : memref<320xi32, #tpu.memory_space<vmem>>, vector<16xi32>,
      %bitcast3A_291 = vector.bitcast %get3A_290 : vector<16xi32> to vector<16xf32>
      %add3A_292 = arith.addf %gather3A_278, %gather3A_285 : vector<16xf32>
      %get3A_293 = arith.constant 48 : index
      %get3A_294 = tpu.vector_load %arg15[%get3A_293] {strides = array<i32>} : memref<80xf32, #tpu.memory_space<vmem>>, vector<16xf32>,
      %add3A_295 = arith.addf %add3A_292, %get3A_294 : vector<16xf32>
      %mul3A_296 = arith.constant 2.000000e-01 : f32
      %mul3A_297 = vector.broadcast %mul3A_296 : f32 to vector<16xf32>
      %mul3A_298 = arith.mulf %mul3A_297, %add3A_295 : vector<16xf32>
      %max3A_299 = arith.maximumf %add3A_295, %mul3A_298 : vector<16xf32>
      %exp3A_300 = math.exp %max3A_299 : vector<16xf32>
      %swap3A_301 = arith.constant 48 : index
      %swap3A_302 = tpu.vector_load %arg11[%swap3A_301] {strides = array<i32>} : memref<80xf32, #tpu.memory_space<vmem>>, vector<16xf32>,
      tpu.vector_store %arg11[%swap3A_301], %exp3A_300 {strides = array<i32>} : memref<80xf32, #tpu.memory_space<vmem>>, vector<16xf32>,
      %add3A_303 = arith.constant 48 : i32
      %add3A_304 = vector.broadcast %add3A_303 : i32 to vector<16xi32>
      %add3A_305 = arith.addi %add3A_304, %iota3A : vector<16xi32>
      tpu.vector_store_idx %arg17[%add3A_305, %broadcast_in_dim3A_12], %exp3A_300 : memref<80x16xf32, #tpu.memory_space<vmem>>[vector<16xi32>, vector<16xi32>], vector<16xf32>,
      %add3A_306 = arith.constant 1 : i32
      %add3A_307 = vector.broadcast %add3A_306 : i32 to vector<16xi32>
      %add3A_308 = arith.addi %broadcast_in_dim3A_12, %add3A_307 : vector<16xi32>
      tpu.vector_store_idx %arg17[%add3A_305, %add3A_308], %broadcast_in_dim3A_10 : memref<80x16xf32, #tpu.memory_space<vmem>>[vector<16xi32>, vector<16xi32>], vector<16xf32>,
      %add3A_309 = arith.constant 2 : i32
      %add3A_310 = vector.broadcast %add3A_309 : i32 to vector<16xi32>
      %add3A_311 = arith.addi %broadcast_in_dim3A_12, %add3A_310 : vector<16xi32>
      tpu.vector_store_idx %arg17[%add3A_305, %add3A_311], %bitcast3A_288 : memref<80x16xf32, #tpu.memory_space<vmem>>[vector<16xi32>, vector<16xi32>], vector<16xf32>,
      %add3A_312 = arith.constant 3 : i32
      %add3A_313 = vector.broadcast %add3A_312 : i32 to vector<16xi32>
      %add3A_314 = arith.addi %broadcast_in_dim3A_12, %add3A_313 : vector<16xi32>
      tpu.vector_store_idx %arg17[%add3A_305, %add3A_314], %bitcast3A_291 : memref<80x16xf32, #tpu.memory_space<vmem>>[vector<16xi32>, vector<16xi32>], vector<16xf32>,
      %get3A_315 = arith.constant 64 : index
      %get3A_316 = tpu.vector_load %arg12[%get3A_315] {strides = array<i32>} : memref<320xi32, #tpu.memory_space<vmem>>, vector<16xi32>,
      %get3A_317 = arith.constant 144 : index
      %get3A_318 = tpu.vector_load %arg12[%get3A_317] {strides = array<i32>} : memref<320xi32, #tpu.memory_space<vmem>>, vector<16xi32>,
      %swap3A_319 = arith.constant 64 : index
      %swap3A_320 = tpu.vector_load %arg14[%swap3A_319] {strides = array<i32>} : memref<80xi32, #tpu.memory_space<vmem>>, vector<16xi32>,
      tpu.vector_store %arg14[%swap3A_319], %get3A_318 {strides = array<i32>} : memref<80xi32, #tpu.memory_space<vmem>>, vector<16xi32>,
      %mul3A_321 = arith.constant 2 : i32
      %mul3A_322 = vector.broadcast %mul3A_321 : i32 to vector<16xi32>
      %mul3A_323 = arith.muli %get3A_316, %mul3A_322 : vector<16xi32>
      %gather3A_324 = tpu.vector_load_idx %arg10[%mul3A_323] : memref<20000xf32, #tpu.memory_space<vmem>>[vector<16xi32>], vector<16xf32>,
      %mul3A_325 = arith.constant 2 : i32
      %mul3A_326 = vector.broadcast %mul3A_325 : i32 to vector<16xi32>
      %mul3A_327 = arith.muli %get3A_318, %mul3A_326 : vector<16xi32>
      %add3A_328 = arith.constant 1 : i32
      %add3A_329 = vector.broadcast %add3A_328 : i32 to vector<16xi32>
      %add3A_330 = arith.addi %mul3A_327, %add3A_329 : vector<16xi32>
      %gather3A_331 = tpu.vector_load_idx %arg10[%add3A_330] : memref<20000xf32, #tpu.memory_space<vmem>>[vector<16xi32>], vector<16xf32>,
      %get3A_332 = arith.constant 224 : index
      %get3A_333 = tpu.vector_load %arg12[%get3A_332] {strides = array<i32>} : memref<320xi32, #tpu.memory_space<vmem>>, vector<16xi32>,
      %bitcast3A_334 = vector.bitcast %get3A_333 : vector<16xi32> to vector<16xf32>
      %get3A_335 = arith.constant 304 : index
      %get3A_336 = tpu.vector_load %arg12[%get3A_335] {strides = array<i32>} : memref<320xi32, #tpu.memory_space<vmem>>, vector<16xi32>,
      %bitcast3A_337 = vector.bitcast %get3A_336 : vector<16xi32> to vector<16xf32>
      %add3A_338 = arith.addf %gather3A_324, %gather3A_331 : vector<16xf32>
      %get3A_339 = arith.constant 64 : index
      %get3A_340 = tpu.vector_load %arg15[%get3A_339] {strides = array<i32>} : memref<80xf32, #tpu.memory_space<vmem>>, vector<16xf32>,
      %add3A_341 = arith.addf %add3A_338, %get3A_340 : vector<16xf32>
      %mul3A_342 = arith.constant 2.000000e-01 : f32
      %mul3A_343 = vector.broadcast %mul3A_342 : f32 to vector<16xf32>
      %mul3A_344 = arith.mulf %mul3A_343, %add3A_341 : vector<16xf32>
      %max3A_345 = arith.maximumf %add3A_341, %mul3A_344 : vector<16xf32>
      %exp3A_346 = math.exp %max3A_345 : vector<16xf32>
      %swap3A_347 = arith.constant 64 : index
      %swap3A_348 = tpu.vector_load %arg11[%swap3A_347] {strides = array<i32>} : memref<80xf32, #tpu.memory_space<vmem>>, vector<16xf32>,
      tpu.vector_store %arg11[%swap3A_347], %exp3A_346 {strides = array<i32>} : memref<80xf32, #tpu.memory_space<vmem>>, vector<16xf32>,
      %add3A_349 = arith.constant 64 : i32
      %add3A_350 = vector.broadcast %add3A_349 : i32 to vector<16xi32>
      %add3A_351 = arith.addi %add3A_350, %iota3A : vector<16xi32>
      tpu.vector_store_idx %arg17[%add3A_351, %broadcast_in_dim3A_12], %exp3A_346 : memref<80x16xf32, #tpu.memory_space<vmem>>[vector<16xi32>, vector<16xi32>], vector<16xf32>,
      %add3A_352 = arith.constant 1 : i32
      %add3A_353 = vector.broadcast %add3A_352 : i32 to vector<16xi32>
      %add3A_354 = arith.addi %broadcast_in_dim3A_12, %add3A_353 : vector<16xi32>
      tpu.vector_store_idx %arg17[%add3A_351, %add3A_354], %broadcast_in_dim3A_10 : memref<80x16xf32, #tpu.memory_space<vmem>>[vector<16xi32>, vector<16xi32>], vector<16xf32>,
      %add3A_355 = arith.constant 2 : i32
      %add3A_356 = vector.broadcast %add3A_355 : i32 to vector<16xi32>
      %add3A_357 = arith.addi %broadcast_in_dim3A_12, %add3A_356 : vector<16xi32>
      tpu.vector_store_idx %arg17[%add3A_351, %add3A_357], %bitcast3A_334 : memref<80x16xf32, #tpu.memory_space<vmem>>[vector<16xi32>, vector<16xi32>], vector<16xf32>,
      %add3A_358 = arith.constant 3 : i32
      %add3A_359 = vector.broadcast %add3A_358 : i32 to vector<16xi32>
      %add3A_360 = arith.addi %broadcast_in_dim3A_12, %add3A_359 : vector<16xi32>
      tpu.vector_store_idx %arg17[%add3A_351, %add3A_360], %bitcast3A_337 : memref<80x16xf32, #tpu.memory_space<vmem>>[vector<16xi32>, vector<16xi32>], vector<16xf32>,
      %add3A_361 = arith.constant 1 : i32
      %add3A_362 = arith.addi %mul3A_116, %add3A_361 : i32
      %add3A_363 = arith.addi %mul3A_7, %add3A_362 : i32
      %dma_wait3A_364 = arith.constant 0 : i32
      %dma_wait3A_365 = tpu.memref_slice %arg4[%add3A_363, %dma_wait3A_364] : memref<4000x320xi32, #tpu.memory_space<hbm>> -> memref<1x320xi32, #tpu.memory_space<hbm>>
      %dma_wait3A_366 = tpu.memref_squeeze %dma_wait3A_365 : memref<1x320xi32, #tpu.memory_space<hbm>> -> memref<320xi32, #tpu.memory_space<hbm>>
      %dma_wait3A_367 = arith.constant 0 : i32
      %dma_wait3A_368 = tpu.memref_slice %arg4[%add3A_363, %dma_wait3A_367] : memref<4000x320xi32, #tpu.memory_space<hbm>> -> memref<1x320xi32, #tpu.memory_space<hbm>>
      %dma_wait3A_369 = tpu.memref_squeeze %dma_wait3A_368 : memref<1x320xi32, #tpu.memory_space<hbm>> -> memref<320xi32, #tpu.memory_space<hbm>>
      tpu.wait_dma2 semaphore(%arg33 : memref<!tpu.dma_semaphore, #tpu.memory_space<semaphore_mem>>) src(%dma_wait3A_369 : memref<320xi32, #tpu.memory_space<hbm>>) dst(%arg18 : memref<320xi32, #tpu.memory_space<vmem>>)
      %mul3A_370 = arith.constant 80 : i32
      %mul3A_371 = arith.muli %add3A_362, %mul3A_370 : i32
      %add3A_372 = arith.addi %mul3A_9, %mul3A_371 : i32
      %dma_wait3A_373 = tpu.memref_slice %arg5[%add3A_372] : memref<320000xf32, #tpu.memory_space<hbm>> -> memref<80xf32, #tpu.memory_space<hbm>>
      %dma_wait3A_374 = tpu.memref_slice %arg5[%add3A_372] : memref<320000xf32, #tpu.memory_space<hbm>> -> memref<80xf32, #tpu.memory_space<hbm>>
      tpu.wait_dma2 semaphore(%arg33 : memref<!tpu.dma_semaphore, #tpu.memory_space<semaphore_mem>>) src(%dma_wait3A_374 : memref<80xf32, #tpu.memory_space<hbm>>) dst(%arg21 : memref<80xf32, #tpu.memory_space<vmem>>)
      %gt3A_375 = arith.constant 0 : i32
      %gt3A_376 = arith.cmpi sgt, %scan3A_114, %gt3A_375 : i32
      %convert_element_type3A_377 = arith.extui %gt3A_376 : i1 to i32
      %cond3A_378 = arith.constant 0 : i32
      %cond3A_379 = arith.cmpi ne, %convert_element_type3A_377, %cond3A_378 : i32
      scf.if %cond3A_379 {
        %dma_wait3A_707 = arith.constant 0 : i32
        %dma_wait3A_708 = arith.constant 0 : i32
        %dma_wait3A_709 = tpu.memref_slice %arg24[%dma_wait3A_707, %dma_wait3A_708] : memref<10000x64xf32, #tpu.memory_space<vmem_shared>> -> memref<10000x64xf32, #tpu.memory_space<vmem_shared>>
        tpu.wait_indirect_dma semaphore(%arg31 : memref<!tpu.dma_semaphore, #tpu.memory_space<semaphore_mem>>) src(%arg22 : memref<80x64xf32, #tpu.memory_space<vmem>>) dst(%dma_wait3A_709 : memref<10000x64xf32, #tpu.memory_space<vmem_shared>>)
      } else {
      }
      %get3A_380 = arith.constant 0 : index
      %get3A_381 = tpu.vector_load %arg18[%get3A_380] {strides = array<i32>} : memref<320xi32, #tpu.memory_space<vmem>>, vector<16xi32>,
      %mul3A_382 = arith.constant 2 : i32
      %mul3A_383 = vector.broadcast %mul3A_382 : i32 to vector<16xi32>
      %mul3A_384 = arith.muli %get3A_381, %mul3A_383 : vector<16xi32>
      %add3A_385 = vector.broadcast %arg0 : i32 to vector<16xi32>
      %add3A_386 = arith.addi %mul3A_384, %add3A_385 : vector<16xi32>
      %swap3A_387 = arith.constant 0 : index
      %swap3A_388 = tpu.vector_load %arg19[%swap3A_387] {strides = array<i32>} : memref<80xi32, #tpu.memory_space<vmem>>, vector<16xi32>,
      tpu.vector_store %arg19[%swap3A_387], %add3A_386 {strides = array<i32>} : memref<80xi32, #tpu.memory_space<vmem>>, vector<16xi32>,
      %get3A_389 = arith.constant 16 : index
      %get3A_390 = tpu.vector_load %arg18[%get3A_389] {strides = array<i32>} : memref<320xi32, #tpu.memory_space<vmem>>, vector<16xi32>,
      %mul3A_391 = arith.constant 2 : i32
      %mul3A_392 = vector.broadcast %mul3A_391 : i32 to vector<16xi32>
      %mul3A_393 = arith.muli %get3A_390, %mul3A_392 : vector<16xi32>
      %add3A_394 = vector.broadcast %arg0 : i32 to vector<16xi32>
      %add3A_395 = arith.addi %mul3A_393, %add3A_394 : vector<16xi32>
      %swap3A_396 = arith.constant 16 : index
      %swap3A_397 = tpu.vector_load %arg19[%swap3A_396] {strides = array<i32>} : memref<80xi32, #tpu.memory_space<vmem>>, vector<16xi32>,
      tpu.vector_store %arg19[%swap3A_396], %add3A_395 {strides = array<i32>} : memref<80xi32, #tpu.memory_space<vmem>>, vector<16xi32>,
      %get3A_398 = arith.constant 32 : index
      %get3A_399 = tpu.vector_load %arg18[%get3A_398] {strides = array<i32>} : memref<320xi32, #tpu.memory_space<vmem>>, vector<16xi32>,
      %mul3A_400 = arith.constant 2 : i32
      %mul3A_401 = vector.broadcast %mul3A_400 : i32 to vector<16xi32>
      %mul3A_402 = arith.muli %get3A_399, %mul3A_401 : vector<16xi32>
      %add3A_403 = vector.broadcast %arg0 : i32 to vector<16xi32>
      %add3A_404 = arith.addi %mul3A_402, %add3A_403 : vector<16xi32>
      %swap3A_405 = arith.constant 32 : index
      %swap3A_406 = tpu.vector_load %arg19[%swap3A_405] {strides = array<i32>} : memref<80xi32, #tpu.memory_space<vmem>>, vector<16xi32>,
      tpu.vector_store %arg19[%swap3A_405], %add3A_404 {strides = array<i32>} : memref<80xi32, #tpu.memory_space<vmem>>, vector<16xi32>,
      %get3A_407 = arith.constant 48 : index
      %get3A_408 = tpu.vector_load %arg18[%get3A_407] {strides = array<i32>} : memref<320xi32, #tpu.memory_space<vmem>>, vector<16xi32>,
      %mul3A_409 = arith.constant 2 : i32
      %mul3A_410 = vector.broadcast %mul3A_409 : i32 to vector<16xi32>
      %mul3A_411 = arith.muli %get3A_408, %mul3A_410 : vector<16xi32>
      %add3A_412 = vector.broadcast %arg0 : i32 to vector<16xi32>
      %add3A_413 = arith.addi %mul3A_411, %add3A_412 : vector<16xi32>
      %swap3A_414 = arith.constant 48 : index
      %swap3A_415 = tpu.vector_load %arg19[%swap3A_414] {strides = array<i32>} : memref<80xi32, #tpu.memory_space<vmem>>, vector<16xi32>,
      tpu.vector_store %arg19[%swap3A_414], %add3A_413 {strides = array<i32>} : memref<80xi32, #tpu.memory_space<vmem>>, vector<16xi32>,
      %get3A_416 = arith.constant 64 : index
      %get3A_417 = tpu.vector_load %arg18[%get3A_416] {strides = array<i32>} : memref<320xi32, #tpu.memory_space<vmem>>, vector<16xi32>,
      %mul3A_418 = arith.constant 2 : i32
      %mul3A_419 = vector.broadcast %mul3A_418 : i32 to vector<16xi32>
      %mul3A_420 = arith.muli %get3A_417, %mul3A_419 : vector<16xi32>
      %add3A_421 = vector.broadcast %arg0 : i32 to vector<16xi32>
      %add3A_422 = arith.addi %mul3A_420, %add3A_421 : vector<16xi32>
      %swap3A_423 = arith.constant 64 : index
      %swap3A_424 = tpu.vector_load %arg19[%swap3A_423] {strides = array<i32>} : memref<80xi32, #tpu.memory_space<vmem>>, vector<16xi32>,
      tpu.vector_store %arg19[%swap3A_423], %add3A_422 {strides = array<i32>} : memref<80xi32, #tpu.memory_space<vmem>>, vector<16xi32>,
      %dma_start3A_425 = arith.constant 0 : i32
      %dma_start3A_426 = arith.constant 0 : i32
      %dma_start3A_427 = tpu.memref_slice %arg2[%dma_start3A_425, %dma_start3A_426] : memref<20000x64xf32, #tpu.memory_space<hbm>> -> memref<20000x64xf32, #tpu.memory_space<hbm>>
      tpu.enqueue_indirect_dma source(%dma_start3A_427 : memref<20000x64xf32, #tpu.memory_space<hbm>>) target(%arg22 : memref<80x64xf32, #tpu.memory_space<vmem>>) offsets(%arg19 : memref<80xi32, #tpu.memory_space<vmem>>) semaphore(%arg30 : memref<!tpu.dma_semaphore, #tpu.memory_space<semaphore_mem>>)
      %dma_wait3A_428 = arith.constant 0 : i32
      %dma_wait3A_429 = arith.constant 0 : i32
      %dma_wait3A_430 = tpu.memref_slice %arg2[%dma_wait3A_428, %dma_wait3A_429] : memref<20000x64xf32, #tpu.memory_space<hbm>> -> memref<20000x64xf32, #tpu.memory_space<hbm>>
      tpu.wait_indirect_dma semaphore(%arg26 : memref<!tpu.dma_semaphore, #tpu.memory_space<semaphore_mem>>) src(%dma_wait3A_430 : memref<20000x64xf32, #tpu.memory_space<hbm>>) dst(%arg16 : memref<80x64xf32, #tpu.memory_space<vmem>>)
      %scan3A_431 = arith.constant 0 : i32
      %scan3A_432 = arith.constant 0 : i32
      %scan3A_433 = arith.constant 20 : i32
      %scan3A_434 = arith.addi %scan3A_432, %scan3A_433 : i32
      %scan3A_435 = arith.constant 1 : i32
      scf.for %scan3A_707 = %scan3A_432 to %scan3A_434 step %scan3A_435  : i32 {
        %mul3A_708 = arith.constant 4 : i32
        %mul3A_709 = arith.muli %scan3A_707, %mul3A_708 : i32
        %add3A_710 = arith.constant 0 : i32
        %add3A_711 = arith.addi %mul3A_709, %add3A_710 : i32
        %add3A_712 = vector.broadcast %add3A_711 : i32 to vector<16xi32>
        %add3A_713 = arith.addi %broadcast_in_dim3A_12, %add3A_712 : vector<16xi32>
        %gather3A_714 = tpu.vector_load_idx %arg11[%add3A_713] : memref<80xf32, #tpu.memory_space<vmem>>[vector<16xi32>], vector<16xf32>,
        %get3A_715 = arith.index_cast %add3A_711 : i32 to index
        %get3A_716 = arith.constant 0 : index
        %get3A_717 = tpu.vector_load %arg16[%get3A_715, %get3A_716] {strides = array<i32>} : memref<80x64xf32, #tpu.memory_space<vmem>>, vector<16xf32>,
        %mul3A_718 = arith.mulf %get3A_717, %gather3A_714 : vector<16xf32>
        %swap3A_719 = arith.index_cast %add3A_711 : i32 to index
        %swap3A_720 = arith.constant 0 : index
        %swap3A_721 = tpu.vector_load %arg16[%swap3A_719, %swap3A_720] {strides = array<i32>} : memref<80x64xf32, #tpu.memory_space<vmem>>, vector<16xf32>,
        tpu.vector_store %arg16[%swap3A_719, %swap3A_720], %mul3A_718 {strides = array<i32>} : memref<80x64xf32, #tpu.memory_space<vmem>>, vector<16xf32>,
        %get3A_722 = arith.index_cast %add3A_711 : i32 to index
        %get3A_723 = arith.constant 16 : index
        %get3A_724 = tpu.vector_load %arg16[%get3A_722, %get3A_723] {strides = array<i32>} : memref<80x64xf32, #tpu.memory_space<vmem>>, vector<16xf32>,
        %mul3A_725 = arith.mulf %get3A_724, %gather3A_714 : vector<16xf32>
        %swap3A_726 = arith.index_cast %add3A_711 : i32 to index
        %swap3A_727 = arith.constant 16 : index
        %swap3A_728 = tpu.vector_load %arg16[%swap3A_726, %swap3A_727] {strides = array<i32>} : memref<80x64xf32, #tpu.memory_space<vmem>>, vector<16xf32>,
        tpu.vector_store %arg16[%swap3A_726, %swap3A_727], %mul3A_725 {strides = array<i32>} : memref<80x64xf32, #tpu.memory_space<vmem>>, vector<16xf32>,
        %get3A_729 = arith.index_cast %add3A_711 : i32 to index
        %get3A_730 = arith.constant 32 : index
        %get3A_731 = tpu.vector_load %arg16[%get3A_729, %get3A_730] {strides = array<i32>} : memref<80x64xf32, #tpu.memory_space<vmem>>, vector<16xf32>,
        %mul3A_732 = arith.mulf %get3A_731, %gather3A_714 : vector<16xf32>
        %swap3A_733 = arith.index_cast %add3A_711 : i32 to index
        %swap3A_734 = arith.constant 32 : index
        %swap3A_735 = tpu.vector_load %arg16[%swap3A_733, %swap3A_734] {strides = array<i32>} : memref<80x64xf32, #tpu.memory_space<vmem>>, vector<16xf32>,
        tpu.vector_store %arg16[%swap3A_733, %swap3A_734], %mul3A_732 {strides = array<i32>} : memref<80x64xf32, #tpu.memory_space<vmem>>, vector<16xf32>,
        %get3A_736 = arith.index_cast %add3A_711 : i32 to index
        %get3A_737 = arith.constant 48 : index
        %get3A_738 = tpu.vector_load %arg16[%get3A_736, %get3A_737] {strides = array<i32>} : memref<80x64xf32, #tpu.memory_space<vmem>>, vector<16xf32>,
        %mul3A_739 = arith.mulf %get3A_738, %gather3A_714 : vector<16xf32>
        %swap3A_740 = arith.index_cast %add3A_711 : i32 to index
        %swap3A_741 = arith.constant 48 : index
        %swap3A_742 = tpu.vector_load %arg16[%swap3A_740, %swap3A_741] {strides = array<i32>} : memref<80x64xf32, #tpu.memory_space<vmem>>, vector<16xf32>,
        tpu.vector_store %arg16[%swap3A_740, %swap3A_741], %mul3A_739 {strides = array<i32>} : memref<80x64xf32, #tpu.memory_space<vmem>>, vector<16xf32>,
        %mul3A_743 = arith.constant 4 : i32
        %mul3A_744 = arith.muli %scan3A_707, %mul3A_743 : i32
        %add3A_745 = arith.constant 1 : i32
        %add3A_746 = arith.addi %mul3A_744, %add3A_745 : i32
        %add3A_747 = vector.broadcast %add3A_746 : i32 to vector<16xi32>
        %add3A_748 = arith.addi %broadcast_in_dim3A_12, %add3A_747 : vector<16xi32>
        %gather3A_749 = tpu.vector_load_idx %arg11[%add3A_748] : memref<80xf32, #tpu.memory_space<vmem>>[vector<16xi32>], vector<16xf32>,
        %get3A_750 = arith.index_cast %add3A_746 : i32 to index
        %get3A_751 = arith.constant 0 : index
        %get3A_752 = tpu.vector_load %arg16[%get3A_750, %get3A_751] {strides = array<i32>} : memref<80x64xf32, #tpu.memory_space<vmem>>, vector<16xf32>,
        %mul3A_753 = arith.mulf %get3A_752, %gather3A_749 : vector<16xf32>
        %swap3A_754 = arith.index_cast %add3A_746 : i32 to index
        %swap3A_755 = arith.constant 0 : index
        %swap3A_756 = tpu.vector_load %arg16[%swap3A_754, %swap3A_755] {strides = array<i32>} : memref<80x64xf32, #tpu.memory_space<vmem>>, vector<16xf32>,
        tpu.vector_store %arg16[%swap3A_754, %swap3A_755], %mul3A_753 {strides = array<i32>} : memref<80x64xf32, #tpu.memory_space<vmem>>, vector<16xf32>,
        %get3A_757 = arith.index_cast %add3A_746 : i32 to index
        %get3A_758 = arith.constant 16 : index
        %get3A_759 = tpu.vector_load %arg16[%get3A_757, %get3A_758] {strides = array<i32>} : memref<80x64xf32, #tpu.memory_space<vmem>>, vector<16xf32>,
        %mul3A_760 = arith.mulf %get3A_759, %gather3A_749 : vector<16xf32>
        %swap3A_761 = arith.index_cast %add3A_746 : i32 to index
        %swap3A_762 = arith.constant 16 : index
        %swap3A_763 = tpu.vector_load %arg16[%swap3A_761, %swap3A_762] {strides = array<i32>} : memref<80x64xf32, #tpu.memory_space<vmem>>, vector<16xf32>,
        tpu.vector_store %arg16[%swap3A_761, %swap3A_762], %mul3A_760 {strides = array<i32>} : memref<80x64xf32, #tpu.memory_space<vmem>>, vector<16xf32>,
        %get3A_764 = arith.index_cast %add3A_746 : i32 to index
        %get3A_765 = arith.constant 32 : index
        %get3A_766 = tpu.vector_load %arg16[%get3A_764, %get3A_765] {strides = array<i32>} : memref<80x64xf32, #tpu.memory_space<vmem>>, vector<16xf32>,
        %mul3A_767 = arith.mulf %get3A_766, %gather3A_749 : vector<16xf32>
        %swap3A_768 = arith.index_cast %add3A_746 : i32 to index
        %swap3A_769 = arith.constant 32 : index
        %swap3A_770 = tpu.vector_load %arg16[%swap3A_768, %swap3A_769] {strides = array<i32>} : memref<80x64xf32, #tpu.memory_space<vmem>>, vector<16xf32>,
        tpu.vector_store %arg16[%swap3A_768, %swap3A_769], %mul3A_767 {strides = array<i32>} : memref<80x64xf32, #tpu.memory_space<vmem>>, vector<16xf32>,
        %get3A_771 = arith.index_cast %add3A_746 : i32 to index
        %get3A_772 = arith.constant 48 : index
        %get3A_773 = tpu.vector_load %arg16[%get3A_771, %get3A_772] {strides = array<i32>} : memref<80x64xf32, #tpu.memory_space<vmem>>, vector<16xf32>,
        %mul3A_774 = arith.mulf %get3A_773, %gather3A_749 : vector<16xf32>
        %swap3A_775 = arith.index_cast %add3A_746 : i32 to index
        %swap3A_776 = arith.constant 48 : index
        %swap3A_777 = tpu.vector_load %arg16[%swap3A_775, %swap3A_776] {strides = array<i32>} : memref<80x64xf32, #tpu.memory_space<vmem>>, vector<16xf32>,
        tpu.vector_store %arg16[%swap3A_775, %swap3A_776], %mul3A_774 {strides = array<i32>} : memref<80x64xf32, #tpu.memory_space<vmem>>, vector<16xf32>,
        %mul3A_778 = arith.constant 4 : i32
        %mul3A_779 = arith.muli %scan3A_707, %mul3A_778 : i32
        %add3A_780 = arith.constant 2 : i32
        %add3A_781 = arith.addi %mul3A_779, %add3A_780 : i32
        %add3A_782 = vector.broadcast %add3A_781 : i32 to vector<16xi32>
        %add3A_783 = arith.addi %broadcast_in_dim3A_12, %add3A_782 : vector<16xi32>
        %gather3A_784 = tpu.vector_load_idx %arg11[%add3A_783] : memref<80xf32, #tpu.memory_space<vmem>>[vector<16xi32>], vector<16xf32>,
        %get3A_785 = arith.index_cast %add3A_781 : i32 to index
        %get3A_786 = arith.constant 0 : index
        %get3A_787 = tpu.vector_load %arg16[%get3A_785, %get3A_786] {strides = array<i32>} : memref<80x64xf32, #tpu.memory_space<vmem>>, vector<16xf32>,
        %mul3A_788 = arith.mulf %get3A_787, %gather3A_784 : vector<16xf32>
        %swap3A_789 = arith.index_cast %add3A_781 : i32 to index
        %swap3A_790 = arith.constant 0 : index
        %swap3A_791 = tpu.vector_load %arg16[%swap3A_789, %swap3A_790] {strides = array<i32>} : memref<80x64xf32, #tpu.memory_space<vmem>>, vector<16xf32>,
        tpu.vector_store %arg16[%swap3A_789, %swap3A_790], %mul3A_788 {strides = array<i32>} : memref<80x64xf32, #tpu.memory_space<vmem>>, vector<16xf32>,
        %get3A_792 = arith.index_cast %add3A_781 : i32 to index
        %get3A_793 = arith.constant 16 : index
        %get3A_794 = tpu.vector_load %arg16[%get3A_792, %get3A_793] {strides = array<i32>} : memref<80x64xf32, #tpu.memory_space<vmem>>, vector<16xf32>,
        %mul3A_795 = arith.mulf %get3A_794, %gather3A_784 : vector<16xf32>
        %swap3A_796 = arith.index_cast %add3A_781 : i32 to index
        %swap3A_797 = arith.constant 16 : index
        %swap3A_798 = tpu.vector_load %arg16[%swap3A_796, %swap3A_797] {strides = array<i32>} : memref<80x64xf32, #tpu.memory_space<vmem>>, vector<16xf32>,
        tpu.vector_store %arg16[%swap3A_796, %swap3A_797], %mul3A_795 {strides = array<i32>} : memref<80x64xf32, #tpu.memory_space<vmem>>, vector<16xf32>,
        %get3A_799 = arith.index_cast %add3A_781 : i32 to index
        %get3A_800 = arith.constant 32 : index
        %get3A_801 = tpu.vector_load %arg16[%get3A_799, %get3A_800] {strides = array<i32>} : memref<80x64xf32, #tpu.memory_space<vmem>>, vector<16xf32>,
        %mul3A_802 = arith.mulf %get3A_801, %gather3A_784 : vector<16xf32>
        %swap3A_803 = arith.index_cast %add3A_781 : i32 to index
        %swap3A_804 = arith.constant 32 : index
        %swap3A_805 = tpu.vector_load %arg16[%swap3A_803, %swap3A_804] {strides = array<i32>} : memref<80x64xf32, #tpu.memory_space<vmem>>, vector<16xf32>,
        tpu.vector_store %arg16[%swap3A_803, %swap3A_804], %mul3A_802 {strides = array<i32>} : memref<80x64xf32, #tpu.memory_space<vmem>>, vector<16xf32>,
        %get3A_806 = arith.index_cast %add3A_781 : i32 to index
        %get3A_807 = arith.constant 48 : index
        %get3A_808 = tpu.vector_load %arg16[%get3A_806, %get3A_807] {strides = array<i32>} : memref<80x64xf32, #tpu.memory_space<vmem>>, vector<16xf32>,
        %mul3A_809 = arith.mulf %get3A_808, %gather3A_784 : vector<16xf32>
        %swap3A_810 = arith.index_cast %add3A_781 : i32 to index
        %swap3A_811 = arith.constant 48 : index
        %swap3A_812 = tpu.vector_load %arg16[%swap3A_810, %swap3A_811] {strides = array<i32>} : memref<80x64xf32, #tpu.memory_space<vmem>>, vector<16xf32>,
        tpu.vector_store %arg16[%swap3A_810, %swap3A_811], %mul3A_809 {strides = array<i32>} : memref<80x64xf32, #tpu.memory_space<vmem>>, vector<16xf32>,
        %mul3A_813 = arith.constant 4 : i32
        %mul3A_814 = arith.muli %scan3A_707, %mul3A_813 : i32
        %add3A_815 = arith.constant 3 : i32
        %add3A_816 = arith.addi %mul3A_814, %add3A_815 : i32
        %add3A_817 = vector.broadcast %add3A_816 : i32 to vector<16xi32>
        %add3A_818 = arith.addi %broadcast_in_dim3A_12, %add3A_817 : vector<16xi32>
        %gather3A_819 = tpu.vector_load_idx %arg11[%add3A_818] : memref<80xf32, #tpu.memory_space<vmem>>[vector<16xi32>], vector<16xf32>,
        %get3A_820 = arith.index_cast %add3A_816 : i32 to index
        %get3A_821 = arith.constant 0 : index
        %get3A_822 = tpu.vector_load %arg16[%get3A_820, %get3A_821] {strides = array<i32>} : memref<80x64xf32, #tpu.memory_space<vmem>>, vector<16xf32>,
        %mul3A_823 = arith.mulf %get3A_822, %gather3A_819 : vector<16xf32>
        %swap3A_824 = arith.index_cast %add3A_816 : i32 to index
        %swap3A_825 = arith.constant 0 : index
        %swap3A_826 = tpu.vector_load %arg16[%swap3A_824, %swap3A_825] {strides = array<i32>} : memref<80x64xf32, #tpu.memory_space<vmem>>, vector<16xf32>,
        tpu.vector_store %arg16[%swap3A_824, %swap3A_825], %mul3A_823 {strides = array<i32>} : memref<80x64xf32, #tpu.memory_space<vmem>>, vector<16xf32>,
        %get3A_827 = arith.index_cast %add3A_816 : i32 to index
        %get3A_828 = arith.constant 16 : index
        %get3A_829 = tpu.vector_load %arg16[%get3A_827, %get3A_828] {strides = array<i32>} : memref<80x64xf32, #tpu.memory_space<vmem>>, vector<16xf32>,
        %mul3A_830 = arith.mulf %get3A_829, %gather3A_819 : vector<16xf32>
        %swap3A_831 = arith.index_cast %add3A_816 : i32 to index
        %swap3A_832 = arith.constant 16 : index
        %swap3A_833 = tpu.vector_load %arg16[%swap3A_831, %swap3A_832] {strides = array<i32>} : memref<80x64xf32, #tpu.memory_space<vmem>>, vector<16xf32>,
        tpu.vector_store %arg16[%swap3A_831, %swap3A_832], %mul3A_830 {strides = array<i32>} : memref<80x64xf32, #tpu.memory_space<vmem>>, vector<16xf32>,
        %get3A_834 = arith.index_cast %add3A_816 : i32 to index
        %get3A_835 = arith.constant 32 : index
        %get3A_836 = tpu.vector_load %arg16[%get3A_834, %get3A_835] {strides = array<i32>} : memref<80x64xf32, #tpu.memory_space<vmem>>, vector<16xf32>,
        %mul3A_837 = arith.mulf %get3A_836, %gather3A_819 : vector<16xf32>
        %swap3A_838 = arith.index_cast %add3A_816 : i32 to index
        %swap3A_839 = arith.constant 32 : index
        %swap3A_840 = tpu.vector_load %arg16[%swap3A_838, %swap3A_839] {strides = array<i32>} : memref<80x64xf32, #tpu.memory_space<vmem>>, vector<16xf32>,
        tpu.vector_store %arg16[%swap3A_838, %swap3A_839], %mul3A_837 {strides = array<i32>} : memref<80x64xf32, #tpu.memory_space<vmem>>, vector<16xf32>,
        %get3A_841 = arith.index_cast %add3A_816 : i32 to index
        %get3A_842 = arith.constant 48 : index
        %get3A_843 = tpu.vector_load %arg16[%get3A_841, %get3A_842] {strides = array<i32>} : memref<80x64xf32, #tpu.memory_space<vmem>>, vector<16xf32>,
        %mul3A_844 = arith.mulf %get3A_843, %gather3A_819 : vector<16xf32>
        %swap3A_845 = arith.index_cast %add3A_816 : i32 to index
        %swap3A_846 = arith.constant 48 : index
        %swap3A_847 = tpu.vector_load %arg16[%swap3A_845, %swap3A_846] {strides = array<i32>} : memref<80x64xf32, #tpu.memory_space<vmem>>, vector<16xf32>,
        tpu.vector_store %arg16[%swap3A_845, %swap3A_846], %mul3A_844 {strides = array<i32>} : memref<80x64xf32, #tpu.memory_space<vmem>>, vector<16xf32>,
      }
      %scan3A_436 = arith.constant 20 : i32
      %dma_start3A_437 = arith.constant 0 : i32
      %dma_start3A_438 = arith.constant 0 : i32
      %dma_start3A_439 = tpu.memref_slice %arg24[%dma_start3A_437, %dma_start3A_438] : memref<10000x64xf32, #tpu.memory_space<vmem_shared>> -> memref<10000x64xf32, #tpu.memory_space<vmem_shared>>
      tpu.enqueue_indirect_dma source(%arg16 : memref<80x64xf32, #tpu.memory_space<vmem>>) target(%dma_start3A_439 : memref<10000x64xf32, #tpu.memory_space<vmem_shared>>) offsets(%arg14 : memref<80xi32, #tpu.memory_space<vmem>>) semaphore(%arg27 : memref<!tpu.dma_semaphore, #tpu.memory_space<semaphore_mem>>) {add = true}
      %eq3A_440 = arith.constant 0 : i32
      %eq3A_441 = arith.cmpi eq, %arg0, %eq3A_440 : i32
      %convert_element_type3A_442 = arith.extui %eq3A_441 : i1 to i32
      %cond3A_443 = arith.constant 0 : i32
      %cond3A_444 = arith.cmpi ne, %convert_element_type3A_442, %cond3A_443 : i32
      scf.if %cond3A_444 {
        %dma_start3A_707 = arith.constant 0 : i32
        %dma_start3A_708 = arith.constant 0 : i32
        %dma_start3A_709 = tpu.memref_slice %arg25[%dma_start3A_707, %dma_start3A_708] : memref<10000x16xf32, #tpu.memory_space<vmem_shared>> -> memref<10000x16xf32, #tpu.memory_space<vmem_shared>>
        tpu.enqueue_indirect_dma source(%arg17 : memref<80x16xf32, #tpu.memory_space<vmem>>) target(%dma_start3A_709 : memref<10000x16xf32, #tpu.memory_space<vmem_shared>>) offsets(%arg14 : memref<80xi32, #tpu.memory_space<vmem>>) semaphore(%arg28 : memref<!tpu.dma_semaphore, #tpu.memory_space<semaphore_mem>>) {add = true}
      } else {
      }
      %lt3A_445 = arith.constant 124 : i32
      %lt3A_446 = arith.cmpi slt, %scan3A_114, %lt3A_445 : i32
      %convert_element_type3A_447 = arith.extui %lt3A_446 : i1 to i32
      %cond3A_448 = arith.constant 0 : i32
      %cond3A_449 = arith.cmpi ne, %convert_element_type3A_447, %cond3A_448 : i32
      scf.if %cond3A_449 {
        %add3A_707 = arith.constant 2 : i32
        %add3A_708 = arith.addi %mul3A_116, %add3A_707 : i32
        %add3A_709 = arith.addi %mul3A_7, %add3A_708 : i32
        %dma_start3A_710 = arith.constant 0 : i32
        %dma_start3A_711 = tpu.memref_slice %arg4[%add3A_709, %dma_start3A_710] : memref<4000x320xi32, #tpu.memory_space<hbm>> -> memref<1x320xi32, #tpu.memory_space<hbm>>
        %dma_start3A_712 = tpu.memref_squeeze %dma_start3A_711 : memref<1x320xi32, #tpu.memory_space<hbm>> -> memref<320xi32, #tpu.memory_space<hbm>>
        %dma_start3A_713 = arith.constant 0 : i32
        %dma_start3A_714 = tpu.memref_slice %arg4[%add3A_709, %dma_start3A_713] : memref<4000x320xi32, #tpu.memory_space<hbm>> -> memref<1x320xi32, #tpu.memory_space<hbm>>
        %dma_start3A_715 = tpu.memref_squeeze %dma_start3A_714 : memref<1x320xi32, #tpu.memory_space<hbm>> -> memref<320xi32, #tpu.memory_space<hbm>>
        tpu.enqueue_dma source(%dma_start3A_715 : memref<320xi32, #tpu.memory_space<hbm>>) target(%arg12 : memref<320xi32, #tpu.memory_space<vmem>>) target_semaphore(%arg29 : memref<!tpu.dma_semaphore, #tpu.memory_space<semaphore_mem>>)
        %mul3A_716 = arith.constant 80 : i32
        %mul3A_717 = arith.muli %add3A_708, %mul3A_716 : i32
        %add3A_718 = arith.addi %mul3A_9, %mul3A_717 : i32
        %dma_start3A_719 = tpu.memref_slice %arg5[%add3A_718] : memref<320000xf32, #tpu.memory_space<hbm>> -> memref<80xf32, #tpu.memory_space<hbm>>
        %dma_start3A_720 = tpu.memref_slice %arg5[%add3A_718] : memref<320000xf32, #tpu.memory_space<hbm>> -> memref<80xf32, #tpu.memory_space<hbm>>
        tpu.enqueue_dma source(%dma_start3A_720 : memref<80xf32, #tpu.memory_space<hbm>>) target(%arg15 : memref<80xf32, #tpu.memory_space<vmem>>) target_semaphore(%arg29 : memref<!tpu.dma_semaphore, #tpu.memory_space<semaphore_mem>>)
      } else {
      }
      %gt3A_450 = arith.constant 0 : i32
      %gt3A_451 = arith.cmpi sgt, %scan3A_114, %gt3A_450 : i32
      %convert_element_type3A_452 = arith.extui %gt3A_451 : i1 to i32
      %cond3A_453 = arith.constant 0 : i32
      %cond3A_454 = arith.cmpi ne, %convert_element_type3A_452, %cond3A_453 : i32
      scf.if %cond3A_454 {
        %eq3A_707 = arith.constant 0 : i32
        %eq3A_708 = arith.cmpi eq, %arg0, %eq3A_707 : i32
        %convert_element_type3A_709 = arith.extui %eq3A_708 : i1 to i32
        %cond3A_710 = arith.constant 0 : i32
        %cond3A_711 = arith.cmpi ne, %convert_element_type3A_709, %cond3A_710 : i32
        scf.if %cond3A_711 {
          %dma_wait3A_712 = arith.constant 0 : i32
          %dma_wait3A_713 = arith.constant 0 : i32
          %dma_wait3A_714 = tpu.memref_slice %arg25[%dma_wait3A_712, %dma_wait3A_713] : memref<10000x16xf32, #tpu.memory_space<vmem_shared>> -> memref<10000x16xf32, #tpu.memory_space<vmem_shared>>
          tpu.wait_indirect_dma semaphore(%arg32 : memref<!tpu.dma_semaphore, #tpu.memory_space<semaphore_mem>>) src(%arg23 : memref<80x16xf32, #tpu.memory_space<vmem>>) dst(%dma_wait3A_714 : memref<10000x16xf32, #tpu.memory_space<vmem_shared>>)
        } else {
        }
      } else {
      }
      %get3A_455 = arith.constant 0 : index
      %get3A_456 = tpu.vector_load %arg18[%get3A_455] {strides = array<i32>} : memref<320xi32, #tpu.memory_space<vmem>>, vector<16xi32>,
      %get3A_457 = arith.constant 80 : index
      %get3A_458 = tpu.vector_load %arg18[%get3A_457] {strides = array<i32>} : memref<320xi32, #tpu.memory_space<vmem>>, vector<16xi32>,
      %swap3A_459 = arith.constant 0 : index
      %swap3A_460 = tpu.vector_load %arg20[%swap3A_459] {strides = array<i32>} : memref<80xi32, #tpu.memory_space<vmem>>, vector<16xi32>,
      tpu.vector_store %arg20[%swap3A_459], %get3A_458 {strides = array<i32>} : memref<80xi32, #tpu.memory_space<vmem>>, vector<16xi32>,
      %mul3A_461 = arith.constant 2 : i32
      %mul3A_462 = vector.broadcast %mul3A_461 : i32 to vector<16xi32>
      %mul3A_463 = arith.muli %get3A_456, %mul3A_462 : vector<16xi32>
      %gather3A_464 = tpu.vector_load_idx %arg10[%mul3A_463] : memref<20000xf32, #tpu.memory_space<vmem>>[vector<16xi32>], vector<16xf32>,
      %mul3A_465 = arith.constant 2 : i32
      %mul3A_466 = vector.broadcast %mul3A_465 : i32 to vector<16xi32>
      %mul3A_467 = arith.muli %get3A_458, %mul3A_466 : vector<16xi32>
      %add3A_468 = arith.constant 1 : i32
      %add3A_469 = vector.broadcast %add3A_468 : i32 to vector<16xi32>
      %add3A_470 = arith.addi %mul3A_467, %add3A_469 : vector<16xi32>
      %gather3A_471 = tpu.vector_load_idx %arg10[%add3A_470] : memref<20000xf32, #tpu.memory_space<vmem>>[vector<16xi32>], vector<16xf32>,
      %get3A_472 = arith.constant 160 : index
      %get3A_473 = tpu.vector_load %arg18[%get3A_472] {strides = array<i32>} : memref<320xi32, #tpu.memory_space<vmem>>, vector<16xi32>,
      %bitcast3A_474 = vector.bitcast %get3A_473 : vector<16xi32> to vector<16xf32>
      %get3A_475 = arith.constant 240 : index
      %get3A_476 = tpu.vector_load %arg18[%get3A_475] {strides = array<i32>} : memref<320xi32, #tpu.memory_space<vmem>>, vector<16xi32>,
      %bitcast3A_477 = vector.bitcast %get3A_476 : vector<16xi32> to vector<16xf32>
      %add3A_478 = arith.addf %gather3A_464, %gather3A_471 : vector<16xf32>
      %get3A_479 = arith.constant 0 : index
      %get3A_480 = tpu.vector_load %arg21[%get3A_479] {strides = array<i32>} : memref<80xf32, #tpu.memory_space<vmem>>, vector<16xf32>,
      %add3A_481 = arith.addf %add3A_478, %get3A_480 : vector<16xf32>
      %mul3A_482 = arith.constant 2.000000e-01 : f32
      %mul3A_483 = vector.broadcast %mul3A_482 : f32 to vector<16xf32>
      %mul3A_484 = arith.mulf %mul3A_483, %add3A_481 : vector<16xf32>
      %max3A_485 = arith.maximumf %add3A_481, %mul3A_484 : vector<16xf32>
      %exp3A_486 = math.exp %max3A_485 : vector<16xf32>
      %swap3A_487 = arith.constant 0 : index
      %swap3A_488 = tpu.vector_load %arg11[%swap3A_487] {strides = array<i32>} : memref<80xf32, #tpu.memory_space<vmem>>, vector<16xf32>,
      tpu.vector_store %arg11[%swap3A_487], %exp3A_486 {strides = array<i32>} : memref<80xf32, #tpu.memory_space<vmem>>, vector<16xf32>,
      %add3A_489 = arith.constant 0 : i32
      %add3A_490 = vector.broadcast %add3A_489 : i32 to vector<16xi32>
      %add3A_491 = arith.addi %add3A_490, %iota3A : vector<16xi32>
      tpu.vector_store_idx %arg23[%add3A_491, %broadcast_in_dim3A_12], %exp3A_486 : memref<80x16xf32, #tpu.memory_space<vmem>>[vector<16xi32>, vector<16xi32>], vector<16xf32>,
      %add3A_492 = arith.constant 1 : i32
      %add3A_493 = vector.broadcast %add3A_492 : i32 to vector<16xi32>
      %add3A_494 = arith.addi %broadcast_in_dim3A_12, %add3A_493 : vector<16xi32>
      tpu.vector_store_idx %arg23[%add3A_491, %add3A_494], %broadcast_in_dim3A_10 : memref<80x16xf32, #tpu.memory_space<vmem>>[vector<16xi32>, vector<16xi32>], vector<16xf32>,
      %add3A_495 = arith.constant 2 : i32
      %add3A_496 = vector.broadcast %add3A_495 : i32 to vector<16xi32>
      %add3A_497 = arith.addi %broadcast_in_dim3A_12, %add3A_496 : vector<16xi32>
      tpu.vector_store_idx %arg23[%add3A_491, %add3A_497], %bitcast3A_474 : memref<80x16xf32, #tpu.memory_space<vmem>>[vector<16xi32>, vector<16xi32>], vector<16xf32>,
      %add3A_498 = arith.constant 3 : i32
      %add3A_499 = vector.broadcast %add3A_498 : i32 to vector<16xi32>
      %add3A_500 = arith.addi %broadcast_in_dim3A_12, %add3A_499 : vector<16xi32>
      tpu.vector_store_idx %arg23[%add3A_491, %add3A_500], %bitcast3A_477 : memref<80x16xf32, #tpu.memory_space<vmem>>[vector<16xi32>, vector<16xi32>], vector<16xf32>,
      %get3A_501 = arith.constant 16 : index
      %get3A_502 = tpu.vector_load %arg18[%get3A_501] {strides = array<i32>} : memref<320xi32, #tpu.memory_space<vmem>>, vector<16xi32>,
      %get3A_503 = arith.constant 96 : index
      %get3A_504 = tpu.vector_load %arg18[%get3A_503] {strides = array<i32>} : memref<320xi32, #tpu.memory_space<vmem>>, vector<16xi32>,
      %swap3A_505 = arith.constant 16 : index
      %swap3A_506 = tpu.vector_load %arg20[%swap3A_505] {strides = array<i32>} : memref<80xi32, #tpu.memory_space<vmem>>, vector<16xi32>,
      tpu.vector_store %arg20[%swap3A_505], %get3A_504 {strides = array<i32>} : memref<80xi32, #tpu.memory_space<vmem>>, vector<16xi32>,
      %mul3A_507 = arith.constant 2 : i32
      %mul3A_508 = vector.broadcast %mul3A_507 : i32 to vector<16xi32>
      %mul3A_509 = arith.muli %get3A_502, %mul3A_508 : vector<16xi32>
      %gather3A_510 = tpu.vector_load_idx %arg10[%mul3A_509] : memref<20000xf32, #tpu.memory_space<vmem>>[vector<16xi32>], vector<16xf32>,
      %mul3A_511 = arith.constant 2 : i32
      %mul3A_512 = vector.broadcast %mul3A_511 : i32 to vector<16xi32>
      %mul3A_513 = arith.muli %get3A_504, %mul3A_512 : vector<16xi32>
      %add3A_514 = arith.constant 1 : i32
      %add3A_515 = vector.broadcast %add3A_514 : i32 to vector<16xi32>
      %add3A_516 = arith.addi %mul3A_513, %add3A_515 : vector<16xi32>
      %gather3A_517 = tpu.vector_load_idx %arg10[%add3A_516] : memref<20000xf32, #tpu.memory_space<vmem>>[vector<16xi32>], vector<16xf32>,
      %get3A_518 = arith.constant 176 : index
      %get3A_519 = tpu.vector_load %arg18[%get3A_518] {strides = array<i32>} : memref<320xi32, #tpu.memory_space<vmem>>, vector<16xi32>,
      %bitcast3A_520 = vector.bitcast %get3A_519 : vector<16xi32> to vector<16xf32>
      %get3A_521 = arith.constant 256 : index
      %get3A_522 = tpu.vector_load %arg18[%get3A_521] {strides = array<i32>} : memref<320xi32, #tpu.memory_space<vmem>>, vector<16xi32>,
      %bitcast3A_523 = vector.bitcast %get3A_522 : vector<16xi32> to vector<16xf32>
      %add3A_524 = arith.addf %gather3A_510, %gather3A_517 : vector<16xf32>
      %get3A_525 = arith.constant 16 : index
      %get3A_526 = tpu.vector_load %arg21[%get3A_525] {strides = array<i32>} : memref<80xf32, #tpu.memory_space<vmem>>, vector<16xf32>,
      %add3A_527 = arith.addf %add3A_524, %get3A_526 : vector<16xf32>
      %mul3A_528 = arith.constant 2.000000e-01 : f32
      %mul3A_529 = vector.broadcast %mul3A_528 : f32 to vector<16xf32>
      %mul3A_530 = arith.mulf %mul3A_529, %add3A_527 : vector<16xf32>
      %max3A_531 = arith.maximumf %add3A_527, %mul3A_530 : vector<16xf32>
      %exp3A_532 = math.exp %max3A_531 : vector<16xf32>
      %swap3A_533 = arith.constant 16 : index
      %swap3A_534 = tpu.vector_load %arg11[%swap3A_533] {strides = array<i32>} : memref<80xf32, #tpu.memory_space<vmem>>, vector<16xf32>,
      tpu.vector_store %arg11[%swap3A_533], %exp3A_532 {strides = array<i32>} : memref<80xf32, #tpu.memory_space<vmem>>, vector<16xf32>,
      %add3A_535 = arith.constant 16 : i32
      %add3A_536 = vector.broadcast %add3A_535 : i32 to vector<16xi32>
      %add3A_537 = arith.addi %add3A_536, %iota3A : vector<16xi32>
      tpu.vector_store_idx %arg23[%add3A_537, %broadcast_in_dim3A_12], %exp3A_532 : memref<80x16xf32, #tpu.memory_space<vmem>>[vector<16xi32>, vector<16xi32>], vector<16xf32>,
      %add3A_538 = arith.constant 1 : i32
      %add3A_539 = vector.broadcast %add3A_538 : i32 to vector<16xi32>
      %add3A_540 = arith.addi %broadcast_in_dim3A_12, %add3A_539 : vector<16xi32>
      tpu.vector_store_idx %arg23[%add3A_537, %add3A_540], %broadcast_in_dim3A_10 : memref<80x16xf32, #tpu.memory_space<vmem>>[vector<16xi32>, vector<16xi32>], vector<16xf32>,
      %add3A_541 = arith.constant 2 : i32
      %add3A_542 = vector.broadcast %add3A_541 : i32 to vector<16xi32>
      %add3A_543 = arith.addi %broadcast_in_dim3A_12, %add3A_542 : vector<16xi32>
      tpu.vector_store_idx %arg23[%add3A_537, %add3A_543], %bitcast3A_520 : memref<80x16xf32, #tpu.memory_space<vmem>>[vector<16xi32>, vector<16xi32>], vector<16xf32>,
      %add3A_544 = arith.constant 3 : i32
      %add3A_545 = vector.broadcast %add3A_544 : i32 to vector<16xi32>
      %add3A_546 = arith.addi %broadcast_in_dim3A_12, %add3A_545 : vector<16xi32>
      tpu.vector_store_idx %arg23[%add3A_537, %add3A_546], %bitcast3A_523 : memref<80x16xf32, #tpu.memory_space<vmem>>[vector<16xi32>, vector<16xi32>], vector<16xf32>,
      %get3A_547 = arith.constant 32 : index
      %get3A_548 = tpu.vector_load %arg18[%get3A_547] {strides = array<i32>} : memref<320xi32, #tpu.memory_space<vmem>>, vector<16xi32>,
      %get3A_549 = arith.constant 112 : index
      %get3A_550 = tpu.vector_load %arg18[%get3A_549] {strides = array<i32>} : memref<320xi32, #tpu.memory_space<vmem>>, vector<16xi32>,
      %swap3A_551 = arith.constant 32 : index
      %swap3A_552 = tpu.vector_load %arg20[%swap3A_551] {strides = array<i32>} : memref<80xi32, #tpu.memory_space<vmem>>, vector<16xi32>,
      tpu.vector_store %arg20[%swap3A_551], %get3A_550 {strides = array<i32>} : memref<80xi32, #tpu.memory_space<vmem>>, vector<16xi32>,
      %mul3A_553 = arith.constant 2 : i32
      %mul3A_554 = vector.broadcast %mul3A_553 : i32 to vector<16xi32>
      %mul3A_555 = arith.muli %get3A_548, %mul3A_554 : vector<16xi32>
      %gather3A_556 = tpu.vector_load_idx %arg10[%mul3A_555] : memref<20000xf32, #tpu.memory_space<vmem>>[vector<16xi32>], vector<16xf32>,
      %mul3A_557 = arith.constant 2 : i32
      %mul3A_558 = vector.broadcast %mul3A_557 : i32 to vector<16xi32>
      %mul3A_559 = arith.muli %get3A_550, %mul3A_558 : vector<16xi32>
      %add3A_560 = arith.constant 1 : i32
      %add3A_561 = vector.broadcast %add3A_560 : i32 to vector<16xi32>
      %add3A_562 = arith.addi %mul3A_559, %add3A_561 : vector<16xi32>
      %gather3A_563 = tpu.vector_load_idx %arg10[%add3A_562] : memref<20000xf32, #tpu.memory_space<vmem>>[vector<16xi32>], vector<16xf32>,
      %get3A_564 = arith.constant 192 : index
      %get3A_565 = tpu.vector_load %arg18[%get3A_564] {strides = array<i32>} : memref<320xi32, #tpu.memory_space<vmem>>, vector<16xi32>,
      %bitcast3A_566 = vector.bitcast %get3A_565 : vector<16xi32> to vector<16xf32>
      %get3A_567 = arith.constant 272 : index
      %get3A_568 = tpu.vector_load %arg18[%get3A_567] {strides = array<i32>} : memref<320xi32, #tpu.memory_space<vmem>>, vector<16xi32>,
      %bitcast3A_569 = vector.bitcast %get3A_568 : vector<16xi32> to vector<16xf32>
      %add3A_570 = arith.addf %gather3A_556, %gather3A_563 : vector<16xf32>
      %get3A_571 = arith.constant 32 : index
      %get3A_572 = tpu.vector_load %arg21[%get3A_571] {strides = array<i32>} : memref<80xf32, #tpu.memory_space<vmem>>, vector<16xf32>,
      %add3A_573 = arith.addf %add3A_570, %get3A_572 : vector<16xf32>
      %mul3A_574 = arith.constant 2.000000e-01 : f32
      %mul3A_575 = vector.broadcast %mul3A_574 : f32 to vector<16xf32>
      %mul3A_576 = arith.mulf %mul3A_575, %add3A_573 : vector<16xf32>
      %max3A_577 = arith.maximumf %add3A_573, %mul3A_576 : vector<16xf32>
      %exp3A_578 = math.exp %max3A_577 : vector<16xf32>
      %swap3A_579 = arith.constant 32 : index
      %swap3A_580 = tpu.vector_load %arg11[%swap3A_579] {strides = array<i32>} : memref<80xf32, #tpu.memory_space<vmem>>, vector<16xf32>,
      tpu.vector_store %arg11[%swap3A_579], %exp3A_578 {strides = array<i32>} : memref<80xf32, #tpu.memory_space<vmem>>, vector<16xf32>,
      %add3A_581 = arith.constant 32 : i32
      %add3A_582 = vector.broadcast %add3A_581 : i32 to vector<16xi32>
      %add3A_583 = arith.addi %add3A_582, %iota3A : vector<16xi32>
      tpu.vector_store_idx %arg23[%add3A_583, %broadcast_in_dim3A_12], %exp3A_578 : memref<80x16xf32, #tpu.memory_space<vmem>>[vector<16xi32>, vector<16xi32>], vector<16xf32>,
      %add3A_584 = arith.constant 1 : i32
      %add3A_585 = vector.broadcast %add3A_584 : i32 to vector<16xi32>
      %add3A_586 = arith.addi %broadcast_in_dim3A_12, %add3A_585 : vector<16xi32>
      tpu.vector_store_idx %arg23[%add3A_583, %add3A_586], %broadcast_in_dim3A_10 : memref<80x16xf32, #tpu.memory_space<vmem>>[vector<16xi32>, vector<16xi32>], vector<16xf32>,
      %add3A_587 = arith.constant 2 : i32
      %add3A_588 = vector.broadcast %add3A_587 : i32 to vector<16xi32>
      %add3A_589 = arith.addi %broadcast_in_dim3A_12, %add3A_588 : vector<16xi32>
      tpu.vector_store_idx %arg23[%add3A_583, %add3A_589], %bitcast3A_566 : memref<80x16xf32, #tpu.memory_space<vmem>>[vector<16xi32>, vector<16xi32>], vector<16xf32>,
      %add3A_590 = arith.constant 3 : i32
      %add3A_591 = vector.broadcast %add3A_590 : i32 to vector<16xi32>
      %add3A_592 = arith.addi %broadcast_in_dim3A_12, %add3A_591 : vector<16xi32>
      tpu.vector_store_idx %arg23[%add3A_583, %add3A_592], %bitcast3A_569 : memref<80x16xf32, #tpu.memory_space<vmem>>[vector<16xi32>, vector<16xi32>], vector<16xf32>,
      %get3A_593 = arith.constant 48 : index
      %get3A_594 = tpu.vector_load %arg18[%get3A_593] {strides = array<i32>} : memref<320xi32, #tpu.memory_space<vmem>>, vector<16xi32>,
      %get3A_595 = arith.constant 128 : index
      %get3A_596 = tpu.vector_load %arg18[%get3A_595] {strides = array<i32>} : memref<320xi32, #tpu.memory_space<vmem>>, vector<16xi32>,
      %swap3A_597 = arith.constant 48 : index
      %swap3A_598 = tpu.vector_load %arg20[%swap3A_597] {strides = array<i32>} : memref<80xi32, #tpu.memory_space<vmem>>, vector<16xi32>,
      tpu.vector_store %arg20[%swap3A_597], %get3A_596 {strides = array<i32>} : memref<80xi32, #tpu.memory_space<vmem>>, vector<16xi32>,
      %mul3A_599 = arith.constant 2 : i32
      %mul3A_600 = vector.broadcast %mul3A_599 : i32 to vector<16xi32>
      %mul3A_601 = arith.muli %get3A_594, %mul3A_600 : vector<16xi32>
      %gather3A_602 = tpu.vector_load_idx %arg10[%mul3A_601] : memref<20000xf32, #tpu.memory_space<vmem>>[vector<16xi32>], vector<16xf32>,
      %mul3A_603 = arith.constant 2 : i32
      %mul3A_604 = vector.broadcast %mul3A_603 : i32 to vector<16xi32>
      %mul3A_605 = arith.muli %get3A_596, %mul3A_604 : vector<16xi32>
      %add3A_606 = arith.constant 1 : i32
      %add3A_607 = vector.broadcast %add3A_606 : i32 to vector<16xi32>
      %add3A_608 = arith.addi %mul3A_605, %add3A_607 : vector<16xi32>
      %gather3A_609 = tpu.vector_load_idx %arg10[%add3A_608] : memref<20000xf32, #tpu.memory_space<vmem>>[vector<16xi32>], vector<16xf32>,
      %get3A_610 = arith.constant 208 : index
      %get3A_611 = tpu.vector_load %arg18[%get3A_610] {strides = array<i32>} : memref<320xi32, #tpu.memory_space<vmem>>, vector<16xi32>,
      %bitcast3A_612 = vector.bitcast %get3A_611 : vector<16xi32> to vector<16xf32>
      %get3A_613 = arith.constant 288 : index
      %get3A_614 = tpu.vector_load %arg18[%get3A_613] {strides = array<i32>} : memref<320xi32, #tpu.memory_space<vmem>>, vector<16xi32>,
      %bitcast3A_615 = vector.bitcast %get3A_614 : vector<16xi32> to vector<16xf32>
      %add3A_616 = arith.addf %gather3A_602, %gather3A_609 : vector<16xf32>
      %get3A_617 = arith.constant 48 : index
      %get3A_618 = tpu.vector_load %arg21[%get3A_617] {strides = array<i32>} : memref<80xf32, #tpu.memory_space<vmem>>, vector<16xf32>,
      %add3A_619 = arith.addf %add3A_616, %get3A_618 : vector<16xf32>
      %mul3A_620 = arith.constant 2.000000e-01 : f32
      %mul3A_621 = vector.broadcast %mul3A_620 : f32 to vector<16xf32>
      %mul3A_622 = arith.mulf %mul3A_621, %add3A_619 : vector<16xf32>
      %max3A_623 = arith.maximumf %add3A_619, %mul3A_622 : vector<16xf32>
      %exp3A_624 = math.exp %max3A_623 : vector<16xf32>
      %swap3A_625 = arith.constant 48 : index
      %swap3A_626 = tpu.vector_load %arg11[%swap3A_625] {strides = array<i32>} : memref<80xf32, #tpu.memory_space<vmem>>, vector<16xf32>,
      tpu.vector_store %arg11[%swap3A_625], %exp3A_624 {strides = array<i32>} : memref<80xf32, #tpu.memory_space<vmem>>, vector<16xf32>,
      %add3A_627 = arith.constant 48 : i32
      %add3A_628 = vector.broadcast %add3A_627 : i32 to vector<16xi32>
      %add3A_629 = arith.addi %add3A_628, %iota3A : vector<16xi32>
      tpu.vector_store_idx %arg23[%add3A_629, %broadcast_in_dim3A_12], %exp3A_624 : memref<80x16xf32, #tpu.memory_space<vmem>>[vector<16xi32>, vector<16xi32>], vector<16xf32>,
      %add3A_630 = arith.constant 1 : i32
      %add3A_631 = vector.broadcast %add3A_630 : i32 to vector<16xi32>
      %add3A_632 = arith.addi %broadcast_in_dim3A_12, %add3A_631 : vector<16xi32>
      tpu.vector_store_idx %arg23[%add3A_629, %add3A_632], %broadcast_in_dim3A_10 : memref<80x16xf32, #tpu.memory_space<vmem>>[vector<16xi32>, vector<16xi32>], vector<16xf32>,
      %add3A_633 = arith.constant 2 : i32
      %add3A_634 = vector.broadcast %add3A_633 : i32 to vector<16xi32>
      %add3A_635 = arith.addi %broadcast_in_dim3A_12, %add3A_634 : vector<16xi32>
      tpu.vector_store_idx %arg23[%add3A_629, %add3A_635], %bitcast3A_612 : memref<80x16xf32, #tpu.memory_space<vmem>>[vector<16xi32>, vector<16xi32>], vector<16xf32>,
      %add3A_636 = arith.constant 3 : i32
      %add3A_637 = vector.broadcast %add3A_636 : i32 to vector<16xi32>
      %add3A_638 = arith.addi %broadcast_in_dim3A_12, %add3A_637 : vector<16xi32>
      tpu.vector_store_idx %arg23[%add3A_629, %add3A_638], %bitcast3A_615 : memref<80x16xf32, #tpu.memory_space<vmem>>[vector<16xi32>, vector<16xi32>], vector<16xf32>,
      %get3A_639 = arith.constant 64 : index
      %get3A_640 = tpu.vector_load %arg18[%get3A_639] {strides = array<i32>} : memref<320xi32, #tpu.memory_space<vmem>>, vector<16xi32>,
      %get3A_641 = arith.constant 144 : index
      %get3A_642 = tpu.vector_load %arg18[%get3A_641] {strides = array<i32>} : memref<320xi32, #tpu.memory_space<vmem>>, vector<16xi32>,
      %swap3A_643 = arith.constant 64 : index
      %swap3A_644 = tpu.vector_load %arg20[%swap3A_643] {strides = array<i32>} : memref<80xi32, #tpu.memory_space<vmem>>, vector<16xi32>,
      tpu.vector_store %arg20[%swap3A_643], %get3A_642 {strides = array<i32>} : memref<80xi32, #tpu.memory_space<vmem>>, vector<16xi32>,
      %mul3A_645 = arith.constant 2 : i32
      %mul3A_646 = vector.broadcast %mul3A_645 : i32 to vector<16xi32>
      %mul3A_647 = arith.muli %get3A_640, %mul3A_646 : vector<16xi32>
      %gather3A_648 = tpu.vector_load_idx %arg10[%mul3A_647] : memref<20000xf32, #tpu.memory_space<vmem>>[vector<16xi32>], vector<16xf32>,
      %mul3A_649 = arith.constant 2 : i32
      %mul3A_650 = vector.broadcast %mul3A_649 : i32 to vector<16xi32>
      %mul3A_651 = arith.muli %get3A_642, %mul3A_650 : vector<16xi32>
      %add3A_652 = arith.constant 1 : i32
      %add3A_653 = vector.broadcast %add3A_652 : i32 to vector<16xi32>
      %add3A_654 = arith.addi %mul3A_651, %add3A_653 : vector<16xi32>
      %gather3A_655 = tpu.vector_load_idx %arg10[%add3A_654] : memref<20000xf32, #tpu.memory_space<vmem>>[vector<16xi32>], vector<16xf32>,
      %get3A_656 = arith.constant 224 : index
      %get3A_657 = tpu.vector_load %arg18[%get3A_656] {strides = array<i32>} : memref<320xi32, #tpu.memory_space<vmem>>, vector<16xi32>,
      %bitcast3A_658 = vector.bitcast %get3A_657 : vector<16xi32> to vector<16xf32>
      %get3A_659 = arith.constant 304 : index
      %get3A_660 = tpu.vector_load %arg18[%get3A_659] {strides = array<i32>} : memref<320xi32, #tpu.memory_space<vmem>>, vector<16xi32>,
      %bitcast3A_661 = vector.bitcast %get3A_660 : vector<16xi32> to vector<16xf32>
      %add3A_662 = arith.addf %gather3A_648, %gather3A_655 : vector<16xf32>
      %get3A_663 = arith.constant 64 : index
      %get3A_664 = tpu.vector_load %arg21[%get3A_663] {strides = array<i32>} : memref<80xf32, #tpu.memory_space<vmem>>, vector<16xf32>,
      %add3A_665 = arith.addf %add3A_662, %get3A_664 : vector<16xf32>
      %mul3A_666 = arith.constant 2.000000e-01 : f32
      %mul3A_667 = vector.broadcast %mul3A_666 : f32 to vector<16xf32>
      %mul3A_668 = arith.mulf %mul3A_667, %add3A_665 : vector<16xf32>
      %max3A_669 = arith.maximumf %add3A_665, %mul3A_668 : vector<16xf32>
      %exp3A_670 = math.exp %max3A_669 : vector<16xf32>
      %swap3A_671 = arith.constant 64 : index
      %swap3A_672 = tpu.vector_load %arg11[%swap3A_671] {strides = array<i32>} : memref<80xf32, #tpu.memory_space<vmem>>, vector<16xf32>,
      tpu.vector_store %arg11[%swap3A_671], %exp3A_670 {strides = array<i32>} : memref<80xf32, #tpu.memory_space<vmem>>, vector<16xf32>,
      %add3A_673 = arith.constant 64 : i32
      %add3A_674 = vector.broadcast %add3A_673 : i32 to vector<16xi32>
      %add3A_675 = arith.addi %add3A_674, %iota3A : vector<16xi32>
      tpu.vector_store_idx %arg23[%add3A_675, %broadcast_in_dim3A_12], %exp3A_670 : memref<80x16xf32, #tpu.memory_space<vmem>>[vector<16xi32>, vector<16xi32>], vector<16xf32>,
      %add3A_676 = arith.constant 1 : i32
      %add3A_677 = vector.broadcast %add3A_676 : i32 to vector<16xi32>
      %add3A_678 = arith.addi %broadcast_in_dim3A_12, %add3A_677 : vector<16xi32>
      tpu.vector_store_idx %arg23[%add3A_675, %add3A_678], %broadcast_in_dim3A_10 : memref<80x16xf32, #tpu.memory_space<vmem>>[vector<16xi32>, vector<16xi32>], vector<16xf32>,
      %add3A_679 = arith.constant 2 : i32
      %add3A_680 = vector.broadcast %add3A_679 : i32 to vector<16xi32>
      %add3A_681 = arith.addi %broadcast_in_dim3A_12, %add3A_680 : vector<16xi32>
      tpu.vector_store_idx %arg23[%add3A_675, %add3A_681], %bitcast3A_658 : memref<80x16xf32, #tpu.memory_space<vmem>>[vector<16xi32>, vector<16xi32>], vector<16xf32>,
      %add3A_682 = arith.constant 3 : i32
      %add3A_683 = vector.broadcast %add3A_682 : i32 to vector<16xi32>
      %add3A_684 = arith.addi %broadcast_in_dim3A_12, %add3A_683 : vector<16xi32>
      tpu.vector_store_idx %arg23[%add3A_675, %add3A_684], %bitcast3A_661 : memref<80x16xf32, #tpu.memory_space<vmem>>[vector<16xi32>, vector<16xi32>], vector<16xf32>,
      %lt3A_685 = arith.constant 124 : i32
      %lt3A_686 = arith.cmpi slt, %scan3A_114, %lt3A_685 : i32
      %convert_element_type3A_687 = arith.extui %lt3A_686 : i1 to i32
      %cond3A_688 = arith.constant 0 : i32
      %cond3A_689 = arith.cmpi ne, %convert_element_type3A_687, %cond3A_688 : i32
      scf.if %cond3A_689 {
        %add3A_707 = arith.constant 2 : i32
        %add3A_708 = arith.addi %mul3A_116, %add3A_707 : i32
        %add3A_709 = arith.addi %mul3A_7, %add3A_708 : i32
        %dma_wait3A_710 = arith.constant 0 : i32
        %dma_wait3A_711 = tpu.memref_slice %arg4[%add3A_709, %dma_wait3A_710] : memref<4000x320xi32, #tpu.memory_space<hbm>> -> memref<1x320xi32, #tpu.memory_space<hbm>>
        %dma_wait3A_712 = tpu.memref_squeeze %dma_wait3A_711 : memref<1x320xi32, #tpu.memory_space<hbm>> -> memref<320xi32, #tpu.memory_space<hbm>>
        %dma_wait3A_713 = arith.constant 0 : i32
        %dma_wait3A_714 = tpu.memref_slice %arg4[%add3A_709, %dma_wait3A_713] : memref<4000x320xi32, #tpu.memory_space<hbm>> -> memref<1x320xi32, #tpu.memory_space<hbm>>
        %dma_wait3A_715 = tpu.memref_squeeze %dma_wait3A_714 : memref<1x320xi32, #tpu.memory_space<hbm>> -> memref<320xi32, #tpu.memory_space<hbm>>
        tpu.wait_dma2 semaphore(%arg29 : memref<!tpu.dma_semaphore, #tpu.memory_space<semaphore_mem>>) src(%dma_wait3A_715 : memref<320xi32, #tpu.memory_space<hbm>>) dst(%arg12 : memref<320xi32, #tpu.memory_space<vmem>>)
        %mul3A_716 = arith.constant 80 : i32
        %mul3A_717 = arith.muli %add3A_708, %mul3A_716 : i32
        %add3A_718 = arith.addi %mul3A_9, %mul3A_717 : i32
        %dma_wait3A_719 = tpu.memref_slice %arg5[%add3A_718] : memref<320000xf32, #tpu.memory_space<hbm>> -> memref<80xf32, #tpu.memory_space<hbm>>
        %dma_wait3A_720 = tpu.memref_slice %arg5[%add3A_718] : memref<320000xf32, #tpu.memory_space<hbm>> -> memref<80xf32, #tpu.memory_space<hbm>>
        tpu.wait_dma2 semaphore(%arg29 : memref<!tpu.dma_semaphore, #tpu.memory_space<semaphore_mem>>) src(%dma_wait3A_720 : memref<80xf32, #tpu.memory_space<hbm>>) dst(%arg15 : memref<80xf32, #tpu.memory_space<vmem>>)
        %dma_wait3A_721 = arith.constant 0 : i32
        %dma_wait3A_722 = arith.constant 0 : i32
        %dma_wait3A_723 = tpu.memref_slice %arg24[%dma_wait3A_721, %dma_wait3A_722] : memref<10000x64xf32, #tpu.memory_space<vmem_shared>> -> memref<10000x64xf32, #tpu.memory_space<vmem_shared>>
        tpu.wait_indirect_dma semaphore(%arg27 : memref<!tpu.dma_semaphore, #tpu.memory_space<semaphore_mem>>) src(%arg16 : memref<80x64xf32, #tpu.memory_space<vmem>>) dst(%dma_wait3A_723 : memref<10000x64xf32, #tpu.memory_space<vmem_shared>>)
        %get3A_724 = arith.constant 0 : index
        %get3A_725 = tpu.vector_load %arg12[%get3A_724] {strides = array<i32>} : memref<320xi32, #tpu.memory_space<vmem>>, vector<16xi32>,
        %mul3A_726 = arith.constant 2 : i32
        %mul3A_727 = vector.broadcast %mul3A_726 : i32 to vector<16xi32>
        %mul3A_728 = arith.muli %get3A_725, %mul3A_727 : vector<16xi32>
        %add3A_729 = vector.broadcast %arg0 : i32 to vector<16xi32>
        %add3A_730 = arith.addi %mul3A_728, %add3A_729 : vector<16xi32>
        %swap3A_731 = arith.constant 0 : index
        %swap3A_732 = tpu.vector_load %arg13[%swap3A_731] {strides = array<i32>} : memref<80xi32, #tpu.memory_space<vmem>>, vector<16xi32>,
        tpu.vector_store %arg13[%swap3A_731], %add3A_730 {strides = array<i32>} : memref<80xi32, #tpu.memory_space<vmem>>, vector<16xi32>,
        %get3A_733 = arith.constant 16 : index
        %get3A_734 = tpu.vector_load %arg12[%get3A_733] {strides = array<i32>} : memref<320xi32, #tpu.memory_space<vmem>>, vector<16xi32>,
        %mul3A_735 = arith.constant 2 : i32
        %mul3A_736 = vector.broadcast %mul3A_735 : i32 to vector<16xi32>
        %mul3A_737 = arith.muli %get3A_734, %mul3A_736 : vector<16xi32>
        %add3A_738 = vector.broadcast %arg0 : i32 to vector<16xi32>
        %add3A_739 = arith.addi %mul3A_737, %add3A_738 : vector<16xi32>
        %swap3A_740 = arith.constant 16 : index
        %swap3A_741 = tpu.vector_load %arg13[%swap3A_740] {strides = array<i32>} : memref<80xi32, #tpu.memory_space<vmem>>, vector<16xi32>,
        tpu.vector_store %arg13[%swap3A_740], %add3A_739 {strides = array<i32>} : memref<80xi32, #tpu.memory_space<vmem>>, vector<16xi32>,
        %get3A_742 = arith.constant 32 : index
        %get3A_743 = tpu.vector_load %arg12[%get3A_742] {strides = array<i32>} : memref<320xi32, #tpu.memory_space<vmem>>, vector<16xi32>,
        %mul3A_744 = arith.constant 2 : i32
        %mul3A_745 = vector.broadcast %mul3A_744 : i32 to vector<16xi32>
        %mul3A_746 = arith.muli %get3A_743, %mul3A_745 : vector<16xi32>
        %add3A_747 = vector.broadcast %arg0 : i32 to vector<16xi32>
        %add3A_748 = arith.addi %mul3A_746, %add3A_747 : vector<16xi32>
        %swap3A_749 = arith.constant 32 : index
        %swap3A_750 = tpu.vector_load %arg13[%swap3A_749] {strides = array<i32>} : memref<80xi32, #tpu.memory_space<vmem>>, vector<16xi32>,
        tpu.vector_store %arg13[%swap3A_749], %add3A_748 {strides = array<i32>} : memref<80xi32, #tpu.memory_space<vmem>>, vector<16xi32>,
        %get3A_751 = arith.constant 48 : index
        %get3A_752 = tpu.vector_load %arg12[%get3A_751] {strides = array<i32>} : memref<320xi32, #tpu.memory_space<vmem>>, vector<16xi32>,
        %mul3A_753 = arith.constant 2 : i32
        %mul3A_754 = vector.broadcast %mul3A_753 : i32 to vector<16xi32>
        %mul3A_755 = arith.muli %get3A_752, %mul3A_754 : vector<16xi32>
        %add3A_756 = vector.broadcast %arg0 : i32 to vector<16xi32>
        %add3A_757 = arith.addi %mul3A_755, %add3A_756 : vector<16xi32>
        %swap3A_758 = arith.constant 48 : index
        %swap3A_759 = tpu.vector_load %arg13[%swap3A_758] {strides = array<i32>} : memref<80xi32, #tpu.memory_space<vmem>>, vector<16xi32>,
        tpu.vector_store %arg13[%swap3A_758], %add3A_757 {strides = array<i32>} : memref<80xi32, #tpu.memory_space<vmem>>, vector<16xi32>,
        %get3A_760 = arith.constant 64 : index
        %get3A_761 = tpu.vector_load %arg12[%get3A_760] {strides = array<i32>} : memref<320xi32, #tpu.memory_space<vmem>>, vector<16xi32>,
        %mul3A_762 = arith.constant 2 : i32
        %mul3A_763 = vector.broadcast %mul3A_762 : i32 to vector<16xi32>
        %mul3A_764 = arith.muli %get3A_761, %mul3A_763 : vector<16xi32>
        %add3A_765 = vector.broadcast %arg0 : i32 to vector<16xi32>
        %add3A_766 = arith.addi %mul3A_764, %add3A_765 : vector<16xi32>
        %swap3A_767 = arith.constant 64 : index
        %swap3A_768 = tpu.vector_load %arg13[%swap3A_767] {strides = array<i32>} : memref<80xi32, #tpu.memory_space<vmem>>, vector<16xi32>,
        tpu.vector_store %arg13[%swap3A_767], %add3A_766 {strides = array<i32>} : memref<80xi32, #tpu.memory_space<vmem>>, vector<16xi32>,
        %dma_start3A_769 = arith.constant 0 : i32
        %dma_start3A_770 = arith.constant 0 : i32
        %dma_start3A_771 = tpu.memref_slice %arg2[%dma_start3A_769, %dma_start3A_770] : memref<20000x64xf32, #tpu.memory_space<hbm>> -> memref<20000x64xf32, #tpu.memory_space<hbm>>
        tpu.enqueue_indirect_dma source(%dma_start3A_771 : memref<20000x64xf32, #tpu.memory_space<hbm>>) target(%arg16 : memref<80x64xf32, #tpu.memory_space<vmem>>) offsets(%arg13 : memref<80xi32, #tpu.memory_space<vmem>>) semaphore(%arg26 : memref<!tpu.dma_semaphore, #tpu.memory_space<semaphore_mem>>)
      } else {
      }
      %dma_wait3A_690 = arith.constant 0 : i32
      %dma_wait3A_691 = arith.constant 0 : i32
      %dma_wait3A_692 = tpu.memref_slice %arg2[%dma_wait3A_690, %dma_wait3A_691] : memref<20000x64xf32, #tpu.memory_space<hbm>> -> memref<20000x64xf32, #tpu.memory_space<hbm>>
      tpu.wait_indirect_dma semaphore(%arg30 : memref<!tpu.dma_semaphore, #tpu.memory_space<semaphore_mem>>) src(%dma_wait3A_692 : memref<20000x64xf32, #tpu.memory_space<hbm>>) dst(%arg22 : memref<80x64xf32, #tpu.memory_space<vmem>>)
      %scan3A_693 = arith.constant 0 : i32
      %scan3A_694 = arith.constant 0 : i32
      %scan3A_695 = arith.constant 20 : i32
      %scan3A_696 = arith.addi %scan3A_694, %scan3A_695 : i32
      %scan3A_697 = arith.constant 1 : i32
      scf.for %scan3A_707 = %scan3A_694 to %scan3A_696 step %scan3A_697  : i32 {
        %mul3A_708 = arith.constant 4 : i32
        %mul3A_709 = arith.muli %scan3A_707, %mul3A_708 : i32
        %add3A_710 = arith.constant 0 : i32
        %add3A_711 = arith.addi %mul3A_709, %add3A_710 : i32
        %add3A_712 = vector.broadcast %add3A_711 : i32 to vector<16xi32>
        %add3A_713 = arith.addi %broadcast_in_dim3A_12, %add3A_712 : vector<16xi32>
        %gather3A_714 = tpu.vector_load_idx %arg11[%add3A_713] : memref<80xf32, #tpu.memory_space<vmem>>[vector<16xi32>], vector<16xf32>,
        %get3A_715 = arith.index_cast %add3A_711 : i32 to index
        %get3A_716 = arith.constant 0 : index
        %get3A_717 = tpu.vector_load %arg22[%get3A_715, %get3A_716] {strides = array<i32>} : memref<80x64xf32, #tpu.memory_space<vmem>>, vector<16xf32>,
        %mul3A_718 = arith.mulf %get3A_717, %gather3A_714 : vector<16xf32>
        %swap3A_719 = arith.index_cast %add3A_711 : i32 to index
        %swap3A_720 = arith.constant 0 : index
        %swap3A_721 = tpu.vector_load %arg22[%swap3A_719, %swap3A_720] {strides = array<i32>} : memref<80x64xf32, #tpu.memory_space<vmem>>, vector<16xf32>,
        tpu.vector_store %arg22[%swap3A_719, %swap3A_720], %mul3A_718 {strides = array<i32>} : memref<80x64xf32, #tpu.memory_space<vmem>>, vector<16xf32>,
        %get3A_722 = arith.index_cast %add3A_711 : i32 to index
        %get3A_723 = arith.constant 16 : index
        %get3A_724 = tpu.vector_load %arg22[%get3A_722, %get3A_723] {strides = array<i32>} : memref<80x64xf32, #tpu.memory_space<vmem>>, vector<16xf32>,
        %mul3A_725 = arith.mulf %get3A_724, %gather3A_714 : vector<16xf32>
        %swap3A_726 = arith.index_cast %add3A_711 : i32 to index
        %swap3A_727 = arith.constant 16 : index
        %swap3A_728 = tpu.vector_load %arg22[%swap3A_726, %swap3A_727] {strides = array<i32>} : memref<80x64xf32, #tpu.memory_space<vmem>>, vector<16xf32>,
        tpu.vector_store %arg22[%swap3A_726, %swap3A_727], %mul3A_725 {strides = array<i32>} : memref<80x64xf32, #tpu.memory_space<vmem>>, vector<16xf32>,
        %get3A_729 = arith.index_cast %add3A_711 : i32 to index
        %get3A_730 = arith.constant 32 : index
        %get3A_731 = tpu.vector_load %arg22[%get3A_729, %get3A_730] {strides = array<i32>} : memref<80x64xf32, #tpu.memory_space<vmem>>, vector<16xf32>,
        %mul3A_732 = arith.mulf %get3A_731, %gather3A_714 : vector<16xf32>
        %swap3A_733 = arith.index_cast %add3A_711 : i32 to index
        %swap3A_734 = arith.constant 32 : index
        %swap3A_735 = tpu.vector_load %arg22[%swap3A_733, %swap3A_734] {strides = array<i32>} : memref<80x64xf32, #tpu.memory_space<vmem>>, vector<16xf32>,
        tpu.vector_store %arg22[%swap3A_733, %swap3A_734], %mul3A_732 {strides = array<i32>} : memref<80x64xf32, #tpu.memory_space<vmem>>, vector<16xf32>,
        %get3A_736 = arith.index_cast %add3A_711 : i32 to index
        %get3A_737 = arith.constant 48 : index
        %get3A_738 = tpu.vector_load %arg22[%get3A_736, %get3A_737] {strides = array<i32>} : memref<80x64xf32, #tpu.memory_space<vmem>>, vector<16xf32>,
        %mul3A_739 = arith.mulf %get3A_738, %gather3A_714 : vector<16xf32>
        %swap3A_740 = arith.index_cast %add3A_711 : i32 to index
        %swap3A_741 = arith.constant 48 : index
        %swap3A_742 = tpu.vector_load %arg22[%swap3A_740, %swap3A_741] {strides = array<i32>} : memref<80x64xf32, #tpu.memory_space<vmem>>, vector<16xf32>,
        tpu.vector_store %arg22[%swap3A_740, %swap3A_741], %mul3A_739 {strides = array<i32>} : memref<80x64xf32, #tpu.memory_space<vmem>>, vector<16xf32>,
        %mul3A_743 = arith.constant 4 : i32
        %mul3A_744 = arith.muli %scan3A_707, %mul3A_743 : i32
        %add3A_745 = arith.constant 1 : i32
        %add3A_746 = arith.addi %mul3A_744, %add3A_745 : i32
        %add3A_747 = vector.broadcast %add3A_746 : i32 to vector<16xi32>
        %add3A_748 = arith.addi %broadcast_in_dim3A_12, %add3A_747 : vector<16xi32>
        %gather3A_749 = tpu.vector_load_idx %arg11[%add3A_748] : memref<80xf32, #tpu.memory_space<vmem>>[vector<16xi32>], vector<16xf32>,
        %get3A_750 = arith.index_cast %add3A_746 : i32 to index
        %get3A_751 = arith.constant 0 : index
        %get3A_752 = tpu.vector_load %arg22[%get3A_750, %get3A_751] {strides = array<i32>} : memref<80x64xf32, #tpu.memory_space<vmem>>, vector<16xf32>,
        %mul3A_753 = arith.mulf %get3A_752, %gather3A_749 : vector<16xf32>
        %swap3A_754 = arith.index_cast %add3A_746 : i32 to index
        %swap3A_755 = arith.constant 0 : index
        %swap3A_756 = tpu.vector_load %arg22[%swap3A_754, %swap3A_755] {strides = array<i32>} : memref<80x64xf32, #tpu.memory_space<vmem>>, vector<16xf32>,
        tpu.vector_store %arg22[%swap3A_754, %swap3A_755], %mul3A_753 {strides = array<i32>} : memref<80x64xf32, #tpu.memory_space<vmem>>, vector<16xf32>,
        %get3A_757 = arith.index_cast %add3A_746 : i32 to index
        %get3A_758 = arith.constant 16 : index
        %get3A_759 = tpu.vector_load %arg22[%get3A_757, %get3A_758] {strides = array<i32>} : memref<80x64xf32, #tpu.memory_space<vmem>>, vector<16xf32>,
        %mul3A_760 = arith.mulf %get3A_759, %gather3A_749 : vector<16xf32>
        %swap3A_761 = arith.index_cast %add3A_746 : i32 to index
        %swap3A_762 = arith.constant 16 : index
        %swap3A_763 = tpu.vector_load %arg22[%swap3A_761, %swap3A_762] {strides = array<i32>} : memref<80x64xf32, #tpu.memory_space<vmem>>, vector<16xf32>,
        tpu.vector_store %arg22[%swap3A_761, %swap3A_762], %mul3A_760 {strides = array<i32>} : memref<80x64xf32, #tpu.memory_space<vmem>>, vector<16xf32>,
        %get3A_764 = arith.index_cast %add3A_746 : i32 to index
        %get3A_765 = arith.constant 32 : index
        %get3A_766 = tpu.vector_load %arg22[%get3A_764, %get3A_765] {strides = array<i32>} : memref<80x64xf32, #tpu.memory_space<vmem>>, vector<16xf32>,
        %mul3A_767 = arith.mulf %get3A_766, %gather3A_749 : vector<16xf32>
        %swap3A_768 = arith.index_cast %add3A_746 : i32 to index
        %swap3A_769 = arith.constant 32 : index
        %swap3A_770 = tpu.vector_load %arg22[%swap3A_768, %swap3A_769] {strides = array<i32>} : memref<80x64xf32, #tpu.memory_space<vmem>>, vector<16xf32>,
        tpu.vector_store %arg22[%swap3A_768, %swap3A_769], %mul3A_767 {strides = array<i32>} : memref<80x64xf32, #tpu.memory_space<vmem>>, vector<16xf32>,
        %get3A_771 = arith.index_cast %add3A_746 : i32 to index
        %get3A_772 = arith.constant 48 : index
        %get3A_773 = tpu.vector_load %arg22[%get3A_771, %get3A_772] {strides = array<i32>} : memref<80x64xf32, #tpu.memory_space<vmem>>, vector<16xf32>,
        %mul3A_774 = arith.mulf %get3A_773, %gather3A_749 : vector<16xf32>
        %swap3A_775 = arith.index_cast %add3A_746 : i32 to index
        %swap3A_776 = arith.constant 48 : index
        %swap3A_777 = tpu.vector_load %arg22[%swap3A_775, %swap3A_776] {strides = array<i32>} : memref<80x64xf32, #tpu.memory_space<vmem>>, vector<16xf32>,
        tpu.vector_store %arg22[%swap3A_775, %swap3A_776], %mul3A_774 {strides = array<i32>} : memref<80x64xf32, #tpu.memory_space<vmem>>, vector<16xf32>,
        %mul3A_778 = arith.constant 4 : i32
        %mul3A_779 = arith.muli %scan3A_707, %mul3A_778 : i32
        %add3A_780 = arith.constant 2 : i32
        %add3A_781 = arith.addi %mul3A_779, %add3A_780 : i32
        %add3A_782 = vector.broadcast %add3A_781 : i32 to vector<16xi32>
        %add3A_783 = arith.addi %broadcast_in_dim3A_12, %add3A_782 : vector<16xi32>
        %gather3A_784 = tpu.vector_load_idx %arg11[%add3A_783] : memref<80xf32, #tpu.memory_space<vmem>>[vector<16xi32>], vector<16xf32>,
        %get3A_785 = arith.index_cast %add3A_781 : i32 to index
        %get3A_786 = arith.constant 0 : index
        %get3A_787 = tpu.vector_load %arg22[%get3A_785, %get3A_786] {strides = array<i32>} : memref<80x64xf32, #tpu.memory_space<vmem>>, vector<16xf32>,
        %mul3A_788 = arith.mulf %get3A_787, %gather3A_784 : vector<16xf32>
        %swap3A_789 = arith.index_cast %add3A_781 : i32 to index
        %swap3A_790 = arith.constant 0 : index
        %swap3A_791 = tpu.vector_load %arg22[%swap3A_789, %swap3A_790] {strides = array<i32>} : memref<80x64xf32, #tpu.memory_space<vmem>>, vector<16xf32>,
        tpu.vector_store %arg22[%swap3A_789, %swap3A_790], %mul3A_788 {strides = array<i32>} : memref<80x64xf32, #tpu.memory_space<vmem>>, vector<16xf32>,
        %get3A_792 = arith.index_cast %add3A_781 : i32 to index
        %get3A_793 = arith.constant 16 : index
        %get3A_794 = tpu.vector_load %arg22[%get3A_792, %get3A_793] {strides = array<i32>} : memref<80x64xf32, #tpu.memory_space<vmem>>, vector<16xf32>,
        %mul3A_795 = arith.mulf %get3A_794, %gather3A_784 : vector<16xf32>
        %swap3A_796 = arith.index_cast %add3A_781 : i32 to index
        %swap3A_797 = arith.constant 16 : index
        %swap3A_798 = tpu.vector_load %arg22[%swap3A_796, %swap3A_797] {strides = array<i32>} : memref<80x64xf32, #tpu.memory_space<vmem>>, vector<16xf32>,
        tpu.vector_store %arg22[%swap3A_796, %swap3A_797], %mul3A_795 {strides = array<i32>} : memref<80x64xf32, #tpu.memory_space<vmem>>, vector<16xf32>,
        %get3A_799 = arith.index_cast %add3A_781 : i32 to index
        %get3A_800 = arith.constant 32 : index
        %get3A_801 = tpu.vector_load %arg22[%get3A_799, %get3A_800] {strides = array<i32>} : memref<80x64xf32, #tpu.memory_space<vmem>>, vector<16xf32>,
        %mul3A_802 = arith.mulf %get3A_801, %gather3A_784 : vector<16xf32>
        %swap3A_803 = arith.index_cast %add3A_781 : i32 to index
        %swap3A_804 = arith.constant 32 : index
        %swap3A_805 = tpu.vector_load %arg22[%swap3A_803, %swap3A_804] {strides = array<i32>} : memref<80x64xf32, #tpu.memory_space<vmem>>, vector<16xf32>,
        tpu.vector_store %arg22[%swap3A_803, %swap3A_804], %mul3A_802 {strides = array<i32>} : memref<80x64xf32, #tpu.memory_space<vmem>>, vector<16xf32>,
        %get3A_806 = arith.index_cast %add3A_781 : i32 to index
        %get3A_807 = arith.constant 48 : index
        %get3A_808 = tpu.vector_load %arg22[%get3A_806, %get3A_807] {strides = array<i32>} : memref<80x64xf32, #tpu.memory_space<vmem>>, vector<16xf32>,
        %mul3A_809 = arith.mulf %get3A_808, %gather3A_784 : vector<16xf32>
        %swap3A_810 = arith.index_cast %add3A_781 : i32 to index
        %swap3A_811 = arith.constant 48 : index
        %swap3A_812 = tpu.vector_load %arg22[%swap3A_810, %swap3A_811] {strides = array<i32>} : memref<80x64xf32, #tpu.memory_space<vmem>>, vector<16xf32>,
        tpu.vector_store %arg22[%swap3A_810, %swap3A_811], %mul3A_809 {strides = array<i32>} : memref<80x64xf32, #tpu.memory_space<vmem>>, vector<16xf32>,
        %mul3A_813 = arith.constant 4 : i32
        %mul3A_814 = arith.muli %scan3A_707, %mul3A_813 : i32
        %add3A_815 = arith.constant 3 : i32
        %add3A_816 = arith.addi %mul3A_814, %add3A_815 : i32
        %add3A_817 = vector.broadcast %add3A_816 : i32 to vector<16xi32>
        %add3A_818 = arith.addi %broadcast_in_dim3A_12, %add3A_817 : vector<16xi32>
        %gather3A_819 = tpu.vector_load_idx %arg11[%add3A_818] : memref<80xf32, #tpu.memory_space<vmem>>[vector<16xi32>], vector<16xf32>,
        %get3A_820 = arith.index_cast %add3A_816 : i32 to index
        %get3A_821 = arith.constant 0 : index
        %get3A_822 = tpu.vector_load %arg22[%get3A_820, %get3A_821] {strides = array<i32>} : memref<80x64xf32, #tpu.memory_space<vmem>>, vector<16xf32>,
        %mul3A_823 = arith.mulf %get3A_822, %gather3A_819 : vector<16xf32>
        %swap3A_824 = arith.index_cast %add3A_816 : i32 to index
        %swap3A_825 = arith.constant 0 : index
        %swap3A_826 = tpu.vector_load %arg22[%swap3A_824, %swap3A_825] {strides = array<i32>} : memref<80x64xf32, #tpu.memory_space<vmem>>, vector<16xf32>,
        tpu.vector_store %arg22[%swap3A_824, %swap3A_825], %mul3A_823 {strides = array<i32>} : memref<80x64xf32, #tpu.memory_space<vmem>>, vector<16xf32>,
        %get3A_827 = arith.index_cast %add3A_816 : i32 to index
        %get3A_828 = arith.constant 16 : index
        %get3A_829 = tpu.vector_load %arg22[%get3A_827, %get3A_828] {strides = array<i32>} : memref<80x64xf32, #tpu.memory_space<vmem>>, vector<16xf32>,
        %mul3A_830 = arith.mulf %get3A_829, %gather3A_819 : vector<16xf32>
        %swap3A_831 = arith.index_cast %add3A_816 : i32 to index
        %swap3A_832 = arith.constant 16 : index
        %swap3A_833 = tpu.vector_load %arg22[%swap3A_831, %swap3A_832] {strides = array<i32>} : memref<80x64xf32, #tpu.memory_space<vmem>>, vector<16xf32>,
        tpu.vector_store %arg22[%swap3A_831, %swap3A_832], %mul3A_830 {strides = array<i32>} : memref<80x64xf32, #tpu.memory_space<vmem>>, vector<16xf32>,
        %get3A_834 = arith.index_cast %add3A_816 : i32 to index
        %get3A_835 = arith.constant 32 : index
        %get3A_836 = tpu.vector_load %arg22[%get3A_834, %get3A_835] {strides = array<i32>} : memref<80x64xf32, #tpu.memory_space<vmem>>, vector<16xf32>,
        %mul3A_837 = arith.mulf %get3A_836, %gather3A_819 : vector<16xf32>
        %swap3A_838 = arith.index_cast %add3A_816 : i32 to index
        %swap3A_839 = arith.constant 32 : index
        %swap3A_840 = tpu.vector_load %arg22[%swap3A_838, %swap3A_839] {strides = array<i32>} : memref<80x64xf32, #tpu.memory_space<vmem>>, vector<16xf32>,
        tpu.vector_store %arg22[%swap3A_838, %swap3A_839], %mul3A_837 {strides = array<i32>} : memref<80x64xf32, #tpu.memory_space<vmem>>, vector<16xf32>,
        %get3A_841 = arith.index_cast %add3A_816 : i32 to index
        %get3A_842 = arith.constant 48 : index
        %get3A_843 = tpu.vector_load %arg22[%get3A_841, %get3A_842] {strides = array<i32>} : memref<80x64xf32, #tpu.memory_space<vmem>>, vector<16xf32>,
        %mul3A_844 = arith.mulf %get3A_843, %gather3A_819 : vector<16xf32>
        %swap3A_845 = arith.index_cast %add3A_816 : i32 to index
        %swap3A_846 = arith.constant 48 : index
        %swap3A_847 = tpu.vector_load %arg22[%swap3A_845, %swap3A_846] {strides = array<i32>} : memref<80x64xf32, #tpu.memory_space<vmem>>, vector<16xf32>,
        tpu.vector_store %arg22[%swap3A_845, %swap3A_846], %mul3A_844 {strides = array<i32>} : memref<80x64xf32, #tpu.memory_space<vmem>>, vector<16xf32>,
      }
      %scan3A_698 = arith.constant 20 : i32
      %dma_start3A_699 = arith.constant 0 : i32
      %dma_start3A_700 = arith.constant 0 : i32
      %dma_start3A_701 = tpu.memref_slice %arg24[%dma_start3A_699, %dma_start3A_700] : memref<10000x64xf32, #tpu.memory_space<vmem_shared>> -> memref<10000x64xf32, #tpu.memory_space<vmem_shared>>
      tpu.enqueue_indirect_dma source(%arg22 : memref<80x64xf32, #tpu.memory_space<vmem>>) target(%dma_start3A_701 : memref<10000x64xf32, #tpu.memory_space<vmem_shared>>) offsets(%arg20 : memref<80xi32, #tpu.memory_space<vmem>>) semaphore(%arg31 : memref<!tpu.dma_semaphore, #tpu.memory_space<semaphore_mem>>) {add = true}
      %eq3A_702 = arith.constant 0 : i32
      %eq3A_703 = arith.cmpi eq, %arg0, %eq3A_702 : i32
      %convert_element_type3A_704 = arith.extui %eq3A_703 : i1 to i32
      %cond3A_705 = arith.constant 0 : i32
      %cond3A_706 = arith.cmpi ne, %convert_element_type3A_704, %cond3A_705 : i32
      scf.if %cond3A_706 {
        %dma_start3A_707 = arith.constant 0 : i32
        %dma_start3A_708 = arith.constant 0 : i32
        %dma_start3A_709 = tpu.memref_slice %arg25[%dma_start3A_707, %dma_start3A_708] : memref<10000x16xf32, #tpu.memory_space<vmem_shared>> -> memref<10000x16xf32, #tpu.memory_space<vmem_shared>>
        tpu.enqueue_indirect_dma source(%arg23 : memref<80x16xf32, #tpu.memory_space<vmem>>) target(%dma_start3A_709 : memref<10000x16xf32, #tpu.memory_space<vmem_shared>>) offsets(%arg20 : memref<80xi32, #tpu.memory_space<vmem>>) semaphore(%arg32 : memref<!tpu.dma_semaphore, #tpu.memory_space<semaphore_mem>>) {add = true}
      } else {
      }
    }
    %scan3A_85 = arith.constant 125 : i32
    %dma_wait3A_86 = arith.constant 0 : i32
    %dma_wait3A_87 = arith.constant 0 : i32
    %dma_wait3A_88 = tpu.memref_slice %arg24[%dma_wait3A_86, %dma_wait3A_87] : memref<10000x64xf32, #tpu.memory_space<vmem_shared>> -> memref<10000x64xf32, #tpu.memory_space<vmem_shared>>
    tpu.wait_indirect_dma semaphore(%arg27 : memref<!tpu.dma_semaphore, #tpu.memory_space<semaphore_mem>>) src(%arg16 : memref<80x64xf32, #tpu.memory_space<vmem>>) dst(%dma_wait3A_88 : memref<10000x64xf32, #tpu.memory_space<vmem_shared>>)
    %eq3A = arith.constant 0 : i32
    %eq3A_89 = arith.cmpi eq, %arg0, %eq3A : i32
    %convert_element_type3A_90 = arith.extui %eq3A_89 : i1 to i32
    %cond3A_91 = arith.constant 0 : i32
    %cond3A_92 = arith.cmpi ne, %convert_element_type3A_90, %cond3A_91 : i32
    scf.if %cond3A_92 {
      %dma_wait3A_114 = arith.constant 0 : i32
      %dma_wait3A_115 = arith.constant 0 : i32
      %dma_wait3A_116 = tpu.memref_slice %arg25[%dma_wait3A_114, %dma_wait3A_115] : memref<10000x16xf32, #tpu.memory_space<vmem_shared>> -> memref<10000x16xf32, #tpu.memory_space<vmem_shared>>
      tpu.wait_indirect_dma semaphore(%arg28 : memref<!tpu.dma_semaphore, #tpu.memory_space<semaphore_mem>>) src(%arg17 : memref<80x16xf32, #tpu.memory_space<vmem>>) dst(%dma_wait3A_116 : memref<10000x16xf32, #tpu.memory_space<vmem_shared>>)
    } else {
    }
    %dma_wait3A_93 = arith.constant 0 : i32
    %dma_wait3A_94 = arith.constant 0 : i32
    %dma_wait3A_95 = tpu.memref_slice %arg24[%dma_wait3A_93, %dma_wait3A_94] : memref<10000x64xf32, #tpu.memory_space<vmem_shared>> -> memref<10000x64xf32, #tpu.memory_space<vmem_shared>>
    tpu.wait_indirect_dma semaphore(%arg31 : memref<!tpu.dma_semaphore, #tpu.memory_space<semaphore_mem>>) src(%arg22 : memref<80x64xf32, #tpu.memory_space<vmem>>) dst(%dma_wait3A_95 : memref<10000x64xf32, #tpu.memory_space<vmem_shared>>)
    %eq3A_96 = arith.constant 0 : i32
    %eq3A_97 = arith.cmpi eq, %arg0, %eq3A_96 : i32
    %convert_element_type3A_98 = arith.extui %eq3A_97 : i1 to i32
    %cond3A_99 = arith.constant 0 : i32
    %cond3A_100 = arith.cmpi ne, %convert_element_type3A_98, %cond3A_99 : i32
    scf.if %cond3A_100 {
      %dma_wait3A_114 = arith.constant 0 : i32
      %dma_wait3A_115 = arith.constant 0 : i32
      %dma_wait3A_116 = tpu.memref_slice %arg25[%dma_wait3A_114, %dma_wait3A_115] : memref<10000x16xf32, #tpu.memory_space<vmem_shared>> -> memref<10000x16xf32, #tpu.memory_space<vmem_shared>>
      tpu.wait_indirect_dma semaphore(%arg32 : memref<!tpu.dma_semaphore, #tpu.memory_space<semaphore_mem>>) src(%arg23 : memref<80x16xf32, #tpu.memory_space<vmem>>) dst(%dma_wait3A_116 : memref<10000x16xf32, #tpu.memory_space<vmem_shared>>)
    } else {
    }
    %barrier3A_101 = arith.constant 0 : index
    tpu.barrier barrier_id(%barrier3A_101)
    %lt3A_102 = arith.constant 10 : i32
    %lt3A_103 = arith.cmpi slt, %arg1, %lt3A_102 : i32
    %convert_element_type3A_104 = arith.extui %lt3A_103 : i1 to i32
    %cond3A_105 = arith.constant 0 : i32
    %cond3A_106 = arith.cmpi ne, %convert_element_type3A_104, %cond3A_105 : i32
    scf.if %cond3A_106 {
      %mul3A_114 = arith.constant 1000 : i32
      %mul3A_115 = arith.muli %arg1, %mul3A_114 : i32
      %mul3A_116 = arith.constant 1000 : i32
      %mul3A_117 = arith.muli %arg1, %mul3A_116 : i32
      "tpu.region"() ({
        %run_scoped3A = tpu.sem_alloc : memref<!tpu.dma_semaphore, #tpu.memory_space<semaphore_mem>>
        %dma_start3A_118 = arith.constant 0 : i32
        %dma_start3A_119 = tpu.memref_slice %arg8[%arg0, %mul3A_117, %dma_start3A_118] : memref<2x10000x64xf32, #tpu.memory_space<hbm>> -> memref<1x1000x64xf32, #tpu.memory_space<hbm>>
        %dma_start3A_120 = tpu.memref_squeeze %dma_start3A_119 : memref<1x1000x64xf32, #tpu.memory_space<hbm>> -> memref<1000x64xf32, #tpu.memory_space<hbm>>
        %dma_start3A_121 = arith.constant 0 : i32
        %dma_start3A_122 = tpu.memref_slice %arg24[%mul3A_115, %dma_start3A_121] : memref<10000x64xf32, #tpu.memory_space<vmem_shared>> -> memref<1000x64xf32, #tpu.memory_space<vmem_shared>>
        tpu.enqueue_dma source(%dma_start3A_122 : memref<1000x64xf32, #tpu.memory_space<vmem_shared>>) target(%dma_start3A_120 : memref<1000x64xf32, #tpu.memory_space<hbm>>) target_semaphore(%run_scoped3A : memref<!tpu.dma_semaphore, #tpu.memory_space<semaphore_mem>>)
        %dma_wait3A_123 = arith.constant 0 : i32
        %dma_wait3A_124 = tpu.memref_slice %arg8[%arg0, %mul3A_117, %dma_wait3A_123] : memref<2x10000x64xf32, #tpu.memory_space<hbm>> -> memref<1x1000x64xf32, #tpu.memory_space<hbm>>
        %dma_wait3A_125 = tpu.memref_squeeze %dma_wait3A_124 : memref<1x1000x64xf32, #tpu.memory_space<hbm>> -> memref<1000x64xf32, #tpu.memory_space<hbm>>
        %dma_wait3A_126 = arith.constant 0 : i32
        %dma_wait3A_127 = tpu.memref_slice %arg24[%mul3A_115, %dma_wait3A_126] : memref<10000x64xf32, #tpu.memory_space<vmem_shared>> -> memref<1000x64xf32, #tpu.memory_space<vmem_shared>>
        tpu.wait_dma2 semaphore(%run_scoped3A : memref<!tpu.dma_semaphore, #tpu.memory_space<semaphore_mem>>) src(%dma_wait3A_127 : memref<1000x64xf32, #tpu.memory_space<vmem_shared>>) dst(%dma_wait3A_125 : memref<1000x64xf32, #tpu.memory_space<hbm>>)
        tpu.yield
      }) : () -> ()
    } else {
    }
    %eq3A_107 = arith.constant 0 : i32
    %eq3A_108 = arith.cmpi eq, %arg0, %eq3A_107 : i32
    %eq3A_109 = arith.constant 0 : i32
    %eq3A_110 = arith.cmpi eq, %arg1, %eq3A_109 : i32
    %and3A = arith.andi %eq3A_108, %eq3A_110 : i1
    %convert_element_type3A_111 = arith.extui %and3A : i1 to i32
    %cond3A_112 = arith.constant 0 : i32
    %cond3A_113 = arith.cmpi ne, %convert_element_type3A_111, %cond3A_112 : i32
    scf.if %cond3A_113 {
      "tpu.region"() ({
        %run_scoped3A = tpu.sem_alloc : memref<!tpu.dma_semaphore, #tpu.memory_space<semaphore_mem>>
        tpu.enqueue_dma source(%arg25 : memref<10000x16xf32, #tpu.memory_space<vmem_shared>>) target(%arg9 : memref<10000x16xf32, #tpu.memory_space<hbm>>) target_semaphore(%run_scoped3A : memref<!tpu.dma_semaphore, #tpu.memory_space<semaphore_mem>>)
        tpu.wait_dma2 semaphore(%run_scoped3A : memref<!tpu.dma_semaphore, #tpu.memory_space<semaphore_mem>>) src(%arg25 : memref<10000x16xf32, #tpu.memory_space<vmem_shared>>) dst(%arg9 : memref<10000x16xf32, #tpu.memory_space<hbm>>)
        tpu.yield
      }) : () -> ()
    } else {
    }
    return
  }
}

#map = affine_map<(d0, d1) -> (0, 0)>
#map1 = affine_map<(d0, d1) -> (0)>
#map2 = affine_map<(d0, d1) -> (0, 0, 0)>
module attributes {stable_mosaic.version = 14 : i64} {
  func.func @_sc_body(%arg0: i32, %arg1: i32, %arg2: memref<20000x64xf32, #tpu.memory_space<hbm>>, %arg3: memref<20000xf32, #tpu.memory_space<hbm>>, %arg4: memref<4000x320xi32, #tpu.memory_space<hbm>>, %arg5: memref<320000xf32, #tpu.memory_space<hbm>>, %arg6: memref<1000x64xf32, #tpu.memory_space<hbm>>, %arg7: memref<1000x16xf32, #tpu.memory_space<hbm>>, %arg8: memref<2x10000x64xf32, #tpu.memory_space<hbm>>, %arg9: memref<10000x16xf32, #tpu.memory_space<hbm>>, %arg10: memref<20000xf32, #tpu.memory_space<vmem>>, %arg11: memref<80xf32, #tpu.memory_space<vmem>>, %arg12: memref<320xi32, #tpu.memory_space<vmem>>, %arg13: memref<80xi32, #tpu.memory_space<vmem>>, %arg14: memref<80xi32, #tpu.memory_space<vmem>>, %arg15: memref<80xf32, #tpu.memory_space<vmem>>, %arg16: memref<80x64xf32, #tpu.memory_space<vmem>>, %arg17: memref<80x16xf32, #tpu.memory_space<vmem>>, %arg18: memref<320xi32, #tpu.memory_space<vmem>>, %arg19: memref<80xi32, #tpu.memory_space<vmem>>, %arg20: memref<80xi32, #tpu.memory_space<vmem>>, %arg21: memref<80xf32, #tpu.memory_space<vmem>>, %arg22: memref<80x64xf32, #tpu.memory_space<vmem>>, %arg23: memref<80x16xf32, #tpu.memory_space<vmem>>, %arg24: memref<10000x64xf32, #tpu.memory_space<vmem_shared>>, %arg25: memref<10000x16xf32, #tpu.memory_space<vmem_shared>>, %arg26: memref<!tpu.dma_semaphore, #tpu.memory_space<semaphore_mem>>, %arg27: memref<!tpu.dma_semaphore, #tpu.memory_space<semaphore_mem>>, %arg28: memref<!tpu.dma_semaphore, #tpu.memory_space<semaphore_mem>>, %arg29: memref<!tpu.dma_semaphore, #tpu.memory_space<semaphore_mem>>, %arg30: memref<!tpu.dma_semaphore, #tpu.memory_space<semaphore_mem>>, %arg31: memref<!tpu.dma_semaphore, #tpu.memory_space<semaphore_mem>>, %arg32: memref<!tpu.dma_semaphore, #tpu.memory_space<semaphore_mem>>, %arg33: memref<!tpu.dma_semaphore, #tpu.memory_space<semaphore_mem>>) attributes {dimension_semantics = [#tpu.dimension_semantics<core_parallel>, #tpu.dimension_semantics<subcore_parallel>], iteration_bounds = array<i64: 2, 16>, scalar_prefetch = 0 : i64, scratch_operands = 24 : i64, tpu.core_type = #tpu.core_type<sc_vector_subcore>, window_params = [{transform_indices = #map}, {transform_indices = #map1}, {transform_indices = #map}, {transform_indices = #map1}, {transform_indices = #map}, {transform_indices = #map}, {transform_indices = #map2}, {transform_indices = #map}]} {
    %lt3A = arith.constant 10 : i32
    %lt3A_0 = arith.cmpi slt, %arg1, %lt3A : i32
    %convert_element_type3A = arith.extui %lt3A_0 : i1 to i32
    %cond3A = arith.constant 0 : i32
    %cond3A_1 = arith.cmpi ne, %convert_element_type3A, %cond3A : i32
    scf.if %cond3A_1 {
      %mul3A_114 = arith.constant 1000 : i32
      %mul3A_115 = arith.muli %arg1, %mul3A_114 : i32
      "tpu.region"() ({
        %run_scoped3A = tpu.sem_alloc : memref<!tpu.dma_semaphore, #tpu.memory_space<semaphore_mem>>
        %dma_start3A_118 = arith.constant 0 : i32
        %dma_start3A_119 = tpu.memref_slice %arg24[%mul3A_115, %dma_start3A_118] : memref<10000x64xf32, #tpu.memory_space<vmem_shared>> -> memref<1000x64xf32, #tpu.memory_space<vmem_shared>>
        tpu.enqueue_dma source(%arg6 : memref<1000x64xf32, #tpu.memory_space<hbm>>) target(%dma_start3A_119 : memref<1000x64xf32, #tpu.memory_space<vmem_shared>>) target_semaphore(%run_scoped3A : memref<!tpu.dma_semaphore, #tpu.memory_space<semaphore_mem>>)
        %dma_wait3A_120 = arith.constant 0 : i32
        %dma_wait3A_121 = tpu.memref_slice %arg24[%mul3A_115, %dma_wait3A_120] : memref<10000x64xf32, #tpu.memory_space<vmem_shared>> -> memref<1000x64xf32, #tpu.memory_space<vmem_shared>>
        tpu.wait_dma2 semaphore(%run_scoped3A : memref<!tpu.dma_semaphore, #tpu.memory_space<semaphore_mem>>) src(%arg6 : memref<1000x64xf32, #tpu.memory_space<hbm>>) dst(%dma_wait3A_121 : memref<1000x64xf32, #tpu.memory_space<vmem_shared>>)
        tpu.yield
      }) : () -> ()
      %mul3A_116 = arith.constant 1000 : i32
      %mul3A_117 = arith.muli %arg1, %mul3A_116 : i32
      "tpu.region"() ({
        %run_scoped3A = tpu.sem_alloc : memref<!tpu.dma_semaphore, #tpu.memory_space<semaphore_mem>>
        %dma_start3A_118 = arith.constant 0 : i32
        %dma_start3A_119 = tpu.memref_slice %arg25[%mul3A_117, %dma_start3A_118] : memref<10000x16xf32, #tpu.memory_space<vmem_shared>> -> memref<1000x16xf32, #tpu.memory_space<vmem_shared>>
        tpu.enqueue_dma source(%arg7 : memref<1000x16xf32, #tpu.memory_space<hbm>>) target(%dma_start3A_119 : memref<1000x16xf32, #tpu.memory_space<vmem_shared>>) target_semaphore(%run_scoped3A : memref<!tpu.dma_semaphore, #tpu.memory_space<semaphore_mem>>)
        %dma_wait3A_120 = arith.constant 0 : i32
        %dma_wait3A_121 = tpu.memref_slice %arg25[%mul3A_117, %dma_wait3A_120] : memref<10000x16xf32, #tpu.memory_space<vmem_shared>> -> memref<1000x16xf32, #tpu.memory_space<vmem_shared>>
        tpu.wait_dma2 semaphore(%run_scoped3A : memref<!tpu.dma_semaphore, #tpu.memory_space<semaphore_mem>>) src(%arg7 : memref<1000x16xf32, #tpu.memory_space<hbm>>) dst(%dma_wait3A_121 : memref<1000x16xf32, #tpu.memory_space<vmem_shared>>)
        tpu.yield
      }) : () -> ()
    } else {
    }
    "tpu.region"() ({
      %run_scoped3A = tpu.sem_alloc : memref<!tpu.dma_semaphore, #tpu.memory_space<semaphore_mem>>
      tpu.enqueue_dma source(%arg3 : memref<20000xf32, #tpu.memory_space<hbm>>) target(%arg10 : memref<20000xf32, #tpu.memory_space<vmem>>) target_semaphore(%run_scoped3A : memref<!tpu.dma_semaphore, #tpu.memory_space<semaphore_mem>>)
      tpu.wait_dma2 semaphore(%run_scoped3A : memref<!tpu.dma_semaphore, #tpu.memory_space<semaphore_mem>>) src(%arg3 : memref<20000xf32, #tpu.memory_space<hbm>>) dst(%arg10 : memref<20000xf32, #tpu.memory_space<vmem>>)
      tpu.yield
    }) : () -> ()
    %scan3A = arith.constant 0 : i32
    %scan3A_2 = arith.constant 0 : i32
    %scan3A_3 = arith.constant 80 : i32
    %scan3A_4 = arith.addi %scan3A_2, %scan3A_3 : i32
    %scan3A_5 = arith.constant 1 : i32
    scf.for %scan3A_114 = %scan3A_2 to %scan3A_4 step %scan3A_5  : i32 {
      %broadcast_in_dim3A_115 = arith.constant 0.000000e+00 : f32
      %broadcast_in_dim3A_116 = vector.broadcast %broadcast_in_dim3A_115 : f32 to vector<16xf32>
      %swap3A_117 = arith.index_cast %scan3A_114 : i32 to index
      %swap3A_118 = arith.constant 0 : index
      %swap3A_119 = tpu.vector_load %arg17[%swap3A_117, %swap3A_118] {strides = array<i32>} : memref<80x16xf32, #tpu.memory_space<vmem>>, vector<16xf32>,
      tpu.vector_store %arg17[%swap3A_117, %swap3A_118], %broadcast_in_dim3A_116 {strides = array<i32>} : memref<80x16xf32, #tpu.memory_space<vmem>>, vector<16xf32>,
      %broadcast_in_dim3A_120 = arith.constant 0.000000e+00 : f32
      %broadcast_in_dim3A_121 = vector.broadcast %broadcast_in_dim3A_120 : f32 to vector<16xf32>
      %swap3A_122 = arith.index_cast %scan3A_114 : i32 to index
      %swap3A_123 = arith.constant 0 : index
      %swap3A_124 = tpu.vector_load %arg23[%swap3A_122, %swap3A_123] {strides = array<i32>} : memref<80x16xf32, #tpu.memory_space<vmem>>, vector<16xf32>,
      tpu.vector_store %arg23[%swap3A_122, %swap3A_123], %broadcast_in_dim3A_121 {strides = array<i32>} : memref<80x16xf32, #tpu.memory_space<vmem>>, vector<16xf32>,
    }
    %scan3A_6 = arith.constant 80 : i32
    %barrier3A = arith.constant 0 : index
    tpu.barrier barrier_id(%barrier3A)
    %mul3A = arith.constant 250 : i32
    %mul3A_7 = arith.muli %arg1, %mul3A : i32
    %mul3A_8 = arith.constant 20000 : i32
    %mul3A_9 = arith.muli %arg1, %mul3A_8 : i32
    %iota3A = tpu.iota {dimensions = array<i32: 0>} : vector<16xi32>
    %broadcast_in_dim3A = arith.constant 1.000000e+00 : f32
    %broadcast_in_dim3A_10 = vector.broadcast %broadcast_in_dim3A : f32 to vector<16xf32>
    %broadcast_in_dim3A_11 = arith.constant 0 : i32
    %broadcast_in_dim3A_12 = vector.broadcast %broadcast_in_dim3A_11 : i32 to vector<16xi32>
    %add3A = arith.constant 0 : i32
    %add3A_13 = arith.addi %mul3A_7, %add3A : i32
    %dma_start3A = arith.constant 0 : i32
    %dma_start3A_14 = tpu.memref_slice %arg4[%add3A_13, %dma_start3A] : memref<4000x320xi32, #tpu.memory_space<hbm>> -> memref<1x320xi32, #tpu.memory_space<hbm>>
    %dma_start3A_15 = tpu.memref_squeeze %dma_start3A_14 : memref<1x320xi32, #tpu.memory_space<hbm>> -> memref<320xi32, #tpu.memory_space<hbm>>
    %dma_start3A_16 = arith.constant 0 : i32
    %dma_start3A_17 = tpu.memref_slice %arg4[%add3A_13, %dma_start3A_16] : memref<4000x320xi32, #tpu.memory_space<hbm>> -> memref<1x320xi32, #tpu.memory_space<hbm>>
    %dma_start3A_18 = tpu.memref_squeeze %dma_start3A_17 : memref<1x320xi32, #tpu.memory_space<hbm>> -> memref<320xi32, #tpu.memory_space<hbm>>
    tpu.enqueue_dma source(%dma_start3A_18 : memref<320xi32, #tpu.memory_space<hbm>>) target(%arg12 : memref<320xi32, #tpu.memory_space<vmem>>) target_semaphore(%arg29 : memref<!tpu.dma_semaphore, #tpu.memory_space<semaphore_mem>>)
    %add3A_19 = arith.constant 0 : i32
    %add3A_20 = arith.addi %mul3A_9, %add3A_19 : i32
    %dma_start3A_21 = tpu.memref_slice %arg5[%add3A_20] : memref<320000xf32, #tpu.memory_space<hbm>> -> memref<80xf32, #tpu.memory_space<hbm>>
    %dma_start3A_22 = tpu.memref_slice %arg5[%add3A_20] : memref<320000xf32, #tpu.memory_space<hbm>> -> memref<80xf32, #tpu.memory_space<hbm>>
    tpu.enqueue_dma source(%dma_start3A_22 : memref<80xf32, #tpu.memory_space<hbm>>) target(%arg15 : memref<80xf32, #tpu.memory_space<vmem>>) target_semaphore(%arg29 : memref<!tpu.dma_semaphore, #tpu.memory_space<semaphore_mem>>)
    %add3A_23 = arith.constant 0 : i32
    %add3A_24 = arith.addi %mul3A_7, %add3A_23 : i32
    %dma_wait3A = arith.constant 0 : i32
    %dma_wait3A_25 = tpu.memref_slice %arg4[%add3A_24, %dma_wait3A] : memref<4000x320xi32, #tpu.memory_space<hbm>> -> memref<1x320xi32, #tpu.memory_space<hbm>>
    %dma_wait3A_26 = tpu.memref_squeeze %dma_wait3A_25 : memref<1x320xi32, #tpu.memory_space<hbm>> -> memref<320xi32, #tpu.memory_space<hbm>>
    %dma_wait3A_27 = arith.constant 0 : i32
    %dma_wait3A_28 = tpu.memref_slice %arg4[%add3A_24, %dma_wait3A_27] : memref<4000x320xi32, #tpu.memory_space<hbm>> -> memref<1x320xi32, #tpu.memory_space<hbm>>
    %dma_wait3A_29 = tpu.memref_squeeze %dma_wait3A_28 : memref<1x320xi32, #tpu.memory_space<hbm>> -> memref<320xi32, #tpu.memory_space<hbm>>
    tpu.wait_dma2 semaphore(%arg29 : memref<!tpu.dma_semaphore, #tpu.memory_space<semaphore_mem>>) src(%dma_wait3A_29 : memref<320xi32, #tpu.memory_space<hbm>>) dst(%arg12 : memref<320xi32, #tpu.memory_space<vmem>>)
    %add3A_30 = arith.constant 0 : i32
    %add3A_31 = arith.addi %mul3A_9, %add3A_30 : i32
    %dma_wait3A_32 = tpu.memref_slice %arg5[%add3A_31] : memref<320000xf32, #tpu.memory_space<hbm>> -> memref<80xf32, #tpu.memory_space<hbm>>
    %dma_wait3A_33 = tpu.memref_slice %arg5[%add3A_31] : memref<320000xf32, #tpu.memory_space<hbm>> -> memref<80xf32, #tpu.memory_space<hbm>>
    tpu.wait_dma2 semaphore(%arg29 : memref<!tpu.dma_semaphore, #tpu.memory_space<semaphore_mem>>) src(%dma_wait3A_33 : memref<80xf32, #tpu.memory_space<hbm>>) dst(%arg15 : memref<80xf32, #tpu.memory_space<vmem>>)
    %get3A = arith.constant 0 : index
    %get3A_34 = tpu.vector_load %arg12[%get3A] {strides = array<i32>} : memref<320xi32, #tpu.memory_space<vmem>>, vector<16xi32>,
    %mul3A_35 = arith.constant 2 : i32
    %mul3A_36 = vector.broadcast %mul3A_35 : i32 to vector<16xi32>
    %mul3A_37 = arith.muli %get3A_34, %mul3A_36 : vector<16xi32>
    %add3A_38 = vector.broadcast %arg0 : i32 to vector<16xi32>
    %add3A_39 = arith.addi %mul3A_37, %add3A_38 : vector<16xi32>
    %swap3A = arith.constant 0 : index
    %swap3A_40 = tpu.vector_load %arg13[%swap3A] {strides = array<i32>} : memref<80xi32, #tpu.memory_space<vmem>>, vector<16xi32>,
    tpu.vector_store %arg13[%swap3A], %add3A_39 {strides = array<i32>} : memref<80xi32, #tpu.memory_space<vmem>>, vector<16xi32>,
    %get3A_41 = arith.constant 16 : index
    %get3A_42 = tpu.vector_load %arg12[%get3A_41] {strides = array<i32>} : memref<320xi32, #tpu.memory_space<vmem>>, vector<16xi32>,
    %mul3A_43 = arith.constant 2 : i32
    %mul3A_44 = vector.broadcast %mul3A_43 : i32 to vector<16xi32>
    %mul3A_45 = arith.muli %get3A_42, %mul3A_44 : vector<16xi32>
    %add3A_46 = vector.broadcast %arg0 : i32 to vector<16xi32>
    %add3A_47 = arith.addi %mul3A_45, %add3A_46 : vector<16xi32>
    %swap3A_48 = arith.constant 16 : index
    %swap3A_49 = tpu.vector_load %arg13[%swap3A_48] {strides = array<i32>} : memref<80xi32, #tpu.memory_space<vmem>>, vector<16xi32>,
    tpu.vector_store %arg13[%swap3A_48], %add3A_47 {strides = array<i32>} : memref<80xi32, #tpu.memory_space<vmem>>, vector<16xi32>,
    %get3A_50 = arith.constant 32 : index
    %get3A_51 = tpu.vector_load %arg12[%get3A_50] {strides = array<i32>} : memref<320xi32, #tpu.memory_space<vmem>>, vector<16xi32>,
    %mul3A_52 = arith.constant 2 : i32
    %mul3A_53 = vector.broadcast %mul3A_52 : i32 to vector<16xi32>
    %mul3A_54 = arith.muli %get3A_51, %mul3A_53 : vector<16xi32>
    %add3A_55 = vector.broadcast %arg0 : i32 to vector<16xi32>
    %add3A_56 = arith.addi %mul3A_54, %add3A_55 : vector<16xi32>
    %swap3A_57 = arith.constant 32 : index
    %swap3A_58 = tpu.vector_load %arg13[%swap3A_57] {strides = array<i32>} : memref<80xi32, #tpu.memory_space<vmem>>, vector<16xi32>,
    tpu.vector_store %arg13[%swap3A_57], %add3A_56 {strides = array<i32>} : memref<80xi32, #tpu.memory_space<vmem>>, vector<16xi32>,
    %get3A_59 = arith.constant 48 : index
    %get3A_60 = tpu.vector_load %arg12[%get3A_59] {strides = array<i32>} : memref<320xi32, #tpu.memory_space<vmem>>, vector<16xi32>,
    %mul3A_61 = arith.constant 2 : i32
    %mul3A_62 = vector.broadcast %mul3A_61 : i32 to vector<16xi32>
    %mul3A_63 = arith.muli %get3A_60, %mul3A_62 : vector<16xi32>
    %add3A_64 = vector.broadcast %arg0 : i32 to vector<16xi32>
    %add3A_65 = arith.addi %mul3A_63, %add3A_64 : vector<16xi32>
    %swap3A_66 = arith.constant 48 : index
    %swap3A_67 = tpu.vector_load %arg13[%swap3A_66] {strides = array<i32>} : memref<80xi32, #tpu.memory_space<vmem>>, vector<16xi32>,
    tpu.vector_store %arg13[%swap3A_66], %add3A_65 {strides = array<i32>} : memref<80xi32, #tpu.memory_space<vmem>>, vector<16xi32>,
    %get3A_68 = arith.constant 64 : index
    %get3A_69 = tpu.vector_load %arg12[%get3A_68] {strides = array<i32>} : memref<320xi32, #tpu.memory_space<vmem>>, vector<16xi32>,
    %mul3A_70 = arith.constant 2 : i32
    %mul3A_71 = vector.broadcast %mul3A_70 : i32 to vector<16xi32>
    %mul3A_72 = arith.muli %get3A_69, %mul3A_71 : vector<16xi32>
    %add3A_73 = vector.broadcast %arg0 : i32 to vector<16xi32>
    %add3A_74 = arith.addi %mul3A_72, %add3A_73 : vector<16xi32>
    %swap3A_75 = arith.constant 64 : index
    %swap3A_76 = tpu.vector_load %arg13[%swap3A_75] {strides = array<i32>} : memref<80xi32, #tpu.memory_space<vmem>>, vector<16xi32>,
    tpu.vector_store %arg13[%swap3A_75], %add3A_74 {strides = array<i32>} : memref<80xi32, #tpu.memory_space<vmem>>, vector<16xi32>,
    %dma_start3A_77 = arith.constant 0 : i32
    %dma_start3A_78 = arith.constant 0 : i32
    %dma_start3A_79 = tpu.memref_slice %arg2[%dma_start3A_77, %dma_start3A_78] : memref<20000x64xf32, #tpu.memory_space<hbm>> -> memref<20000x64xf32, #tpu.memory_space<hbm>>
    tpu.enqueue_indirect_dma source(%dma_start3A_79 : memref<20000x64xf32, #tpu.memory_space<hbm>>) target(%arg16 : memref<80x64xf32, #tpu.memory_space<vmem>>) offsets(%arg13 : memref<80xi32, #tpu.memory_space<vmem>>) semaphore(%arg26 : memref<!tpu.dma_semaphore, #tpu.memory_space<semaphore_mem>>)
    %scan3A_80 = arith.constant 0 : i32
    %scan3A_81 = arith.constant 0 : i32
    %scan3A_82 = arith.constant 125 : i32
    %scan3A_83 = arith.addi %scan3A_81, %scan3A_82 : i32
    %scan3A_84 = arith.constant 1 : i32
    scf.for %scan3A_114 = %scan3A_81 to %scan3A_83 step %scan3A_84  : i32 {
      %mul3A_115 = arith.constant 2 : i32
      %mul3A_116 = arith.muli %mul3A_115, %scan3A_114 : i32
      %add3A_117 = arith.constant 1 : i32
      %add3A_118 = arith.addi %mul3A_116, %add3A_117 : i32
      %add3A_119 = arith.addi %mul3A_7, %add3A_118 : i32
      %dma_start3A_120 = arith.constant 0 : i32
      %dma_start3A_121 = tpu.memref_slice %arg4[%add3A_119, %dma_start3A_120] : memref<4000x320xi32, #tpu.memory_space<hbm>> -> memref<1x320xi32, #tpu.memory_space<hbm>>
      %dma_start3A_122 = tpu.memref_squeeze %dma_start3A_121 : memref<1x320xi32, #tpu.memory_space<hbm>> -> memref<320xi32, #tpu.memory_space<hbm>>
      %dma_start3A_123 = arith.constant 0 : i32
      %dma_start3A_124 = tpu.memref_slice %arg4[%add3A_119, %dma_start3A_123] : memref<4000x320xi32, #tpu.memory_space<hbm>> -> memref<1x320xi32, #tpu.memory_space<hbm>>
      %dma_start3A_125 = tpu.memref_squeeze %dma_start3A_124 : memref<1x320xi32, #tpu.memory_space<hbm>> -> memref<320xi32, #tpu.memory_space<hbm>>
      tpu.enqueue_dma source(%dma_start3A_125 : memref<320xi32, #tpu.memory_space<hbm>>) target(%arg18 : memref<320xi32, #tpu.memory_space<vmem>>) target_semaphore(%arg33 : memref<!tpu.dma_semaphore, #tpu.memory_space<semaphore_mem>>)
      %mul3A_126 = arith.constant 80 : i32
      %mul3A_127 = arith.muli %add3A_118, %mul3A_126 : i32
      %add3A_128 = arith.addi %mul3A_9, %mul3A_127 : i32
      %dma_start3A_129 = tpu.memref_slice %arg5[%add3A_128] : memref<320000xf32, #tpu.memory_space<hbm>> -> memref<80xf32, #tpu.memory_space<hbm>>
      %dma_start3A_130 = tpu.memref_slice %arg5[%add3A_128] : memref<320000xf32, #tpu.memory_space<hbm>> -> memref<80xf32, #tpu.memory_space<hbm>>
      tpu.enqueue_dma source(%dma_start3A_130 : memref<80xf32, #tpu.memory_space<hbm>>) target(%arg21 : memref<80xf32, #tpu.memory_space<vmem>>) target_semaphore(%arg33 : memref<!tpu.dma_semaphore, #tpu.memory_space<semaphore_mem>>)
      %gt3A = arith.constant 0 : i32
      %gt3A_131 = arith.cmpi sgt, %scan3A_114, %gt3A : i32
      %convert_element_type3A_132 = arith.extui %gt3A_131 : i1 to i32
      %cond3A_133 = arith.constant 0 : i32
      %cond3A_134 = arith.cmpi ne, %convert_element_type3A_132, %cond3A_133 : i32
      scf.if %cond3A_134 {
        %eq3A_707 = arith.constant 0 : i32
        %eq3A_708 = arith.cmpi eq, %arg0, %eq3A_707 : i32
        %convert_element_type3A_709 = arith.extui %eq3A_708 : i1 to i32
        %cond3A_710 = arith.constant 0 : i32
        %cond3A_711 = arith.cmpi ne, %convert_element_type3A_709, %cond3A_710 : i32
        scf.if %cond3A_711 {
          %dma_wait3A_712 = arith.constant 0 : i32
          %dma_wait3A_713 = arith.constant 0 : i32
          %dma_wait3A_714 = tpu.memref_slice %arg25[%dma_wait3A_712, %dma_wait3A_713] : memref<10000x16xf32, #tpu.memory_space<vmem_shared>> -> memref<10000x16xf32, #tpu.memory_space<vmem_shared>>
          tpu.wait_indirect_dma semaphore(%arg28 : memref<!tpu.dma_semaphore, #tpu.memory_space<semaphore_mem>>) src(%arg17 : memref<80x16xf32, #tpu.memory_space<vmem>>) dst(%dma_wait3A_714 : memref<10000x16xf32, #tpu.memory_space<vmem_shared>>)
        } else {
        }
      } else {
      }
      %get3A_135 = arith.constant 0 : index
      %get3A_136 = tpu.vector_load %arg12[%get3A_135] {strides = array<i32>} : memref<320xi32, #tpu.memory_space<vmem>>, vector<16xi32>,
      %get3A_137 = arith.constant 80 : index
      %get3A_138 = tpu.vector_load %arg12[%get3A_137] {strides = array<i32>} : memref<320xi32, #tpu.memory_space<vmem>>, vector<16xi32>,
      %swap3A_139 = arith.constant 0 : index
      %swap3A_140 = tpu.vector_load %arg14[%swap3A_139] {strides = array<i32>} : memref<80xi32, #tpu.memory_space<vmem>>, vector<16xi32>,
      tpu.vector_store %arg14[%swap3A_139], %get3A_138 {strides = array<i32>} : memref<80xi32, #tpu.memory_space<vmem>>, vector<16xi32>,
      %mul3A_141 = arith.constant 2 : i32
      %mul3A_142 = vector.broadcast %mul3A_141 : i32 to vector<16xi32>
      %mul3A_143 = arith.muli %get3A_136, %mul3A_142 : vector<16xi32>
      %gather3A = tpu.vector_load_idx %arg10[%mul3A_143] : memref<20000xf32, #tpu.memory_space<vmem>>[vector<16xi32>], vector<16xf32>,
      %mul3A_144 = arith.constant 2 : i32
      %mul3A_145 = vector.broadcast %mul3A_144 : i32 to vector<16xi32>
      %mul3A_146 = arith.muli %get3A_138, %mul3A_145 : vector<16xi32>
      %add3A_147 = arith.constant 1 : i32
      %add3A_148 = vector.broadcast %add3A_147 : i32 to vector<16xi32>
      %add3A_149 = arith.addi %mul3A_146, %add3A_148 : vector<16xi32>
      %gather3A_150 = tpu.vector_load_idx %arg10[%add3A_149] : memref<20000xf32, #tpu.memory_space<vmem>>[vector<16xi32>], vector<16xf32>,
      %get3A_151 = arith.constant 160 : index
      %get3A_152 = tpu.vector_load %arg12[%get3A_151] {strides = array<i32>} : memref<320xi32, #tpu.memory_space<vmem>>, vector<16xi32>,
      %bitcast3A = vector.bitcast %get3A_152 : vector<16xi32> to vector<16xf32>
      %get3A_153 = arith.constant 240 : index
      %get3A_154 = tpu.vector_load %arg12[%get3A_153] {strides = array<i32>} : memref<320xi32, #tpu.memory_space<vmem>>, vector<16xi32>,
      %bitcast3A_155 = vector.bitcast %get3A_154 : vector<16xi32> to vector<16xf32>
      %add3A_156 = arith.addf %gather3A, %gather3A_150 : vector<16xf32>
      %get3A_157 = arith.constant 0 : index
      %get3A_158 = tpu.vector_load %arg15[%get3A_157] {strides = array<i32>} : memref<80xf32, #tpu.memory_space<vmem>>, vector<16xf32>,
      %add3A_159 = arith.addf %add3A_156, %get3A_158 : vector<16xf32>
      %mul3A_160 = arith.constant 2.000000e-01 : f32
      %mul3A_161 = vector.broadcast %mul3A_160 : f32 to vector<16xf32>
      %mul3A_162 = arith.mulf %mul3A_161, %add3A_159 : vector<16xf32>
      %max3A = arith.maximumf %add3A_159, %mul3A_162 : vector<16xf32>
      %exp3A = math.exp %max3A : vector<16xf32>
      %swap3A_163 = arith.constant 0 : index
      %swap3A_164 = tpu.vector_load %arg11[%swap3A_163] {strides = array<i32>} : memref<80xf32, #tpu.memory_space<vmem>>, vector<16xf32>,
      tpu.vector_store %arg11[%swap3A_163], %exp3A {strides = array<i32>} : memref<80xf32, #tpu.memory_space<vmem>>, vector<16xf32>,
      %add3A_165 = arith.constant 0 : i32
      %add3A_166 = vector.broadcast %add3A_165 : i32 to vector<16xi32>
      %add3A_167 = arith.addi %add3A_166, %iota3A : vector<16xi32>
      tpu.vector_store_idx %arg17[%add3A_167, %broadcast_in_dim3A_12], %exp3A : memref<80x16xf32, #tpu.memory_space<vmem>>[vector<16xi32>, vector<16xi32>], vector<16xf32>,
      %add3A_168 = arith.constant 1 : i32
      %add3A_169 = vector.broadcast %add3A_168 : i32 to vector<16xi32>
      %add3A_170 = arith.addi %broadcast_in_dim3A_12, %add3A_169 : vector<16xi32>
      tpu.vector_store_idx %arg17[%add3A_167, %add3A_170], %broadcast_in_dim3A_10 : memref<80x16xf32, #tpu.memory_space<vmem>>[vector<16xi32>, vector<16xi32>], vector<16xf32>,
      %add3A_171 = arith.constant 2 : i32
      %add3A_172 = vector.broadcast %add3A_171 : i32 to vector<16xi32>
      %add3A_173 = arith.addi %broadcast_in_dim3A_12, %add3A_172 : vector<16xi32>
      tpu.vector_store_idx %arg17[%add3A_167, %add3A_173], %bitcast3A : memref<80x16xf32, #tpu.memory_space<vmem>>[vector<16xi32>, vector<16xi32>], vector<16xf32>,
      %add3A_174 = arith.constant 3 : i32
      %add3A_175 = vector.broadcast %add3A_174 : i32 to vector<16xi32>
      %add3A_176 = arith.addi %broadcast_in_dim3A_12, %add3A_175 : vector<16xi32>
      tpu.vector_store_idx %arg17[%add3A_167, %add3A_176], %bitcast3A_155 : memref<80x16xf32, #tpu.memory_space<vmem>>[vector<16xi32>, vector<16xi32>], vector<16xf32>,
      %get3A_177 = arith.constant 16 : index
      %get3A_178 = tpu.vector_load %arg12[%get3A_177] {strides = array<i32>} : memref<320xi32, #tpu.memory_space<vmem>>, vector<16xi32>,
      %get3A_179 = arith.constant 96 : index
      %get3A_180 = tpu.vector_load %arg12[%get3A_179] {strides = array<i32>} : memref<320xi32, #tpu.memory_space<vmem>>, vector<16xi32>,
      %swap3A_181 = arith.constant 16 : index
      %swap3A_182 = tpu.vector_load %arg14[%swap3A_181] {strides = array<i32>} : memref<80xi32, #tpu.memory_space<vmem>>, vector<16xi32>,
      tpu.vector_store %arg14[%swap3A_181], %get3A_180 {strides = array<i32>} : memref<80xi32, #tpu.memory_space<vmem>>, vector<16xi32>,
      %mul3A_183 = arith.constant 2 : i32
      %mul3A_184 = vector.broadcast %mul3A_183 : i32 to vector<16xi32>
      %mul3A_185 = arith.muli %get3A_178, %mul3A_184 : vector<16xi32>
      %gather3A_186 = tpu.vector_load_idx %arg10[%mul3A_185] : memref<20000xf32, #tpu.memory_space<vmem>>[vector<16xi32>], vector<16xf32>,
      %mul3A_187 = arith.constant 2 : i32
      %mul3A_188 = vector.broadcast %mul3A_187 : i32 to vector<16xi32>
      %mul3A_189 = arith.muli %get3A_180, %mul3A_188 : vector<16xi32>
      %add3A_190 = arith.constant 1 : i32
      %add3A_191 = vector.broadcast %add3A_190 : i32 to vector<16xi32>
      %add3A_192 = arith.addi %mul3A_189, %add3A_191 : vector<16xi32>
      %gather3A_193 = tpu.vector_load_idx %arg10[%add3A_192] : memref<20000xf32, #tpu.memory_space<vmem>>[vector<16xi32>], vector<16xf32>,
      %get3A_194 = arith.constant 176 : index
      %get3A_195 = tpu.vector_load %arg12[%get3A_194] {strides = array<i32>} : memref<320xi32, #tpu.memory_space<vmem>>, vector<16xi32>,
      %bitcast3A_196 = vector.bitcast %get3A_195 : vector<16xi32> to vector<16xf32>
      %get3A_197 = arith.constant 256 : index
      %get3A_198 = tpu.vector_load %arg12[%get3A_197] {strides = array<i32>} : memref<320xi32, #tpu.memory_space<vmem>>, vector<16xi32>,
      %bitcast3A_199 = vector.bitcast %get3A_198 : vector<16xi32> to vector<16xf32>
      %add3A_200 = arith.addf %gather3A_186, %gather3A_193 : vector<16xf32>
      %get3A_201 = arith.constant 16 : index
      %get3A_202 = tpu.vector_load %arg15[%get3A_201] {strides = array<i32>} : memref<80xf32, #tpu.memory_space<vmem>>, vector<16xf32>,
      %add3A_203 = arith.addf %add3A_200, %get3A_202 : vector<16xf32>
      %mul3A_204 = arith.constant 2.000000e-01 : f32
      %mul3A_205 = vector.broadcast %mul3A_204 : f32 to vector<16xf32>
      %mul3A_206 = arith.mulf %mul3A_205, %add3A_203 : vector<16xf32>
      %max3A_207 = arith.maximumf %add3A_203, %mul3A_206 : vector<16xf32>
      %exp3A_208 = math.exp %max3A_207 : vector<16xf32>
      %swap3A_209 = arith.constant 16 : index
      %swap3A_210 = tpu.vector_load %arg11[%swap3A_209] {strides = array<i32>} : memref<80xf32, #tpu.memory_space<vmem>>, vector<16xf32>,
      tpu.vector_store %arg11[%swap3A_209], %exp3A_208 {strides = array<i32>} : memref<80xf32, #tpu.memory_space<vmem>>, vector<16xf32>,
      %add3A_211 = arith.constant 16 : i32
      %add3A_212 = vector.broadcast %add3A_211 : i32 to vector<16xi32>
      %add3A_213 = arith.addi %add3A_212, %iota3A : vector<16xi32>
      tpu.vector_store_idx %arg17[%add3A_213, %broadcast_in_dim3A_12], %exp3A_208 : memref<80x16xf32, #tpu.memory_space<vmem>>[vector<16xi32>, vector<16xi32>], vector<16xf32>,
      %add3A_214 = arith.constant 1 : i32
      %add3A_215 = vector.broadcast %add3A_214 : i32 to vector<16xi32>
      %add3A_216 = arith.addi %broadcast_in_dim3A_12, %add3A_215 : vector<16xi32>
      tpu.vector_store_idx %arg17[%add3A_213, %add3A_216], %broadcast_in_dim3A_10 : memref<80x16xf32, #tpu.memory_space<vmem>>[vector<16xi32>, vector<16xi32>], vector<16xf32>,
      %add3A_217 = arith.constant 2 : i32
      %add3A_218 = vector.broadcast %add3A_217 : i32 to vector<16xi32>
      %add3A_219 = arith.addi %broadcast_in_dim3A_12, %add3A_218 : vector<16xi32>
      tpu.vector_store_idx %arg17[%add3A_213, %add3A_219], %bitcast3A_196 : memref<80x16xf32, #tpu.memory_space<vmem>>[vector<16xi32>, vector<16xi32>], vector<16xf32>,
      %add3A_220 = arith.constant 3 : i32
      %add3A_221 = vector.broadcast %add3A_220 : i32 to vector<16xi32>
      %add3A_222 = arith.addi %broadcast_in_dim3A_12, %add3A_221 : vector<16xi32>
      tpu.vector_store_idx %arg17[%add3A_213, %add3A_222], %bitcast3A_199 : memref<80x16xf32, #tpu.memory_space<vmem>>[vector<16xi32>, vector<16xi32>], vector<16xf32>,
      %get3A_223 = arith.constant 32 : index
      %get3A_224 = tpu.vector_load %arg12[%get3A_223] {strides = array<i32>} : memref<320xi32, #tpu.memory_space<vmem>>, vector<16xi32>,
      %get3A_225 = arith.constant 112 : index
      %get3A_226 = tpu.vector_load %arg12[%get3A_225] {strides = array<i32>} : memref<320xi32, #tpu.memory_space<vmem>>, vector<16xi32>,
      %swap3A_227 = arith.constant 32 : index
      %swap3A_228 = tpu.vector_load %arg14[%swap3A_227] {strides = array<i32>} : memref<80xi32, #tpu.memory_space<vmem>>, vector<16xi32>,
      tpu.vector_store %arg14[%swap3A_227], %get3A_226 {strides = array<i32>} : memref<80xi32, #tpu.memory_space<vmem>>, vector<16xi32>,
      %mul3A_229 = arith.constant 2 : i32
      %mul3A_230 = vector.broadcast %mul3A_229 : i32 to vector<16xi32>
      %mul3A_231 = arith.muli %get3A_224, %mul3A_230 : vector<16xi32>
      %gather3A_232 = tpu.vector_load_idx %arg10[%mul3A_231] : memref<20000xf32, #tpu.memory_space<vmem>>[vector<16xi32>], vector<16xf32>,
      %mul3A_233 = arith.constant 2 : i32
      %mul3A_234 = vector.broadcast %mul3A_233 : i32 to vector<16xi32>
      %mul3A_235 = arith.muli %get3A_226, %mul3A_234 : vector<16xi32>
      %add3A_236 = arith.constant 1 : i32
      %add3A_237 = vector.broadcast %add3A_236 : i32 to vector<16xi32>
      %add3A_238 = arith.addi %mul3A_235, %add3A_237 : vector<16xi32>
      %gather3A_239 = tpu.vector_load_idx %arg10[%add3A_238] : memref<20000xf32, #tpu.memory_space<vmem>>[vector<16xi32>], vector<16xf32>,
      %get3A_240 = arith.constant 192 : index
      %get3A_241 = tpu.vector_load %arg12[%get3A_240] {strides = array<i32>} : memref<320xi32, #tpu.memory_space<vmem>>, vector<16xi32>,
      %bitcast3A_242 = vector.bitcast %get3A_241 : vector<16xi32> to vector<16xf32>
      %get3A_243 = arith.constant 272 : index
      %get3A_244 = tpu.vector_load %arg12[%get3A_243] {strides = array<i32>} : memref<320xi32, #tpu.memory_space<vmem>>, vector<16xi32>,
      %bitcast3A_245 = vector.bitcast %get3A_244 : vector<16xi32> to vector<16xf32>
      %add3A_246 = arith.addf %gather3A_232, %gather3A_239 : vector<16xf32>
      %get3A_247 = arith.constant 32 : index
      %get3A_248 = tpu.vector_load %arg15[%get3A_247] {strides = array<i32>} : memref<80xf32, #tpu.memory_space<vmem>>, vector<16xf32>,
      %add3A_249 = arith.addf %add3A_246, %get3A_248 : vector<16xf32>
      %mul3A_250 = arith.constant 2.000000e-01 : f32
      %mul3A_251 = vector.broadcast %mul3A_250 : f32 to vector<16xf32>
      %mul3A_252 = arith.mulf %mul3A_251, %add3A_249 : vector<16xf32>
      %max3A_253 = arith.maximumf %add3A_249, %mul3A_252 : vector<16xf32>
      %exp3A_254 = math.exp %max3A_253 : vector<16xf32>
      %swap3A_255 = arith.constant 32 : index
      %swap3A_256 = tpu.vector_load %arg11[%swap3A_255] {strides = array<i32>} : memref<80xf32, #tpu.memory_space<vmem>>, vector<16xf32>,
      tpu.vector_store %arg11[%swap3A_255], %exp3A_254 {strides = array<i32>} : memref<80xf32, #tpu.memory_space<vmem>>, vector<16xf32>,
      %add3A_257 = arith.constant 32 : i32
      %add3A_258 = vector.broadcast %add3A_257 : i32 to vector<16xi32>
      %add3A_259 = arith.addi %add3A_258, %iota3A : vector<16xi32>
      tpu.vector_store_idx %arg17[%add3A_259, %broadcast_in_dim3A_12], %exp3A_254 : memref<80x16xf32, #tpu.memory_space<vmem>>[vector<16xi32>, vector<16xi32>], vector<16xf32>,
      %add3A_260 = arith.constant 1 : i32
      %add3A_261 = vector.broadcast %add3A_260 : i32 to vector<16xi32>
      %add3A_262 = arith.addi %broadcast_in_dim3A_12, %add3A_261 : vector<16xi32>
      tpu.vector_store_idx %arg17[%add3A_259, %add3A_262], %broadcast_in_dim3A_10 : memref<80x16xf32, #tpu.memory_space<vmem>>[vector<16xi32>, vector<16xi32>], vector<16xf32>,
      %add3A_263 = arith.constant 2 : i32
      %add3A_264 = vector.broadcast %add3A_263 : i32 to vector<16xi32>
      %add3A_265 = arith.addi %broadcast_in_dim3A_12, %add3A_264 : vector<16xi32>
      tpu.vector_store_idx %arg17[%add3A_259, %add3A_265], %bitcast3A_242 : memref<80x16xf32, #tpu.memory_space<vmem>>[vector<16xi32>, vector<16xi32>], vector<16xf32>,
      %add3A_266 = arith.constant 3 : i32
      %add3A_267 = vector.broadcast %add3A_266 : i32 to vector<16xi32>
      %add3A_268 = arith.addi %broadcast_in_dim3A_12, %add3A_267 : vector<16xi32>
      tpu.vector_store_idx %arg17[%add3A_259, %add3A_268], %bitcast3A_245 : memref<80x16xf32, #tpu.memory_space<vmem>>[vector<16xi32>, vector<16xi32>], vector<16xf32>,
      %get3A_269 = arith.constant 48 : index
      %get3A_270 = tpu.vector_load %arg12[%get3A_269] {strides = array<i32>} : memref<320xi32, #tpu.memory_space<vmem>>, vector<16xi32>,
      %get3A_271 = arith.constant 128 : index
      %get3A_272 = tpu.vector_load %arg12[%get3A_271] {strides = array<i32>} : memref<320xi32, #tpu.memory_space<vmem>>, vector<16xi32>,
      %swap3A_273 = arith.constant 48 : index
      %swap3A_274 = tpu.vector_load %arg14[%swap3A_273] {strides = array<i32>} : memref<80xi32, #tpu.memory_space<vmem>>, vector<16xi32>,
      tpu.vector_store %arg14[%swap3A_273], %get3A_272 {strides = array<i32>} : memref<80xi32, #tpu.memory_space<vmem>>, vector<16xi32>,
      %mul3A_275 = arith.constant 2 : i32
      %mul3A_276 = vector.broadcast %mul3A_275 : i32 to vector<16xi32>
      %mul3A_277 = arith.muli %get3A_270, %mul3A_276 : vector<16xi32>
      %gather3A_278 = tpu.vector_load_idx %arg10[%mul3A_277] : memref<20000xf32, #tpu.memory_space<vmem>>[vector<16xi32>], vector<16xf32>,
      %mul3A_279 = arith.constant 2 : i32
      %mul3A_280 = vector.broadcast %mul3A_279 : i32 to vector<16xi32>
      %mul3A_281 = arith.muli %get3A_272, %mul3A_280 : vector<16xi32>
      %add3A_282 = arith.constant 1 : i32
      %add3A_283 = vector.broadcast %add3A_282 : i32 to vector<16xi32>
      %add3A_284 = arith.addi %mul3A_281, %add3A_283 : vector<16xi32>
      %gather3A_285 = tpu.vector_load_idx %arg10[%add3A_284] : memref<20000xf32, #tpu.memory_space<vmem>>[vector<16xi32>], vector<16xf32>,
      %get3A_286 = arith.constant 208 : index
      %get3A_287 = tpu.vector_load %arg12[%get3A_286] {strides = array<i32>} : memref<320xi32, #tpu.memory_space<vmem>>, vector<16xi32>,
      %bitcast3A_288 = vector.bitcast %get3A_287 : vector<16xi32> to vector<16xf32>
      %get3A_289 = arith.constant 288 : index
      %get3A_290 = tpu.vector_load %arg12[%get3A_289] {strides = array<i32>} : memref<320xi32, #tpu.memory_space<vmem>>, vector<16xi32>,
      %bitcast3A_291 = vector.bitcast %get3A_290 : vector<16xi32> to vector<16xf32>
      %add3A_292 = arith.addf %gather3A_278, %gather3A_285 : vector<16xf32>
      %get3A_293 = arith.constant 48 : index
      %get3A_294 = tpu.vector_load %arg15[%get3A_293] {strides = array<i32>} : memref<80xf32, #tpu.memory_space<vmem>>, vector<16xf32>,
      %add3A_295 = arith.addf %add3A_292, %get3A_294 : vector<16xf32>
      %mul3A_296 = arith.constant 2.000000e-01 : f32
      %mul3A_297 = vector.broadcast %mul3A_296 : f32 to vector<16xf32>
      %mul3A_298 = arith.mulf %mul3A_297, %add3A_295 : vector<16xf32>
      %max3A_299 = arith.maximumf %add3A_295, %mul3A_298 : vector<16xf32>
      %exp3A_300 = math.exp %max3A_299 : vector<16xf32>
      %swap3A_301 = arith.constant 48 : index
      %swap3A_302 = tpu.vector_load %arg11[%swap3A_301] {strides = array<i32>} : memref<80xf32, #tpu.memory_space<vmem>>, vector<16xf32>,
      tpu.vector_store %arg11[%swap3A_301], %exp3A_300 {strides = array<i32>} : memref<80xf32, #tpu.memory_space<vmem>>, vector<16xf32>,
      %add3A_303 = arith.constant 48 : i32
      %add3A_304 = vector.broadcast %add3A_303 : i32 to vector<16xi32>
      %add3A_305 = arith.addi %add3A_304, %iota3A : vector<16xi32>
      tpu.vector_store_idx %arg17[%add3A_305, %broadcast_in_dim3A_12], %exp3A_300 : memref<80x16xf32, #tpu.memory_space<vmem>>[vector<16xi32>, vector<16xi32>], vector<16xf32>,
      %add3A_306 = arith.constant 1 : i32
      %add3A_307 = vector.broadcast %add3A_306 : i32 to vector<16xi32>
      %add3A_308 = arith.addi %broadcast_in_dim3A_12, %add3A_307 : vector<16xi32>
      tpu.vector_store_idx %arg17[%add3A_305, %add3A_308], %broadcast_in_dim3A_10 : memref<80x16xf32, #tpu.memory_space<vmem>>[vector<16xi32>, vector<16xi32>], vector<16xf32>,
      %add3A_309 = arith.constant 2 : i32
      %add3A_310 = vector.broadcast %add3A_309 : i32 to vector<16xi32>
      %add3A_311 = arith.addi %broadcast_in_dim3A_12, %add3A_310 : vector<16xi32>
      tpu.vector_store_idx %arg17[%add3A_305, %add3A_311], %bitcast3A_288 : memref<80x16xf32, #tpu.memory_space<vmem>>[vector<16xi32>, vector<16xi32>], vector<16xf32>,
      %add3A_312 = arith.constant 3 : i32
      %add3A_313 = vector.broadcast %add3A_312 : i32 to vector<16xi32>
      %add3A_314 = arith.addi %broadcast_in_dim3A_12, %add3A_313 : vector<16xi32>
      tpu.vector_store_idx %arg17[%add3A_305, %add3A_314], %bitcast3A_291 : memref<80x16xf32, #tpu.memory_space<vmem>>[vector<16xi32>, vector<16xi32>], vector<16xf32>,
      %get3A_315 = arith.constant 64 : index
      %get3A_316 = tpu.vector_load %arg12[%get3A_315] {strides = array<i32>} : memref<320xi32, #tpu.memory_space<vmem>>, vector<16xi32>,
      %get3A_317 = arith.constant 144 : index
      %get3A_318 = tpu.vector_load %arg12[%get3A_317] {strides = array<i32>} : memref<320xi32, #tpu.memory_space<vmem>>, vector<16xi32>,
      %swap3A_319 = arith.constant 64 : index
      %swap3A_320 = tpu.vector_load %arg14[%swap3A_319] {strides = array<i32>} : memref<80xi32, #tpu.memory_space<vmem>>, vector<16xi32>,
      tpu.vector_store %arg14[%swap3A_319], %get3A_318 {strides = array<i32>} : memref<80xi32, #tpu.memory_space<vmem>>, vector<16xi32>,
      %mul3A_321 = arith.constant 2 : i32
      %mul3A_322 = vector.broadcast %mul3A_321 : i32 to vector<16xi32>
      %mul3A_323 = arith.muli %get3A_316, %mul3A_322 : vector<16xi32>
      %gather3A_324 = tpu.vector_load_idx %arg10[%mul3A_323] : memref<20000xf32, #tpu.memory_space<vmem>>[vector<16xi32>], vector<16xf32>,
      %mul3A_325 = arith.constant 2 : i32
      %mul3A_326 = vector.broadcast %mul3A_325 : i32 to vector<16xi32>
      %mul3A_327 = arith.muli %get3A_318, %mul3A_326 : vector<16xi32>
      %add3A_328 = arith.constant 1 : i32
      %add3A_329 = vector.broadcast %add3A_328 : i32 to vector<16xi32>
      %add3A_330 = arith.addi %mul3A_327, %add3A_329 : vector<16xi32>
      %gather3A_331 = tpu.vector_load_idx %arg10[%add3A_330] : memref<20000xf32, #tpu.memory_space<vmem>>[vector<16xi32>], vector<16xf32>,
      %get3A_332 = arith.constant 224 : index
      %get3A_333 = tpu.vector_load %arg12[%get3A_332] {strides = array<i32>} : memref<320xi32, #tpu.memory_space<vmem>>, vector<16xi32>,
      %bitcast3A_334 = vector.bitcast %get3A_333 : vector<16xi32> to vector<16xf32>
      %get3A_335 = arith.constant 304 : index
      %get3A_336 = tpu.vector_load %arg12[%get3A_335] {strides = array<i32>} : memref<320xi32, #tpu.memory_space<vmem>>, vector<16xi32>,
      %bitcast3A_337 = vector.bitcast %get3A_336 : vector<16xi32> to vector<16xf32>
      %add3A_338 = arith.addf %gather3A_324, %gather3A_331 : vector<16xf32>
      %get3A_339 = arith.constant 64 : index
      %get3A_340 = tpu.vector_load %arg15[%get3A_339] {strides = array<i32>} : memref<80xf32, #tpu.memory_space<vmem>>, vector<16xf32>,
      %add3A_341 = arith.addf %add3A_338, %get3A_340 : vector<16xf32>
      %mul3A_342 = arith.constant 2.000000e-01 : f32
      %mul3A_343 = vector.broadcast %mul3A_342 : f32 to vector<16xf32>
      %mul3A_344 = arith.mulf %mul3A_343, %add3A_341 : vector<16xf32>
      %max3A_345 = arith.maximumf %add3A_341, %mul3A_344 : vector<16xf32>
      %exp3A_346 = math.exp %max3A_345 : vector<16xf32>
      %swap3A_347 = arith.constant 64 : index
      %swap3A_348 = tpu.vector_load %arg11[%swap3A_347] {strides = array<i32>} : memref<80xf32, #tpu.memory_space<vmem>>, vector<16xf32>,
      tpu.vector_store %arg11[%swap3A_347], %exp3A_346 {strides = array<i32>} : memref<80xf32, #tpu.memory_space<vmem>>, vector<16xf32>,
      %add3A_349 = arith.constant 64 : i32
      %add3A_350 = vector.broadcast %add3A_349 : i32 to vector<16xi32>
      %add3A_351 = arith.addi %add3A_350, %iota3A : vector<16xi32>
      tpu.vector_store_idx %arg17[%add3A_351, %broadcast_in_dim3A_12], %exp3A_346 : memref<80x16xf32, #tpu.memory_space<vmem>>[vector<16xi32>, vector<16xi32>], vector<16xf32>,
      %add3A_352 = arith.constant 1 : i32
      %add3A_353 = vector.broadcast %add3A_352 : i32 to vector<16xi32>
      %add3A_354 = arith.addi %broadcast_in_dim3A_12, %add3A_353 : vector<16xi32>
      tpu.vector_store_idx %arg17[%add3A_351, %add3A_354], %broadcast_in_dim3A_10 : memref<80x16xf32, #tpu.memory_space<vmem>>[vector<16xi32>, vector<16xi32>], vector<16xf32>,
      %add3A_355 = arith.constant 2 : i32
      %add3A_356 = vector.broadcast %add3A_355 : i32 to vector<16xi32>
      %add3A_357 = arith.addi %broadcast_in_dim3A_12, %add3A_356 : vector<16xi32>
      tpu.vector_store_idx %arg17[%add3A_351, %add3A_357], %bitcast3A_334 : memref<80x16xf32, #tpu.memory_space<vmem>>[vector<16xi32>, vector<16xi32>], vector<16xf32>,
      %add3A_358 = arith.constant 3 : i32
      %add3A_359 = vector.broadcast %add3A_358 : i32 to vector<16xi32>
      %add3A_360 = arith.addi %broadcast_in_dim3A_12, %add3A_359 : vector<16xi32>
      tpu.vector_store_idx %arg17[%add3A_351, %add3A_360], %bitcast3A_337 : memref<80x16xf32, #tpu.memory_space<vmem>>[vector<16xi32>, vector<16xi32>], vector<16xf32>,
      %add3A_361 = arith.constant 1 : i32
      %add3A_362 = arith.addi %mul3A_116, %add3A_361 : i32
      %add3A_363 = arith.addi %mul3A_7, %add3A_362 : i32
      %dma_wait3A_364 = arith.constant 0 : i32
      %dma_wait3A_365 = tpu.memref_slice %arg4[%add3A_363, %dma_wait3A_364] : memref<4000x320xi32, #tpu.memory_space<hbm>> -> memref<1x320xi32, #tpu.memory_space<hbm>>
      %dma_wait3A_366 = tpu.memref_squeeze %dma_wait3A_365 : memref<1x320xi32, #tpu.memory_space<hbm>> -> memref<320xi32, #tpu.memory_space<hbm>>
      %dma_wait3A_367 = arith.constant 0 : i32
      %dma_wait3A_368 = tpu.memref_slice %arg4[%add3A_363, %dma_wait3A_367] : memref<4000x320xi32, #tpu.memory_space<hbm>> -> memref<1x320xi32, #tpu.memory_space<hbm>>
      %dma_wait3A_369 = tpu.memref_squeeze %dma_wait3A_368 : memref<1x320xi32, #tpu.memory_space<hbm>> -> memref<320xi32, #tpu.memory_space<hbm>>
      tpu.wait_dma2 semaphore(%arg33 : memref<!tpu.dma_semaphore, #tpu.memory_space<semaphore_mem>>) src(%dma_wait3A_369 : memref<320xi32, #tpu.memory_space<hbm>>) dst(%arg18 : memref<320xi32, #tpu.memory_space<vmem>>)
      %mul3A_370 = arith.constant 80 : i32
      %mul3A_371 = arith.muli %add3A_362, %mul3A_370 : i32
      %add3A_372 = arith.addi %mul3A_9, %mul3A_371 : i32
      %dma_wait3A_373 = tpu.memref_slice %arg5[%add3A_372] : memref<320000xf32, #tpu.memory_space<hbm>> -> memref<80xf32, #tpu.memory_space<hbm>>
      %dma_wait3A_374 = tpu.memref_slice %arg5[%add3A_372] : memref<320000xf32, #tpu.memory_space<hbm>> -> memref<80xf32, #tpu.memory_space<hbm>>
      tpu.wait_dma2 semaphore(%arg33 : memref<!tpu.dma_semaphore, #tpu.memory_space<semaphore_mem>>) src(%dma_wait3A_374 : memref<80xf32, #tpu.memory_space<hbm>>) dst(%arg21 : memref<80xf32, #tpu.memory_space<vmem>>)
      %gt3A_375 = arith.constant 0 : i32
      %gt3A_376 = arith.cmpi sgt, %scan3A_114, %gt3A_375 : i32
      %convert_element_type3A_377 = arith.extui %gt3A_376 : i1 to i32
      %cond3A_378 = arith.constant 0 : i32
      %cond3A_379 = arith.cmpi ne, %convert_element_type3A_377, %cond3A_378 : i32
      scf.if %cond3A_379 {
        %dma_wait3A_707 = arith.constant 0 : i32
        %dma_wait3A_708 = arith.constant 0 : i32
        %dma_wait3A_709 = tpu.memref_slice %arg24[%dma_wait3A_707, %dma_wait3A_708] : memref<10000x64xf32, #tpu.memory_space<vmem_shared>> -> memref<10000x64xf32, #tpu.memory_space<vmem_shared>>
        tpu.wait_indirect_dma semaphore(%arg31 : memref<!tpu.dma_semaphore, #tpu.memory_space<semaphore_mem>>) src(%arg22 : memref<80x64xf32, #tpu.memory_space<vmem>>) dst(%dma_wait3A_709 : memref<10000x64xf32, #tpu.memory_space<vmem_shared>>)
      } else {
      }
      %get3A_380 = arith.constant 0 : index
      %get3A_381 = tpu.vector_load %arg18[%get3A_380] {strides = array<i32>} : memref<320xi32, #tpu.memory_space<vmem>>, vector<16xi32>,
      %mul3A_382 = arith.constant 2 : i32
      %mul3A_383 = vector.broadcast %mul3A_382 : i32 to vector<16xi32>
      %mul3A_384 = arith.muli %get3A_381, %mul3A_383 : vector<16xi32>
      %add3A_385 = vector.broadcast %arg0 : i32 to vector<16xi32>
      %add3A_386 = arith.addi %mul3A_384, %add3A_385 : vector<16xi32>
      %swap3A_387 = arith.constant 0 : index
      %swap3A_388 = tpu.vector_load %arg19[%swap3A_387] {strides = array<i32>} : memref<80xi32, #tpu.memory_space<vmem>>, vector<16xi32>,
      tpu.vector_store %arg19[%swap3A_387], %add3A_386 {strides = array<i32>} : memref<80xi32, #tpu.memory_space<vmem>>, vector<16xi32>,
      %get3A_389 = arith.constant 16 : index
      %get3A_390 = tpu.vector_load %arg18[%get3A_389] {strides = array<i32>} : memref<320xi32, #tpu.memory_space<vmem>>, vector<16xi32>,
      %mul3A_391 = arith.constant 2 : i32
      %mul3A_392 = vector.broadcast %mul3A_391 : i32 to vector<16xi32>
      %mul3A_393 = arith.muli %get3A_390, %mul3A_392 : vector<16xi32>
      %add3A_394 = vector.broadcast %arg0 : i32 to vector<16xi32>
      %add3A_395 = arith.addi %mul3A_393, %add3A_394 : vector<16xi32>
      %swap3A_396 = arith.constant 16 : index
      %swap3A_397 = tpu.vector_load %arg19[%swap3A_396] {strides = array<i32>} : memref<80xi32, #tpu.memory_space<vmem>>, vector<16xi32>,
      tpu.vector_store %arg19[%swap3A_396], %add3A_395 {strides = array<i32>} : memref<80xi32, #tpu.memory_space<vmem>>, vector<16xi32>,
      %get3A_398 = arith.constant 32 : index
      %get3A_399 = tpu.vector_load %arg18[%get3A_398] {strides = array<i32>} : memref<320xi32, #tpu.memory_space<vmem>>, vector<16xi32>,
      %mul3A_400 = arith.constant 2 : i32
      %mul3A_401 = vector.broadcast %mul3A_400 : i32 to vector<16xi32>
      %mul3A_402 = arith.muli %get3A_399, %mul3A_401 : vector<16xi32>
      %add3A_403 = vector.broadcast %arg0 : i32 to vector<16xi32>
      %add3A_404 = arith.addi %mul3A_402, %add3A_403 : vector<16xi32>
      %swap3A_405 = arith.constant 32 : index
      %swap3A_406 = tpu.vector_load %arg19[%swap3A_405] {strides = array<i32>} : memref<80xi32, #tpu.memory_space<vmem>>, vector<16xi32>,
      tpu.vector_store %arg19[%swap3A_405], %add3A_404 {strides = array<i32>} : memref<80xi32, #tpu.memory_space<vmem>>, vector<16xi32>,
      %get3A_407 = arith.constant 48 : index
      %get3A_408 = tpu.vector_load %arg18[%get3A_407] {strides = array<i32>} : memref<320xi32, #tpu.memory_space<vmem>>, vector<16xi32>,
      %mul3A_409 = arith.constant 2 : i32
      %mul3A_410 = vector.broadcast %mul3A_409 : i32 to vector<16xi32>
      %mul3A_411 = arith.muli %get3A_408, %mul3A_410 : vector<16xi32>
      %add3A_412 = vector.broadcast %arg0 : i32 to vector<16xi32>
      %add3A_413 = arith.addi %mul3A_411, %add3A_412 : vector<16xi32>
      %swap3A_414 = arith.constant 48 : index
      %swap3A_415 = tpu.vector_load %arg19[%swap3A_414] {strides = array<i32>} : memref<80xi32, #tpu.memory_space<vmem>>, vector<16xi32>,
      tpu.vector_store %arg19[%swap3A_414], %add3A_413 {strides = array<i32>} : memref<80xi32, #tpu.memory_space<vmem>>, vector<16xi32>,
      %get3A_416 = arith.constant 64 : index
      %get3A_417 = tpu.vector_load %arg18[%get3A_416] {strides = array<i32>} : memref<320xi32, #tpu.memory_space<vmem>>, vector<16xi32>,
      %mul3A_418 = arith.constant 2 : i32
      %mul3A_419 = vector.broadcast %mul3A_418 : i32 to vector<16xi32>
      %mul3A_420 = arith.muli %get3A_417, %mul3A_419 : vector<16xi32>
      %add3A_421 = vector.broadcast %arg0 : i32 to vector<16xi32>
      %add3A_422 = arith.addi %mul3A_420, %add3A_421 : vector<16xi32>
      %swap3A_423 = arith.constant 64 : index
      %swap3A_424 = tpu.vector_load %arg19[%swap3A_423] {strides = array<i32>} : memref<80xi32, #tpu.memory_space<vmem>>, vector<16xi32>,
      tpu.vector_store %arg19[%swap3A_423], %add3A_422 {strides = array<i32>} : memref<80xi32, #tpu.memory_space<vmem>>, vector<16xi32>,
      %dma_start3A_425 = arith.constant 0 : i32
      %dma_start3A_426 = arith.constant 0 : i32
      %dma_start3A_427 = tpu.memref_slice %arg2[%dma_start3A_425, %dma_start3A_426] : memref<20000x64xf32, #tpu.memory_space<hbm>> -> memref<20000x64xf32, #tpu.memory_space<hbm>>
      tpu.enqueue_indirect_dma source(%dma_start3A_427 : memref<20000x64xf32, #tpu.memory_space<hbm>>) target(%arg22 : memref<80x64xf32, #tpu.memory_space<vmem>>) offsets(%arg19 : memref<80xi32, #tpu.memory_space<vmem>>) semaphore(%arg30 : memref<!tpu.dma_semaphore, #tpu.memory_space<semaphore_mem>>)
      %dma_wait3A_428 = arith.constant 0 : i32
      %dma_wait3A_429 = arith.constant 0 : i32
      %dma_wait3A_430 = tpu.memref_slice %arg2[%dma_wait3A_428, %dma_wait3A_429] : memref<20000x64xf32, #tpu.memory_space<hbm>> -> memref<20000x64xf32, #tpu.memory_space<hbm>>
      tpu.wait_indirect_dma semaphore(%arg26 : memref<!tpu.dma_semaphore, #tpu.memory_space<semaphore_mem>>) src(%dma_wait3A_430 : memref<20000x64xf32, #tpu.memory_space<hbm>>) dst(%arg16 : memref<80x64xf32, #tpu.memory_space<vmem>>)
      %scan3A_431 = arith.constant 0 : i32
      %scan3A_432 = arith.constant 0 : i32
      %scan3A_433 = arith.constant 20 : i32
      %scan3A_434 = arith.addi %scan3A_432, %scan3A_433 : i32
      %scan3A_435 = arith.constant 1 : i32
      scf.for %scan3A_707 = %scan3A_432 to %scan3A_434 step %scan3A_435  : i32 {
        %mul3A_708 = arith.constant 4 : i32
        %mul3A_709 = arith.muli %scan3A_707, %mul3A_708 : i32
        %add3A_710 = arith.constant 0 : i32
        %add3A_711 = arith.addi %mul3A_709, %add3A_710 : i32
        %add3A_712 = vector.broadcast %add3A_711 : i32 to vector<16xi32>
        %add3A_713 = arith.addi %broadcast_in_dim3A_12, %add3A_712 : vector<16xi32>
        %gather3A_714 = tpu.vector_load_idx %arg11[%add3A_713] : memref<80xf32, #tpu.memory_space<vmem>>[vector<16xi32>], vector<16xf32>,
        %get3A_715 = arith.index_cast %add3A_711 : i32 to index
        %get3A_716 = arith.constant 0 : index
        %get3A_717 = tpu.vector_load %arg16[%get3A_715, %get3A_716] {strides = array<i32>} : memref<80x64xf32, #tpu.memory_space<vmem>>, vector<16xf32>,
        %mul3A_718 = arith.mulf %get3A_717, %gather3A_714 : vector<16xf32>
        %swap3A_719 = arith.index_cast %add3A_711 : i32 to index
        %swap3A_720 = arith.constant 0 : index
        %swap3A_721 = tpu.vector_load %arg16[%swap3A_719, %swap3A_720] {strides = array<i32>} : memref<80x64xf32, #tpu.memory_space<vmem>>, vector<16xf32>,
        tpu.vector_store %arg16[%swap3A_719, %swap3A_720], %mul3A_718 {strides = array<i32>} : memref<80x64xf32, #tpu.memory_space<vmem>>, vector<16xf32>,
        %get3A_722 = arith.index_cast %add3A_711 : i32 to index
        %get3A_723 = arith.constant 16 : index
        %get3A_724 = tpu.vector_load %arg16[%get3A_722, %get3A_723] {strides = array<i32>} : memref<80x64xf32, #tpu.memory_space<vmem>>, vector<16xf32>,
        %mul3A_725 = arith.mulf %get3A_724, %gather3A_714 : vector<16xf32>
        %swap3A_726 = arith.index_cast %add3A_711 : i32 to index
        %swap3A_727 = arith.constant 16 : index
        %swap3A_728 = tpu.vector_load %arg16[%swap3A_726, %swap3A_727] {strides = array<i32>} : memref<80x64xf32, #tpu.memory_space<vmem>>, vector<16xf32>,
        tpu.vector_store %arg16[%swap3A_726, %swap3A_727], %mul3A_725 {strides = array<i32>} : memref<80x64xf32, #tpu.memory_space<vmem>>, vector<16xf32>,
        %get3A_729 = arith.index_cast %add3A_711 : i32 to index
        %get3A_730 = arith.constant 32 : index
        %get3A_731 = tpu.vector_load %arg16[%get3A_729, %get3A_730] {strides = array<i32>} : memref<80x64xf32, #tpu.memory_space<vmem>>, vector<16xf32>,
        %mul3A_732 = arith.mulf %get3A_731, %gather3A_714 : vector<16xf32>
        %swap3A_733 = arith.index_cast %add3A_711 : i32 to index
        %swap3A_734 = arith.constant 32 : index
        %swap3A_735 = tpu.vector_load %arg16[%swap3A_733, %swap3A_734] {strides = array<i32>} : memref<80x64xf32, #tpu.memory_space<vmem>>, vector<16xf32>,
        tpu.vector_store %arg16[%swap3A_733, %swap3A_734], %mul3A_732 {strides = array<i32>} : memref<80x64xf32, #tpu.memory_space<vmem>>, vector<16xf32>,
        %get3A_736 = arith.index_cast %add3A_711 : i32 to index
        %get3A_737 = arith.constant 48 : index
        %get3A_738 = tpu.vector_load %arg16[%get3A_736, %get3A_737] {strides = array<i32>} : memref<80x64xf32, #tpu.memory_space<vmem>>, vector<16xf32>,
        %mul3A_739 = arith.mulf %get3A_738, %gather3A_714 : vector<16xf32>
        %swap3A_740 = arith.index_cast %add3A_711 : i32 to index
        %swap3A_741 = arith.constant 48 : index
        %swap3A_742 = tpu.vector_load %arg16[%swap3A_740, %swap3A_741] {strides = array<i32>} : memref<80x64xf32, #tpu.memory_space<vmem>>, vector<16xf32>,
        tpu.vector_store %arg16[%swap3A_740, %swap3A_741], %mul3A_739 {strides = array<i32>} : memref<80x64xf32, #tpu.memory_space<vmem>>, vector<16xf32>,
        %mul3A_743 = arith.constant 4 : i32
        %mul3A_744 = arith.muli %scan3A_707, %mul3A_743 : i32
        %add3A_745 = arith.constant 1 : i32
        %add3A_746 = arith.addi %mul3A_744, %add3A_745 : i32
        %add3A_747 = vector.broadcast %add3A_746 : i32 to vector<16xi32>
        %add3A_748 = arith.addi %broadcast_in_dim3A_12, %add3A_747 : vector<16xi32>
        %gather3A_749 = tpu.vector_load_idx %arg11[%add3A_748] : memref<80xf32, #tpu.memory_space<vmem>>[vector<16xi32>], vector<16xf32>,
        %get3A_750 = arith.index_cast %add3A_746 : i32 to index
        %get3A_751 = arith.constant 0 : index
        %get3A_752 = tpu.vector_load %arg16[%get3A_750, %get3A_751] {strides = array<i32>} : memref<80x64xf32, #tpu.memory_space<vmem>>, vector<16xf32>,
        %mul3A_753 = arith.mulf %get3A_752, %gather3A_749 : vector<16xf32>
        %swap3A_754 = arith.index_cast %add3A_746 : i32 to index
        %swap3A_755 = arith.constant 0 : index
        %swap3A_756 = tpu.vector_load %arg16[%swap3A_754, %swap3A_755] {strides = array<i32>} : memref<80x64xf32, #tpu.memory_space<vmem>>, vector<16xf32>,
        tpu.vector_store %arg16[%swap3A_754, %swap3A_755], %mul3A_753 {strides = array<i32>} : memref<80x64xf32, #tpu.memory_space<vmem>>, vector<16xf32>,
        %get3A_757 = arith.index_cast %add3A_746 : i32 to index
        %get3A_758 = arith.constant 16 : index
        %get3A_759 = tpu.vector_load %arg16[%get3A_757, %get3A_758] {strides = array<i32>} : memref<80x64xf32, #tpu.memory_space<vmem>>, vector<16xf32>,
        %mul3A_760 = arith.mulf %get3A_759, %gather3A_749 : vector<16xf32>
        %swap3A_761 = arith.index_cast %add3A_746 : i32 to index
        %swap3A_762 = arith.constant 16 : index
        %swap3A_763 = tpu.vector_load %arg16[%swap3A_761, %swap3A_762] {strides = array<i32>} : memref<80x64xf32, #tpu.memory_space<vmem>>, vector<16xf32>,
        tpu.vector_store %arg16[%swap3A_761, %swap3A_762], %mul3A_760 {strides = array<i32>} : memref<80x64xf32, #tpu.memory_space<vmem>>, vector<16xf32>,
        %get3A_764 = arith.index_cast %add3A_746 : i32 to index
        %get3A_765 = arith.constant 32 : index
        %get3A_766 = tpu.vector_load %arg16[%get3A_764, %get3A_765] {strides = array<i32>} : memref<80x64xf32, #tpu.memory_space<vmem>>, vector<16xf32>,
        %mul3A_767 = arith.mulf %get3A_766, %gather3A_749 : vector<16xf32>
        %swap3A_768 = arith.index_cast %add3A_746 : i32 to index
        %swap3A_769 = arith.constant 32 : index
        %swap3A_770 = tpu.vector_load %arg16[%swap3A_768, %swap3A_769] {strides = array<i32>} : memref<80x64xf32, #tpu.memory_space<vmem>>, vector<16xf32>,
        tpu.vector_store %arg16[%swap3A_768, %swap3A_769], %mul3A_767 {strides = array<i32>} : memref<80x64xf32, #tpu.memory_space<vmem>>, vector<16xf32>,
        %get3A_771 = arith.index_cast %add3A_746 : i32 to index
        %get3A_772 = arith.constant 48 : index
        %get3A_773 = tpu.vector_load %arg16[%get3A_771, %get3A_772] {strides = array<i32>} : memref<80x64xf32, #tpu.memory_space<vmem>>, vector<16xf32>,
        %mul3A_774 = arith.mulf %get3A_773, %gather3A_749 : vector<16xf32>
        %swap3A_775 = arith.index_cast %add3A_746 : i32 to index
        %swap3A_776 = arith.constant 48 : index
        %swap3A_777 = tpu.vector_load %arg16[%swap3A_775, %swap3A_776] {strides = array<i32>} : memref<80x64xf32, #tpu.memory_space<vmem>>, vector<16xf32>,
        tpu.vector_store %arg16[%swap3A_775, %swap3A_776], %mul3A_774 {strides = array<i32>} : memref<80x64xf32, #tpu.memory_space<vmem>>, vector<16xf32>,
        %mul3A_778 = arith.constant 4 : i32
        %mul3A_779 = arith.muli %scan3A_707, %mul3A_778 : i32
        %add3A_780 = arith.constant 2 : i32
        %add3A_781 = arith.addi %mul3A_779, %add3A_780 : i32
        %add3A_782 = vector.broadcast %add3A_781 : i32 to vector<16xi32>
        %add3A_783 = arith.addi %broadcast_in_dim3A_12, %add3A_782 : vector<16xi32>
        %gather3A_784 = tpu.vector_load_idx %arg11[%add3A_783] : memref<80xf32, #tpu.memory_space<vmem>>[vector<16xi32>], vector<16xf32>,
        %get3A_785 = arith.index_cast %add3A_781 : i32 to index
        %get3A_786 = arith.constant 0 : index
        %get3A_787 = tpu.vector_load %arg16[%get3A_785, %get3A_786] {strides = array<i32>} : memref<80x64xf32, #tpu.memory_space<vmem>>, vector<16xf32>,
        %mul3A_788 = arith.mulf %get3A_787, %gather3A_784 : vector<16xf32>
        %swap3A_789 = arith.index_cast %add3A_781 : i32 to index
        %swap3A_790 = arith.constant 0 : index
        %swap3A_791 = tpu.vector_load %arg16[%swap3A_789, %swap3A_790] {strides = array<i32>} : memref<80x64xf32, #tpu.memory_space<vmem>>, vector<16xf32>,
        tpu.vector_store %arg16[%swap3A_789, %swap3A_790], %mul3A_788 {strides = array<i32>} : memref<80x64xf32, #tpu.memory_space<vmem>>, vector<16xf32>,
        %get3A_792 = arith.index_cast %add3A_781 : i32 to index
        %get3A_793 = arith.constant 16 : index
        %get3A_794 = tpu.vector_load %arg16[%get3A_792, %get3A_793] {strides = array<i32>} : memref<80x64xf32, #tpu.memory_space<vmem>>, vector<16xf32>,
        %mul3A_795 = arith.mulf %get3A_794, %gather3A_784 : vector<16xf32>
        %swap3A_796 = arith.index_cast %add3A_781 : i32 to index
        %swap3A_797 = arith.constant 16 : index
        %swap3A_798 = tpu.vector_load %arg16[%swap3A_796, %swap3A_797] {strides = array<i32>} : memref<80x64xf32, #tpu.memory_space<vmem>>, vector<16xf32>,
        tpu.vector_store %arg16[%swap3A_796, %swap3A_797], %mul3A_795 {strides = array<i32>} : memref<80x64xf32, #tpu.memory_space<vmem>>, vector<16xf32>,
        %get3A_799 = arith.index_cast %add3A_781 : i32 to index
        %get3A_800 = arith.constant 32 : index
        %get3A_801 = tpu.vector_load %arg16[%get3A_799, %get3A_800] {strides = array<i32>} : memref<80x64xf32, #tpu.memory_space<vmem>>, vector<16xf32>,
        %mul3A_802 = arith.mulf %get3A_801, %gather3A_784 : vector<16xf32>
        %swap3A_803 = arith.index_cast %add3A_781 : i32 to index
        %swap3A_804 = arith.constant 32 : index
        %swap3A_805 = tpu.vector_load %arg16[%swap3A_803, %swap3A_804] {strides = array<i32>} : memref<80x64xf32, #tpu.memory_space<vmem>>, vector<16xf32>,
        tpu.vector_store %arg16[%swap3A_803, %swap3A_804], %mul3A_802 {strides = array<i32>} : memref<80x64xf32, #tpu.memory_space<vmem>>, vector<16xf32>,
        %get3A_806 = arith.index_cast %add3A_781 : i32 to index
        %get3A_807 = arith.constant 48 : index
        %get3A_808 = tpu.vector_load %arg16[%get3A_806, %get3A_807] {strides = array<i32>} : memref<80x64xf32, #tpu.memory_space<vmem>>, vector<16xf32>,
        %mul3A_809 = arith.mulf %get3A_808, %gather3A_784 : vector<16xf32>
        %swap3A_810 = arith.index_cast %add3A_781 : i32 to index
        %swap3A_811 = arith.constant 48 : index
        %swap3A_812 = tpu.vector_load %arg16[%swap3A_810, %swap3A_811] {strides = array<i32>} : memref<80x64xf32, #tpu.memory_space<vmem>>, vector<16xf32>,
        tpu.vector_store %arg16[%swap3A_810, %swap3A_811], %mul3A_809 {strides = array<i32>} : memref<80x64xf32, #tpu.memory_space<vmem>>, vector<16xf32>,
        %mul3A_813 = arith.constant 4 : i32
        %mul3A_814 = arith.muli %scan3A_707, %mul3A_813 : i32
        %add3A_815 = arith.constant 3 : i32
        %add3A_816 = arith.addi %mul3A_814, %add3A_815 : i32
        %add3A_817 = vector.broadcast %add3A_816 : i32 to vector<16xi32>
        %add3A_818 = arith.addi %broadcast_in_dim3A_12, %add3A_817 : vector<16xi32>
        %gather3A_819 = tpu.vector_load_idx %arg11[%add3A_818] : memref<80xf32, #tpu.memory_space<vmem>>[vector<16xi32>], vector<16xf32>,
        %get3A_820 = arith.index_cast %add3A_816 : i32 to index
        %get3A_821 = arith.constant 0 : index
        %get3A_822 = tpu.vector_load %arg16[%get3A_820, %get3A_821] {strides = array<i32>} : memref<80x64xf32, #tpu.memory_space<vmem>>, vector<16xf32>,
        %mul3A_823 = arith.mulf %get3A_822, %gather3A_819 : vector<16xf32>
        %swap3A_824 = arith.index_cast %add3A_816 : i32 to index
        %swap3A_825 = arith.constant 0 : index
        %swap3A_826 = tpu.vector_load %arg16[%swap3A_824, %swap3A_825] {strides = array<i32>} : memref<80x64xf32, #tpu.memory_space<vmem>>, vector<16xf32>,
        tpu.vector_store %arg16[%swap3A_824, %swap3A_825], %mul3A_823 {strides = array<i32>} : memref<80x64xf32, #tpu.memory_space<vmem>>, vector<16xf32>,
        %get3A_827 = arith.index_cast %add3A_816 : i32 to index
        %get3A_828 = arith.constant 16 : index
        %get3A_829 = tpu.vector_load %arg16[%get3A_827, %get3A_828] {strides = array<i32>} : memref<80x64xf32, #tpu.memory_space<vmem>>, vector<16xf32>,
        %mul3A_830 = arith.mulf %get3A_829, %gather3A_819 : vector<16xf32>
        %swap3A_831 = arith.index_cast %add3A_816 : i32 to index
        %swap3A_832 = arith.constant 16 : index
        %swap3A_833 = tpu.vector_load %arg16[%swap3A_831, %swap3A_832] {strides = array<i32>} : memref<80x64xf32, #tpu.memory_space<vmem>>, vector<16xf32>,
        tpu.vector_store %arg16[%swap3A_831, %swap3A_832], %mul3A_830 {strides = array<i32>} : memref<80x64xf32, #tpu.memory_space<vmem>>, vector<16xf32>,
        %get3A_834 = arith.index_cast %add3A_816 : i32 to index
        %get3A_835 = arith.constant 32 : index
        %get3A_836 = tpu.vector_load %arg16[%get3A_834, %get3A_835] {strides = array<i32>} : memref<80x64xf32, #tpu.memory_space<vmem>>, vector<16xf32>,
        %mul3A_837 = arith.mulf %get3A_836, %gather3A_819 : vector<16xf32>
        %swap3A_838 = arith.index_cast %add3A_816 : i32 to index
        %swap3A_839 = arith.constant 32 : index
        %swap3A_840 = tpu.vector_load %arg16[%swap3A_838, %swap3A_839] {strides = array<i32>} : memref<80x64xf32, #tpu.memory_space<vmem>>, vector<16xf32>,
        tpu.vector_store %arg16[%swap3A_838, %swap3A_839], %mul3A_837 {strides = array<i32>} : memref<80x64xf32, #tpu.memory_space<vmem>>, vector<16xf32>,
        %get3A_841 = arith.index_cast %add3A_816 : i32 to index
        %get3A_842 = arith.constant 48 : index
        %get3A_843 = tpu.vector_load %arg16[%get3A_841, %get3A_842] {strides = array<i32>} : memref<80x64xf32, #tpu.memory_space<vmem>>, vector<16xf32>,
        %mul3A_844 = arith.mulf %get3A_843, %gather3A_819 : vector<16xf32>
        %swap3A_845 = arith.index_cast %add3A_816 : i32 to index
        %swap3A_846 = arith.constant 48 : index
        %swap3A_847 = tpu.vector_load %arg16[%swap3A_845, %swap3A_846] {strides = array<i32>} : memref<80x64xf32, #tpu.memory_space<vmem>>, vector<16xf32>,
        tpu.vector_store %arg16[%swap3A_845, %swap3A_846], %mul3A_844 {strides = array<i32>} : memref<80x64xf32, #tpu.memory_space<vmem>>, vector<16xf32>,
      }
      %scan3A_436 = arith.constant 20 : i32
      %dma_start3A_437 = arith.constant 0 : i32
      %dma_start3A_438 = arith.constant 0 : i32
      %dma_start3A_439 = tpu.memref_slice %arg24[%dma_start3A_437, %dma_start3A_438] : memref<10000x64xf32, #tpu.memory_space<vmem_shared>> -> memref<10000x64xf32, #tpu.memory_space<vmem_shared>>
      tpu.enqueue_indirect_dma source(%arg16 : memref<80x64xf32, #tpu.memory_space<vmem>>) target(%dma_start3A_439 : memref<10000x64xf32, #tpu.memory_space<vmem_shared>>) offsets(%arg14 : memref<80xi32, #tpu.memory_space<vmem>>) semaphore(%arg27 : memref<!tpu.dma_semaphore, #tpu.memory_space<semaphore_mem>>) {add = true}
      %eq3A_440 = arith.constant 0 : i32
      %eq3A_441 = arith.cmpi eq, %arg0, %eq3A_440 : i32
      %convert_element_type3A_442 = arith.extui %eq3A_441 : i1 to i32
      %cond3A_443 = arith.constant 0 : i32
      %cond3A_444 = arith.cmpi ne, %convert_element_type3A_442, %cond3A_443 : i32
      scf.if %cond3A_444 {
        %dma_start3A_707 = arith.constant 0 : i32
        %dma_start3A_708 = arith.constant 0 : i32
        %dma_start3A_709 = tpu.memref_slice %arg25[%dma_start3A_707, %dma_start3A_708] : memref<10000x16xf32, #tpu.memory_space<vmem_shared>> -> memref<10000x16xf32, #tpu.memory_space<vmem_shared>>
        tpu.enqueue_indirect_dma source(%arg17 : memref<80x16xf32, #tpu.memory_space<vmem>>) target(%dma_start3A_709 : memref<10000x16xf32, #tpu.memory_space<vmem_shared>>) offsets(%arg14 : memref<80xi32, #tpu.memory_space<vmem>>) semaphore(%arg28 : memref<!tpu.dma_semaphore, #tpu.memory_space<semaphore_mem>>) {add = true}
      } else {
      }
      %lt3A_445 = arith.constant 124 : i32
      %lt3A_446 = arith.cmpi slt, %scan3A_114, %lt3A_445 : i32
      %convert_element_type3A_447 = arith.extui %lt3A_446 : i1 to i32
      %cond3A_448 = arith.constant 0 : i32
      %cond3A_449 = arith.cmpi ne, %convert_element_type3A_447, %cond3A_448 : i32
      scf.if %cond3A_449 {
        %add3A_707 = arith.constant 2 : i32
        %add3A_708 = arith.addi %mul3A_116, %add3A_707 : i32
        %add3A_709 = arith.addi %mul3A_7, %add3A_708 : i32
        %dma_start3A_710 = arith.constant 0 : i32
        %dma_start3A_711 = tpu.memref_slice %arg4[%add3A_709, %dma_start3A_710] : memref<4000x320xi32, #tpu.memory_space<hbm>> -> memref<1x320xi32, #tpu.memory_space<hbm>>
        %dma_start3A_712 = tpu.memref_squeeze %dma_start3A_711 : memref<1x320xi32, #tpu.memory_space<hbm>> -> memref<320xi32, #tpu.memory_space<hbm>>
        %dma_start3A_713 = arith.constant 0 : i32
        %dma_start3A_714 = tpu.memref_slice %arg4[%add3A_709, %dma_start3A_713] : memref<4000x320xi32, #tpu.memory_space<hbm>> -> memref<1x320xi32, #tpu.memory_space<hbm>>
        %dma_start3A_715 = tpu.memref_squeeze %dma_start3A_714 : memref<1x320xi32, #tpu.memory_space<hbm>> -> memref<320xi32, #tpu.memory_space<hbm>>
        tpu.enqueue_dma source(%dma_start3A_715 : memref<320xi32, #tpu.memory_space<hbm>>) target(%arg12 : memref<320xi32, #tpu.memory_space<vmem>>) target_semaphore(%arg29 : memref<!tpu.dma_semaphore, #tpu.memory_space<semaphore_mem>>)
        %mul3A_716 = arith.constant 80 : i32
        %mul3A_717 = arith.muli %add3A_708, %mul3A_716 : i32
        %add3A_718 = arith.addi %mul3A_9, %mul3A_717 : i32
        %dma_start3A_719 = tpu.memref_slice %arg5[%add3A_718] : memref<320000xf32, #tpu.memory_space<hbm>> -> memref<80xf32, #tpu.memory_space<hbm>>
        %dma_start3A_720 = tpu.memref_slice %arg5[%add3A_718] : memref<320000xf32, #tpu.memory_space<hbm>> -> memref<80xf32, #tpu.memory_space<hbm>>
        tpu.enqueue_dma source(%dma_start3A_720 : memref<80xf32, #tpu.memory_space<hbm>>) target(%arg15 : memref<80xf32, #tpu.memory_space<vmem>>) target_semaphore(%arg29 : memref<!tpu.dma_semaphore, #tpu.memory_space<semaphore_mem>>)
      } else {
      }
      %gt3A_450 = arith.constant 0 : i32
      %gt3A_451 = arith.cmpi sgt, %scan3A_114, %gt3A_450 : i32
      %convert_element_type3A_452 = arith.extui %gt3A_451 : i1 to i32
      %cond3A_453 = arith.constant 0 : i32
      %cond3A_454 = arith.cmpi ne, %convert_element_type3A_452, %cond3A_453 : i32
      scf.if %cond3A_454 {
        %eq3A_707 = arith.constant 0 : i32
        %eq3A_708 = arith.cmpi eq, %arg0, %eq3A_707 : i32
        %convert_element_type3A_709 = arith.extui %eq3A_708 : i1 to i32
        %cond3A_710 = arith.constant 0 : i32
        %cond3A_711 = arith.cmpi ne, %convert_element_type3A_709, %cond3A_710 : i32
        scf.if %cond3A_711 {
          %dma_wait3A_712 = arith.constant 0 : i32
          %dma_wait3A_713 = arith.constant 0 : i32
          %dma_wait3A_714 = tpu.memref_slice %arg25[%dma_wait3A_712, %dma_wait3A_713] : memref<10000x16xf32, #tpu.memory_space<vmem_shared>> -> memref<10000x16xf32, #tpu.memory_space<vmem_shared>>
          tpu.wait_indirect_dma semaphore(%arg32 : memref<!tpu.dma_semaphore, #tpu.memory_space<semaphore_mem>>) src(%arg23 : memref<80x16xf32, #tpu.memory_space<vmem>>) dst(%dma_wait3A_714 : memref<10000x16xf32, #tpu.memory_space<vmem_shared>>)
        } else {
        }
      } else {
      }
      %get3A_455 = arith.constant 0 : index
      %get3A_456 = tpu.vector_load %arg18[%get3A_455] {strides = array<i32>} : memref<320xi32, #tpu.memory_space<vmem>>, vector<16xi32>,
      %get3A_457 = arith.constant 80 : index
      %get3A_458 = tpu.vector_load %arg18[%get3A_457] {strides = array<i32>} : memref<320xi32, #tpu.memory_space<vmem>>, vector<16xi32>,
      %swap3A_459 = arith.constant 0 : index
      %swap3A_460 = tpu.vector_load %arg20[%swap3A_459] {strides = array<i32>} : memref<80xi32, #tpu.memory_space<vmem>>, vector<16xi32>,
      tpu.vector_store %arg20[%swap3A_459], %get3A_458 {strides = array<i32>} : memref<80xi32, #tpu.memory_space<vmem>>, vector<16xi32>,
      %mul3A_461 = arith.constant 2 : i32
      %mul3A_462 = vector.broadcast %mul3A_461 : i32 to vector<16xi32>
      %mul3A_463 = arith.muli %get3A_456, %mul3A_462 : vector<16xi32>
      %gather3A_464 = tpu.vector_load_idx %arg10[%mul3A_463] : memref<20000xf32, #tpu.memory_space<vmem>>[vector<16xi32>], vector<16xf32>,
      %mul3A_465 = arith.constant 2 : i32
      %mul3A_466 = vector.broadcast %mul3A_465 : i32 to vector<16xi32>
      %mul3A_467 = arith.muli %get3A_458, %mul3A_466 : vector<16xi32>
      %add3A_468 = arith.constant 1 : i32
      %add3A_469 = vector.broadcast %add3A_468 : i32 to vector<16xi32>
      %add3A_470 = arith.addi %mul3A_467, %add3A_469 : vector<16xi32>
      %gather3A_471 = tpu.vector_load_idx %arg10[%add3A_470] : memref<20000xf32, #tpu.memory_space<vmem>>[vector<16xi32>], vector<16xf32>,
      %get3A_472 = arith.constant 160 : index
      %get3A_473 = tpu.vector_load %arg18[%get3A_472] {strides = array<i32>} : memref<320xi32, #tpu.memory_space<vmem>>, vector<16xi32>,
      %bitcast3A_474 = vector.bitcast %get3A_473 : vector<16xi32> to vector<16xf32>
      %get3A_475 = arith.constant 240 : index
      %get3A_476 = tpu.vector_load %arg18[%get3A_475] {strides = array<i32>} : memref<320xi32, #tpu.memory_space<vmem>>, vector<16xi32>,
      %bitcast3A_477 = vector.bitcast %get3A_476 : vector<16xi32> to vector<16xf32>
      %add3A_478 = arith.addf %gather3A_464, %gather3A_471 : vector<16xf32>
      %get3A_479 = arith.constant 0 : index
      %get3A_480 = tpu.vector_load %arg21[%get3A_479] {strides = array<i32>} : memref<80xf32, #tpu.memory_space<vmem>>, vector<16xf32>,
      %add3A_481 = arith.addf %add3A_478, %get3A_480 : vector<16xf32>
      %mul3A_482 = arith.constant 2.000000e-01 : f32
      %mul3A_483 = vector.broadcast %mul3A_482 : f32 to vector<16xf32>
      %mul3A_484 = arith.mulf %mul3A_483, %add3A_481 : vector<16xf32>
      %max3A_485 = arith.maximumf %add3A_481, %mul3A_484 : vector<16xf32>
      %exp3A_486 = math.exp %max3A_485 : vector<16xf32>
      %swap3A_487 = arith.constant 0 : index
      %swap3A_488 = tpu.vector_load %arg11[%swap3A_487] {strides = array<i32>} : memref<80xf32, #tpu.memory_space<vmem>>, vector<16xf32>,
      tpu.vector_store %arg11[%swap3A_487], %exp3A_486 {strides = array<i32>} : memref<80xf32, #tpu.memory_space<vmem>>, vector<16xf32>,
      %add3A_489 = arith.constant 0 : i32
      %add3A_490 = vector.broadcast %add3A_489 : i32 to vector<16xi32>
      %add3A_491 = arith.addi %add3A_490, %iota3A : vector<16xi32>
      tpu.vector_store_idx %arg23[%add3A_491, %broadcast_in_dim3A_12], %exp3A_486 : memref<80x16xf32, #tpu.memory_space<vmem>>[vector<16xi32>, vector<16xi32>], vector<16xf32>,
      %add3A_492 = arith.constant 1 : i32
      %add3A_493 = vector.broadcast %add3A_492 : i32 to vector<16xi32>
      %add3A_494 = arith.addi %broadcast_in_dim3A_12, %add3A_493 : vector<16xi32>
      tpu.vector_store_idx %arg23[%add3A_491, %add3A_494], %broadcast_in_dim3A_10 : memref<80x16xf32, #tpu.memory_space<vmem>>[vector<16xi32>, vector<16xi32>], vector<16xf32>,
      %add3A_495 = arith.constant 2 : i32
      %add3A_496 = vector.broadcast %add3A_495 : i32 to vector<16xi32>
      %add3A_497 = arith.addi %broadcast_in_dim3A_12, %add3A_496 : vector<16xi32>
      tpu.vector_store_idx %arg23[%add3A_491, %add3A_497], %bitcast3A_474 : memref<80x16xf32, #tpu.memory_space<vmem>>[vector<16xi32>, vector<16xi32>], vector<16xf32>,
      %add3A_498 = arith.constant 3 : i32
      %add3A_499 = vector.broadcast %add3A_498 : i32 to vector<16xi32>
      %add3A_500 = arith.addi %broadcast_in_dim3A_12, %add3A_499 : vector<16xi32>
      tpu.vector_store_idx %arg23[%add3A_491, %add3A_500], %bitcast3A_477 : memref<80x16xf32, #tpu.memory_space<vmem>>[vector<16xi32>, vector<16xi32>], vector<16xf32>,
      %get3A_501 = arith.constant 16 : index
      %get3A_502 = tpu.vector_load %arg18[%get3A_501] {strides = array<i32>} : memref<320xi32, #tpu.memory_space<vmem>>, vector<16xi32>,
      %get3A_503 = arith.constant 96 : index
      %get3A_504 = tpu.vector_load %arg18[%get3A_503] {strides = array<i32>} : memref<320xi32, #tpu.memory_space<vmem>>, vector<16xi32>,
      %swap3A_505 = arith.constant 16 : index
      %swap3A_506 = tpu.vector_load %arg20[%swap3A_505] {strides = array<i32>} : memref<80xi32, #tpu.memory_space<vmem>>, vector<16xi32>,
      tpu.vector_store %arg20[%swap3A_505], %get3A_504 {strides = array<i32>} : memref<80xi32, #tpu.memory_space<vmem>>, vector<16xi32>,
      %mul3A_507 = arith.constant 2 : i32
      %mul3A_508 = vector.broadcast %mul3A_507 : i32 to vector<16xi32>
      %mul3A_509 = arith.muli %get3A_502, %mul3A_508 : vector<16xi32>
      %gather3A_510 = tpu.vector_load_idx %arg10[%mul3A_509] : memref<20000xf32, #tpu.memory_space<vmem>>[vector<16xi32>], vector<16xf32>,
      %mul3A_511 = arith.constant 2 : i32
      %mul3A_512 = vector.broadcast %mul3A_511 : i32 to vector<16xi32>
      %mul3A_513 = arith.muli %get3A_504, %mul3A_512 : vector<16xi32>
      %add3A_514 = arith.constant 1 : i32
      %add3A_515 = vector.broadcast %add3A_514 : i32 to vector<16xi32>
      %add3A_516 = arith.addi %mul3A_513, %add3A_515 : vector<16xi32>
      %gather3A_517 = tpu.vector_load_idx %arg10[%add3A_516] : memref<20000xf32, #tpu.memory_space<vmem>>[vector<16xi32>], vector<16xf32>,
      %get3A_518 = arith.constant 176 : index
      %get3A_519 = tpu.vector_load %arg18[%get3A_518] {strides = array<i32>} : memref<320xi32, #tpu.memory_space<vmem>>, vector<16xi32>,
      %bitcast3A_520 = vector.bitcast %get3A_519 : vector<16xi32> to vector<16xf32>
      %get3A_521 = arith.constant 256 : index
      %get3A_522 = tpu.vector_load %arg18[%get3A_521] {strides = array<i32>} : memref<320xi32, #tpu.memory_space<vmem>>, vector<16xi32>,
      %bitcast3A_523 = vector.bitcast %get3A_522 : vector<16xi32> to vector<16xf32>
      %add3A_524 = arith.addf %gather3A_510, %gather3A_517 : vector<16xf32>
      %get3A_525 = arith.constant 16 : index
      %get3A_526 = tpu.vector_load %arg21[%get3A_525] {strides = array<i32>} : memref<80xf32, #tpu.memory_space<vmem>>, vector<16xf32>,
      %add3A_527 = arith.addf %add3A_524, %get3A_526 : vector<16xf32>
      %mul3A_528 = arith.constant 2.000000e-01 : f32
      %mul3A_529 = vector.broadcast %mul3A_528 : f32 to vector<16xf32>
      %mul3A_530 = arith.mulf %mul3A_529, %add3A_527 : vector<16xf32>
      %max3A_531 = arith.maximumf %add3A_527, %mul3A_530 : vector<16xf32>
      %exp3A_532 = math.exp %max3A_531 : vector<16xf32>
      %swap3A_533 = arith.constant 16 : index
      %swap3A_534 = tpu.vector_load %arg11[%swap3A_533] {strides = array<i32>} : memref<80xf32, #tpu.memory_space<vmem>>, vector<16xf32>,
      tpu.vector_store %arg11[%swap3A_533], %exp3A_532 {strides = array<i32>} : memref<80xf32, #tpu.memory_space<vmem>>, vector<16xf32>,
      %add3A_535 = arith.constant 16 : i32
      %add3A_536 = vector.broadcast %add3A_535 : i32 to vector<16xi32>
      %add3A_537 = arith.addi %add3A_536, %iota3A : vector<16xi32>
      tpu.vector_store_idx %arg23[%add3A_537, %broadcast_in_dim3A_12], %exp3A_532 : memref<80x16xf32, #tpu.memory_space<vmem>>[vector<16xi32>, vector<16xi32>], vector<16xf32>,
      %add3A_538 = arith.constant 1 : i32
      %add3A_539 = vector.broadcast %add3A_538 : i32 to vector<16xi32>
      %add3A_540 = arith.addi %broadcast_in_dim3A_12, %add3A_539 : vector<16xi32>
      tpu.vector_store_idx %arg23[%add3A_537, %add3A_540], %broadcast_in_dim3A_10 : memref<80x16xf32, #tpu.memory_space<vmem>>[vector<16xi32>, vector<16xi32>], vector<16xf32>,
      %add3A_541 = arith.constant 2 : i32
      %add3A_542 = vector.broadcast %add3A_541 : i32 to vector<16xi32>
      %add3A_543 = arith.addi %broadcast_in_dim3A_12, %add3A_542 : vector<16xi32>
      tpu.vector_store_idx %arg23[%add3A_537, %add3A_543], %bitcast3A_520 : memref<80x16xf32, #tpu.memory_space<vmem>>[vector<16xi32>, vector<16xi32>], vector<16xf32>,
      %add3A_544 = arith.constant 3 : i32
      %add3A_545 = vector.broadcast %add3A_544 : i32 to vector<16xi32>
      %add3A_546 = arith.addi %broadcast_in_dim3A_12, %add3A_545 : vector<16xi32>
      tpu.vector_store_idx %arg23[%add3A_537, %add3A_546], %bitcast3A_523 : memref<80x16xf32, #tpu.memory_space<vmem>>[vector<16xi32>, vector<16xi32>], vector<16xf32>,
      %get3A_547 = arith.constant 32 : index
      %get3A_548 = tpu.vector_load %arg18[%get3A_547] {strides = array<i32>} : memref<320xi32, #tpu.memory_space<vmem>>, vector<16xi32>,
      %get3A_549 = arith.constant 112 : index
      %get3A_550 = tpu.vector_load %arg18[%get3A_549] {strides = array<i32>} : memref<320xi32, #tpu.memory_space<vmem>>, vector<16xi32>,
      %swap3A_551 = arith.constant 32 : index
      %swap3A_552 = tpu.vector_load %arg20[%swap3A_551] {strides = array<i32>} : memref<80xi32, #tpu.memory_space<vmem>>, vector<16xi32>,
      tpu.vector_store %arg20[%swap3A_551], %get3A_550 {strides = array<i32>} : memref<80xi32, #tpu.memory_space<vmem>>, vector<16xi32>,
      %mul3A_553 = arith.constant 2 : i32
      %mul3A_554 = vector.broadcast %mul3A_553 : i32 to vector<16xi32>
      %mul3A_555 = arith.muli %get3A_548, %mul3A_554 : vector<16xi32>
      %gather3A_556 = tpu.vector_load_idx %arg10[%mul3A_555] : memref<20000xf32, #tpu.memory_space<vmem>>[vector<16xi32>], vector<16xf32>,
      %mul3A_557 = arith.constant 2 : i32
      %mul3A_558 = vector.broadcast %mul3A_557 : i32 to vector<16xi32>
      %mul3A_559 = arith.muli %get3A_550, %mul3A_558 : vector<16xi32>
      %add3A_560 = arith.constant 1 : i32
      %add3A_561 = vector.broadcast %add3A_560 : i32 to vector<16xi32>
      %add3A_562 = arith.addi %mul3A_559, %add3A_561 : vector<16xi32>
      %gather3A_563 = tpu.vector_load_idx %arg10[%add3A_562] : memref<20000xf32, #tpu.memory_space<vmem>>[vector<16xi32>], vector<16xf32>,
      %get3A_564 = arith.constant 192 : index
      %get3A_565 = tpu.vector_load %arg18[%get3A_564] {strides = array<i32>} : memref<320xi32, #tpu.memory_space<vmem>>, vector<16xi32>,
      %bitcast3A_566 = vector.bitcast %get3A_565 : vector<16xi32> to vector<16xf32>
      %get3A_567 = arith.constant 272 : index
      %get3A_568 = tpu.vector_load %arg18[%get3A_567] {strides = array<i32>} : memref<320xi32, #tpu.memory_space<vmem>>, vector<16xi32>,
      %bitcast3A_569 = vector.bitcast %get3A_568 : vector<16xi32> to vector<16xf32>
      %add3A_570 = arith.addf %gather3A_556, %gather3A_563 : vector<16xf32>
      %get3A_571 = arith.constant 32 : index
      %get3A_572 = tpu.vector_load %arg21[%get3A_571] {strides = array<i32>} : memref<80xf32, #tpu.memory_space<vmem>>, vector<16xf32>,
      %add3A_573 = arith.addf %add3A_570, %get3A_572 : vector<16xf32>
      %mul3A_574 = arith.constant 2.000000e-01 : f32
      %mul3A_575 = vector.broadcast %mul3A_574 : f32 to vector<16xf32>
      %mul3A_576 = arith.mulf %mul3A_575, %add3A_573 : vector<16xf32>
      %max3A_577 = arith.maximumf %add3A_573, %mul3A_576 : vector<16xf32>
      %exp3A_578 = math.exp %max3A_577 : vector<16xf32>
      %swap3A_579 = arith.constant 32 : index
      %swap3A_580 = tpu.vector_load %arg11[%swap3A_579] {strides = array<i32>} : memref<80xf32, #tpu.memory_space<vmem>>, vector<16xf32>,
      tpu.vector_store %arg11[%swap3A_579], %exp3A_578 {strides = array<i32>} : memref<80xf32, #tpu.memory_space<vmem>>, vector<16xf32>,
      %add3A_581 = arith.constant 32 : i32
      %add3A_582 = vector.broadcast %add3A_581 : i32 to vector<16xi32>
      %add3A_583 = arith.addi %add3A_582, %iota3A : vector<16xi32>
      tpu.vector_store_idx %arg23[%add3A_583, %broadcast_in_dim3A_12], %exp3A_578 : memref<80x16xf32, #tpu.memory_space<vmem>>[vector<16xi32>, vector<16xi32>], vector<16xf32>,
      %add3A_584 = arith.constant 1 : i32
      %add3A_585 = vector.broadcast %add3A_584 : i32 to vector<16xi32>
      %add3A_586 = arith.addi %broadcast_in_dim3A_12, %add3A_585 : vector<16xi32>
      tpu.vector_store_idx %arg23[%add3A_583, %add3A_586], %broadcast_in_dim3A_10 : memref<80x16xf32, #tpu.memory_space<vmem>>[vector<16xi32>, vector<16xi32>], vector<16xf32>,
      %add3A_587 = arith.constant 2 : i32
      %add3A_588 = vector.broadcast %add3A_587 : i32 to vector<16xi32>
      %add3A_589 = arith.addi %broadcast_in_dim3A_12, %add3A_588 : vector<16xi32>
      tpu.vector_store_idx %arg23[%add3A_583, %add3A_589], %bitcast3A_566 : memref<80x16xf32, #tpu.memory_space<vmem>>[vector<16xi32>, vector<16xi32>], vector<16xf32>,
      %add3A_590 = arith.constant 3 : i32
      %add3A_591 = vector.broadcast %add3A_590 : i32 to vector<16xi32>
      %add3A_592 = arith.addi %broadcast_in_dim3A_12, %add3A_591 : vector<16xi32>
      tpu.vector_store_idx %arg23[%add3A_583, %add3A_592], %bitcast3A_569 : memref<80x16xf32, #tpu.memory_space<vmem>>[vector<16xi32>, vector<16xi32>], vector<16xf32>,
      %get3A_593 = arith.constant 48 : index
      %get3A_594 = tpu.vector_load %arg18[%get3A_593] {strides = array<i32>} : memref<320xi32, #tpu.memory_space<vmem>>, vector<16xi32>,
      %get3A_595 = arith.constant 128 : index
      %get3A_596 = tpu.vector_load %arg18[%get3A_595] {strides = array<i32>} : memref<320xi32, #tpu.memory_space<vmem>>, vector<16xi32>,
      %swap3A_597 = arith.constant 48 : index
      %swap3A_598 = tpu.vector_load %arg20[%swap3A_597] {strides = array<i32>} : memref<80xi32, #tpu.memory_space<vmem>>, vector<16xi32>,
      tpu.vector_store %arg20[%swap3A_597], %get3A_596 {strides = array<i32>} : memref<80xi32, #tpu.memory_space<vmem>>, vector<16xi32>,
      %mul3A_599 = arith.constant 2 : i32
      %mul3A_600 = vector.broadcast %mul3A_599 : i32 to vector<16xi32>
      %mul3A_601 = arith.muli %get3A_594, %mul3A_600 : vector<16xi32>
      %gather3A_602 = tpu.vector_load_idx %arg10[%mul3A_601] : memref<20000xf32, #tpu.memory_space<vmem>>[vector<16xi32>], vector<16xf32>,
      %mul3A_603 = arith.constant 2 : i32
      %mul3A_604 = vector.broadcast %mul3A_603 : i32 to vector<16xi32>
      %mul3A_605 = arith.muli %get3A_596, %mul3A_604 : vector<16xi32>
      %add3A_606 = arith.constant 1 : i32
      %add3A_607 = vector.broadcast %add3A_606 : i32 to vector<16xi32>
      %add3A_608 = arith.addi %mul3A_605, %add3A_607 : vector<16xi32>
      %gather3A_609 = tpu.vector_load_idx %arg10[%add3A_608] : memref<20000xf32, #tpu.memory_space<vmem>>[vector<16xi32>], vector<16xf32>,
      %get3A_610 = arith.constant 208 : index
      %get3A_611 = tpu.vector_load %arg18[%get3A_610] {strides = array<i32>} : memref<320xi32, #tpu.memory_space<vmem>>, vector<16xi32>,
      %bitcast3A_612 = vector.bitcast %get3A_611 : vector<16xi32> to vector<16xf32>
      %get3A_613 = arith.constant 288 : index
      %get3A_614 = tpu.vector_load %arg18[%get3A_613] {strides = array<i32>} : memref<320xi32, #tpu.memory_space<vmem>>, vector<16xi32>,
      %bitcast3A_615 = vector.bitcast %get3A_614 : vector<16xi32> to vector<16xf32>
      %add3A_616 = arith.addf %gather3A_602, %gather3A_609 : vector<16xf32>
      %get3A_617 = arith.constant 48 : index
      %get3A_618 = tpu.vector_load %arg21[%get3A_617] {strides = array<i32>} : memref<80xf32, #tpu.memory_space<vmem>>, vector<16xf32>,
      %add3A_619 = arith.addf %add3A_616, %get3A_618 : vector<16xf32>
      %mul3A_620 = arith.constant 2.000000e-01 : f32
      %mul3A_621 = vector.broadcast %mul3A_620 : f32 to vector<16xf32>
      %mul3A_622 = arith.mulf %mul3A_621, %add3A_619 : vector<16xf32>
      %max3A_623 = arith.maximumf %add3A_619, %mul3A_622 : vector<16xf32>
      %exp3A_624 = math.exp %max3A_623 : vector<16xf32>
      %swap3A_625 = arith.constant 48 : index
      %swap3A_626 = tpu.vector_load %arg11[%swap3A_625] {strides = array<i32>} : memref<80xf32, #tpu.memory_space<vmem>>, vector<16xf32>,
      tpu.vector_store %arg11[%swap3A_625], %exp3A_624 {strides = array<i32>} : memref<80xf32, #tpu.memory_space<vmem>>, vector<16xf32>,
      %add3A_627 = arith.constant 48 : i32
      %add3A_628 = vector.broadcast %add3A_627 : i32 to vector<16xi32>
      %add3A_629 = arith.addi %add3A_628, %iota3A : vector<16xi32>
      tpu.vector_store_idx %arg23[%add3A_629, %broadcast_in_dim3A_12], %exp3A_624 : memref<80x16xf32, #tpu.memory_space<vmem>>[vector<16xi32>, vector<16xi32>], vector<16xf32>,
      %add3A_630 = arith.constant 1 : i32
      %add3A_631 = vector.broadcast %add3A_630 : i32 to vector<16xi32>
      %add3A_632 = arith.addi %broadcast_in_dim3A_12, %add3A_631 : vector<16xi32>
      tpu.vector_store_idx %arg23[%add3A_629, %add3A_632], %broadcast_in_dim3A_10 : memref<80x16xf32, #tpu.memory_space<vmem>>[vector<16xi32>, vector<16xi32>], vector<16xf32>,
      %add3A_633 = arith.constant 2 : i32
      %add3A_634 = vector.broadcast %add3A_633 : i32 to vector<16xi32>
      %add3A_635 = arith.addi %broadcast_in_dim3A_12, %add3A_634 : vector<16xi32>
      tpu.vector_store_idx %arg23[%add3A_629, %add3A_635], %bitcast3A_612 : memref<80x16xf32, #tpu.memory_space<vmem>>[vector<16xi32>, vector<16xi32>], vector<16xf32>,
      %add3A_636 = arith.constant 3 : i32
      %add3A_637 = vector.broadcast %add3A_636 : i32 to vector<16xi32>
      %add3A_638 = arith.addi %broadcast_in_dim3A_12, %add3A_637 : vector<16xi32>
      tpu.vector_store_idx %arg23[%add3A_629, %add3A_638], %bitcast3A_615 : memref<80x16xf32, #tpu.memory_space<vmem>>[vector<16xi32>, vector<16xi32>], vector<16xf32>,
      %get3A_639 = arith.constant 64 : index
      %get3A_640 = tpu.vector_load %arg18[%get3A_639] {strides = array<i32>} : memref<320xi32, #tpu.memory_space<vmem>>, vector<16xi32>,
      %get3A_641 = arith.constant 144 : index
      %get3A_642 = tpu.vector_load %arg18[%get3A_641] {strides = array<i32>} : memref<320xi32, #tpu.memory_space<vmem>>, vector<16xi32>,
      %swap3A_643 = arith.constant 64 : index
      %swap3A_644 = tpu.vector_load %arg20[%swap3A_643] {strides = array<i32>} : memref<80xi32, #tpu.memory_space<vmem>>, vector<16xi32>,
      tpu.vector_store %arg20[%swap3A_643], %get3A_642 {strides = array<i32>} : memref<80xi32, #tpu.memory_space<vmem>>, vector<16xi32>,
      %mul3A_645 = arith.constant 2 : i32
      %mul3A_646 = vector.broadcast %mul3A_645 : i32 to vector<16xi32>
      %mul3A_647 = arith.muli %get3A_640, %mul3A_646 : vector<16xi32>
      %gather3A_648 = tpu.vector_load_idx %arg10[%mul3A_647] : memref<20000xf32, #tpu.memory_space<vmem>>[vector<16xi32>], vector<16xf32>,
      %mul3A_649 = arith.constant 2 : i32
      %mul3A_650 = vector.broadcast %mul3A_649 : i32 to vector<16xi32>
      %mul3A_651 = arith.muli %get3A_642, %mul3A_650 : vector<16xi32>
      %add3A_652 = arith.constant 1 : i32
      %add3A_653 = vector.broadcast %add3A_652 : i32 to vector<16xi32>
      %add3A_654 = arith.addi %mul3A_651, %add3A_653 : vector<16xi32>
      %gather3A_655 = tpu.vector_load_idx %arg10[%add3A_654] : memref<20000xf32, #tpu.memory_space<vmem>>[vector<16xi32>], vector<16xf32>,
      %get3A_656 = arith.constant 224 : index
      %get3A_657 = tpu.vector_load %arg18[%get3A_656] {strides = array<i32>} : memref<320xi32, #tpu.memory_space<vmem>>, vector<16xi32>,
      %bitcast3A_658 = vector.bitcast %get3A_657 : vector<16xi32> to vector<16xf32>
      %get3A_659 = arith.constant 304 : index
      %get3A_660 = tpu.vector_load %arg18[%get3A_659] {strides = array<i32>} : memref<320xi32, #tpu.memory_space<vmem>>, vector<16xi32>,
      %bitcast3A_661 = vector.bitcast %get3A_660 : vector<16xi32> to vector<16xf32>
      %add3A_662 = arith.addf %gather3A_648, %gather3A_655 : vector<16xf32>
      %get3A_663 = arith.constant 64 : index
      %get3A_664 = tpu.vector_load %arg21[%get3A_663] {strides = array<i32>} : memref<80xf32, #tpu.memory_space<vmem>>, vector<16xf32>,
      %add3A_665 = arith.addf %add3A_662, %get3A_664 : vector<16xf32>
      %mul3A_666 = arith.constant 2.000000e-01 : f32
      %mul3A_667 = vector.broadcast %mul3A_666 : f32 to vector<16xf32>
      %mul3A_668 = arith.mulf %mul3A_667, %add3A_665 : vector<16xf32>
      %max3A_669 = arith.maximumf %add3A_665, %mul3A_668 : vector<16xf32>
      %exp3A_670 = math.exp %max3A_669 : vector<16xf32>
      %swap3A_671 = arith.constant 64 : index
      %swap3A_672 = tpu.vector_load %arg11[%swap3A_671] {strides = array<i32>} : memref<80xf32, #tpu.memory_space<vmem>>, vector<16xf32>,
      tpu.vector_store %arg11[%swap3A_671], %exp3A_670 {strides = array<i32>} : memref<80xf32, #tpu.memory_space<vmem>>, vector<16xf32>,
      %add3A_673 = arith.constant 64 : i32
      %add3A_674 = vector.broadcast %add3A_673 : i32 to vector<16xi32>
      %add3A_675 = arith.addi %add3A_674, %iota3A : vector<16xi32>
      tpu.vector_store_idx %arg23[%add3A_675, %broadcast_in_dim3A_12], %exp3A_670 : memref<80x16xf32, #tpu.memory_space<vmem>>[vector<16xi32>, vector<16xi32>], vector<16xf32>,
      %add3A_676 = arith.constant 1 : i32
      %add3A_677 = vector.broadcast %add3A_676 : i32 to vector<16xi32>
      %add3A_678 = arith.addi %broadcast_in_dim3A_12, %add3A_677 : vector<16xi32>
      tpu.vector_store_idx %arg23[%add3A_675, %add3A_678], %broadcast_in_dim3A_10 : memref<80x16xf32, #tpu.memory_space<vmem>>[vector<16xi32>, vector<16xi32>], vector<16xf32>,
      %add3A_679 = arith.constant 2 : i32
      %add3A_680 = vector.broadcast %add3A_679 : i32 to vector<16xi32>
      %add3A_681 = arith.addi %broadcast_in_dim3A_12, %add3A_680 : vector<16xi32>
      tpu.vector_store_idx %arg23[%add3A_675, %add3A_681], %bitcast3A_658 : memref<80x16xf32, #tpu.memory_space<vmem>>[vector<16xi32>, vector<16xi32>], vector<16xf32>,
      %add3A_682 = arith.constant 3 : i32
      %add3A_683 = vector.broadcast %add3A_682 : i32 to vector<16xi32>
      %add3A_684 = arith.addi %broadcast_in_dim3A_12, %add3A_683 : vector<16xi32>
      tpu.vector_store_idx %arg23[%add3A_675, %add3A_684], %bitcast3A_661 : memref<80x16xf32, #tpu.memory_space<vmem>>[vector<16xi32>, vector<16xi32>], vector<16xf32>,
      %lt3A_685 = arith.constant 124 : i32
      %lt3A_686 = arith.cmpi slt, %scan3A_114, %lt3A_685 : i32
      %convert_element_type3A_687 = arith.extui %lt3A_686 : i1 to i32
      %cond3A_688 = arith.constant 0 : i32
      %cond3A_689 = arith.cmpi ne, %convert_element_type3A_687, %cond3A_688 : i32
      scf.if %cond3A_689 {
        %add3A_707 = arith.constant 2 : i32
        %add3A_708 = arith.addi %mul3A_116, %add3A_707 : i32
        %add3A_709 = arith.addi %mul3A_7, %add3A_708 : i32
        %dma_wait3A_710 = arith.constant 0 : i32
        %dma_wait3A_711 = tpu.memref_slice %arg4[%add3A_709, %dma_wait3A_710] : memref<4000x320xi32, #tpu.memory_space<hbm>> -> memref<1x320xi32, #tpu.memory_space<hbm>>
        %dma_wait3A_712 = tpu.memref_squeeze %dma_wait3A_711 : memref<1x320xi32, #tpu.memory_space<hbm>> -> memref<320xi32, #tpu.memory_space<hbm>>
        %dma_wait3A_713 = arith.constant 0 : i32
        %dma_wait3A_714 = tpu.memref_slice %arg4[%add3A_709, %dma_wait3A_713] : memref<4000x320xi32, #tpu.memory_space<hbm>> -> memref<1x320xi32, #tpu.memory_space<hbm>>
        %dma_wait3A_715 = tpu.memref_squeeze %dma_wait3A_714 : memref<1x320xi32, #tpu.memory_space<hbm>> -> memref<320xi32, #tpu.memory_space<hbm>>
        tpu.wait_dma2 semaphore(%arg29 : memref<!tpu.dma_semaphore, #tpu.memory_space<semaphore_mem>>) src(%dma_wait3A_715 : memref<320xi32, #tpu.memory_space<hbm>>) dst(%arg12 : memref<320xi32, #tpu.memory_space<vmem>>)
        %mul3A_716 = arith.constant 80 : i32
        %mul3A_717 = arith.muli %add3A_708, %mul3A_716 : i32
        %add3A_718 = arith.addi %mul3A_9, %mul3A_717 : i32
        %dma_wait3A_719 = tpu.memref_slice %arg5[%add3A_718] : memref<320000xf32, #tpu.memory_space<hbm>> -> memref<80xf32, #tpu.memory_space<hbm>>
        %dma_wait3A_720 = tpu.memref_slice %arg5[%add3A_718] : memref<320000xf32, #tpu.memory_space<hbm>> -> memref<80xf32, #tpu.memory_space<hbm>>
        tpu.wait_dma2 semaphore(%arg29 : memref<!tpu.dma_semaphore, #tpu.memory_space<semaphore_mem>>) src(%dma_wait3A_720 : memref<80xf32, #tpu.memory_space<hbm>>) dst(%arg15 : memref<80xf32, #tpu.memory_space<vmem>>)
        %dma_wait3A_721 = arith.constant 0 : i32
        %dma_wait3A_722 = arith.constant 0 : i32
        %dma_wait3A_723 = tpu.memref_slice %arg24[%dma_wait3A_721, %dma_wait3A_722] : memref<10000x64xf32, #tpu.memory_space<vmem_shared>> -> memref<10000x64xf32, #tpu.memory_space<vmem_shared>>
        tpu.wait_indirect_dma semaphore(%arg27 : memref<!tpu.dma_semaphore, #tpu.memory_space<semaphore_mem>>) src(%arg16 : memref<80x64xf32, #tpu.memory_space<vmem>>) dst(%dma_wait3A_723 : memref<10000x64xf32, #tpu.memory_space<vmem_shared>>)
        %get3A_724 = arith.constant 0 : index
        %get3A_725 = tpu.vector_load %arg12[%get3A_724] {strides = array<i32>} : memref<320xi32, #tpu.memory_space<vmem>>, vector<16xi32>,
        %mul3A_726 = arith.constant 2 : i32
        %mul3A_727 = vector.broadcast %mul3A_726 : i32 to vector<16xi32>
        %mul3A_728 = arith.muli %get3A_725, %mul3A_727 : vector<16xi32>
        %add3A_729 = vector.broadcast %arg0 : i32 to vector<16xi32>
        %add3A_730 = arith.addi %mul3A_728, %add3A_729 : vector<16xi32>
        %swap3A_731 = arith.constant 0 : index
        %swap3A_732 = tpu.vector_load %arg13[%swap3A_731] {strides = array<i32>} : memref<80xi32, #tpu.memory_space<vmem>>, vector<16xi32>,
        tpu.vector_store %arg13[%swap3A_731], %add3A_730 {strides = array<i32>} : memref<80xi32, #tpu.memory_space<vmem>>, vector<16xi32>,
        %get3A_733 = arith.constant 16 : index
        %get3A_734 = tpu.vector_load %arg12[%get3A_733] {strides = array<i32>} : memref<320xi32, #tpu.memory_space<vmem>>, vector<16xi32>,
        %mul3A_735 = arith.constant 2 : i32
        %mul3A_736 = vector.broadcast %mul3A_735 : i32 to vector<16xi32>
        %mul3A_737 = arith.muli %get3A_734, %mul3A_736 : vector<16xi32>
        %add3A_738 = vector.broadcast %arg0 : i32 to vector<16xi32>
        %add3A_739 = arith.addi %mul3A_737, %add3A_738 : vector<16xi32>
        %swap3A_740 = arith.constant 16 : index
        %swap3A_741 = tpu.vector_load %arg13[%swap3A_740] {strides = array<i32>} : memref<80xi32, #tpu.memory_space<vmem>>, vector<16xi32>,
        tpu.vector_store %arg13[%swap3A_740], %add3A_739 {strides = array<i32>} : memref<80xi32, #tpu.memory_space<vmem>>, vector<16xi32>,
        %get3A_742 = arith.constant 32 : index
        %get3A_743 = tpu.vector_load %arg12[%get3A_742] {strides = array<i32>} : memref<320xi32, #tpu.memory_space<vmem>>, vector<16xi32>,
        %mul3A_744 = arith.constant 2 : i32
        %mul3A_745 = vector.broadcast %mul3A_744 : i32 to vector<16xi32>
        %mul3A_746 = arith.muli %get3A_743, %mul3A_745 : vector<16xi32>
        %add3A_747 = vector.broadcast %arg0 : i32 to vector<16xi32>
        %add3A_748 = arith.addi %mul3A_746, %add3A_747 : vector<16xi32>
        %swap3A_749 = arith.constant 32 : index
        %swap3A_750 = tpu.vector_load %arg13[%swap3A_749] {strides = array<i32>} : memref<80xi32, #tpu.memory_space<vmem>>, vector<16xi32>,
        tpu.vector_store %arg13[%swap3A_749], %add3A_748 {strides = array<i32>} : memref<80xi32, #tpu.memory_space<vmem>>, vector<16xi32>,
        %get3A_751 = arith.constant 48 : index
        %get3A_752 = tpu.vector_load %arg12[%get3A_751] {strides = array<i32>} : memref<320xi32, #tpu.memory_space<vmem>>, vector<16xi32>,
        %mul3A_753 = arith.constant 2 : i32
        %mul3A_754 = vector.broadcast %mul3A_753 : i32 to vector<16xi32>
        %mul3A_755 = arith.muli %get3A_752, %mul3A_754 : vector<16xi32>
        %add3A_756 = vector.broadcast %arg0 : i32 to vector<16xi32>
        %add3A_757 = arith.addi %mul3A_755, %add3A_756 : vector<16xi32>
        %swap3A_758 = arith.constant 48 : index
        %swap3A_759 = tpu.vector_load %arg13[%swap3A_758] {strides = array<i32>} : memref<80xi32, #tpu.memory_space<vmem>>, vector<16xi32>,
        tpu.vector_store %arg13[%swap3A_758], %add3A_757 {strides = array<i32>} : memref<80xi32, #tpu.memory_space<vmem>>, vector<16xi32>,
        %get3A_760 = arith.constant 64 : index
        %get3A_761 = tpu.vector_load %arg12[%get3A_760] {strides = array<i32>} : memref<320xi32, #tpu.memory_space<vmem>>, vector<16xi32>,
        %mul3A_762 = arith.constant 2 : i32
        %mul3A_763 = vector.broadcast %mul3A_762 : i32 to vector<16xi32>
        %mul3A_764 = arith.muli %get3A_761, %mul3A_763 : vector<16xi32>
        %add3A_765 = vector.broadcast %arg0 : i32 to vector<16xi32>
        %add3A_766 = arith.addi %mul3A_764, %add3A_765 : vector<16xi32>
        %swap3A_767 = arith.constant 64 : index
        %swap3A_768 = tpu.vector_load %arg13[%swap3A_767] {strides = array<i32>} : memref<80xi32, #tpu.memory_space<vmem>>, vector<16xi32>,
        tpu.vector_store %arg13[%swap3A_767], %add3A_766 {strides = array<i32>} : memref<80xi32, #tpu.memory_space<vmem>>, vector<16xi32>,
        %dma_start3A_769 = arith.constant 0 : i32
        %dma_start3A_770 = arith.constant 0 : i32
        %dma_start3A_771 = tpu.memref_slice %arg2[%dma_start3A_769, %dma_start3A_770] : memref<20000x64xf32, #tpu.memory_space<hbm>> -> memref<20000x64xf32, #tpu.memory_space<hbm>>
        tpu.enqueue_indirect_dma source(%dma_start3A_771 : memref<20000x64xf32, #tpu.memory_space<hbm>>) target(%arg16 : memref<80x64xf32, #tpu.memory_space<vmem>>) offsets(%arg13 : memref<80xi32, #tpu.memory_space<vmem>>) semaphore(%arg26 : memref<!tpu.dma_semaphore, #tpu.memory_space<semaphore_mem>>)
      } else {
      }
      %dma_wait3A_690 = arith.constant 0 : i32
      %dma_wait3A_691 = arith.constant 0 : i32
      %dma_wait3A_692 = tpu.memref_slice %arg2[%dma_wait3A_690, %dma_wait3A_691] : memref<20000x64xf32, #tpu.memory_space<hbm>> -> memref<20000x64xf32, #tpu.memory_space<hbm>>
      tpu.wait_indirect_dma semaphore(%arg30 : memref<!tpu.dma_semaphore, #tpu.memory_space<semaphore_mem>>) src(%dma_wait3A_692 : memref<20000x64xf32, #tpu.memory_space<hbm>>) dst(%arg22 : memref<80x64xf32, #tpu.memory_space<vmem>>)
      %scan3A_693 = arith.constant 0 : i32
      %scan3A_694 = arith.constant 0 : i32
      %scan3A_695 = arith.constant 20 : i32
      %scan3A_696 = arith.addi %scan3A_694, %scan3A_695 : i32
      %scan3A_697 = arith.constant 1 : i32
      scf.for %scan3A_707 = %scan3A_694 to %scan3A_696 step %scan3A_697  : i32 {
        %mul3A_708 = arith.constant 4 : i32
        %mul3A_709 = arith.muli %scan3A_707, %mul3A_708 : i32
        %add3A_710 = arith.constant 0 : i32
        %add3A_711 = arith.addi %mul3A_709, %add3A_710 : i32
        %add3A_712 = vector.broadcast %add3A_711 : i32 to vector<16xi32>
        %add3A_713 = arith.addi %broadcast_in_dim3A_12, %add3A_712 : vector<16xi32>
        %gather3A_714 = tpu.vector_load_idx %arg11[%add3A_713] : memref<80xf32, #tpu.memory_space<vmem>>[vector<16xi32>], vector<16xf32>,
        %get3A_715 = arith.index_cast %add3A_711 : i32 to index
        %get3A_716 = arith.constant 0 : index
        %get3A_717 = tpu.vector_load %arg22[%get3A_715, %get3A_716] {strides = array<i32>} : memref<80x64xf32, #tpu.memory_space<vmem>>, vector<16xf32>,
        %mul3A_718 = arith.mulf %get3A_717, %gather3A_714 : vector<16xf32>
        %swap3A_719 = arith.index_cast %add3A_711 : i32 to index
        %swap3A_720 = arith.constant 0 : index
        %swap3A_721 = tpu.vector_load %arg22[%swap3A_719, %swap3A_720] {strides = array<i32>} : memref<80x64xf32, #tpu.memory_space<vmem>>, vector<16xf32>,
        tpu.vector_store %arg22[%swap3A_719, %swap3A_720], %mul3A_718 {strides = array<i32>} : memref<80x64xf32, #tpu.memory_space<vmem>>, vector<16xf32>,
        %get3A_722 = arith.index_cast %add3A_711 : i32 to index
        %get3A_723 = arith.constant 16 : index
        %get3A_724 = tpu.vector_load %arg22[%get3A_722, %get3A_723] {strides = array<i32>} : memref<80x64xf32, #tpu.memory_space<vmem>>, vector<16xf32>,
        %mul3A_725 = arith.mulf %get3A_724, %gather3A_714 : vector<16xf32>
        %swap3A_726 = arith.index_cast %add3A_711 : i32 to index
        %swap3A_727 = arith.constant 16 : index
        %swap3A_728 = tpu.vector_load %arg22[%swap3A_726, %swap3A_727] {strides = array<i32>} : memref<80x64xf32, #tpu.memory_space<vmem>>, vector<16xf32>,
        tpu.vector_store %arg22[%swap3A_726, %swap3A_727], %mul3A_725 {strides = array<i32>} : memref<80x64xf32, #tpu.memory_space<vmem>>, vector<16xf32>,
        %get3A_729 = arith.index_cast %add3A_711 : i32 to index
        %get3A_730 = arith.constant 32 : index
        %get3A_731 = tpu.vector_load %arg22[%get3A_729, %get3A_730] {strides = array<i32>} : memref<80x64xf32, #tpu.memory_space<vmem>>, vector<16xf32>,
        %mul3A_732 = arith.mulf %get3A_731, %gather3A_714 : vector<16xf32>
        %swap3A_733 = arith.index_cast %add3A_711 : i32 to index
        %swap3A_734 = arith.constant 32 : index
        %swap3A_735 = tpu.vector_load %arg22[%swap3A_733, %swap3A_734] {strides = array<i32>} : memref<80x64xf32, #tpu.memory_space<vmem>>, vector<16xf32>,
        tpu.vector_store %arg22[%swap3A_733, %swap3A_734], %mul3A_732 {strides = array<i32>} : memref<80x64xf32, #tpu.memory_space<vmem>>, vector<16xf32>,
        %get3A_736 = arith.index_cast %add3A_711 : i32 to index
        %get3A_737 = arith.constant 48 : index
        %get3A_738 = tpu.vector_load %arg22[%get3A_736, %get3A_737] {strides = array<i32>} : memref<80x64xf32, #tpu.memory_space<vmem>>, vector<16xf32>,
        %mul3A_739 = arith.mulf %get3A_738, %gather3A_714 : vector<16xf32>
        %swap3A_740 = arith.index_cast %add3A_711 : i32 to index
        %swap3A_741 = arith.constant 48 : index
        %swap3A_742 = tpu.vector_load %arg22[%swap3A_740, %swap3A_741] {strides = array<i32>} : memref<80x64xf32, #tpu.memory_space<vmem>>, vector<16xf32>,
        tpu.vector_store %arg22[%swap3A_740, %swap3A_741], %mul3A_739 {strides = array<i32>} : memref<80x64xf32, #tpu.memory_space<vmem>>, vector<16xf32>,
        %mul3A_743 = arith.constant 4 : i32
        %mul3A_744 = arith.muli %scan3A_707, %mul3A_743 : i32
        %add3A_745 = arith.constant 1 : i32
        %add3A_746 = arith.addi %mul3A_744, %add3A_745 : i32
        %add3A_747 = vector.broadcast %add3A_746 : i32 to vector<16xi32>
        %add3A_748 = arith.addi %broadcast_in_dim3A_12, %add3A_747 : vector<16xi32>
        %gather3A_749 = tpu.vector_load_idx %arg11[%add3A_748] : memref<80xf32, #tpu.memory_space<vmem>>[vector<16xi32>], vector<16xf32>,
        %get3A_750 = arith.index_cast %add3A_746 : i32 to index
        %get3A_751 = arith.constant 0 : index
        %get3A_752 = tpu.vector_load %arg22[%get3A_750, %get3A_751] {strides = array<i32>} : memref<80x64xf32, #tpu.memory_space<vmem>>, vector<16xf32>,
        %mul3A_753 = arith.mulf %get3A_752, %gather3A_749 : vector<16xf32>
        %swap3A_754 = arith.index_cast %add3A_746 : i32 to index
        %swap3A_755 = arith.constant 0 : index
        %swap3A_756 = tpu.vector_load %arg22[%swap3A_754, %swap3A_755] {strides = array<i32>} : memref<80x64xf32, #tpu.memory_space<vmem>>, vector<16xf32>,
        tpu.vector_store %arg22[%swap3A_754, %swap3A_755], %mul3A_753 {strides = array<i32>} : memref<80x64xf32, #tpu.memory_space<vmem>>, vector<16xf32>,
        %get3A_757 = arith.index_cast %add3A_746 : i32 to index
        %get3A_758 = arith.constant 16 : index
        %get3A_759 = tpu.vector_load %arg22[%get3A_757, %get3A_758] {strides = array<i32>} : memref<80x64xf32, #tpu.memory_space<vmem>>, vector<16xf32>,
        %mul3A_760 = arith.mulf %get3A_759, %gather3A_749 : vector<16xf32>
        %swap3A_761 = arith.index_cast %add3A_746 : i32 to index
        %swap3A_762 = arith.constant 16 : index
        %swap3A_763 = tpu.vector_load %arg22[%swap3A_761, %swap3A_762] {strides = array<i32>} : memref<80x64xf32, #tpu.memory_space<vmem>>, vector<16xf32>,
        tpu.vector_store %arg22[%swap3A_761, %swap3A_762], %mul3A_760 {strides = array<i32>} : memref<80x64xf32, #tpu.memory_space<vmem>>, vector<16xf32>,
        %get3A_764 = arith.index_cast %add3A_746 : i32 to index
        %get3A_765 = arith.constant 32 : index
        %get3A_766 = tpu.vector_load %arg22[%get3A_764, %get3A_765] {strides = array<i32>} : memref<80x64xf32, #tpu.memory_space<vmem>>, vector<16xf32>,
        %mul3A_767 = arith.mulf %get3A_766, %gather3A_749 : vector<16xf32>
        %swap3A_768 = arith.index_cast %add3A_746 : i32 to index
        %swap3A_769 = arith.constant 32 : index
        %swap3A_770 = tpu.vector_load %arg22[%swap3A_768, %swap3A_769] {strides = array<i32>} : memref<80x64xf32, #tpu.memory_space<vmem>>, vector<16xf32>,
        tpu.vector_store %arg22[%swap3A_768, %swap3A_769], %mul3A_767 {strides = array<i32>} : memref<80x64xf32, #tpu.memory_space<vmem>>, vector<16xf32>,
        %get3A_771 = arith.index_cast %add3A_746 : i32 to index
        %get3A_772 = arith.constant 48 : index
        %get3A_773 = tpu.vector_load %arg22[%get3A_771, %get3A_772] {strides = array<i32>} : memref<80x64xf32, #tpu.memory_space<vmem>>, vector<16xf32>,
        %mul3A_774 = arith.mulf %get3A_773, %gather3A_749 : vector<16xf32>
        %swap3A_775 = arith.index_cast %add3A_746 : i32 to index
        %swap3A_776 = arith.constant 48 : index
        %swap3A_777 = tpu.vector_load %arg22[%swap3A_775, %swap3A_776] {strides = array<i32>} : memref<80x64xf32, #tpu.memory_space<vmem>>, vector<16xf32>,
        tpu.vector_store %arg22[%swap3A_775, %swap3A_776], %mul3A_774 {strides = array<i32>} : memref<80x64xf32, #tpu.memory_space<vmem>>, vector<16xf32>,
        %mul3A_778 = arith.constant 4 : i32
        %mul3A_779 = arith.muli %scan3A_707, %mul3A_778 : i32
        %add3A_780 = arith.constant 2 : i32
        %add3A_781 = arith.addi %mul3A_779, %add3A_780 : i32
        %add3A_782 = vector.broadcast %add3A_781 : i32 to vector<16xi32>
        %add3A_783 = arith.addi %broadcast_in_dim3A_12, %add3A_782 : vector<16xi32>
        %gather3A_784 = tpu.vector_load_idx %arg11[%add3A_783] : memref<80xf32, #tpu.memory_space<vmem>>[vector<16xi32>], vector<16xf32>,
        %get3A_785 = arith.index_cast %add3A_781 : i32 to index
        %get3A_786 = arith.constant 0 : index
        %get3A_787 = tpu.vector_load %arg22[%get3A_785, %get3A_786] {strides = array<i32>} : memref<80x64xf32, #tpu.memory_space<vmem>>, vector<16xf32>,
        %mul3A_788 = arith.mulf %get3A_787, %gather3A_784 : vector<16xf32>
        %swap3A_789 = arith.index_cast %add3A_781 : i32 to index
        %swap3A_790 = arith.constant 0 : index
        %swap3A_791 = tpu.vector_load %arg22[%swap3A_789, %swap3A_790] {strides = array<i32>} : memref<80x64xf32, #tpu.memory_space<vmem>>, vector<16xf32>,
        tpu.vector_store %arg22[%swap3A_789, %swap3A_790], %mul3A_788 {strides = array<i32>} : memref<80x64xf32, #tpu.memory_space<vmem>>, vector<16xf32>,
        %get3A_792 = arith.index_cast %add3A_781 : i32 to index
        %get3A_793 = arith.constant 16 : index
        %get3A_794 = tpu.vector_load %arg22[%get3A_792, %get3A_793] {strides = array<i32>} : memref<80x64xf32, #tpu.memory_space<vmem>>, vector<16xf32>,
        %mul3A_795 = arith.mulf %get3A_794, %gather3A_784 : vector<16xf32>
        %swap3A_796 = arith.index_cast %add3A_781 : i32 to index
        %swap3A_797 = arith.constant 16 : index
        %swap3A_798 = tpu.vector_load %arg22[%swap3A_796, %swap3A_797] {strides = array<i32>} : memref<80x64xf32, #tpu.memory_space<vmem>>, vector<16xf32>,
        tpu.vector_store %arg22[%swap3A_796, %swap3A_797], %mul3A_795 {strides = array<i32>} : memref<80x64xf32, #tpu.memory_space<vmem>>, vector<16xf32>,
        %get3A_799 = arith.index_cast %add3A_781 : i32 to index
        %get3A_800 = arith.constant 32 : index
        %get3A_801 = tpu.vector_load %arg22[%get3A_799, %get3A_800] {strides = array<i32>} : memref<80x64xf32, #tpu.memory_space<vmem>>, vector<16xf32>,
        %mul3A_802 = arith.mulf %get3A_801, %gather3A_784 : vector<16xf32>
        %swap3A_803 = arith.index_cast %add3A_781 : i32 to index
        %swap3A_804 = arith.constant 32 : index
        %swap3A_805 = tpu.vector_load %arg22[%swap3A_803, %swap3A_804] {strides = array<i32>} : memref<80x64xf32, #tpu.memory_space<vmem>>, vector<16xf32>,
        tpu.vector_store %arg22[%swap3A_803, %swap3A_804], %mul3A_802 {strides = array<i32>} : memref<80x64xf32, #tpu.memory_space<vmem>>, vector<16xf32>,
        %get3A_806 = arith.index_cast %add3A_781 : i32 to index
        %get3A_807 = arith.constant 48 : index
        %get3A_808 = tpu.vector_load %arg22[%get3A_806, %get3A_807] {strides = array<i32>} : memref<80x64xf32, #tpu.memory_space<vmem>>, vector<16xf32>,
        %mul3A_809 = arith.mulf %get3A_808, %gather3A_784 : vector<16xf32>
        %swap3A_810 = arith.index_cast %add3A_781 : i32 to index
        %swap3A_811 = arith.constant 48 : index
        %swap3A_812 = tpu.vector_load %arg22[%swap3A_810, %swap3A_811] {strides = array<i32>} : memref<80x64xf32, #tpu.memory_space<vmem>>, vector<16xf32>,
        tpu.vector_store %arg22[%swap3A_810, %swap3A_811], %mul3A_809 {strides = array<i32>} : memref<80x64xf32, #tpu.memory_space<vmem>>, vector<16xf32>,
        %mul3A_813 = arith.constant 4 : i32
        %mul3A_814 = arith.muli %scan3A_707, %mul3A_813 : i32
        %add3A_815 = arith.constant 3 : i32
        %add3A_816 = arith.addi %mul3A_814, %add3A_815 : i32
        %add3A_817 = vector.broadcast %add3A_816 : i32 to vector<16xi32>
        %add3A_818 = arith.addi %broadcast_in_dim3A_12, %add3A_817 : vector<16xi32>
        %gather3A_819 = tpu.vector_load_idx %arg11[%add3A_818] : memref<80xf32, #tpu.memory_space<vmem>>[vector<16xi32>], vector<16xf32>,
        %get3A_820 = arith.index_cast %add3A_816 : i32 to index
        %get3A_821 = arith.constant 0 : index
        %get3A_822 = tpu.vector_load %arg22[%get3A_820, %get3A_821] {strides = array<i32>} : memref<80x64xf32, #tpu.memory_space<vmem>>, vector<16xf32>,
        %mul3A_823 = arith.mulf %get3A_822, %gather3A_819 : vector<16xf32>
        %swap3A_824 = arith.index_cast %add3A_816 : i32 to index
        %swap3A_825 = arith.constant 0 : index
        %swap3A_826 = tpu.vector_load %arg22[%swap3A_824, %swap3A_825] {strides = array<i32>} : memref<80x64xf32, #tpu.memory_space<vmem>>, vector<16xf32>,
        tpu.vector_store %arg22[%swap3A_824, %swap3A_825], %mul3A_823 {strides = array<i32>} : memref<80x64xf32, #tpu.memory_space<vmem>>, vector<16xf32>,
        %get3A_827 = arith.index_cast %add3A_816 : i32 to index
        %get3A_828 = arith.constant 16 : index
        %get3A_829 = tpu.vector_load %arg22[%get3A_827, %get3A_828] {strides = array<i32>} : memref<80x64xf32, #tpu.memory_space<vmem>>, vector<16xf32>,
        %mul3A_830 = arith.mulf %get3A_829, %gather3A_819 : vector<16xf32>
        %swap3A_831 = arith.index_cast %add3A_816 : i32 to index
        %swap3A_832 = arith.constant 16 : index
        %swap3A_833 = tpu.vector_load %arg22[%swap3A_831, %swap3A_832] {strides = array<i32>} : memref<80x64xf32, #tpu.memory_space<vmem>>, vector<16xf32>,
        tpu.vector_store %arg22[%swap3A_831, %swap3A_832], %mul3A_830 {strides = array<i32>} : memref<80x64xf32, #tpu.memory_space<vmem>>, vector<16xf32>,
        %get3A_834 = arith.index_cast %add3A_816 : i32 to index
        %get3A_835 = arith.constant 32 : index
        %get3A_836 = tpu.vector_load %arg22[%get3A_834, %get3A_835] {strides = array<i32>} : memref<80x64xf32, #tpu.memory_space<vmem>>, vector<16xf32>,
        %mul3A_837 = arith.mulf %get3A_836, %gather3A_819 : vector<16xf32>
        %swap3A_838 = arith.index_cast %add3A_816 : i32 to index
        %swap3A_839 = arith.constant 32 : index
        %swap3A_840 = tpu.vector_load %arg22[%swap3A_838, %swap3A_839] {strides = array<i32>} : memref<80x64xf32, #tpu.memory_space<vmem>>, vector<16xf32>,
        tpu.vector_store %arg22[%swap3A_838, %swap3A_839], %mul3A_837 {strides = array<i32>} : memref<80x64xf32, #tpu.memory_space<vmem>>, vector<16xf32>,
        %get3A_841 = arith.index_cast %add3A_816 : i32 to index
        %get3A_842 = arith.constant 48 : index
        %get3A_843 = tpu.vector_load %arg22[%get3A_841, %get3A_842] {strides = array<i32>} : memref<80x64xf32, #tpu.memory_space<vmem>>, vector<16xf32>,
        %mul3A_844 = arith.mulf %get3A_843, %gather3A_819 : vector<16xf32>
        %swap3A_845 = arith.index_cast %add3A_816 : i32 to index
        %swap3A_846 = arith.constant 48 : index
        %swap3A_847 = tpu.vector_load %arg22[%swap3A_845, %swap3A_846] {strides = array<i32>} : memref<80x64xf32, #tpu.memory_space<vmem>>, vector<16xf32>,
        tpu.vector_store %arg22[%swap3A_845, %swap3A_846], %mul3A_844 {strides = array<i32>} : memref<80x64xf32, #tpu.memory_space<vmem>>, vector<16xf32>,
      }
      %scan3A_698 = arith.constant 20 : i32
      %dma_start3A_699 = arith.constant 0 : i32
      %dma_start3A_700 = arith.constant 0 : i32
      %dma_start3A_701 = tpu.memref_slice %arg24[%dma_start3A_699, %dma_start3A_700] : memref<10000x64xf32, #tpu.memory_space<vmem_shared>> -> memref<10000x64xf32, #tpu.memory_space<vmem_shared>>
      tpu.enqueue_indirect_dma source(%arg22 : memref<80x64xf32, #tpu.memory_space<vmem>>) target(%dma_start3A_701 : memref<10000x64xf32, #tpu.memory_space<vmem_shared>>) offsets(%arg20 : memref<80xi32, #tpu.memory_space<vmem>>) semaphore(%arg31 : memref<!tpu.dma_semaphore, #tpu.memory_space<semaphore_mem>>) {add = true}
      %eq3A_702 = arith.constant 0 : i32
      %eq3A_703 = arith.cmpi eq, %arg0, %eq3A_702 : i32
      %convert_element_type3A_704 = arith.extui %eq3A_703 : i1 to i32
      %cond3A_705 = arith.constant 0 : i32
      %cond3A_706 = arith.cmpi ne, %convert_element_type3A_704, %cond3A_705 : i32
      scf.if %cond3A_706 {
        %dma_start3A_707 = arith.constant 0 : i32
        %dma_start3A_708 = arith.constant 0 : i32
        %dma_start3A_709 = tpu.memref_slice %arg25[%dma_start3A_707, %dma_start3A_708] : memref<10000x16xf32, #tpu.memory_space<vmem_shared>> -> memref<10000x16xf32, #tpu.memory_space<vmem_shared>>
        tpu.enqueue_indirect_dma source(%arg23 : memref<80x16xf32, #tpu.memory_space<vmem>>) target(%dma_start3A_709 : memref<10000x16xf32, #tpu.memory_space<vmem_shared>>) offsets(%arg20 : memref<80xi32, #tpu.memory_space<vmem>>) semaphore(%arg32 : memref<!tpu.dma_semaphore, #tpu.memory_space<semaphore_mem>>) {add = true}
      } else {
      }
    }
    %scan3A_85 = arith.constant 125 : i32
    %dma_wait3A_86 = arith.constant 0 : i32
    %dma_wait3A_87 = arith.constant 0 : i32
    %dma_wait3A_88 = tpu.memref_slice %arg24[%dma_wait3A_86, %dma_wait3A_87] : memref<10000x64xf32, #tpu.memory_space<vmem_shared>> -> memref<10000x64xf32, #tpu.memory_space<vmem_shared>>
    tpu.wait_indirect_dma semaphore(%arg27 : memref<!tpu.dma_semaphore, #tpu.memory_space<semaphore_mem>>) src(%arg16 : memref<80x64xf32, #tpu.memory_space<vmem>>) dst(%dma_wait3A_88 : memref<10000x64xf32, #tpu.memory_space<vmem_shared>>)
    %eq3A = arith.constant 0 : i32
    %eq3A_89 = arith.cmpi eq, %arg0, %eq3A : i32
    %convert_element_type3A_90 = arith.extui %eq3A_89 : i1 to i32
    %cond3A_91 = arith.constant 0 : i32
    %cond3A_92 = arith.cmpi ne, %convert_element_type3A_90, %cond3A_91 : i32
    scf.if %cond3A_92 {
      %dma_wait3A_114 = arith.constant 0 : i32
      %dma_wait3A_115 = arith.constant 0 : i32
      %dma_wait3A_116 = tpu.memref_slice %arg25[%dma_wait3A_114, %dma_wait3A_115] : memref<10000x16xf32, #tpu.memory_space<vmem_shared>> -> memref<10000x16xf32, #tpu.memory_space<vmem_shared>>
      tpu.wait_indirect_dma semaphore(%arg28 : memref<!tpu.dma_semaphore, #tpu.memory_space<semaphore_mem>>) src(%arg17 : memref<80x16xf32, #tpu.memory_space<vmem>>) dst(%dma_wait3A_116 : memref<10000x16xf32, #tpu.memory_space<vmem_shared>>)
    } else {
    }
    %dma_wait3A_93 = arith.constant 0 : i32
    %dma_wait3A_94 = arith.constant 0 : i32
    %dma_wait3A_95 = tpu.memref_slice %arg24[%dma_wait3A_93, %dma_wait3A_94] : memref<10000x64xf32, #tpu.memory_space<vmem_shared>> -> memref<10000x64xf32, #tpu.memory_space<vmem_shared>>
    tpu.wait_indirect_dma semaphore(%arg31 : memref<!tpu.dma_semaphore, #tpu.memory_space<semaphore_mem>>) src(%arg22 : memref<80x64xf32, #tpu.memory_space<vmem>>) dst(%dma_wait3A_95 : memref<10000x64xf32, #tpu.memory_space<vmem_shared>>)
    %eq3A_96 = arith.constant 0 : i32
    %eq3A_97 = arith.cmpi eq, %arg0, %eq3A_96 : i32
    %convert_element_type3A_98 = arith.extui %eq3A_97 : i1 to i32
    %cond3A_99 = arith.constant 0 : i32
    %cond3A_100 = arith.cmpi ne, %convert_element_type3A_98, %cond3A_99 : i32
    scf.if %cond3A_100 {
      %dma_wait3A_114 = arith.constant 0 : i32
      %dma_wait3A_115 = arith.constant 0 : i32
      %dma_wait3A_116 = tpu.memref_slice %arg25[%dma_wait3A_114, %dma_wait3A_115] : memref<10000x16xf32, #tpu.memory_space<vmem_shared>> -> memref<10000x16xf32, #tpu.memory_space<vmem_shared>>
      tpu.wait_indirect_dma semaphore(%arg32 : memref<!tpu.dma_semaphore, #tpu.memory_space<semaphore_mem>>) src(%arg23 : memref<80x16xf32, #tpu.memory_space<vmem>>) dst(%dma_wait3A_116 : memref<10000x16xf32, #tpu.memory_space<vmem_shared>>)
    } else {
    }
    %barrier3A_101 = arith.constant 0 : index
    tpu.barrier barrier_id(%barrier3A_101)
    %lt3A_102 = arith.constant 10 : i32
    %lt3A_103 = arith.cmpi slt, %arg1, %lt3A_102 : i32
    %convert_element_type3A_104 = arith.extui %lt3A_103 : i1 to i32
    %cond3A_105 = arith.constant 0 : i32
    %cond3A_106 = arith.cmpi ne, %convert_element_type3A_104, %cond3A_105 : i32
    scf.if %cond3A_106 {
      %mul3A_114 = arith.constant 1000 : i32
      %mul3A_115 = arith.muli %arg1, %mul3A_114 : i32
      %mul3A_116 = arith.constant 1000 : i32
      %mul3A_117 = arith.muli %arg1, %mul3A_116 : i32
      "tpu.region"() ({
        %run_scoped3A = tpu.sem_alloc : memref<!tpu.dma_semaphore, #tpu.memory_space<semaphore_mem>>
        %dma_start3A_118 = arith.constant 0 : i32
        %dma_start3A_119 = tpu.memref_slice %arg8[%arg0, %mul3A_117, %dma_start3A_118] : memref<2x10000x64xf32, #tpu.memory_space<hbm>> -> memref<1x1000x64xf32, #tpu.memory_space<hbm>>
        %dma_start3A_120 = tpu.memref_squeeze %dma_start3A_119 : memref<1x1000x64xf32, #tpu.memory_space<hbm>> -> memref<1000x64xf32, #tpu.memory_space<hbm>>
        %dma_start3A_121 = arith.constant 0 : i32
        %dma_start3A_122 = tpu.memref_slice %arg24[%mul3A_115, %dma_start3A_121] : memref<10000x64xf32, #tpu.memory_space<vmem_shared>> -> memref<1000x64xf32, #tpu.memory_space<vmem_shared>>
        tpu.enqueue_dma source(%dma_start3A_122 : memref<1000x64xf32, #tpu.memory_space<vmem_shared>>) target(%dma_start3A_120 : memref<1000x64xf32, #tpu.memory_space<hbm>>) target_semaphore(%run_scoped3A : memref<!tpu.dma_semaphore, #tpu.memory_space<semaphore_mem>>)
        %dma_wait3A_123 = arith.constant 0 : i32
        %dma_wait3A_124 = tpu.memref_slice %arg8[%arg0, %mul3A_117, %dma_wait3A_123] : memref<2x10000x64xf32, #tpu.memory_space<hbm>> -> memref<1x1000x64xf32, #tpu.memory_space<hbm>>
        %dma_wait3A_125 = tpu.memref_squeeze %dma_wait3A_124 : memref<1x1000x64xf32, #tpu.memory_space<hbm>> -> memref<1000x64xf32, #tpu.memory_space<hbm>>
        %dma_wait3A_126 = arith.constant 0 : i32
        %dma_wait3A_127 = tpu.memref_slice %arg24[%mul3A_115, %dma_wait3A_126] : memref<10000x64xf32, #tpu.memory_space<vmem_shared>> -> memref<1000x64xf32, #tpu.memory_space<vmem_shared>>
        tpu.wait_dma2 semaphore(%run_scoped3A : memref<!tpu.dma_semaphore, #tpu.memory_space<semaphore_mem>>) src(%dma_wait3A_127 : memref<1000x64xf32, #tpu.memory_space<vmem_shared>>) dst(%dma_wait3A_125 : memref<1000x64xf32, #tpu.memory_space<hbm>>)
        tpu.yield
      }) : () -> ()
    } else {
    }
    %eq3A_107 = arith.constant 0 : i32
    %eq3A_108 = arith.cmpi eq, %arg0, %eq3A_107 : i32
    %eq3A_109 = arith.constant 0 : i32
    %eq3A_110 = arith.cmpi eq, %arg1, %eq3A_109 : i32
    %and3A = arith.andi %eq3A_108, %eq3A_110 : i1
    %convert_element_type3A_111 = arith.extui %and3A : i1 to i32
    %cond3A_112 = arith.constant 0 : i32
    %cond3A_113 = arith.cmpi ne, %convert_element_type3A_111, %cond3A_112 : i32
    scf.if %cond3A_113 {
      "tpu.region"() ({
        %run_scoped3A = tpu.sem_alloc : memref<!tpu.dma_semaphore, #tpu.memory_space<semaphore_mem>>
        tpu.enqueue_dma source(%arg25 : memref<10000x16xf32, #tpu.memory_space<vmem_shared>>) target(%arg9 : memref<10000x16xf32, #tpu.memory_space<hbm>>) target_semaphore(%run_scoped3A : memref<!tpu.dma_semaphore, #tpu.memory_space<semaphore_mem>>)
        tpu.wait_dma2 semaphore(%run_scoped3A : memref<!tpu.dma_semaphore, #tpu.memory_space<semaphore_mem>>) src(%arg25 : memref<10000x16xf32, #tpu.memory_space<vmem_shared>>) dst(%arg9 : memref<10000x16xf32, #tpu.memory_space<hbm>>)
        tpu.yield
      }) : () -> ()
    } else {
    }
    return
  }
}

module attributes {stable_mosaic.version = 14 : i64} {
  func.func @_prep_body(%arg0: i32, %arg1: memref<2x32000xf32, #tpu.memory_space<vmem>>, %arg2: memref<2x128xf32, #tpu.memory_space<vmem>>, %arg3: memref<1x128xf32, #tpu.memory_space<vmem>>, %arg4: memref<2x128xf32, #tpu.memory_space<vmem>>, %arg5: memref<1x128xf32, #tpu.memory_space<vmem>>, %arg6: memref<1000x128xf32, #tpu.memory_space<vmem>>, %arg7: memref<144x128xf32, #tpu.memory_space<vmem>>, %arg8: memref<1x16xf32, #tpu.memory_space<vmem>>, %arg9: memref<128x8xf32, #tpu.memory_space<vmem>>, %arg10: memref<2x32000xf32, #tpu.memory_space<vmem>>, %arg11: memref<1000x128xf32, #tpu.memory_space<vmem>>, %arg12: memref<1000x8xf32, #tpu.memory_space<vmem>>) attributes {dimension_semantics = [#tpu.dimension_semantics<arbitrary>], iteration_bounds = array<i64: 10>, scalar_prefetch = 0 : i64, scratch_operands = 0 : i64, tpu.core_type = #tpu.core_type<tc>, window_params = [{transform_indices = @transform_0, window_bounds = array<i64: 2, 32000>}, {pipeline_mode = #tpu.pipeline_mode<synchronous>, transform_indices = @transform_1, window_bounds = array<i64: 2, 128>}, {pipeline_mode = #tpu.pipeline_mode<synchronous>, transform_indices = @transform_2, window_bounds = array<i64: 1, 128>}, {pipeline_mode = #tpu.pipeline_mode<synchronous>, transform_indices = @transform_3, window_bounds = array<i64: 2, 128>}, {pipeline_mode = #tpu.pipeline_mode<synchronous>, transform_indices = @transform_4, window_bounds = array<i64: 1, 128>}, {transform_indices = @transform_5, window_bounds = array<i64: 1000, 128>}, {pipeline_mode = #tpu.pipeline_mode<synchronous>, transform_indices = @transform_6, window_bounds = array<i64: 144, 128>}, {pipeline_mode = #tpu.pipeline_mode<synchronous>, transform_indices = @transform_7, window_bounds = array<i64: 1, 16>}, {pipeline_mode = #tpu.pipeline_mode<synchronous>, transform_indices = @transform_8, window_bounds = array<i64: 128, 8>}, {transform_indices = @transform_9, window_bounds = array<i64: 2, 32000>}, {transform_indices = @transform_10, window_bounds = array<i64: 1000, 128>}, {transform_indices = @transform_11, window_bounds = array<i64: 1000, 8>}]} {
    %get3A = arith.constant 0 : index
    %get3A_0 = arith.constant 0 : index
    %get3A_1 = vector.load %arg1[%get3A, %get3A_0] : memref<2x32000xf32, #tpu.memory_space<vmem>>, vector<1x32000xf32>
    %get3A_2 = arith.constant 1 : index
    %get3A_3 = arith.constant 0 : index
    %get3A_4 = vector.load %arg1[%get3A_2, %get3A_3] : memref<2x32000xf32, #tpu.memory_space<vmem>>, vector<1x32000xf32>
    %get3A_5 = arith.constant 0 : index
    %get3A_6 = arith.constant 0 : index
    %get3A_7 = vector.load %arg2[%get3A_5, %get3A_6] : memref<2x128xf32, #tpu.memory_space<vmem>>, vector<1x128xf32>
    %get3A_8 = arith.constant 0 : index
    %get3A_9 = arith.constant 0 : index
    %get3A_10 = vector.load %arg3[%get3A_8, %get3A_9] : memref<1x128xf32, #tpu.memory_space<vmem>>, vector<1x128xf32>
    %mul3A = arith.mulf %get3A_7, %get3A_10 : vector<1x128xf32>
    %reduce_sum3A = vector.shape_cast %mul3A : vector<1x128xf32> to vector<1x1x128xf32>
    %reduce_sum3A_11 = arith.constant dense<0.000000e+00> : vector<1xf32>
    %reduce_sum3A_12 = vector.multi_reduction <add>, %reduce_sum3A, %reduce_sum3A_11 [1, 2] : vector<1x1x128xf32> to vector<1xf32>
    %reduce_sum3A_13 = vector.shape_cast %reduce_sum3A_12 : vector<1xf32> to vector<1x1x1xf32>
    %reduce_sum3A_14 = vector.extract %reduce_sum3A_13[0, 0, 0] : f32 from vector<1x1x1xf32>
    %get3A_15 = arith.constant 1 : index
    %get3A_16 = arith.constant 0 : index
    %get3A_17 = vector.load %arg2[%get3A_15, %get3A_16] : memref<2x128xf32, #tpu.memory_space<vmem>>, vector<1x128xf32>
    %get3A_18 = arith.constant 0 : index
    %get3A_19 = arith.constant 0 : index
    %get3A_20 = vector.load %arg3[%get3A_18, %get3A_19] : memref<1x128xf32, #tpu.memory_space<vmem>>, vector<1x128xf32>
    %mul3A_21 = arith.mulf %get3A_17, %get3A_20 : vector<1x128xf32>
    %reduce_sum3A_22 = vector.shape_cast %mul3A_21 : vector<1x128xf32> to vector<1x1x128xf32>
    %reduce_sum3A_23 = arith.constant dense<0.000000e+00> : vector<1xf32>
    %reduce_sum3A_24 = vector.multi_reduction <add>, %reduce_sum3A_22, %reduce_sum3A_23 [1, 2] : vector<1x1x128xf32> to vector<1xf32>
    %reduce_sum3A_25 = vector.shape_cast %reduce_sum3A_24 : vector<1xf32> to vector<1x1x1xf32>
    %reduce_sum3A_26 = vector.extract %reduce_sum3A_25[0, 0, 0] : f32 from vector<1x1x1xf32>
    %get3A_27 = arith.constant 0 : index
    %get3A_28 = arith.constant 0 : index
    %get3A_29 = vector.load %arg4[%get3A_27, %get3A_28] : memref<2x128xf32, #tpu.memory_space<vmem>>, vector<1x128xf32>
    %get3A_30 = arith.constant 0 : index
    %get3A_31 = arith.constant 0 : index
    %get3A_32 = vector.load %arg5[%get3A_30, %get3A_31] : memref<1x128xf32, #tpu.memory_space<vmem>>, vector<1x128xf32>
    %mul3A_33 = arith.mulf %get3A_29, %get3A_32 : vector<1x128xf32>
    %reduce_sum3A_34 = vector.shape_cast %mul3A_33 : vector<1x128xf32> to vector<1x1x128xf32>
    %reduce_sum3A_35 = arith.constant dense<0.000000e+00> : vector<1xf32>
    %reduce_sum3A_36 = vector.multi_reduction <add>, %reduce_sum3A_34, %reduce_sum3A_35 [1, 2] : vector<1x1x128xf32> to vector<1xf32>
    %reduce_sum3A_37 = vector.shape_cast %reduce_sum3A_36 : vector<1xf32> to vector<1x1x1xf32>
    %reduce_sum3A_38 = vector.extract %reduce_sum3A_37[0, 0, 0] : f32 from vector<1x1x1xf32>
    %get3A_39 = arith.constant 1 : index
    %get3A_40 = arith.constant 0 : index
    %get3A_41 = vector.load %arg4[%get3A_39, %get3A_40] : memref<2x128xf32, #tpu.memory_space<vmem>>, vector<1x128xf32>
    %get3A_42 = arith.constant 0 : index
    %get3A_43 = arith.constant 0 : index
    %get3A_44 = vector.load %arg5[%get3A_42, %get3A_43] : memref<1x128xf32, #tpu.memory_space<vmem>>, vector<1x128xf32>
    %mul3A_45 = arith.mulf %get3A_41, %get3A_44 : vector<1x128xf32>
    %reduce_sum3A_46 = vector.shape_cast %mul3A_45 : vector<1x128xf32> to vector<1x1x128xf32>
    %reduce_sum3A_47 = arith.constant dense<0.000000e+00> : vector<1xf32>
    %reduce_sum3A_48 = vector.multi_reduction <add>, %reduce_sum3A_46, %reduce_sum3A_47 [1, 2] : vector<1x1x128xf32> to vector<1xf32>
    %reduce_sum3A_49 = vector.shape_cast %reduce_sum3A_48 : vector<1xf32> to vector<1x1x1xf32>
    %reduce_sum3A_50 = vector.extract %reduce_sum3A_49[0, 0, 0] : f32 from vector<1x1x1xf32>
    %mul3A_51 = vector.broadcast %reduce_sum3A_14 : f32 to vector<1x32000xf32>
    %mul3A_52 = arith.mulf %get3A_1, %mul3A_51 : vector<1x32000xf32>
    %mul3A_53 = vector.broadcast %reduce_sum3A_26 : f32 to vector<1x32000xf32>
    %mul3A_54 = arith.mulf %get3A_4, %mul3A_53 : vector<1x32000xf32>
    %add3A = arith.addf %mul3A_52, %mul3A_54 : vector<1x32000xf32>
    %swap3A = arith.constant 0 : index
    %swap3A_55 = arith.constant 0 : index
    %swap3A_56 = vector.load %arg10[%swap3A, %swap3A_55] : memref<2x32000xf32, #tpu.memory_space<vmem>>, vector<1x32000xf32>
    tpu.vector_store %arg10[%swap3A, %swap3A_55], %add3A {strides = array<i32>} : memref<2x32000xf32, #tpu.memory_space<vmem>>, vector<1x32000xf32>,
    %mul3A_57 = vector.broadcast %reduce_sum3A_38 : f32 to vector<1x32000xf32>
    %mul3A_58 = arith.mulf %get3A_1, %mul3A_57 : vector<1x32000xf32>
    %mul3A_59 = vector.broadcast %reduce_sum3A_50 : f32 to vector<1x32000xf32>
    %mul3A_60 = arith.mulf %get3A_4, %mul3A_59 : vector<1x32000xf32>
    %add3A_61 = arith.addf %mul3A_58, %mul3A_60 : vector<1x32000xf32>
    %swap3A_62 = arith.constant 1 : index
    %swap3A_63 = arith.constant 0 : index
    %swap3A_64 = vector.load %arg10[%swap3A_62, %swap3A_63] : memref<2x32000xf32, #tpu.memory_space<vmem>>, vector<1x32000xf32>
    tpu.vector_store %arg10[%swap3A_62, %swap3A_63], %add3A_61 {strides = array<i32>} : memref<2x32000xf32, #tpu.memory_space<vmem>>, vector<1x32000xf32>,
    %get3A_65 = arith.constant 0 : index
    %get3A_66 = arith.constant 0 : index
    %get3A_67 = vector.load %arg7[%get3A_65, %get3A_66] : memref<144x128xf32, #tpu.memory_space<vmem>>, vector<128x128xf32>
    %get3A_68 = arith.constant 128 : index
    %get3A_69 = arith.constant 0 : index
    %get3A_70 = vector.load %arg7[%get3A_68, %get3A_69] : memref<144x128xf32, #tpu.memory_space<vmem>>, vector<16x128xf32>
    %get3A_71 = arith.constant 0 : index
    %get3A_72 = arith.constant 0 : index
    %get3A_73 = vector.load %arg8[%get3A_71, %get3A_72] : memref<1x16xf32, #tpu.memory_space<vmem>>, vector<1x16xf32>
    %dot_general3A = arith.constant dense<0.000000e+00> : vector<1x128xf32>
    %dot_general3A_74 = tpu.matmul %get3A_73, %get3A_70, %dot_general3A {dimension_numbers = #tpu.dot_dimension_numbers<[1], [0], [0], [1], [0, 0, 1, 1], [], []>, transpose_lhs_hint = false} : vector<1x16xf32>, vector<16x128xf32>, vector<1x128xf32> -> vector<1x128xf32>
    %get3A_75 = arith.constant 0 : index
    %get3A_76 = arith.constant 0 : index
    %get3A_77 = vector.load %arg6[%get3A_75, %get3A_76] : memref<1000x128xf32, #tpu.memory_space<vmem>>, vector<1000x128xf32>
    %dot_general3A_78 = arith.constant dense<0.000000e+00> : vector<1000x128xf32>
    %dot_general3A_79 = tpu.matmul %get3A_77, %get3A_67, %dot_general3A_78 {dimension_numbers = #tpu.dot_dimension_numbers<[1], [0], [0], [1], [0, 0, 1, 1], [], []>, transpose_lhs_hint = false} : vector<1000x128xf32>, vector<128x128xf32>, vector<1000x128xf32> -> vector<1000x128xf32>
    %add3A_80 = vector.broadcast %dot_general3A_74 : vector<1x128xf32> to vector<1000x128xf32>
    %add3A_81 = arith.addf %dot_general3A_79, %add3A_80 : vector<1000x128xf32>
    %swap3A_82 = arith.constant 0 : index
    %swap3A_83 = arith.constant 0 : index
    %swap3A_84 = vector.load %arg11[%swap3A_82, %swap3A_83] : memref<1000x128xf32, #tpu.memory_space<vmem>>, vector<1000x128xf32>
    tpu.vector_store %arg11[%swap3A_82, %swap3A_83], %add3A_81 {strides = array<i32>} : memref<1000x128xf32, #tpu.memory_space<vmem>>, vector<1000x128xf32>,
    %get3A_85 = arith.constant 0 : index
    %get3A_86 = arith.constant 0 : index
    %get3A_87 = vector.load %arg9[%get3A_85, %get3A_86] : memref<128x8xf32, #tpu.memory_space<vmem>>, vector<128x8xf32>
    %dot_general3A_88 = arith.constant dense<0.000000e+00> : vector<1000x8xf32>
    %dot_general3A_89 = tpu.matmul %add3A_81, %get3A_87, %dot_general3A_88 {dimension_numbers = #tpu.dot_dimension_numbers<[1], [0], [0], [1], [0, 0, 1, 1], [], []>, transpose_lhs_hint = false} : vector<1000x128xf32>, vector<128x8xf32>, vector<1000x8xf32> -> vector<1000x8xf32>
    %swap3A_90 = arith.constant 0 : index
    %swap3A_91 = arith.constant 0 : index
    %swap3A_92 = vector.load %arg12[%swap3A_90, %swap3A_91] : memref<1000x8xf32, #tpu.memory_space<vmem>>, vector<1000x8xf32>
    tpu.vector_store %arg12[%swap3A_90, %swap3A_91], %dot_general3A_89 {strides = array<i32>} : memref<1000x8xf32, #tpu.memory_space<vmem>>, vector<1000x8xf32>,
    return
  }
  func.func @transform_0(%arg0: i32) -> (i32, i32) {
    %c0_i32 = arith.constant 0 : i32
    %c0_i32_0 = arith.constant 0 : i32
    return %c0_i32, %arg0 : i32, i32
  }
  func.func @transform_1(%arg0: i32) -> (i32, i32) {
    %c0_i32 = arith.constant 0 : i32
    %c0_i32_0 = arith.constant 0 : i32
    %c0_i32_1 = arith.constant 0 : i32
    return %c0_i32, %c0_i32_0 : i32, i32
  }
  func.func @transform_2(%arg0: i32) -> (i32, i32) {
    %c0_i32 = arith.constant 0 : i32
    %c0_i32_0 = arith.constant 0 : i32
    %c0_i32_1 = arith.constant 0 : i32
    return %c0_i32, %c0_i32_0 : i32, i32
  }
  func.func @transform_3(%arg0: i32) -> (i32, i32) {
    %c0_i32 = arith.constant 0 : i32
    %c0_i32_0 = arith.constant 0 : i32
    %c0_i32_1 = arith.constant 0 : i32
    return %c0_i32, %c0_i32_0 : i32, i32
  }
  func.func @transform_4(%arg0: i32) -> (i32, i32) {
    %c0_i32 = arith.constant 0 : i32
    %c0_i32_0 = arith.constant 0 : i32
    %c0_i32_1 = arith.constant 0 : i32
    return %c0_i32, %c0_i32_0 : i32, i32
  }
  func.func @transform_5(%arg0: i32) -> (i32, i32) {
    %c0_i32 = arith.constant 0 : i32
    %c0_i32_0 = arith.constant 0 : i32
    return %arg0, %c0_i32 : i32, i32
  }
  func.func @transform_6(%arg0: i32) -> (i32, i32) {
    %c0_i32 = arith.constant 0 : i32
    %c0_i32_0 = arith.constant 0 : i32
    %c0_i32_1 = arith.constant 0 : i32
    return %c0_i32, %c0_i32_0 : i32, i32
  }
  func.func @transform_7(%arg0: i32) -> (i32, i32) {
    %c0_i32 = arith.constant 0 : i32
    %c0_i32_0 = arith.constant 0 : i32
    %c0_i32_1 = arith.constant 0 : i32
    return %c0_i32, %c0_i32_0 : i32, i32
  }
  func.func @transform_8(%arg0: i32) -> (i32, i32) {
    %c0_i32 = arith.constant 0 : i32
    %c0_i32_0 = arith.constant 0 : i32
    %c0_i32_1 = arith.constant 0 : i32
    return %c0_i32, %c0_i32_0 : i32, i32
  }
  func.func @transform_9(%arg0: i32) -> (i32, i32) {
    %c0_i32 = arith.constant 0 : i32
    %c0_i32_0 = arith.constant 0 : i32
    return %c0_i32, %arg0 : i32, i32
  }
  func.func @transform_10(%arg0: i32) -> (i32, i32) {
    %c0_i32 = arith.constant 0 : i32
    %c0_i32_0 = arith.constant 0 : i32
    return %arg0, %c0_i32 : i32, i32
  }
  func.func @transform_11(%arg0: i32) -> (i32, i32) {
    %c0_i32 = arith.constant 0 : i32
    %c0_i32_0 = arith.constant 0 : i32
    return %arg0, %c0_i32 : i32, i32
  }
}

module attributes {stable_mosaic.version = 14 : i64} {
  func.func @_finalize1_body(%arg0: i32, %arg1: memref<2x2000x64xf32, #tpu.memory_space<vmem>>, %arg2: memref<2000x16xf32, #tpu.memory_space<vmem>>, %arg3: memref<2000x128xf32, #tpu.memory_space<vmem>>, %arg4: memref<2000x8xf32, #tpu.memory_space<vmem>>, %arg5: memref<1x128xf32, #tpu.memory_space<vmem>>, %arg6: memref<128x128xf32, #tpu.memory_space<vmem>>, %arg7: memref<128x8xf32, #tpu.memory_space<vmem>>, %arg8: memref<2x128xf32, #tpu.memory_space<vmem>>, %arg9: memref<1x128xf32, #tpu.memory_space<vmem>>, %arg10: memref<2x128xf32, #tpu.memory_space<vmem>>, %arg11: memref<1x128xf32, #tpu.memory_space<vmem>>, %arg12: memref<2000x128xf32, #tpu.memory_space<vmem>>, %arg13: memref<2000x8xf32, #tpu.memory_space<vmem>>) attributes {dimension_semantics = [#tpu.dimension_semantics<arbitrary>], iteration_bounds = array<i64: 5>, scalar_prefetch = 0 : i64, scratch_operands = 0 : i64, tpu.core_type = #tpu.core_type<tc>, window_params = [{transform_indices = @transform_0, window_bounds = array<i64: 2, 2000, 64>}, {transform_indices = @transform_1, window_bounds = array<i64: 2000, 16>}, {transform_indices = @transform_2, window_bounds = array<i64: 2000, 128>}, {transform_indices = @transform_3, window_bounds = array<i64: 2000, 8>}, {pipeline_mode = #tpu.pipeline_mode<synchronous>, transform_indices = @transform_4, window_bounds = array<i64: 1, 128>}, {pipeline_mode = #tpu.pipeline_mode<synchronous>, transform_indices = @transform_5, window_bounds = array<i64: 128, 128>}, {pipeline_mode = #tpu.pipeline_mode<synchronous>, transform_indices = @transform_6, window_bounds = array<i64: 128, 8>}, {pipeline_mode = #tpu.pipeline_mode<synchronous>, transform_indices = @transform_7, window_bounds = array<i64: 2, 128>}, {pipeline_mode = #tpu.pipeline_mode<synchronous>, transform_indices = @transform_8, window_bounds = array<i64: 1, 128>}, {pipeline_mode = #tpu.pipeline_mode<synchronous>, transform_indices = @transform_9, window_bounds = array<i64: 2, 128>}, {pipeline_mode = #tpu.pipeline_mode<synchronous>, transform_indices = @transform_10, window_bounds = array<i64: 1, 128>}, {transform_indices = @transform_11, window_bounds = array<i64: 2000, 128>}, {transform_indices = @transform_12, window_bounds = array<i64: 2000, 8>}]} {
    %get3A = arith.constant 0 : index
    %get3A_0 = arith.constant 0 : index
    %get3A_1 = arith.constant 0 : index
    %get3A_2 = vector.load %arg1[%get3A, %get3A_0, %get3A_1] : memref<2x2000x64xf32, #tpu.memory_space<vmem>>, vector<1x2000x64xf32>
    %get3A_3 = vector.shape_cast %get3A_2 : vector<1x2000x64xf32> to vector<2000x64xf32>
    %get3A_4 = arith.constant 1 : index
    %get3A_5 = arith.constant 0 : index
    %get3A_6 = arith.constant 0 : index
    %get3A_7 = vector.load %arg1[%get3A_4, %get3A_5, %get3A_6] : memref<2x2000x64xf32, #tpu.memory_space<vmem>>, vector<1x2000x64xf32>
    %get3A_8 = vector.shape_cast %get3A_7 : vector<1x2000x64xf32> to vector<2000x64xf32>
    %concatenate3A = tpu.concatenate %get3A_3, %get3A_8 in 1 : vector<2000x64xf32>, vector<2000x64xf32> -> vector<2000x128xf32>
    %get3A_9 = arith.constant 0 : index
    %get3A_10 = arith.constant 0 : index
    %get3A_11 = vector.load %arg2[%get3A_9, %get3A_10] : memref<2000x16xf32, #tpu.memory_space<vmem>>, vector<2000x16xf32>
    %slice3A = vector.extract_strided_slice %get3A_11 {offsets = [0, 0], sizes = [2000, 1], strides = [1, 1]} : vector<2000x16xf32> to vector<2000x1xf32>
    %slice3A_12 = vector.extract_strided_slice %get3A_11 {offsets = [0, 1], sizes = [2000, 1], strides = [1, 1]} : vector<2000x16xf32> to vector<2000x1xf32>
    %max3A = arith.constant 1.000000e+00 : f32
    %max3A_13 = vector.broadcast %max3A : f32 to vector<2000x1xf32>
    %max3A_14 = arith.maximumf %slice3A_12, %max3A_13 : vector<2000x1xf32>
    %slice3A_15 = vector.extract_strided_slice %get3A_11 {offsets = [0, 2], sizes = [2000, 1], strides = [1, 1]} : vector<2000x16xf32> to vector<2000x1xf32>
    %div3A = arith.divf %slice3A_15, %max3A_14 : vector<2000x1xf32>
    %slice3A_16 = vector.extract_strided_slice %get3A_11 {offsets = [0, 3], sizes = [2000, 1], strides = [1, 1]} : vector<2000x16xf32> to vector<2000x1xf32>
    %div3A_17 = arith.divf %slice3A_16, %max3A_14 : vector<2000x1xf32>
    %get3A_18 = arith.constant 0 : index
    %get3A_19 = arith.constant 0 : index
    %get3A_20 = vector.load %arg8[%get3A_18, %get3A_19] : memref<2x128xf32, #tpu.memory_space<vmem>>, vector<1x128xf32>
    %get3A_21 = arith.constant 0 : index
    %get3A_22 = arith.constant 0 : index
    %get3A_23 = vector.load %arg9[%get3A_21, %get3A_22] : memref<1x128xf32, #tpu.memory_space<vmem>>, vector<1x128xf32>
    %mul3A = arith.mulf %get3A_20, %get3A_23 : vector<1x128xf32>
    %reduce_sum3A = vector.shape_cast %mul3A : vector<1x128xf32> to vector<1x1x128xf32>
    %reduce_sum3A_24 = arith.constant dense<0.000000e+00> : vector<1xf32>
    %reduce_sum3A_25 = vector.multi_reduction <add>, %reduce_sum3A, %reduce_sum3A_24 [1, 2] : vector<1x1x128xf32> to vector<1xf32>
    %reduce_sum3A_26 = vector.shape_cast %reduce_sum3A_25 : vector<1xf32> to vector<1x1x1xf32>
    %reduce_sum3A_27 = vector.extract %reduce_sum3A_26[0, 0, 0] : f32 from vector<1x1x1xf32>
    %get3A_28 = arith.constant 1 : index
    %get3A_29 = arith.constant 0 : index
    %get3A_30 = vector.load %arg8[%get3A_28, %get3A_29] : memref<2x128xf32, #tpu.memory_space<vmem>>, vector<1x128xf32>
    %get3A_31 = arith.constant 0 : index
    %get3A_32 = arith.constant 0 : index
    %get3A_33 = vector.load %arg9[%get3A_31, %get3A_32] : memref<1x128xf32, #tpu.memory_space<vmem>>, vector<1x128xf32>
    %mul3A_34 = arith.mulf %get3A_30, %get3A_33 : vector<1x128xf32>
    %reduce_sum3A_35 = vector.shape_cast %mul3A_34 : vector<1x128xf32> to vector<1x1x128xf32>
    %reduce_sum3A_36 = arith.constant dense<0.000000e+00> : vector<1xf32>
    %reduce_sum3A_37 = vector.multi_reduction <add>, %reduce_sum3A_35, %reduce_sum3A_36 [1, 2] : vector<1x1x128xf32> to vector<1xf32>
    %reduce_sum3A_38 = vector.shape_cast %reduce_sum3A_37 : vector<1xf32> to vector<1x1x1xf32>
    %reduce_sum3A_39 = vector.extract %reduce_sum3A_38[0, 0, 0] : f32 from vector<1x1x1xf32>
    %get3A_40 = arith.constant 0 : index
    %get3A_41 = arith.constant 0 : index
    %get3A_42 = vector.load %arg10[%get3A_40, %get3A_41] : memref<2x128xf32, #tpu.memory_space<vmem>>, vector<1x128xf32>
    %get3A_43 = arith.constant 0 : index
    %get3A_44 = arith.constant 0 : index
    %get3A_45 = vector.load %arg11[%get3A_43, %get3A_44] : memref<1x128xf32, #tpu.memory_space<vmem>>, vector<1x128xf32>
    %mul3A_46 = arith.mulf %get3A_42, %get3A_45 : vector<1x128xf32>
    %reduce_sum3A_47 = vector.shape_cast %mul3A_46 : vector<1x128xf32> to vector<1x1x128xf32>
    %reduce_sum3A_48 = arith.constant dense<0.000000e+00> : vector<1xf32>
    %reduce_sum3A_49 = vector.multi_reduction <add>, %reduce_sum3A_47, %reduce_sum3A_48 [1, 2] : vector<1x1x128xf32> to vector<1xf32>
    %reduce_sum3A_50 = vector.shape_cast %reduce_sum3A_49 : vector<1xf32> to vector<1x1x1xf32>
    %reduce_sum3A_51 = vector.extract %reduce_sum3A_50[0, 0, 0] : f32 from vector<1x1x1xf32>
    %get3A_52 = arith.constant 1 : index
    %get3A_53 = arith.constant 0 : index
    %get3A_54 = vector.load %arg10[%get3A_52, %get3A_53] : memref<2x128xf32, #tpu.memory_space<vmem>>, vector<1x128xf32>
    %get3A_55 = arith.constant 0 : index
    %get3A_56 = arith.constant 0 : index
    %get3A_57 = vector.load %arg11[%get3A_55, %get3A_56] : memref<1x128xf32, #tpu.memory_space<vmem>>, vector<1x128xf32>
    %mul3A_58 = arith.mulf %get3A_54, %get3A_57 : vector<1x128xf32>
    %reduce_sum3A_59 = vector.shape_cast %mul3A_58 : vector<1x128xf32> to vector<1x1x128xf32>
    %reduce_sum3A_60 = arith.constant dense<0.000000e+00> : vector<1xf32>
    %reduce_sum3A_61 = vector.multi_reduction <add>, %reduce_sum3A_59, %reduce_sum3A_60 [1, 2] : vector<1x1x128xf32> to vector<1xf32>
    %reduce_sum3A_62 = vector.shape_cast %reduce_sum3A_61 : vector<1xf32> to vector<1x1x1xf32>
    %reduce_sum3A_63 = vector.extract %reduce_sum3A_62[0, 0, 0] : f32 from vector<1x1x1xf32>
    %mul3A_64 = vector.broadcast %reduce_sum3A_27 : f32 to vector<2000x1xf32>
    %mul3A_65 = arith.mulf %div3A, %mul3A_64 : vector<2000x1xf32>
    %mul3A_66 = vector.broadcast %reduce_sum3A_39 : f32 to vector<2000x1xf32>
    %mul3A_67 = arith.mulf %div3A_17, %mul3A_66 : vector<2000x1xf32>
    %add3A = arith.addf %mul3A_65, %mul3A_67 : vector<2000x1xf32>
    %get3A_68 = arith.constant 0 : index
    %get3A_69 = arith.constant 0 : index
    %get3A_70 = vector.load %arg4[%get3A_68, %get3A_69] : memref<2000x8xf32, #tpu.memory_space<vmem>>, vector<2000x1xf32>
    %get3A_71 = arith.constant 0 : index
    %get3A_72 = arith.constant 1 : index
    %get3A_73 = vector.load %arg4[%get3A_71, %get3A_72] : memref<2000x8xf32, #tpu.memory_space<vmem>>, vector<2000x1xf32>
    %add3A_74 = arith.addf %get3A_70, %get3A_73 : vector<2000x1xf32>
    %add3A_75 = arith.addf %add3A_74, %add3A : vector<2000x1xf32>
    %mul3A_76 = arith.constant 2.000000e-01 : f32
    %mul3A_77 = vector.broadcast %mul3A_76 : f32 to vector<2000x1xf32>
    %mul3A_78 = arith.mulf %mul3A_77, %add3A_75 : vector<2000x1xf32>
    %max3A_79 = arith.maximumf %add3A_75, %mul3A_78 : vector<2000x1xf32>
    %exp3A = math.exp %max3A_79 : vector<2000x1xf32>
    %get3A_80 = arith.constant 0 : index
    %get3A_81 = arith.constant 0 : index
    %get3A_82 = vector.load %arg3[%get3A_80, %get3A_81] : memref<2000x128xf32, #tpu.memory_space<vmem>>, vector<2000x128xf32>
    %mul3A_83 = vector.broadcast %exp3A : vector<2000x1xf32> to vector<2000x128xf32>
    %mul3A_84 = arith.mulf %mul3A_83, %get3A_82 : vector<2000x128xf32>
    %add3A_85 = arith.addf %concatenate3A, %mul3A_84 : vector<2000x128xf32>
    %add3A_86 = arith.addf %slice3A, %exp3A : vector<2000x1xf32>
    %add3A_87 = arith.constant 1.000000e-16 : f32
    %add3A_88 = vector.broadcast %add3A_87 : f32 to vector<2000x1xf32>
    %add3A_89 = arith.addf %add3A_86, %add3A_88 : vector<2000x1xf32>
    %div3A_90 = vector.broadcast %add3A_89 : vector<2000x1xf32> to vector<2000x128xf32>
    %div3A_91 = arith.divf %add3A_85, %div3A_90 : vector<2000x128xf32>
    %get3A_92 = arith.constant 0 : index
    %get3A_93 = arith.constant 0 : index
    %get3A_94 = vector.load %arg5[%get3A_92, %get3A_93] : memref<1x128xf32, #tpu.memory_space<vmem>>, vector<1x128xf32>
    %add3A_95 = vector.broadcast %get3A_94 : vector<1x128xf32> to vector<2000x128xf32>
    %add3A_96 = arith.addf %div3A_91, %add3A_95 : vector<2000x128xf32>
    %max3A_97 = arith.constant 0.000000e+00 : f32
    %max3A_98 = vector.broadcast %max3A_97 : f32 to vector<2000x128xf32>
    %max3A_99 = arith.maximumf %add3A_96, %max3A_98 : vector<2000x128xf32>
    %get3A_100 = arith.constant 0 : index
    %get3A_101 = arith.constant 0 : index
    %get3A_102 = vector.load %arg6[%get3A_100, %get3A_101] : memref<128x128xf32, #tpu.memory_space<vmem>>, vector<128x128xf32>
    %dot_general3A = arith.constant dense<0.000000e+00> : vector<2000x128xf32>
    %dot_general3A_103 = tpu.matmul %max3A_99, %get3A_102, %dot_general3A {dimension_numbers = #tpu.dot_dimension_numbers<[1], [0], [0], [1], [0, 0, 1, 1], [], []>, transpose_lhs_hint = false} : vector<2000x128xf32>, vector<128x128xf32>, vector<2000x128xf32> -> vector<2000x128xf32>
    %swap3A = arith.constant 0 : index
    %swap3A_104 = arith.constant 0 : index
    %swap3A_105 = vector.load %arg12[%swap3A, %swap3A_104] : memref<2000x128xf32, #tpu.memory_space<vmem>>, vector<2000x128xf32>
    tpu.vector_store %arg12[%swap3A, %swap3A_104], %dot_general3A_103 {strides = array<i32>} : memref<2000x128xf32, #tpu.memory_space<vmem>>, vector<2000x128xf32>,
    %get3A_106 = arith.constant 0 : index
    %get3A_107 = arith.constant 0 : index
    %get3A_108 = vector.load %arg7[%get3A_106, %get3A_107] : memref<128x8xf32, #tpu.memory_space<vmem>>, vector<128x8xf32>
    %dot_general3A_109 = arith.constant dense<0.000000e+00> : vector<2000x8xf32>
    %dot_general3A_110 = tpu.matmul %dot_general3A_103, %get3A_108, %dot_general3A_109 {dimension_numbers = #tpu.dot_dimension_numbers<[1], [0], [0], [1], [0, 0, 1, 1], [], []>, transpose_lhs_hint = false} : vector<2000x128xf32>, vector<128x8xf32>, vector<2000x8xf32> -> vector<2000x8xf32>
    %mul3A_111 = vector.broadcast %reduce_sum3A_51 : f32 to vector<2000x1xf32>
    %mul3A_112 = arith.mulf %div3A, %mul3A_111 : vector<2000x1xf32>
    %mul3A_113 = vector.broadcast %reduce_sum3A_63 : f32 to vector<2000x1xf32>
    %mul3A_114 = arith.mulf %div3A_17, %mul3A_113 : vector<2000x1xf32>
    %add3A_115 = arith.addf %mul3A_112, %mul3A_114 : vector<2000x1xf32>
    %iota3A = tpu.iota {dimensions = array<i32: 1>} : vector<2000x8xi32>
    %eq3A = arith.constant 2 : i32
    %eq3A_116 = vector.broadcast %eq3A : i32 to vector<2000x8xi32>
    %eq3A_117 = arith.cmpi eq, %iota3A, %eq3A_116 : vector<2000x8xi32>
    %broadcast_in_dim3A = vector.shape_cast %add3A_115 : vector<2000x1xf32> to vector<2000x1xf32>
    %broadcast_in_dim3A_118 = vector.broadcast %broadcast_in_dim3A : vector<2000x1xf32> to vector<2000x8xf32>
    %select_n3A = arith.select %eq3A_117, %broadcast_in_dim3A_118, %dot_general3A_110 : vector<2000x8xi1>, vector<2000x8xf32>
    %swap3A_119 = arith.constant 0 : index
    %swap3A_120 = arith.constant 0 : index
    %swap3A_121 = vector.load %arg13[%swap3A_119, %swap3A_120] : memref<2000x8xf32, #tpu.memory_space<vmem>>, vector<2000x8xf32>
    tpu.vector_store %arg13[%swap3A_119, %swap3A_120], %select_n3A {strides = array<i32>} : memref<2000x8xf32, #tpu.memory_space<vmem>>, vector<2000x8xf32>,
    return
  }
  func.func @transform_0(%arg0: i32) -> (i32, i32, i32) {
    %c0_i32 = arith.constant 0 : i32
    %c0_i32_0 = arith.constant 0 : i32
    %c0_i32_1 = arith.constant 0 : i32
    return %c0_i32, %arg0, %c0_i32_0 : i32, i32, i32
  }
  func.func @transform_1(%arg0: i32) -> (i32, i32) {
    %c0_i32 = arith.constant 0 : i32
    %c0_i32_0 = arith.constant 0 : i32
    return %arg0, %c0_i32 : i32, i32
  }
  func.func @transform_2(%arg0: i32) -> (i32, i32) {
    %c0_i32 = arith.constant 0 : i32
    %c0_i32_0 = arith.constant 0 : i32
    return %arg0, %c0_i32 : i32, i32
  }
  func.func @transform_3(%arg0: i32) -> (i32, i32) {
    %c0_i32 = arith.constant 0 : i32
    %c0_i32_0 = arith.constant 0 : i32
    return %arg0, %c0_i32 : i32, i32
  }
  func.func @transform_4(%arg0: i32) -> (i32, i32) {
    %c0_i32 = arith.constant 0 : i32
    %c0_i32_0 = arith.constant 0 : i32
    %c0_i32_1 = arith.constant 0 : i32
    return %c0_i32, %c0_i32_0 : i32, i32
  }
  func.func @transform_5(%arg0: i32) -> (i32, i32) {
    %c0_i32 = arith.constant 0 : i32
    %c0_i32_0 = arith.constant 0 : i32
    %c0_i32_1 = arith.constant 0 : i32
    return %c0_i32, %c0_i32_0 : i32, i32
  }
  func.func @transform_6(%arg0: i32) -> (i32, i32) {
    %c0_i32 = arith.constant 0 : i32
    %c0_i32_0 = arith.constant 0 : i32
    %c0_i32_1 = arith.constant 0 : i32
    return %c0_i32, %c0_i32_0 : i32, i32
  }
  func.func @transform_7(%arg0: i32) -> (i32, i32) {
    %c0_i32 = arith.constant 0 : i32
    %c0_i32_0 = arith.constant 0 : i32
    %c0_i32_1 = arith.constant 0 : i32
    return %c0_i32, %c0_i32_0 : i32, i32
  }
  func.func @transform_8(%arg0: i32) -> (i32, i32) {
    %c0_i32 = arith.constant 0 : i32
    %c0_i32_0 = arith.constant 0 : i32
    %c0_i32_1 = arith.constant 0 : i32
    return %c0_i32, %c0_i32_0 : i32, i32
  }
  func.func @transform_9(%arg0: i32) -> (i32, i32) {
    %c0_i32 = arith.constant 0 : i32
    %c0_i32_0 = arith.constant 0 : i32
    %c0_i32_1 = arith.constant 0 : i32
    return %c0_i32, %c0_i32_0 : i32, i32
  }
  func.func @transform_10(%arg0: i32) -> (i32, i32) {
    %c0_i32 = arith.constant 0 : i32
    %c0_i32_0 = arith.constant 0 : i32
    %c0_i32_1 = arith.constant 0 : i32
    return %c0_i32, %c0_i32_0 : i32, i32
  }
  func.func @transform_11(%arg0: i32) -> (i32, i32) {
    %c0_i32 = arith.constant 0 : i32
    %c0_i32_0 = arith.constant 0 : i32
    return %arg0, %c0_i32 : i32, i32
  }
  func.func @transform_12(%arg0: i32) -> (i32, i32) {
    %c0_i32 = arith.constant 0 : i32
    %c0_i32_0 = arith.constant 0 : i32
    return %arg0, %c0_i32 : i32, i32
  }
}

module attributes {stable_mosaic.version = 14 : i64} {
  func.func @_finalize2_body(%arg0: memref<2x10000x64xf32, #tpu.memory_space<vmem>>, %arg1: memref<10000x16xf32, #tpu.memory_space<vmem>>, %arg2: memref<10000x128xf32, #tpu.memory_space<vmem>>, %arg3: memref<10000x8xf32, #tpu.memory_space<vmem>>, %arg4: memref<1x128xf32, #tpu.memory_space<vmem>>, %arg5: memref<1x128xf32, #tpu.memory_space<vmem>>, %arg6: memref<1x1xf32, #tpu.memory_space<vmem>>, %arg7: memref<1x1xf32, #tpu.memory_space<vmem>>) attributes {dimension_semantics = [], scalar_prefetch = 0 : i64, scratch_operands = 0 : i64, tpu.core_type = #tpu.core_type<tc>} {
    %get3A = arith.constant 0 : index
    %get3A_0 = arith.constant 0 : index
    %get3A_1 = arith.constant 0 : index
    %get3A_2 = vector.load %arg0[%get3A, %get3A_0, %get3A_1] : memref<2x10000x64xf32, #tpu.memory_space<vmem>>, vector<1x10000x64xf32>
    %get3A_3 = vector.shape_cast %get3A_2 : vector<1x10000x64xf32> to vector<10000x64xf32>
    %get3A_4 = arith.constant 1 : index
    %get3A_5 = arith.constant 0 : index
    %get3A_6 = arith.constant 0 : index
    %get3A_7 = vector.load %arg0[%get3A_4, %get3A_5, %get3A_6] : memref<2x10000x64xf32, #tpu.memory_space<vmem>>, vector<1x10000x64xf32>
    %get3A_8 = vector.shape_cast %get3A_7 : vector<1x10000x64xf32> to vector<10000x64xf32>
    %concatenate3A = tpu.concatenate %get3A_3, %get3A_8 in 1 : vector<10000x64xf32>, vector<10000x64xf32> -> vector<10000x128xf32>
    %get3A_9 = arith.constant 0 : index
    %get3A_10 = arith.constant 0 : index
    %get3A_11 = vector.load %arg1[%get3A_9, %get3A_10] : memref<10000x16xf32, #tpu.memory_space<vmem>>, vector<10000x16xf32>
    %slice3A = vector.extract_strided_slice %get3A_11 {offsets = [0, 0], sizes = [10000, 1], strides = [1, 1]} : vector<10000x16xf32> to vector<10000x1xf32>
    %get3A_12 = arith.constant 0 : index
    %get3A_13 = arith.constant 0 : index
    %get3A_14 = vector.load %arg3[%get3A_12, %get3A_13] : memref<10000x8xf32, #tpu.memory_space<vmem>>, vector<10000x1xf32>
    %get3A_15 = arith.constant 0 : index
    %get3A_16 = arith.constant 1 : index
    %get3A_17 = vector.load %arg3[%get3A_15, %get3A_16] : memref<10000x8xf32, #tpu.memory_space<vmem>>, vector<10000x1xf32>
    %add3A = arith.addf %get3A_14, %get3A_17 : vector<10000x1xf32>
    %get3A_18 = arith.constant 0 : index
    %get3A_19 = arith.constant 2 : index
    %get3A_20 = vector.load %arg3[%get3A_18, %get3A_19] : memref<10000x8xf32, #tpu.memory_space<vmem>>, vector<10000x1xf32>
    %add3A_21 = arith.addf %add3A, %get3A_20 : vector<10000x1xf32>
    %mul3A = arith.constant 2.000000e-01 : f32
    %mul3A_22 = vector.broadcast %mul3A : f32 to vector<10000x1xf32>
    %mul3A_23 = arith.mulf %mul3A_22, %add3A_21 : vector<10000x1xf32>
    %max3A = arith.maximumf %add3A_21, %mul3A_23 : vector<10000x1xf32>
    %exp3A = math.exp %max3A : vector<10000x1xf32>
    %get3A_24 = arith.constant 0 : index
    %get3A_25 = arith.constant 0 : index
    %get3A_26 = vector.load %arg2[%get3A_24, %get3A_25] : memref<10000x128xf32, #tpu.memory_space<vmem>>, vector<10000x128xf32>
    %mul3A_27 = vector.broadcast %exp3A : vector<10000x1xf32> to vector<10000x128xf32>
    %mul3A_28 = arith.mulf %mul3A_27, %get3A_26 : vector<10000x128xf32>
    %add3A_29 = arith.addf %concatenate3A, %mul3A_28 : vector<10000x128xf32>
    %add3A_30 = arith.addf %slice3A, %exp3A : vector<10000x1xf32>
    %add3A_31 = arith.constant 1.000000e-16 : f32
    %add3A_32 = vector.broadcast %add3A_31 : f32 to vector<10000x1xf32>
    %add3A_33 = arith.addf %add3A_30, %add3A_32 : vector<10000x1xf32>
    %div3A = vector.broadcast %add3A_33 : vector<10000x1xf32> to vector<10000x128xf32>
    %div3A_34 = arith.divf %add3A_29, %div3A : vector<10000x128xf32>
    %get3A_35 = arith.constant 0 : index
    %get3A_36 = arith.constant 0 : index
    %get3A_37 = vector.load %arg4[%get3A_35, %get3A_36] : memref<1x128xf32, #tpu.memory_space<vmem>>, vector<1x128xf32>
    %add3A_38 = vector.broadcast %get3A_37 : vector<1x128xf32> to vector<10000x128xf32>
    %add3A_39 = arith.addf %div3A_34, %add3A_38 : vector<10000x128xf32>
    %max3A_40 = arith.constant 0.000000e+00 : f32
    %max3A_41 = vector.broadcast %max3A_40 : f32 to vector<10000x128xf32>
    %max3A_42 = arith.maximumf %add3A_39, %max3A_41 : vector<10000x128xf32>
    %reduce_sum3A = arith.constant dense<0.000000e+00> : vector<128xf32>
    %reduce_sum3A_43 = vector.multi_reduction <add>, %max3A_42, %reduce_sum3A [0] : vector<10000x128xf32> to vector<128xf32>
    %div3A_44 = arith.constant 1.000000e+04 : f32
    %div3A_45 = vector.broadcast %div3A_44 : f32 to vector<128xf32>
    %div3A_46 = arith.divf %reduce_sum3A_43, %div3A_45 : vector<128xf32>
    %get3A_47 = arith.constant 0 : index
    %get3A_48 = arith.constant 0 : index
    %get3A_49 = vector.load %arg5[%get3A_47, %get3A_48] : memref<1x128xf32, #tpu.memory_space<vmem>>, vector<1x128xf32>
    %get3A_50 = vector.shape_cast %get3A_49 : vector<1x128xf32> to vector<128xf32>
    %mul3A_51 = arith.mulf %div3A_46, %get3A_50 : vector<128xf32>
    %reduce_sum3A_52 = vector.shape_cast %mul3A_51 : vector<128xf32> to vector<1x128xf32>
    %reduce_sum3A_53 = arith.constant dense<0.000000e+00> : vector<1xf32>
    %reduce_sum3A_54 = vector.multi_reduction <add>, %reduce_sum3A_52, %reduce_sum3A_53 [1] : vector<1x128xf32> to vector<1xf32>
    %reduce_sum3A_55 = vector.shape_cast %reduce_sum3A_54 : vector<1xf32> to vector<1x1xf32>
    %reduce_sum3A_56 = vector.extract %reduce_sum3A_55[0, 0] : f32 from vector<1x1xf32>
    %get3A_57 = arith.constant 0 : index
    %get3A_58 = arith.constant 0 : index
    %get3A_59 = vector.load %arg6[%get3A_57, %get3A_58] : memref<1x1xf32, #tpu.memory_space<vmem>>, vector<1x1xf32>
    %get3A_60 = vector.extract %get3A_59[0, 0] : f32 from vector<1x1xf32>
    %add3A_61 = arith.addf %reduce_sum3A_56, %get3A_60 : f32
    %broadcast_in_dim3A = vector.broadcast %add3A_61 : f32 to vector<1x1xf32>
    %swap3A = arith.constant 0 : index
    %swap3A_62 = arith.constant 0 : index
    %swap3A_63 = vector.load %arg7[%swap3A, %swap3A_62] : memref<1x1xf32, #tpu.memory_space<vmem>>, vector<1x1xf32>
    tpu.vector_store %arg7[%swap3A, %swap3A_62], %broadcast_in_dim3A {strides = array<i32>} : memref<1x1xf32, #tpu.memory_space<vmem>>, vector<1x1xf32>,
    return
  }
}

</mosaic_0001>

<sc_bundles>
// kernel: kernel.10.cloned.1.call-start
scs
__scs_entry_jumppad:
0x0: {  	(pc) =	sbr.rel $0x88, $3  }
0x1: {  	(tag) =	ssettag $0x0;
	lr =	simm.s32 $0x1  }
0x2: {  	[smem:$0x3F8F] =	sst lr;
	_ =	strace $0xD0000000  }
0x3: {  	_ = 	snop  }
0x4: {  	_ = 	snop  }
0x5: {  	_ = 	snop  }
0x6: {  	_ = 	snop  }
0x7: {  	_ = 	snop  }
__scs_overlays_trampoline_lowered:
0x8: {  	[smem:$0x3F9E] =	sst s0  }
0x9: {  	[smem:$0x3F9F] =	sst s1  }
0xa: {  	[smem:$0x3FA0] =	sst s2  }
0xb: {  	[smem:$0x3FA1] =	sst s3  }
0xc: {  	[smem:$0x3FA2] =	sst s4  }
0xd: {  	[smem:$0x3FA3] =	sst s5  }
0xe: {  	[smem:$0x3FA4] =	sst s6  }
0xf: {  	[smem:$0x3FA5] =	sst s7  }
0x10: {  	[smem:$0x3FA6] =	sst s8  }
0x11: {  	[smem:$0x3FA7] =	sst s9;
	s0 =	simm.s32 @!p0 $0x0  }
0x12: {  	s1 =	sld [smem:$0x3F8D];
	s0 =	simm.s32 @p0 $0x1  }
0x13: {  	[smem:$0x3FA8] =	sst s0;
	s0 =	simm.s32 @!p1 $0x0  }
0x14: {  	s2 =	sld [smem:$0x3F8C];
	s0 =	simm.s32 @p1 $0x1  }
0x15: {  	[smem:$0x3FA9] =	sst s0;
	s0 =	simm.s32 @!p2 $0x0  }
0x16: {  	s3 =	sld [smem:$0x3FDB];
	s0 =	simm.s32 @p2 $0x1  }
0x17: {  	s4 =	simm.s32 $0x1BF5;
	[smem:$0x3FAB] =	sst s0  }
0x18: {  	s0 =	sld [smem:$0x3F8E];
	_ =	swait.ge [sflag:s4], $0x0  }
0x19: {  	s7 =	sld [smem:$0x3F8F]  }
0x1a: {  	s8 =	sadd.s32 $0xFFFFE003, lr  }
0x1b: {  	s9 =	sadd.s32 $0xFFFFFEF7, lr;
	s5 =	simm.s32 $0xFFFFFFFF;
	p2 =	slt.u32 s8, $0xFFFFF086  }
0x1c: {  	p1 =	slt.u32 s9, $0xF7A;
	s5 =	simm.s32 @!p2 $0x0  }
0x1d: {  	s5 =	simm.s32 @p1 $0x1;
	p0 =	seq.s32 s7, s2  }
0x1e: {  	s7 =	smul.u32 @!p0 $0xF7A, s2;
	p2 =	seq.s32 @!p0 s5, $0x0  }
0x1f: {  	s9 =	smul.u32 $0xF7A, s1;
	s8 =	simm.s32 @!p0 $0x1BF5;
	p2 =	por !p2, p0  }
0x20: {  	[sflag:s8] =	ssyncset.s32 @!p0 $0xFFFFF086;
	s6 =	sadd.s32 @!p0 s3, s7;
	s7 =	simm.s32 @!p0 $0x108  }
0x21: {  	s3 =	sadd.s32 s3, s9;
	s6 =	sadd.s32 @!p0 $0x88, s6;
	s7 =	simm.s32 @p2 $0x1082  }
0x22: {  	[simem:s7], [sflag:s8] =	dma.local @!p0 [hbm:s6], $0xF7A  }
0x23: {  	s9 =	sor.u32 $0xD0000000, s2;
	s6 =	simm.s32 $0x108;
	_ =	swait.ge @!p0 [sflag:s8], $0x0  }
0x24: {  	s3 =	sadd.s32 $0x88, s3;
	s6 =	simm.s32 @!p1 $0x1082;
	[sflag:s4] =	ssyncset.s32 $0xFFFFF086  }
0x25: {  	[simem:s6], [sflag:s4] =	dma.local [hbm:s3], $0xF7A  }
0x26: {  	[smem:$0x3F8F] =	sst s1;
	(tag) =	ssettag s2;
	_ =	strace s9  }
0x27: {  	s1 =	sld [smem:$0x3F9F]  }
0x28: {  	s2 =	sld [smem:$0x3FA0]  }
0x29: {  	s4 =	sld [smem:$0x3FA2]  }
0x2a: {  	p0 =	seq.s32 s5, $0x0;
	s5 =	sld [smem:$0x3FA3]  }
0x2b: {  	s6 =	sld [smem:$0x3FA4]  }
0x2c: {  	s7 =	sld [smem:$0x3FA5]  }
0x2d: {  	s3 =	simm.s32 $0x108;
	s8 =	sld [smem:$0x3FA6]  }
0x2e: {  	s3 =	simm.s32 @!p0 $0x1082;
	s9 =	sld [smem:$0x3FA7]  }
0x2f: {  	lr =	sadd.s32 s0, s3;
	s0 =	sld [smem:$0x3F9E]  }
0x30: {  	s3 =	sld [smem:$0x3FA1]  }
0x31: {  	[smem:$0x3FAA] =	sst s10  }
0x32: {  	s10 =	sld [smem:$0x3FA8];
	_ =	sdelay $0x3  }
0x33: {  	p0 =	seq.s32 s10, $0x1;
	s10 =	sld [smem:$0x3FAA];
	_ =	sdelay $0x3  }
0x34: {  	[smem:$0x3FAA] =	sst s10  }
0x35: {  	s10 =	sld [smem:$0x3FA9];
	_ =	sdelay $0x3  }
0x36: {  	p1 =	seq.s32 s10, $0x1;
	s10 =	sld [smem:$0x3FAA];
	_ =	sdelay $0x3  }
0x37: {  	[smem:$0x3FAA] =	sst s10  }
0x38: {  	s10 =	sld [smem:$0x3FAB]  }
0x39: {  	_ = 	snop;
	(pc) =	sbr.ind lr, $3  }
0x3a: {  	_ = 	snop  }
0x3b: {  	_ = 	snop  }
0x3c: {  	p2 =	seq.s32 s10, $0x1;
	s10 =	sld [smem:$0x3FAA]  }
0x3d: {  	_ =	shalt  }
0x3e: {  	_ =	shalt  }
0x3f: {  	_ =	shalt  }
0x40: {  	_ =	shalt  }
0x41: {  	_ =	shalt  }
0x42: {  	_ =	shalt  }
0x43: {  	_ =	shalt  }
0x44: {  	_ =	shalt  }
0x45: {  	_ =	shalt  }
0x46: {  	_ =	shalt  }
0x47: {  	_ =	shalt  }
0x48: {  	_ =	shalt  }
0x49: {  	_ =	shalt  }
0x4a: {  	_ =	shalt  }
0x4b: {  	_ =	shalt  }
0x4c: {  	_ =	shalt  }
0x4d: {  	_ =	shalt  }
0x4e: {  	_ =	shalt  }
0x4f: {  	_ =	shalt  }
0x50: {  	_ =	shalt  }
0x51: {  	_ =	shalt  }
0x52: {  	_ =	shalt  }
0x53: {  	_ =	shalt  }
0x54: {  	_ =	shalt  }
0x55: {  	_ =	shalt  }
0x56: {  	_ =	shalt  }
0x57: {  	_ =	shalt  }
0x58: {  	_ =	shalt  }
0x59: {  	_ =	shalt  }
0x5a: {  	_ =	shalt  }
0x5b: {  	_ =	shalt  }
0x5c: {  	_ =	shalt  }
0x5d: {  	_ =	shalt  }
0x5e: {  	_ =	shalt  }
0x5f: {  	_ =	shalt  }
0x60: {  	_ =	shalt  }
0x61: {  	_ =	shalt  }
0x62: {  	_ =	shalt  }
0x63: {  	_ =	shalt  }
0x64: {  	_ =	shalt  }
0x65: {  	_ =	shalt  }
0x66: {  	_ =	shalt  }
0x67: {  	_ =	shalt  }
0x68: {  	_ =	shalt  }
0x69: {  	_ =	shalt  }
0x6a: {  	_ =	shalt  }
0x6b: {  	_ =	shalt  }
0x6c: {  	_ =	shalt  }
0x6d: {  	_ =	shalt  }
0x6e: {  	_ =	shalt  }
0x6f: {  	_ =	shalt  }
0x70: {  	_ =	shalt  }
0x71: {  	_ =	shalt  }
0x72: {  	_ =	shalt  }
0x73: {  	_ =	shalt  }
0x74: {  	_ =	shalt  }
0x75: {  	_ =	shalt  }
0x76: {  	_ =	shalt  }
0x77: {  	_ =	shalt  }
0x78: {  	_ =	shalt  }
0x79: {  	_ =	shalt  }
0x7a: {  	_ =	shalt  }
0x7b: {  	_ =	shalt  }
0x7c: {  	_ =	shalt  }
0x7d: {  	_ =	shalt  }
0x7e: {  	_ =	shalt  }
0x7f: {  	_ =	shalt  }
0x80: {  	_ =	shalt  }
0x81: {  	_ =	shalt  }
0x82: {  	_ =	shalt  }
0x83: {  	_ =	shalt  }
0x84: {  	_ =	shalt  }
0x85: {  	_ =	shalt  }
0x86: {  	_ =	shalt  }
0x87: {  	_ =	shalt  }
.Lfunc_end0:
.L_simem_size_0:
called_computation.1_lowered:
.L_overlay_start_0:
0x88: {  	s2 =	sld [smem:$0x3FD9]  }
0x89: {  	s3 =	sld [smem:$0x3FFE];
	_ =	sdelay $0x1  }
0x8a: {  	s1 =	srdreg.scid  }
0x8b: {  	s0 =	sand.u32 $0x1, s1  }
0x8c: {  	s16 =	sshll.u32 s0, $0xA;
	s2 =	sadd.s32 s3, s2  }
0x8d: {  	s2 =	sadd.s32 s2, s16  }
0x8e: {  	[smem:$0x3FB6] =	sst s2  }
0x8f: {  	_ = 	snop  }
0x90: {  	(tm) =	ssettm $0x1  }
0x91: {  	s17 =	sld [smem:$0x3FFB];
	_ =	sdelay $0x3  }
0x92: {  	_ =	strace s17  }
0x93: {  	s2 =	sld [smem:$0x3FFC];
	_ =	sdelay $0x3  }
0x94: {  	_ =	strace s2  }
0x95: {  	s2 =	sld [smem:$0x3FFD];
	_ =	sdelay $0x3  }
0x96: {  	_ =	strace s2  }
0x97: {  	_ =	strace $0x8FFFFFFF  }
0x98: {  	s18 =	sld [smem:$0x3FDB];
	_ =	sdelay $0x1  }
0x99: {  	s19 =	simm.s32 $_scs_section_size  }
0x9a: {  	s4 =	simm.s32 $_size__tile_overlayer_lowered;
	s5 =	simm.s32 $_tile_overlayer_lowered  }
0x9b: {  	s22 =	simm.s32 $0x1BFF;
	s21 =	sshll.u32 s5, $0x1;
	s2 =	sadd.s32 s19, s18  }
0x9c: {  	s6 =	simm.s32 $0x0;
	s20 =	sshll.u32 s4, $0x1;
	s4 =	sadd.s32 s21, s2  }
0x9d: {  	[timem:s6], [sflag:s22] =	dma.local [hbm:s4], s20  }
0x9e: {  	_ =	swait.ge [sflag:s22], s20  }
0x9f: {  	s3 =	ssub.s32 $0x0, s20;
	[sflag:s22] =	ssyncset.done $0x0  }
0xa0: {  	[sflag:s22] =	ssyncadd.s32 s3;
	_ =	sdelay $0x1  }
0xa1: {  	s23 =	simm.s32 $0x1B8B  }
0xa2: {  	_ =	swait.ge [sflag:s23], $0x1  }
0xa3: {  	[sflag:s23] =	ssyncset.done $0x0  }
0xa4: {  	s25 =	simm.s32 $0x1B8E;
	s24 =	sld [smem:$0x3FFE];
	[sflag:s23] =	ssyncadd.s32 $0xFFFFFFFF  }
0xa5: {  	s26 =	simm.s32 $execute0_lowered;
	[smem:$0x3FD2] =	sst s25  }
0xa6: {  	s4 =	sshll.u32 s26, $0x1;
	_ =	strace $0x80000049;
	[dreg:$0x1] =	wrdreg $0xFFFFFFFF  }
0xa7: {  	s28 =	simm.s32 $_size_execute0_lowered;
	s2 =	sadd.s32 s2, s4;
	[dreg:$0x0] =	wrdreg $0x0  }
0xa8: {  	s4 =	sshll.u32 s28, $0x1;
	[dreg:$0x2] =	wrdreg s2  }
0xa9: {  	[dreg:$0x3] =	wrdreg s4  }
0xaa: {  	[dreg:$0x4] =	wrdreg $0xC0  }
0xab: {  	_ =	task [dreg:s6], $0x5FFFF  }
0xac: {  	[dreg:$0x1] =	wrdreg $0xFFFFFFFF  }
0xad: {  	[dreg:$0x0] =	wrdreg $0x60  }
0xae: {  	[dreg:$0x2] =	wrdreg s24  }
0xaf: {  	[dreg:$0x3] =	wrdreg $0x84D00  }
0xb0: {  	[dreg:$0x4] =	wrdreg $0x121100  }
0xb1: {  	[dreg:$0x5] =	wrdreg $0x9  }
0xb2: {  	_ =	task.clear_ibuf [dreg:s6], $0x6FFFF;
	_ =	strace $0x90000049  }
0xb3: {  	s29 =	simm.s32 $0x9;
	_ =	strace $0x8000004B  }
0xb4: {  	_ =	swait.ge [sflag:s29], $0x1  }
0xb5: {  	[sflag:s29] =	ssyncadd.s32 $0xFFFFFFFF  }
0xb6: {  	_ =	strace $0x9000004B  }
0xb7: {  	_ =	sfence  }
0xb8: {  	s30 =	sld [smem:$0x0];
	_ =	sdelay $0x2  }
0xb9: {  	s31 =	sshll.u32 s1, $0xD;
	s1 =	sshrl.u32 s1, $0x2  }
0xba: {  	s3 =	sand.u32 $0x4000, s31;
	s1 =	sadd.s32 s1, s30  }
0xbb: {  	s0 =	sor.u32 s3, s0;
	s1 =	sshll.u32 s1, $0x11  }
0xbc: {  	s0 =	sor.u32 s1, s0  }
0xbd: {  	s0 =	sadd.s32 $0x8F2B, s0  }
0xbe: {  	[sflag:s0] =	ssyncadd.remote.s32 $0x1  }
0xbf: {  	_ =	sfence.sel $0xFFFF  }
0xc0: {  	[dreg:$0x0] =	wrdreg $0xFFFFFFFF;
	(pc) =	sbr.abs _section_cstart, $3  }
0xc1: {  	[dreg:$0x1] =	wrdreg $0xFFFFFFFF  }
0xc2: {  	_ =	task.clear_ibuf [dreg:s6], $0x2FFFF;
	_ =	strace $0x9FFFFFFF  }
0xc3: {  	(tm) =	ssettm $0x7FFFFFFF  }
tec
execute0_lowered:
.L_overlay_start_1:
0x0: {  	(tag) =	ssettag $0x1  }
0x1: {  	s0 =	rddreg [dreg:$0x0]  }
0x2: {  	s1 =	rddreg [dreg:$0x1]  }
0x3: {  	s3 =	rddreg [dreg:$0x2];
	s4 =	simm.s32 $0x0  }
0x4: {  	s2 =	srdreg.scid;
	s16 =	stileid.u32;
	s29 =	simm.s32 $0x50A0  }
0x5: {  	s30 =	simm.s32 $0x69A0;
	s31 =	simm.s32 $0x6B80;
	s6 =	smul.u32 $0xFA00, s16  }
0x6: {  	s28 =	simm.s32 $0x6BD0;
	[smem:$0x7FF] =	sst s4;
	s11 =	smul.u32 $0x3E800, s16  }
0x7: {  	s2 =	sand.u32 $0x1, s2;
	s5 =	sadd.s32 $0x2E00, s0;
	s12 =	smul.u32 $0x4E20, s16  }
0x8: {  	s7 =	sadd.s32 $0x64E00, s0;
	s8 =	sadd.s32 $0x5B000, s0;
	s14 =	smul.u32 $0x2710, s16  }
0x9: {  	s10 =	sadd.s32 $0x8CA00, s0;
	s20 =	sadd.s32 $0x8EA00, s0;
	s13 =	smul.u32 $0xFA, s16  }
0xa: {  	p0 =	sgt.u32 s16, $0x9;
	_ =	strace $0x8000004A;
	[dreg:$0x4] =	wrdreg s7  }
0xb: {  	s9 =	smul.u32 $0x9C400, s2;
	s7 =	sadd.s32 $0x65800, s0;
	[dreg:$0x5] =	wrdreg s10  }
0xc: {  	[dreg:$0x6] =	wrdreg s20;
	s21 =	ssub.s32 $0x2, s2;
	s26 =	sor.u32 s16, s2  }
0xd: {  	v1 =	vmov s2;
	p1 =	seq.s32 s2, $0x0;
	p2 =	sne.s32 s2, $0x0;
	s2 =	simm.s32 $0x1  }
0xe: {  	s22 =	sshrl.u32 s21, $0x1;
	s23 =	sshrl.u32 s11, $0x2;
	s24 =	sshrl.u32 s6, $0x2  }
0xf: {  	s15 =	sshrl.u32 s12, $0x3;
	s14 =	sadd.s32 s7, s14;
	p3 =	sne.s32 s26, $0x0  }
0x10: {  	s26 =	simm.s32 $0x50;
	s9 =	sadd.s32 s6, s9;
	s10 =	sadd.s32 s23, s1  }
0x11: {  	s11 =	sadd.s32 s24, s3;
	[dreg:$0x8] =	wrdreg s14;
	s25 =	sadd.s32 s8, s15  }
0x12: {  	v0 =	vlaneseq.u32;
	s6 =	sadd.s32 s6, s1;
	s24 =	simm.s32 $0x4;
	s9 =	sshrl.u32 s9, $0x3  }
0x13: {  	v0 =	vmul.u32 $0x10, v0;
	[dreg:$0x9] =	wrdreg s25;
	s9 =	sadd.s32 s9, s0;
	s0 =	sadd.s32 $0x51200, s0  }
0x14: {  	s23 =	simm.s32 $0x6AE0;
	s14 =	simm.s32 $0x6B30;
	[dreg:$0x7] =	wrdreg s0  }
0x15: {  	v2 =	vimm.f32 $0.0e+00;
	v4 =	vimm.f32 $1.000000000e+00;
	v3 =	vor.u32 $0x1, v0;
	s0 =	ssub.s32 s21, s22;
	s9 =	sadd.s32 $0x2A000, s9;
	s22 =	simm.s32 $0x8  }
0x16: {  	v5 =	vor.u32 $0x2, v0;
	v6 =	vor.u32 $0x3, v0;
	v7 =	vor.u32 $0x100, v0;
	[dreg:$0xa] =	wrdreg s9;
	s9 =	sshll.u32 @!p0 s16, $0x6;
	s0 =	smax.u32 s0, $0x1  }
0x17: {  	v8 =	vor.u32 $0x101, v0;
	v9 =	vor.u32 $0x102, v0;
	v10 =	vor.u32 $0x103, v0;
	s16 =	simm.s32 $0x0;
	[dreg:$0xb] =	wrdreg s0;
	s0 =	sshrl.u32 @!p0 s10, $0x3  }
0x18: {  	v11 =	vor.u32 $0x200, v0;
	v12 =	vor.u32 $0x201, v0;
	v13 =	vor.u32 $0x202, v0;
	s19 =	sor.u32 @!p0 $0x1C09, s9;
	s9 =	simm.s32 $0x5000;
	[dreg:$0xd] =	wrdreg s0  }
0x19: {  	v14 =	vor.u32 $0x203, v0;
	v15 =	vor.u32 $0x300, v0;
	v16 =	vor.u32 $0x301, v0;
	s10 =	simm.s32 $0x7FD0;
	s0 =	sshrl.u32 @!p0 s11, $0x3;
	[dreg:$0xc] =	wrdreg s19  }
0x1a: {  	v17 =	vor.u32 $0x302, v0;
	v18 =	vor.u32 $0x303, v0;
	v19 =	vor.u32 $0x400, v0;
	s11 =	simm.s32 $0x5;
	[dreg:$0xe] =	wrdreg s0;
	s0 =	sshrl.u32 @!p0 s6, $0x3  }
0x1b: {  	v20 =	vor.u32 $0x401, v0;
	v21 =	vor.u32 $0x402, v0;
	v22 =	vor.u32 $0x403, v0;
	s6 =	simm.s32 $0x4E20;
	[dreg:$0xf] =	wrdreg s0;
	s0 =	simm.s32 $0x64A0  }
.LBB2_1:
0x1c: {  	s15 =	rddreg [dreg:$0x5]  }
0x1d: {  	s17 =	rddreg [dreg:$0xd]  }
0x1e: {  	[spmem:s17], [sflag:s19] =	dma.local @!p0 [hbm:s15], $0x1F40  }
0x1f: {  	s15 =	simm.s32 @!p0 $0x9  }
0x20: {  	_ =	swait.ge @!p0 [sflag:s15], $0x1F40  }
0x21: {  	[sflag:s15] =	ssyncset.done @!p0 $0x0;
	s17 =	rddreg [dreg:$0x6]  }
0x22: {  	s18 =	rddreg [dreg:$0xe];
	[sflag:s15] =	ssyncadd.s32 @!p0 $0xFFFFE0C0  }
0x23: {  	[spmem:s18], [sflag:s19] =	dma.local @!p0 [hbm:s17], $0x7D0  }
0x24: {  	_ =	swait.ge @!p0 [sflag:s15], $0x7D0  }
0x25: {  	[sflag:s15] =	ssyncset.done @!p0 $0x0  }
0x26: {  	s25 =	simm.s32 $0x9;
	s21 =	rddreg [dreg:$0x4];
	[sflag:s15] =	ssyncadd.s32 @!p0 $0xFFFFF830  }
0x27: {  	[tilespmem:s4], [sflag:$0x9] =	stream.linear.gather [hbm4b:s21+s4], $0x4E20, $0x38;
	[tilespmem:$0x14820] =	vst v63  }
0x28: {  	_ =	swait.ge [sflag:s25], $0x4E20  }
0x29: {  	[sflag:s25] =	ssyncset.done $0x0  }
0x2a: {  	s17 =	simm.s32 $0x0;
	s15 =	simm.s32 $0x40;
	[sflag:s25] =	ssyncadd.s32 $0xFFFFB1E0  }
.LBB2_2:
0x2b: {  	p4 =	sne.s32 s15, $0x13C0;
	[tilespmem:s17+$0x64A0] =	vst v2;
	s19 =	smov.u32 s15;
	s15 =	sadd.s32 $0x40, s15  }
.Ltmp0:
0x2c: {  	[tilespmem:s17+$0x7FD0] =	vst v2;
	(pc) =	sbr.rel @p4 .LBB2_2-.Ltmp0, $2  }
0x2d: {  	_ =	sdelay $0x2  }
0x2e: {  	s17 =	sshra.s32 s19, $0x2  }
0x2f: {  	[tilespmem:s17+$0x64A0] =	vst v2  }
0x30: {  	[tilespmem:s17+$0x7FD0] =	vst v2  }
0x31: {  	[bflag:$0x0] =	sbarrier.arrive $0xFFFF  }
0x32: {  	s17 =	simm.s32 $0x0;
	s18 =	simm.s32 $0x4E70;
	s15 =	rddreg [dreg:$0x8]  }
0x33: {  	[tilespmem:s18], [sflag:$0x4] =	stream.linear.gather [hbm4b:s15+s17], $0x140, $0x38;
	[tilespmem:$0x14820] =	vst v63  }
0x34: {  	s21 =	simm.s32 $0x5050;
	s20 =	rddreg [dreg:$0x9]  }
0x35: {  	[tilespmem:s21], [sflag:$0x4] =	stream.linear.gather [hbm4b:s20+s17], $0x50, $0x38;
	[tilespmem:$0x14820] =	vst v63  }
0x36: {  	_ =	swait.ge [sflag:s24], $0x140  }
0x37: {  	[sflag:s24] =	ssyncset.done $0x0  }
0x38: {  	[sflag:s24] =	ssyncadd.s32 $0xFFFFFEC0  }
0x39: {  	_ =	swait.ge [sflag:s24], $0x50  }
0x3a: {  	[sflag:s24] =	ssyncset.done $0x0  }
0x3b: {  	[sflag:s24] =	ssyncadd.s32 $0xFFFFFFB0  }
0x3c: {  	v23 =	vld [tilespmem:$0x4E70]  }
0x3d: {  	v24 =	vld [tilespmem:$0x4E80]  }
0x3e: {  	v25 =	vld [tilespmem:$0x4E90]  }
0x3f: {  	v26 =	vld [tilespmem:$0x4EA0]  }
0x40: {  	v27 =	vld [tilespmem:$0x4EB0]  }
0x41: {  	v23 =	vshll.u32 v23, $0x1  }
0x42: {  	v24 =	vshll.u32 v24, $0x1;
	v23 =	vor.u32 v1, v23  }
0x43: {  	v61 =	vshll.u32 v25, $0x1;
	[tilespmem:$0x4FB0] =	vst v23;
	v23 =	vor.u32 v1, v24  }
0x44: {  	v62 =	vshll.u32 v26, $0x1;
	[tilespmem:$0x4FC0] =	vst v23;
	v23 =	vor.u32 v1, v61  }
0x45: {  	v63 =	vshll.u32 v27, $0x1;
	[tilespmem:$0x4FD0] =	vst v23;
	v23 =	vor.u32 v1, v62  }
0x46: {  	[tilespmem:$0x4FE0] =	vst v23;
	v23 =	vor.u32 v1, v63  }
0x47: {  	s25 =	simm.s32 $0x4FB0;
	[tilespmem:$0x4FF0] =	vst v23  }
0x48: {  	[tilespmem:s29], [sflag:$0x1] =	stream.indirect.gather [hbm4b:s5+s26], $0x40, s25, s26, $0xb8;
	[tilespmem:$0x14820] =	vst v63  }
.LBB2_4:
0x49: {  	s15 =	sshllo.u32 s17, $0x1  }
0x4a: {  	s19 =	sadd.s32 s13, s15;
	s15 =	smul.u32 $0x50, s15  }
0x4b: {  	s19 =	smul.u32 $0x28, s19  }
0x4c: {  	p4 =	sne.s32 s17, $0x0;
	s15 =	sadd.s32 s12, s15  }
0x4d: {  	p4 =	por !p1, !p4;
	s19 =	sadd.s32 s7, s19;
	s15 =	sshrl.u32 s15, $0x3  }
0x4e: {  	[tilespmem:s30], [sflag:$0x8] =	stream.linear.gather [hbm4b:s19+s4], $0x140, $0x38;
	[tilespmem:$0x14820] =	vst v63  }
0x4f: {  	p4 =	por !p4, !p4;
	s15 =	sadd.s32 s8, s15  }
0x50: {  	[tilespmem:s31], [sflag:$0x8] =	stream.linear.gather [hbm4b:s15+s4], $0x50, $0x38;
	[tilespmem:$0x14820] =	vst v63  }
0x51: {  	s15 =	simm.s32 @p4 $0x3  }
0x52: {  	_ =	swait.ge @p4 [sflag:s15], $0x500  }
0x53: {  	[sflag:s15] =	ssyncset.done @p4 $0x0  }
0x54: {  	[sflag:s15] =	ssyncadd.s32 @p4 $0xFFFFFB00  }
0x55: {  	v23 =	vld [tilespmem:$0x4E70]  }
0x56: {  	v24 =	vld [tilespmem:$0x4EC0];
	_ =	sdelay $0x4  }
0x57: {  	v23 =	vshll.u32 v23, $0x1;
	v25 =	vshll.u32 v24, $0x1  }
0x58: {  	v25 =	vor.u32 $0x1, v25;
	_ =	sdelay $0x2  }
0x59: {  	[tilespmem:$0x5000] =	vst v24  }
0x5a: {  	v23 =	vld.idx.msk [tilespmem:v23+s4+$0x0], $0xffff  }
0x5b: {  	v24 =	vld.idx.msk [tilespmem:v25+s4+$0x0], $0xffff;
	_ =	sdelay $0x1  }
0x5c: {  	v25 =	vld [tilespmem:$0x5050];
	_ =	sdelay $0x2  }
0x5d: {  	v23 =	vadd.f32 v24, v23;
	_ =	sdelay $0x1  }
0x5e: {  	v23 =	vadd.f32 v25, v23;
	_ =	sdelay $0x1  }
0x5f: {  	v24 =	vmul.f32 $2.000000030e-01, v23;
	_ =	sdelay $0x1  }
0x60: {  	v23 =	vmax.f32 v23, v24  }
0x61: {  	v23 =	vmul.f32 $1.442695020e+00, v23;
	_ =	sdelay $0x1  }
0x62: {  	(erf) = vpow2.f32 v23;
	_ =	sdelay $0x7  }
0x63: {  	v23 =	vld [tilespmem:$0x4F10]  }
0x64: {  	v24 =	vld [tilespmem:$0x4F60];
	v25 =	vpop (erf)  }
0x65: {  	[tilespmem:$0x4E20] =	vst v25  }
0x66: {  	[tilespmem:v0+s0+$0x0] =	vst.idx.msk $0xffff, v25  }
0x67: {  	[tilespmem:v3+s0+$0x0] =	vst.idx.msk $0xffff, v4  }
0x68: {  	[tilespmem:v5+s0+$0x0] =	vst.idx.msk $0xffff, v23  }
0x69: {  	[tilespmem:v6+s0+$0x0] =	vst.idx.msk $0xffff, v24  }
0x6a: {  	v23 =	vld [tilespmem:$0x4E80]  }
0x6b: {  	v24 =	vld [tilespmem:$0x4ED0];
	_ =	sdelay $0x4  }
0x6c: {  	v23 =	vshll.u32 v23, $0x1;
	v25 =	vshll.u32 v24, $0x1  }
0x6d: {  	v25 =	vor.u32 $0x1, v25;
	_ =	sdelay $0x2  }
0x6e: {  	[tilespmem:$0x5010] =	vst v24  }
0x6f: {  	v23 =	vld.idx.msk [tilespmem:v23+s4+$0x0], $0xffff  }
0x70: {  	v24 =	vld.idx.msk [tilespmem:v25+s4+$0x0], $0xffff;
	_ =	sdelay $0x1  }
0x71: {  	v25 =	vld [tilespmem:$0x5060];
	_ =	sdelay $0x2  }
0x72: {  	v23 =	vadd.f32 v24, v23;
	_ =	sdelay $0x1  }
0x73: {  	v23 =	vadd.f32 v25, v23;
	_ =	sdelay $0x1  }
0x74: {  	v24 =	vmul.f32 $2.000000030e-01, v23;
	_ =	sdelay $0x1  }
0x75: {  	v23 =	vmax.f32 v23, v24  }
0x76: {  	v23 =	vmul.f32 $1.442695020e+00, v23;
	_ =	sdelay $0x1  }
0x77: {  	(erf) = vpow2.f32 v23;
	_ =	sdelay $0x7  }
0x78: {  	v23 =	vld [tilespmem:$0x4F20]  }
0x79: {  	v24 =	vld [tilespmem:$0x4F70];
	v25 =	vpop (erf)  }
0x7a: {  	[tilespmem:$0x4E30] =	vst v25  }
0x7b: {  	[tilespmem:v7+s0+$0x0] =	vst.idx.msk $0xffff, v25  }
0x7c: {  	[tilespmem:v8+s0+$0x0] =	vst.idx.msk $0xffff, v4  }
0x7d: {  	[tilespmem:v9+s0+$0x0] =	vst.idx.msk $0xffff, v23  }
0x7e: {  	[tilespmem:v10+s0+$0x0] =	vst.idx.msk $0xffff, v24  }
0x7f: {  	v23 =	vld [tilespmem:$0x4E90]  }
0x80: {  	v24 =	vld [tilespmem:$0x4EE0];
	_ =	sdelay $0x4  }
0x81: {  	v23 =	vshll.u32 v23, $0x1;
	v25 =	vshll.u32 v24, $0x1  }
0x82: {  	v25 =	vor.u32 $0x1, v25;
	_ =	sdelay $0x2  }
0x83: {  	[tilespmem:$0x5020] =	vst v24  }
0x84: {  	v23 =	vld.idx.msk [tilespmem:v23+s4+$0x0], $0xffff  }
0x85: {  	v24 =	vld.idx.msk [tilespmem:v25+s4+$0x0], $0xffff;
	_ =	sdelay $0x1  }
0x86: {  	v25 =	vld [tilespmem:$0x5070];
	_ =	sdelay $0x2  }
0x87: {  	v23 =	vadd.f32 v24, v23;
	_ =	sdelay $0x1  }
0x88: {  	v23 =	vadd.f32 v25, v23;
	_ =	sdelay $0x1  }
0x89: {  	v24 =	vmul.f32 $2.000000030e-01, v23;
	_ =	sdelay $0x1  }
0x8a: {  	v23 =	vmax.f32 v23, v24  }
0x8b: {  	v23 =	vmul.f32 $1.442695020e+00, v23;
	_ =	sdelay $0x1  }
0x8c: {  	(erf) = vpow2.f32 v23;
	_ =	sdelay $0x7  }
0x8d: {  	v23 =	vld [tilespmem:$0x4F30]  }
0x8e: {  	v24 =	vld [tilespmem:$0x4F80];
	v25 =	vpop (erf)  }
0x8f: {  	[tilespmem:$0x4E40] =	vst v25  }
0x90: {  	[tilespmem:v11+s0+$0x0] =	vst.idx.msk $0xffff, v25  }
0x91: {  	[tilespmem:v12+s0+$0x0] =	vst.idx.msk $0xffff, v4  }
0x92: {  	[tilespmem:v13+s0+$0x0] =	vst.idx.msk $0xffff, v23  }
0x93: {  	[tilespmem:v14+s0+$0x0] =	vst.idx.msk $0xffff, v24  }
0x94: {  	v23 =	vld [tilespmem:$0x4EA0]  }
0x95: {  	v24 =	vld [tilespmem:$0x4EF0];
	_ =	sdelay $0x4  }
0x96: {  	v23 =	vshll.u32 v23, $0x1;
	v25 =	vshll.u32 v24, $0x1  }
0x97: {  	v25 =	vor.u32 $0x1, v25;
	_ =	sdelay $0x2  }
0x98: {  	[tilespmem:$0x5030] =	vst v24  }
0x99: {  	v23 =	vld.idx.msk [tilespmem:v23+s4+$0x0], $0xffff  }
0x9a: {  	v24 =	vld.idx.msk [tilespmem:v25+s4+$0x0], $0xffff;
	_ =	sdelay $0x1  }
0x9b: {  	v25 =	vld [tilespmem:$0x5080];
	_ =	sdelay $0x2  }
0x9c: {  	v23 =	vadd.f32 v24, v23;
	_ =	sdelay $0x1  }
0x9d: {  	v23 =	vadd.f32 v25, v23;
	_ =	sdelay $0x1  }
0x9e: {  	v24 =	vmul.f32 $2.000000030e-01, v23;
	_ =	sdelay $0x1  }
0x9f: {  	v23 =	vmax.f32 v23, v24  }
0xa0: {  	v23 =	vmul.f32 $1.442695020e+00, v23;
	_ =	sdelay $0x1  }
0xa1: {  	(erf) = vpow2.f32 v23;
	_ =	sdelay $0x7  }
0xa2: {  	v23 =	vld [tilespmem:$0x4F40]  }
0xa3: {  	v24 =	vld [tilespmem:$0x4F90];
	v25 =	vpop (erf)  }
0xa4: {  	[tilespmem:$0x4E50] =	vst v25  }
0xa5: {  	[tilespmem:v15+s0+$0x0] =	vst.idx.msk $0xffff, v25  }
0xa6: {  	[tilespmem:v16+s0+$0x0] =	vst.idx.msk $0xffff, v4  }
0xa7: {  	[tilespmem:v17+s0+$0x0] =	vst.idx.msk $0xffff, v23  }
0xa8: {  	[tilespmem:v18+s0+$0x0] =	vst.idx.msk $0xffff, v24  }
0xa9: {  	v23 =	vld [tilespmem:$0x4EB0]  }
0xaa: {  	v24 =	vld [tilespmem:$0x4F00];
	_ =	sdelay $0x4  }
0xab: {  	v23 =	vshll.u32 v23, $0x1;
	v25 =	vshll.u32 v24, $0x1  }
0xac: {  	v25 =	vor.u32 $0x1, v25;
	_ =	sdelay $0x2  }
0xad: {  	[tilespmem:$0x5040] =	vst v24  }
0xae: {  	v23 =	vld.idx.msk [tilespmem:v23+s4+$0x0], $0xffff  }
0xaf: {  	v24 =	vld.idx.msk [tilespmem:v25+s4+$0x0], $0xffff;
	_ =	sdelay $0x1  }
0xb0: {  	v25 =	vld [tilespmem:$0x5090];
	_ =	sdelay $0x2  }
0xb1: {  	v23 =	vadd.f32 v24, v23;
	_ =	sdelay $0x1  }
0xb2: {  	v23 =	vadd.f32 v25, v23;
	_ =	sdelay $0x1  }
0xb3: {  	v24 =	vmul.f32 $2.000000030e-01, v23;
	_ =	sdelay $0x1  }
0xb4: {  	v23 =	vmax.f32 v23, v24  }
0xb5: {  	v23 =	vmul.f32 $1.442695020e+00, v23;
	_ =	sdelay $0x1  }
0xb6: {  	(erf) = vpow2.f32 v23;
	_ =	sdelay $0x7  }
0xb7: {  	v23 =	vld [tilespmem:$0x4F50]  }
0xb8: {  	v24 =	vld [tilespmem:$0x4FA0];
	v25 =	vpop (erf)  }
0xb9: {  	[tilespmem:$0x4E60] =	vst v25  }
0xba: {  	[tilespmem:v19+s0+$0x0] =	vst.idx.msk $0xffff, v25  }
0xbb: {  	[tilespmem:v20+s0+$0x0] =	vst.idx.msk $0xffff, v4  }
0xbc: {  	[tilespmem:v21+s0+$0x0] =	vst.idx.msk $0xffff, v23  }
0xbd: {  	[tilespmem:v22+s0+$0x0] =	vst.idx.msk $0xffff, v24  }
0xbe: {  	_ =	swait.ge [sflag:s22], $0x140  }
0xbf: {  	[sflag:s22] =	ssyncset.done $0x0  }
0xc0: {  	[sflag:s22] =	ssyncadd.s32 $0xFFFFFEC0  }
0xc1: {  	_ =	swait.ge [sflag:s22], $0x50  }
0xc2: {  	p5 =	seq.s32 s17, $0x0;
	[sflag:s22] =	ssyncset.done $0x0  }
0xc3: {  	s15 =	simm.s32 @!p5 $0x6;
	[sflag:s22] =	ssyncadd.s32 $0xFFFFFFB0  }
0xc4: {  	_ =	swait.ge @!p5 [sflag:s15], $0x1400  }
0xc5: {  	[sflag:s15] =	ssyncset.done @!p5 $0x0  }
0xc6: {  	[sflag:s15] =	ssyncadd.s32 @!p5 $0xFFFFEC00  }
0xc7: {  	v23 =	vld [tilespmem:$0x69A0]  }
0xc8: {  	v24 =	vld [tilespmem:$0x69B0]  }
0xc9: {  	v25 =	vld [tilespmem:$0x69C0]  }
0xca: {  	v26 =	vld [tilespmem:$0x69D0]  }
0xcb: {  	v27 =	vld [tilespmem:$0x69E0]  }
0xcc: {  	v23 =	vshll.u32 v23, $0x1  }
0xcd: {  	v24 =	vshll.u32 v24, $0x1;
	v23 =	vor.u32 v1, v23  }
0xce: {  	s25 =	simm.s32 $0x0;
	[tilespmem:$0x6AE0] =	vst v23;
	v23 =	vor.u32 v1, v24;
	v24 =	vshll.u32 v25, $0x1  }
0xcf: {  	v25 =	vmov s25;
	[tilespmem:$0x6AF0] =	vst v23;
	v23 =	vor.u32 v1, v24;
	v24 =	vshll.u32 v26, $0x1  }
0xd0: {  	v25 =	vand.u32 $0xFFFFFFFC, v25;
	[tilespmem:$0x6B00] =	vst v23;
	v23 =	vor.u32 v1, v24;
	v24 =	vshll.u32 v27, $0x1  }
0xd1: {  	[tilespmem:$0x6B10] =	vst v23;
	v23 =	vor.u32 v1, v24;
	v24 =	vbroadcast v25, $0x0  }
0xd2: {  	[tilespmem:$0x6B20] =	vst v23  }
0xd3: {  	[tilespmem:s28], [sflag:$0x5] =	stream.indirect.gather [hbm4b:s5+s26], $0x40, s23, s26, $0xb8;
	[tilespmem:$0x14820] =	vst v63  }
0xd4: {  	_ =	swait.ge [sflag:s2], $0x1400  }
0xd5: {  	[sflag:s2] =	ssyncset.done $0x0  }
0xd6: {  	[sflag:s2] =	ssyncadd.s32 $0xFFFFEC00  }
0xd7: {  	s19 =	simm.s32 $0x5120;
	v23 =	vld.idx.msk [tilespmem:v24+s6+$0x0], $0xffff  }
0xd8: {  	v24 =	vld [tilespmem:s19+$0xFFFFFF80]  }
0xd9: {  	v25 =	vld [tilespmem:s19+$0xFFFFFFB0]  }
0xda: {  	s18 =	simm.s32 $0x1;
	v26 =	vld [tilespmem:s19+$0xFFFFFF90]  }
0xdb: {  	v28 =	vmov s18;
	v27 =	vld [tilespmem:s19+$0xFFFFFFA0]  }
0xdc: {  	v28 =	vand.u32 $0xFFFFFFFD, v28  }
0xdd: {  	v28 =	vbroadcast v28, $0x0;
	v24 =	vmul.f32 v24, v23  }
0xde: {  	v25 =	vmul.f32 v25, v23  }
0xdf: {  	[tilespmem:s19+$0xFFFFFF80] =	vst v24;
	v24 =	vmul.f32 v26, v23  }
0xe0: {  	v23 =	vmul.f32 v27, v23;
	[tilespmem:s19+$0xFFFFFFB0] =	vst v25  }
0xe1: {  	[tilespmem:s19+$0xFFFFFF90] =	vst v24  }
0xe2: {  	[tilespmem:s19+$0xFFFFFFA0] =	vst v23;
	v24 =	vld [tilespmem:s19+$0xFFFFFFC0]  }
0xe3: {  	v23 =	vld.idx.msk [tilespmem:v28+s6+$0x0], $0xffff  }
0xe4: {  	v25 =	vld [tilespmem:s19+$0xFFFFFFE0]  }
0xe5: {  	s20 =	simm.s32 $0x2;
	v26 =	vld [tilespmem:s19+$0xFFFFFFF0]  }
0xe6: {  	v63 =	vmov s20;
	v27 =	vld [tilespmem:s19+$0xFFFFFFD0]  }
0xe7: {  	v28 =	vand.u32 $0xFFFFFFFE, v63  }
0xe8: {  	v28 =	vbroadcast v28, $0x0;
	v24 =	vmul.f32 v24, v23  }
0xe9: {  	v25 =	vmul.f32 v25, v23  }
0xea: {  	v26 =	vmul.f32 v26, v23;
	[tilespmem:s19+$0xFFFFFFC0] =	vst v24  }
0xeb: {  	v23 =	vmul.f32 v27, v23;
	[tilespmem:s19+$0xFFFFFFE0] =	vst v25  }
0xec: {  	[tilespmem:s19+$0xFFFFFFF0] =	vst v26  }
0xed: {  	[tilespmem:s19+$0xFFFFFFD0] =	vst v23;
	v23 =	vld [tilespmem:s19+$0x0]  }
0xee: {  	v24 =	vld.idx.msk [tilespmem:v28+s6+$0x0], $0xffff  }
0xef: {  	v25 =	vld [tilespmem:s19+$0x10]  }
0xf0: {  	v26 =	vld [tilespmem:s19+$0x30];
	_ =	sdelay $0x1  }
0xf1: {  	v27 =	vld [tilespmem:s19+$0x20]  }
0xf2: {  	v23 =	vmul.f32 v23, v24  }
0xf3: {  	s21 =	simm.s32 $0x3;
	v25 =	vmul.f32 v25, v24  }
0xf4: {  	v26 =	vmul.f32 v26, v24;
	[tilespmem:s19+$0x0] =	vst v23;
	v23 =	vmov s21  }
0xf5: {  	[tilespmem:s19+$0x10] =	vst v25  }
0xf6: {  	s20 =	sshll.u32 s17, $0x1;
	s25 =	simm.s32 $0x7;
	v24 =	vmul.f32 v27, v24;
	[tilespmem:s19+$0x30] =	vst v26;
	s21 =	simm.s32 $0x5120  }
.LBB2_5:
0xf7: {  	p5 =	sne.s32 s25, $0x4F  }
0xf8: {  	[tilespmem:s19+$0x20] =	vst v24;
	v24 =	vld [tilespmem:s19+$0x60];
	s21 =	sadd.s32 $0x100, s21;
	s15 =	smov.u32 s25;
	s25 =	sadd.s32 $0x4, s25  }
0xf9: {  	v23 =	vld.idx.msk [tilespmem:v23+s6+$0x0], $0xffff  }
0xfa: {  	v25 =	vld [tilespmem:s19+$0x40]  }
0xfb: {  	v26 =	vld [tilespmem:s19+$0x50]  }
0xfc: {  	s18 =	sadd.s32 $0xFFFFFFFD, s15;
	v27 =	vld [tilespmem:s19+$0x70]  }
0xfd: {  	v28 =	vmov s18  }
0xfe: {  	v28 =	vand.u32 $0xFFFFFFFC, v28  }
0xff: {  	v28 =	vbroadcast v28, $0x0;
	v25 =	vmul.f32 v25, v23  }
0x100: {  	v24 =	vmul.f32 v24, v23;
	v26 =	vmul.f32 v26, v23  }
0x101: {  	[tilespmem:s19+$0x40] =	vst v25;
	v23 =	vmul.f32 v27, v23  }
0x102: {  	[tilespmem:s19+$0x60] =	vst v24  }
0x103: {  	v24 =	vld [tilespmem:s21+$0xFFFFFFA0];
	[tilespmem:s19+$0x70] =	vst v23  }
0x104: {  	v23 =	vld [tilespmem:s21+$0xFFFFFFB0];
	[tilespmem:s19+$0x50] =	vst v26;
	s19 =	smov.u32 s21  }
0x105: {  	v25 =	vld.idx.msk [tilespmem:v28+s6+$0x0], $0xffff  }
0x106: {  	v26 =	vld [tilespmem:s21+$0xFFFFFF80]  }
0x107: {  	v27 =	vld [tilespmem:s21+$0xFFFFFF90]  }
0x108: {  	s18 =	sadd.s32 $0xFFFFFFFE, s15  }
0x109: {  	v28 =	vmov s18  }
0x10a: {  	v28 =	vand.u32 $0xFFFFFFFD, v28  }
0x10b: {  	v28 =	vbroadcast v28, $0x0;
	v26 =	vmul.f32 v26, v25  }
0x10c: {  	v24 =	vmul.f32 v24, v25;
	v23 =	vmul.f32 v23, v25  }
0x10d: {  	v25 =	vmul.f32 v27, v25;
	[tilespmem:s21+$0xFFFFFF80] =	vst v26  }
0x10e: {  	[tilespmem:s21+$0xFFFFFFB0] =	vst v23  }
0x10f: {  	[tilespmem:s21+$0xFFFFFF90] =	vst v25;
	v23 =	vld [tilespmem:s21+$0xFFFFFFF0]  }
0x110: {  	[tilespmem:s21+$0xFFFFFFA0] =	vst v24;
	v24 =	vld [tilespmem:s21+$0xFFFFFFD0]  }
0x111: {  	v25 =	vld.idx.msk [tilespmem:v28+s6+$0x0], $0xffff  }
0x112: {  	v26 =	vld [tilespmem:s21+$0xFFFFFFC0]  }
0x113: {  	v27 =	vld [tilespmem:s21+$0xFFFFFFE0]  }
0x114: {  	s18 =	sadd.s32 $0xFFFFFFFF, s15  }
0x115: {  	v28 =	vmov s18  }
0x116: {  	v28 =	vand.u32 $0xFFFFFFFE, v28  }
0x117: {  	v28 =	vbroadcast v28, $0x0;
	v26 =	vmul.f32 v26, v25  }
0x118: {  	v23 =	vmul.f32 v23, v25;
	v27 =	vmul.f32 v27, v25  }
0x119: {  	v24 =	vmul.f32 v24, v25;
	[tilespmem:s21+$0xFFFFFFC0] =	vst v26  }
0x11a: {  	[tilespmem:s21+$0xFFFFFFE0] =	vst v27  }
0x11b: {  	[tilespmem:s21+$0xFFFFFFF0] =	vst v23;
	v23 =	vld [tilespmem:s21+$0x30]  }
0x11c: {  	[tilespmem:s21+$0xFFFFFFD0] =	vst v24;
	v24 =	vld [tilespmem:s21+$0x0]  }
0x11d: {  	v25 =	vld.idx.msk [tilespmem:v28+s6+$0x0], $0xffff  }
0x11e: {  	v26 =	vld [tilespmem:s21+$0x10]  }
0x11f: {  	v27 =	vld [tilespmem:s21+$0x20];
	_ =	sdelay $0x3  }
.Ltmp1:
0x120: {  	v28 =	vmul.f32 v24, v25;
	v26 =	vmul.f32 v26, v25;
	(pc) =	sbr.rel @p5 .LBB2_5-.Ltmp1, $4  }
0x121: {  	v24 =	vmul.f32 v27, v25;
	v25 =	vmul.f32 v23, v25;
	v23 =	vmov s15  }
0x122: {  	[tilespmem:s21+$0x0] =	vst v28  }
0x123: {  	[tilespmem:s21+$0x10] =	vst v26  }
0x124: {  	[tilespmem:s21+$0x30] =	vst v25  }
0x125: {  	_ =	sdelay $0x2  }
0x126: {  	[tilespmem:s19+$0x20] =	vst v24;
	v24 =	vld [tilespmem:s19+$0x40]  }
0x127: {  	v23 =	vld.idx.msk [tilespmem:v23+s6+$0x0], $0xffff  }
0x128: {  	v25 =	vld [tilespmem:s19+$0x60]  }
0x129: {  	v26 =	vld [tilespmem:s19+$0x70]  }
0x12a: {  	v27 =	vld [tilespmem:s19+$0x50];
	_ =	sdelay $0x1  }
0x12b: {  	v24 =	vmul.f32 v24, v23  }
0x12c: {  	v25 =	vmul.f32 v25, v23  }
0x12d: {  	[tilespmem:s19+$0x40] =	vst v24;
	v24 =	vmul.f32 v26, v23  }
0x12e: {  	p5 =	seq.s32 s17, $0x7C;
	v23 =	vmul.f32 v27, v23;
	[tilespmem:s19+$0x60] =	vst v25  }
0x12f: {  	s15 =	sadd.s32 @!p5 $0x2, s20;
	[tilespmem:s19+$0x70] =	vst v24  }
0x130: {  	s18 =	simm.s32 @!p2 $0x50;
	[tilespmem:s19+$0x50] =	vst v23;
	s19 =	sadd.s32 @!p5 s13, s15;
	s15 =	smul.u32 @!p5 $0x50, s15  }
0x131: {  	[spmem:s1] =	stream.indirect.scatter.add.f32 [tilespmem:s29], [sflag:$0x2], $0x40, s9, s26, $0xb8;
	[tilespmem:$0x14820] =	vst v63  }
0x132: {  	s21 =	simm.s32 @!p2 $0x64A0;
	s20 =	simm.s32 @!p2 $0x5000;
	s19 =	smul.u32 @!p5 $0x28, s19  }
0x133: {  	[spmem:s3] =	stream.indirect.scatter.add.f32 @!p2 [tilespmem:s21], [sflag:$0x3], $0x10, s20, s18, $0xb8;
	[tilespmem:$0x14820] =	vst v63  }
0x134: {  	s15 =	sadd.s32 @!p5 s12, s15;
	s18 =	sadd.s32 @!p5 s7, s19  }
0x135: {  	s19 =	simm.s32 @!p5 $0x0;
	s20 =	simm.s32 @!p5 $0x4E70;
	s15 =	sshrl.u32 @!p5 s15, $0x3  }
0x136: {  	[tilespmem:s20], [sflag:$0x4] =	stream.linear.gather @!p5 [hbm4b:s18+s19], $0x140, $0x38;
	[tilespmem:$0x14820] =	vst v63  }
0x137: {  	s15 =	sadd.s32 @!p5 s8, s15;
	s18 =	simm.s32 @!p5 $0x5050  }
0x138: {  	[tilespmem:s18], [sflag:$0x4] =	stream.linear.gather @!p5 [hbm4b:s15+s19], $0x50, $0x38;
	[tilespmem:$0x14820] =	vst v63  }
0x139: {  	s15 =	simm.s32 @p4 $0x7  }
0x13a: {  	_ =	swait.ge @p4 [sflag:s15], $0x500  }
0x13b: {  	[sflag:s15] =	ssyncset.done @p4 $0x0  }
0x13c: {  	[sflag:s15] =	ssyncadd.s32 @p4 $0xFFFFFB00  }
0x13d: {  	v23 =	vld [tilespmem:$0x69A0]  }
0x13e: {  	v24 =	vld [tilespmem:$0x69F0];
	_ =	sdelay $0x4  }
0x13f: {  	v23 =	vshll.u32 v23, $0x1;
	v25 =	vshll.u32 v24, $0x1  }
0x140: {  	v25 =	vor.u32 $0x1, v25;
	_ =	sdelay $0x2  }
0x141: {  	[tilespmem:$0x6B30] =	vst v24  }
0x142: {  	v23 =	vld.idx.msk [tilespmem:v23+s4+$0x0], $0xffff  }
0x143: {  	v24 =	vld.idx.msk [tilespmem:v25+s4+$0x0], $0xffff;
	_ =	sdelay $0x1  }
0x144: {  	v25 =	vld [tilespmem:$0x6B80];
	_ =	sdelay $0x2  }
0x145: {  	v23 =	vadd.f32 v24, v23;
	_ =	sdelay $0x1  }
0x146: {  	v23 =	vadd.f32 v25, v23;
	_ =	sdelay $0x1  }
0x147: {  	v24 =	vmul.f32 $2.000000030e-01, v23;
	_ =	sdelay $0x1  }
0x148: {  	v23 =	vmax.f32 v23, v24  }
0x149: {  	v23 =	vmul.f32 $1.442695020e+00, v23;
	_ =	sdelay $0x1  }
0x14a: {  	(erf) = vpow2.f32 v23;
	_ =	sdelay $0x7  }
0x14b: {  	v23 =	vld [tilespmem:$0x6A40]  }
0x14c: {  	v24 =	vld [tilespmem:$0x6A90];
	v25 =	vpop (erf)  }
0x14d: {  	[tilespmem:$0x4E20] =	vst v25  }
0x14e: {  	[tilespmem:v0+s10+$0x0] =	vst.idx.msk $0xffff, v25  }
0x14f: {  	[tilespmem:v3+s10+$0x0] =	vst.idx.msk $0xffff, v4  }
0x150: {  	[tilespmem:v5+s10+$0x0] =	vst.idx.msk $0xffff, v23  }
0x151: {  	[tilespmem:v6+s10+$0x0] =	vst.idx.msk $0xffff, v24  }
0x152: {  	v23 =	vld [tilespmem:$0x69B0]  }
0x153: {  	v24 =	vld [tilespmem:$0x6A00];
	_ =	sdelay $0x4  }
0x154: {  	v23 =	vshll.u32 v23, $0x1;
	v25 =	vshll.u32 v24, $0x1  }
0x155: {  	v25 =	vor.u32 $0x1, v25;
	_ =	sdelay $0x2  }
0x156: {  	[tilespmem:$0x6B40] =	vst v24  }
0x157: {  	v23 =	vld.idx.msk [tilespmem:v23+s4+$0x0], $0xffff  }
0x158: {  	v24 =	vld.idx.msk [tilespmem:v25+s4+$0x0], $0xffff;
	_ =	sdelay $0x1  }
0x159: {  	v25 =	vld [tilespmem:$0x6B90];
	_ =	sdelay $0x2  }
0x15a: {  	v23 =	vadd.f32 v24, v23;
	_ =	sdelay $0x1  }
0x15b: {  	v23 =	vadd.f32 v25, v23;
	_ =	sdelay $0x1  }
0x15c: {  	v24 =	vmul.f32 $2.000000030e-01, v23;
	_ =	sdelay $0x1  }
0x15d: {  	v23 =	vmax.f32 v23, v24  }
0x15e: {  	v23 =	vmul.f32 $1.442695020e+00, v23;
	_ =	sdelay $0x1  }
0x15f: {  	(erf) = vpow2.f32 v23;
	_ =	sdelay $0x7  }
0x160: {  	v23 =	vld [tilespmem:$0x6A50]  }
0x161: {  	v24 =	vld [tilespmem:$0x6AA0];
	v25 =	vpop (erf)  }
0x162: {  	[tilespmem:$0x4E30] =	vst v25  }
0x163: {  	[tilespmem:v7+s10+$0x0] =	vst.idx.msk $0xffff, v25  }
0x164: {  	[tilespmem:v8+s10+$0x0] =	vst.idx.msk $0xffff, v4  }
0x165: {  	[tilespmem:v9+s10+$0x0] =	vst.idx.msk $0xffff, v23  }
0x166: {  	[tilespmem:v10+s10+$0x0] =	vst.idx.msk $0xffff, v24  }
0x167: {  	v23 =	vld [tilespmem:$0x69C0]  }
0x168: {  	v24 =	vld [tilespmem:$0x6A10];
	_ =	sdelay $0x4  }
0x169: {  	v23 =	vshll.u32 v23, $0x1;
	v25 =	vshll.u32 v24, $0x1  }
0x16a: {  	v25 =	vor.u32 $0x1, v25;
	_ =	sdelay $0x2  }
0x16b: {  	[tilespmem:$0x6B50] =	vst v24  }
0x16c: {  	v23 =	vld.idx.msk [tilespmem:v23+s4+$0x0], $0xffff  }
0x16d: {  	v24 =	vld.idx.msk [tilespmem:v25+s4+$0x0], $0xffff;
	_ =	sdelay $0x1  }
0x16e: {  	v25 =	vld [tilespmem:$0x6BA0];
	_ =	sdelay $0x2  }
0x16f: {  	v23 =	vadd.f32 v24, v23;
	_ =	sdelay $0x1  }
0x170: {  	v23 =	vadd.f32 v25, v23;
	_ =	sdelay $0x1  }
0x171: {  	v24 =	vmul.f32 $2.000000030e-01, v23;
	_ =	sdelay $0x1  }
0x172: {  	v23 =	vmax.f32 v23, v24  }
0x173: {  	v23 =	vmul.f32 $1.442695020e+00, v23;
	_ =	sdelay $0x1  }
0x174: {  	(erf) = vpow2.f32 v23;
	_ =	sdelay $0x7  }
0x175: {  	v23 =	vld [tilespmem:$0x6A60]  }
0x176: {  	v24 =	vld [tilespmem:$0x6AB0];
	v25 =	vpop (erf)  }
0x177: {  	[tilespmem:$0x4E40] =	vst v25  }
0x178: {  	[tilespmem:v11+s10+$0x0] =	vst.idx.msk $0xffff, v25  }
0x179: {  	[tilespmem:v12+s10+$0x0] =	vst.idx.msk $0xffff, v4  }
0x17a: {  	[tilespmem:v13+s10+$0x0] =	vst.idx.msk $0xffff, v23  }
0x17b: {  	[tilespmem:v14+s10+$0x0] =	vst.idx.msk $0xffff, v24  }
0x17c: {  	v23 =	vld [tilespmem:$0x69D0]  }
0x17d: {  	v24 =	vld [tilespmem:$0x6A20];
	_ =	sdelay $0x4  }
0x17e: {  	v23 =	vshll.u32 v23, $0x1;
	v25 =	vshll.u32 v24, $0x1  }
0x17f: {  	v25 =	vor.u32 $0x1, v25;
	_ =	sdelay $0x2  }
0x180: {  	[tilespmem:$0x6B60] =	vst v24  }
0x181: {  	v23 =	vld.idx.msk [tilespmem:v23+s4+$0x0], $0xffff  }
0x182: {  	v24 =	vld.idx.msk [tilespmem:v25+s4+$0x0], $0xffff;
	_ =	sdelay $0x1  }
0x183: {  	v25 =	vld [tilespmem:$0x6BB0];
	_ =	sdelay $0x2  }
0x184: {  	v23 =	vadd.f32 v24, v23;
	_ =	sdelay $0x1  }
0x185: {  	v23 =	vadd.f32 v25, v23;
	_ =	sdelay $0x1  }
0x186: {  	v24 =	vmul.f32 $2.000000030e-01, v23;
	_ =	sdelay $0x1  }
0x187: {  	v23 =	vmax.f32 v23, v24  }
0x188: {  	v23 =	vmul.f32 $1.442695020e+00, v23;
	_ =	sdelay $0x1  }
0x189: {  	(erf) = vpow2.f32 v23;
	_ =	sdelay $0x7  }
0x18a: {  	v23 =	vld [tilespmem:$0x6A70]  }
0x18b: {  	v24 =	vld [tilespmem:$0x6AC0];
	v25 =	vpop (erf)  }
0x18c: {  	[tilespmem:$0x4E50] =	vst v25  }
0x18d: {  	[tilespmem:v15+s10+$0x0] =	vst.idx.msk $0xffff, v25  }
0x18e: {  	[tilespmem:v16+s10+$0x0] =	vst.idx.msk $0xffff, v4  }
0x18f: {  	[tilespmem:v17+s10+$0x0] =	vst.idx.msk $0xffff, v23  }
0x190: {  	[tilespmem:v18+s10+$0x0] =	vst.idx.msk $0xffff, v24  }
0x191: {  	v23 =	vld [tilespmem:$0x69E0]  }
0x192: {  	v24 =	vld [tilespmem:$0x6A30];
	_ =	sdelay $0x4  }
0x193: {  	v23 =	vshll.u32 v23, $0x1;
	v25 =	vshll.u32 v24, $0x1  }
0x194: {  	v25 =	vor.u32 $0x1, v25;
	_ =	sdelay $0x2  }
0x195: {  	[tilespmem:$0x6B70] =	vst v24  }
0x196: {  	v23 =	vld.idx.msk [tilespmem:v23+s4+$0x0], $0xffff  }
0x197: {  	v24 =	vld.idx.msk [tilespmem:v25+s4+$0x0], $0xffff;
	_ =	sdelay $0x1  }
0x198: {  	v25 =	vld [tilespmem:$0x6BC0];
	_ =	sdelay $0x2  }
0x199: {  	v23 =	vadd.f32 v24, v23;
	_ =	sdelay $0x1  }
0x19a: {  	v23 =	vadd.f32 v25, v23;
	_ =	sdelay $0x1  }
0x19b: {  	v24 =	vmul.f32 $2.000000030e-01, v23;
	_ =	sdelay $0x1  }
0x19c: {  	v23 =	vmax.f32 v23, v24  }
0x19d: {  	v23 =	vmul.f32 $1.442695020e+00, v23;
	_ =	sdelay $0x1  }
0x19e: {  	(erf) = vpow2.f32 v23;
	_ =	sdelay $0x7  }
0x19f: {  	v23 =	vld [tilespmem:$0x6A80]  }
0x1a0: {  	v24 =	vld [tilespmem:$0x6AD0];
	v25 =	vpop (erf)  }
0x1a1: {  	[tilespmem:$0x4E60] =	vst v25  }
0x1a2: {  	[tilespmem:v19+s10+$0x0] =	vst.idx.msk $0xffff, v25  }
0x1a3: {  	[tilespmem:v20+s10+$0x0] =	vst.idx.msk $0xffff, v4  }
0x1a4: {  	[tilespmem:v21+s10+$0x0] =	vst.idx.msk $0xffff, v23  }
0x1a5: {  	s15 =	simm.s32 @!p5 $0x4;
	[tilespmem:v22+s10+$0x0] =	vst.idx.msk $0xffff, v24  }
0x1a6: {  	_ =	swait.ge @!p5 [sflag:s15], $0x140  }
0x1a7: {  	[sflag:s15] =	ssyncset.done @!p5 $0x0  }
0x1a8: {  	[sflag:s15] =	ssyncadd.s32 @!p5 $0xFFFFFEC0  }
0x1a9: {  	_ =	swait.ge @!p5 [sflag:s15], $0x50  }
0x1aa: {  	[sflag:s15] =	ssyncset.done @!p5 $0x0  }
0x1ab: {  	[sflag:s15] =	ssyncadd.s32 @!p5 $0xFFFFFFB0;
	s15 =	simm.s32 @!p5 $0x2  }
0x1ac: {  	_ =	swait.ge @!p5 [sflag:s15], $0x1400  }
0x1ad: {  	[sflag:s15] =	ssyncset.done @!p5 $0x0  }
0x1ae: {  	[sflag:s15] =	ssyncadd.s32 @!p5 $0xFFFFEC00  }
0x1af: {  	v23 =	vld @!p5 [tilespmem:$0x4E70]  }
0x1b0: {  	v24 =	vld @!p5 [tilespmem:$0x4E80]  }
0x1b1: {  	v25 =	vld @!p5 [tilespmem:$0x4E90]  }
0x1b2: {  	v26 =	vld @!p5 [tilespmem:$0x4EA0]  }
0x1b3: {  	v27 =	vld @!p5 [tilespmem:$0x4EB0]  }
0x1b4: {  	v23 =	vshll.u32 @!p5 v23, $0x1  }
0x1b5: {  	v24 =	vshll.u32 @!p5 v24, $0x1;
	v23 =	vor.u32 @!p5 v1, v23  }
0x1b6: {  	s19 =	simm.s32 $0x0;
	[tilespmem:$0x4FB0] =	vst @!p5 v23;
	v23 =	vor.u32 @!p5 v1, v24;
	v24 =	vshll.u32 @!p5 v25, $0x1  }
0x1b7: {  	v25 =	vmov s19;
	[tilespmem:$0x4FC0] =	vst @!p5 v23;
	v23 =	vor.u32 @!p5 v1, v24;
	v24 =	vshll.u32 @!p5 v26, $0x1  }
0x1b8: {  	v25 =	vand.u32 $0xFFFFFFFC, v25;
	[tilespmem:$0x4FD0] =	vst @!p5 v23;
	v23 =	vor.u32 @!p5 v1, v24;
	v24 =	vshll.u32 @!p5 v27, $0x1  }
0x1b9: {  	[tilespmem:$0x4FE0] =	vst @!p5 v23;
	v23 =	vor.u32 @!p5 v1, v24;
	v24 =	vbroadcast v25, $0x0  }
0x1ba: {  	s18 =	simm.s32 @!p5 $0x4FB0;
	s15 =	simm.s32 @!p5 $0x50;
	s19 =	simm.s32 @!p5 $0x50A0;
	[tilespmem:$0x4FF0] =	vst @!p5 v23  }
0x1bb: {  	[tilespmem:s19], [sflag:$0x1] =	stream.indirect.gather @!p5 [hbm4b:s5+s15], $0x40, s18, s15, $0xb8;
	[tilespmem:$0x14820] =	vst v63  }
0x1bc: {  	_ =	swait.ge [sflag:s11], $0x1400  }
0x1bd: {  	[sflag:s11] =	ssyncset.done $0x0  }
0x1be: {  	[sflag:s11] =	ssyncadd.s32 $0xFFFFEC00  }
0x1bf: {  	s19 =	simm.s32 $0x6C50;
	v23 =	vld.idx.msk [tilespmem:v24+s6+$0x0], $0xffff  }
0x1c0: {  	v24 =	vld [tilespmem:s19+$0xFFFFFF80]  }
0x1c1: {  	v25 =	vld [tilespmem:s19+$0xFFFFFFB0]  }
0x1c2: {  	s20 =	simm.s32 $0x1;
	v26 =	vld [tilespmem:s19+$0xFFFFFF90]  }
0x1c3: {  	v28 =	vmov s20;
	v27 =	vld [tilespmem:s19+$0xFFFFFFA0]  }
0x1c4: {  	v28 =	vand.u32 $0xFFFFFFFD, v28  }
0x1c5: {  	v28 =	vbroadcast v28, $0x0;
	v24 =	vmul.f32 v24, v23  }
0x1c6: {  	v25 =	vmul.f32 v25, v23  }
0x1c7: {  	[tilespmem:s19+$0xFFFFFF80] =	vst v24;
	v24 =	vmul.f32 v26, v23  }
0x1c8: {  	v23 =	vmul.f32 v27, v23;
	[tilespmem:s19+$0xFFFFFFB0] =	vst v25  }
0x1c9: {  	[tilespmem:s19+$0xFFFFFF90] =	vst v24  }
0x1ca: {  	[tilespmem:s19+$0xFFFFFFA0] =	vst v23;
	v24 =	vld [tilespmem:s19+$0xFFFFFFC0]  }
0x1cb: {  	v23 =	vld.idx.msk [tilespmem:v28+s6+$0x0], $0xffff  }
0x1cc: {  	v25 =	vld [tilespmem:s19+$0xFFFFFFE0]  }
0x1cd: {  	s21 =	simm.s32 $0x2;
	v26 =	vld [tilespmem:s19+$0xFFFFFFF0]  }
0x1ce: {  	v63 =	vmov s21;
	v27 =	vld [tilespmem:s19+$0xFFFFFFD0]  }
0x1cf: {  	v28 =	vand.u32 $0xFFFFFFFE, v63  }
0x1d0: {  	v28 =	vbroadcast v28, $0x0;
	v24 =	vmul.f32 v24, v23  }
0x1d1: {  	v25 =	vmul.f32 v25, v23  }
0x1d2: {  	v26 =	vmul.f32 v26, v23;
	[tilespmem:s19+$0xFFFFFFC0] =	vst v24  }
0x1d3: {  	v23 =	vmul.f32 v27, v23;
	[tilespmem:s19+$0xFFFFFFE0] =	vst v25  }
0x1d4: {  	[tilespmem:s19+$0xFFFFFFF0] =	vst v26  }
0x1d5: {  	[tilespmem:s19+$0xFFFFFFD0] =	vst v23;
	v23 =	vld [tilespmem:s19+$0x0]  }
0x1d6: {  	v24 =	vld.idx.msk [tilespmem:v28+s6+$0x0], $0xffff  }
0x1d7: {  	v25 =	vld [tilespmem:s19+$0x10]  }
0x1d8: {  	v26 =	vld [tilespmem:s19+$0x30];
	_ =	sdelay $0x1  }
0x1d9: {  	v27 =	vld [tilespmem:s19+$0x20]  }
0x1da: {  	v23 =	vmul.f32 v23, v24  }
0x1db: {  	s25 =	simm.s32 $0x3;
	v25 =	vmul.f32 v25, v24  }
0x1dc: {  	v26 =	vmul.f32 v26, v24;
	[tilespmem:s19+$0x0] =	vst v23;
	v23 =	vmov s25  }
0x1dd: {  	[tilespmem:s19+$0x10] =	vst v25  }
0x1de: {  	s21 =	simm.s32 $0x6C50;
	s20 =	simm.s32 $0x7;
	v24 =	vmul.f32 v27, v24;
	[tilespmem:s19+$0x30] =	vst v26  }
.LBB2_7:
0x1df: {  	p4 =	sne.s32 s20, $0x4F  }
0x1e0: {  	[tilespmem:s19+$0x20] =	vst v24;
	v24 =	vld [tilespmem:s19+$0x60];
	s21 =	sadd.s32 $0x100, s21;
	s15 =	smov.u32 s20;
	s20 =	sadd.s32 $0x4, s20  }
0x1e1: {  	v23 =	vld.idx.msk [tilespmem:v23+s6+$0x0], $0xffff  }
0x1e2: {  	v25 =	vld [tilespmem:s19+$0x40]  }
0x1e3: {  	v26 =	vld [tilespmem:s19+$0x50]  }
0x1e4: {  	s18 =	sadd.s32 $0xFFFFFFFD, s15;
	v27 =	vld [tilespmem:s19+$0x70]  }
0x1e5: {  	v28 =	vmov s18  }
0x1e6: {  	v28 =	vand.u32 $0xFFFFFFFC, v28  }
0x1e7: {  	v28 =	vbroadcast v28, $0x0;
	v25 =	vmul.f32 v25, v23  }
0x1e8: {  	v24 =	vmul.f32 v24, v23;
	v26 =	vmul.f32 v26, v23  }
0x1e9: {  	[tilespmem:s19+$0x40] =	vst v25;
	v23 =	vmul.f32 v27, v23  }
0x1ea: {  	[tilespmem:s19+$0x60] =	vst v24  }
0x1eb: {  	v24 =	vld [tilespmem:s21+$0xFFFFFFA0];
	[tilespmem:s19+$0x70] =	vst v23  }
0x1ec: {  	v23 =	vld [tilespmem:s21+$0xFFFFFFB0];
	[tilespmem:s19+$0x50] =	vst v26;
	s19 =	smov.u32 s21  }
0x1ed: {  	v25 =	vld.idx.msk [tilespmem:v28+s6+$0x0], $0xffff  }
0x1ee: {  	v26 =	vld [tilespmem:s21+$0xFFFFFF80]  }
0x1ef: {  	v27 =	vld [tilespmem:s21+$0xFFFFFF90]  }
0x1f0: {  	s18 =	sadd.s32 $0xFFFFFFFE, s15  }
0x1f1: {  	v28 =	vmov s18  }
0x1f2: {  	v28 =	vand.u32 $0xFFFFFFFD, v28  }
0x1f3: {  	v28 =	vbroadcast v28, $0x0;
	v26 =	vmul.f32 v26, v25  }
0x1f4: {  	v24 =	vmul.f32 v24, v25;
	v23 =	vmul.f32 v23, v25  }
0x1f5: {  	v25 =	vmul.f32 v27, v25;
	[tilespmem:s21+$0xFFFFFF80] =	vst v26  }
0x1f6: {  	[tilespmem:s21+$0xFFFFFFB0] =	vst v23  }
0x1f7: {  	[tilespmem:s21+$0xFFFFFF90] =	vst v25;
	v23 =	vld [tilespmem:s21+$0xFFFFFFF0]  }
0x1f8: {  	[tilespmem:s21+$0xFFFFFFA0] =	vst v24;
	v24 =	vld [tilespmem:s21+$0xFFFFFFD0]  }
0x1f9: {  	v25 =	vld.idx.msk [tilespmem:v28+s6+$0x0], $0xffff  }
0x1fa: {  	v26 =	vld [tilespmem:s21+$0xFFFFFFC0]  }
0x1fb: {  	v27 =	vld [tilespmem:s21+$0xFFFFFFE0]  }
0x1fc: {  	s18 =	sadd.s32 $0xFFFFFFFF, s15  }
0x1fd: {  	v28 =	vmov s18  }
0x1fe: {  	v28 =	vand.u32 $0xFFFFFFFE, v28  }
0x1ff: {  	v28 =	vbroadcast v28, $0x0;
	v26 =	vmul.f32 v26, v25  }
0x200: {  	v23 =	vmul.f32 v23, v25;
	v27 =	vmul.f32 v27, v25  }
0x201: {  	v24 =	vmul.f32 v24, v25;
	[tilespmem:s21+$0xFFFFFFC0] =	vst v26  }
0x202: {  	[tilespmem:s21+$0xFFFFFFE0] =	vst v27  }
0x203: {  	[tilespmem:s21+$0xFFFFFFF0] =	vst v23;
	v23 =	vld [tilespmem:s21+$0x30]  }
0x204: {  	[tilespmem:s21+$0xFFFFFFD0] =	vst v24;
	v24 =	vld [tilespmem:s21+$0x0]  }
0x205: {  	v25 =	vld.idx.msk [tilespmem:v28+s6+$0x0], $0xffff  }
0x206: {  	v26 =	vld [tilespmem:s21+$0x10]  }
0x207: {  	v27 =	vld [tilespmem:s21+$0x20];
	_ =	sdelay $0x3  }
.Ltmp2:
0x208: {  	v28 =	vmul.f32 v24, v25;
	v26 =	vmul.f32 v26, v25;
	(pc) =	sbr.rel @p4 .LBB2_7-.Ltmp2, $4  }
0x209: {  	v24 =	vmul.f32 v27, v25;
	v25 =	vmul.f32 v23, v25;
	v23 =	vmov s15  }
0x20a: {  	[tilespmem:s21+$0x0] =	vst v28  }
0x20b: {  	[tilespmem:s21+$0x10] =	vst v26  }
0x20c: {  	[tilespmem:s21+$0x30] =	vst v25  }
0x20d: {  	_ =	sdelay $0x2  }
0x20e: {  	[tilespmem:s19+$0x20] =	vst v24;
	v62 =	vld [tilespmem:s19+$0x40]  }
0x20f: {  	v23 =	vld.idx.msk [tilespmem:v23+s6+$0x0], $0xffff  }
0x210: {  	v25 =	vld [tilespmem:s19+$0x60]  }
0x211: {  	v26 =	vld [tilespmem:s19+$0x70]  }
0x212: {  	v27 =	vld [tilespmem:s19+$0x50];
	_ =	sdelay $0x1  }
0x213: {  	v24 =	vmul.f32 v62, v23  }
0x214: {  	v25 =	vmul.f32 v25, v23  }
0x215: {  	s17 =	sadd.s32 $0x1, s17;
	v63 =	vmul.f32 v26, v23;
	[tilespmem:s19+$0x40] =	vst v24  }
0x216: {  	p4 =	sne.s32 s17, $0x7D;
	v23 =	vmul.f32 v27, v23;
	[tilespmem:s19+$0x60] =	vst v25  }
.Ltmp3:
0x217: {  	[tilespmem:s19+$0x70] =	vst v63;
	(pc) =	sbr.rel @p4 .LBB2_4-.Ltmp3, $4  }
0x218: {  	[tilespmem:s19+$0x50] =	vst v23  }
0x219: {  	[spmem:s1] =	stream.indirect.scatter.add.f32 [tilespmem:s28], [sflag:$0x6], $0x40, s14, s26, $0xb8;
	[tilespmem:$0x14820] =	vst v63  }
0x21a: {  	s15 =	simm.s32 @!p2 $0x50;
	s18 =	simm.s32 @!p2 $0x6B30;
	s19 =	simm.s32 @!p2 $0x7FD0  }
0x21b: {  	[spmem:s3] =	stream.indirect.scatter.add.f32 @!p2 [tilespmem:s19], [sflag:$0x7], $0x10, s18, s15, $0xb8;
	[tilespmem:$0x14820] =	vst v63  }
0x21c: {  	s15 =	simm.s32 $0x2  }
0x21d: {  	_ =	swait.ge [sflag:s15], $0x1400  }
0x21e: {  	[sflag:s15] =	ssyncset.done $0x0  }
0x21f: {  	[sflag:s15] =	ssyncadd.s32 $0xFFFFEC00;
	s15 =	simm.s32 @p2 $0x6  }
0x220: {  	_ =	swait.ge @p2 [sflag:s15], $0x1400  }
0x221: {  	[sflag:s15] =	ssyncset.done @p2 $0x0  }
0x222: {  	[sflag:s15] =	ssyncadd.s32 @p2 $0xFFFFEC00;
	s15 =	simm.s32 @!p2 $0x3  }
0x223: {  	_ =	swait.ge @!p2 [sflag:s15], $0x500  }
0x224: {  	[sflag:s15] =	ssyncset.done @!p2 $0x0  }
0x225: {  	[sflag:s15] =	ssyncadd.s32 @!p2 $0xFFFFFB00;
	s15 =	simm.s32 @!p2 $0x6  }
0x226: {  	_ =	swait.ge @!p2 [sflag:s15], $0x1400  }
0x227: {  	[sflag:s15] =	ssyncset.done @!p2 $0x0  }
0x228: {  	[sflag:s15] =	ssyncadd.s32 @!p2 $0xFFFFEC00;
	s15 =	simm.s32 @!p2 $0x7  }
0x229: {  	_ =	swait.ge @!p2 [sflag:s15], $0x500  }
0x22a: {  	[sflag:s15] =	ssyncset.done @!p2 $0x0  }
0x22b: {  	[sflag:s15] =	ssyncadd.s32 @!p2 $0xFFFFFB00  }
0x22c: {  	[bflag:$0x0] =	sbarrier.arrive $0xFFFF  }
0x22d: {  	s15 =	rddreg [dreg:$0xa]  }
0x22e: {  	s19 =	rddreg [dreg:$0xc]  }
0x22f: {  	s17 =	rddreg [dreg:$0xf]  }
0x230: {  	[hbm:s15], [sflag:s19] =	dma.local @!p0 [spmem:s17], $0x1F40  }
0x231: {  	s15 =	simm.s32 @!p0 $0x9  }
0x232: {  	s17 =	stileid.u32;
	_ =	swait.ge @!p0 [sflag:s15], $0x1F40  }
0x233: {  	s17 =	sshll.u32 @!p3 s17, $0x6;
	[sflag:s15] =	ssyncset.done @!p0 $0x0;
	s18 =	rddreg [dreg:$0x7]  }
0x234: {  	[sflag:s15] =	ssyncadd.s32 @!p0 $0xFFFFE0C0;
	s15 =	sor.u32 @!p3 $0x1C09, s17;
	s17 =	sshrl.u32 @!p3 s3, $0x3  }
0x235: {  	[hbm:s18], [sflag:s15] =	dma.local @!p3 [spmem:s17], $0x4E20  }
0x236: {  	s15 =	simm.s32 @!p3 $0x9  }
0x237: {  	_ =	swait.ge @!p3 [sflag:s15], $0x4E20  }
0x238: {  	s16 =	sadd.s32 $0x1, s16;
	s25 =	rddreg [dreg:$0xb]  }
0x239: {  	p4 =	sne.s32 s16, s25  }
.Ltmp4:
0x23a: {  	_ = 	snop;
	(pc) =	sbr.rel @p4 .LBB2_1-.Ltmp4, $3  }
0x23b: {  	_ =	sdelay $0x1  }
0x23c: {  	[sflag:s15] =	ssyncset.done @!p3 $0x0  }
0x23d: {  	[sflag:s15] =	ssyncadd.s32 @!p3 $0xFFFFB1E0  }
0x23e: {  	_ =	sfence.sel $0x180000  }
0x23f: {  	[bflag:$0x0] =	sbarrier.arrive $0xFFFF  }
0x240: {  	_ =	strace $0x9000004A  }
0x241: {  	s0 =	stileid.u32;
	[bflag:$0x2] =	sbarrier.arrive $0xFFFF  }
0x242: {  	p0 =	sne.s32 s0, $0x0;
	s0 =	rddreg [dreg:$0x3]  }
0x243: {  	s0 =	sadd.s32 @!p0 $0x100000, s0  }
0x244: {  	[sflag:s0] =	ssyncadd.tile.s32 @!p0 $0x1;
	_ =	shalt  }
.Lfunc_end2:
_tile_overlayer_lowered:
.L_overlay_start_2:
0x245: {  	(tag) =	ssettag $0x2  }
0x246: {  	s0 =	rddreg [dreg:$0x0];
	s2 =	stileid.u32  }
0x247: {  	s1 =	rddreg [dreg:$0x1];
	p0 =	sne.s32 s2, $0x0  }
0x248: {  	s3 =	rddreg [dreg:$0x2];
	[bflag:$0x3] =	sbarrier.arrive $0xFFFF;
	s2 =	simm.s32 @!p0 $0x1C09  }
0x249: {  	[timem:s3], [sflag:s2] =	dma.local @!p0 [hbm:s0], s1  }
0x24a: {  	s0 =	simm.s32 @!p0 $0x9  }
0x24b: {  	_ =	swait.ge @!p0 [sflag:s0], s1  }
0x24c: {  	s1 =	ssub.s32 @!p0 $0x0, s1;
	[sflag:s0] =	ssyncset.done @!p0 $0x0  }
0x24d: {  	[sflag:s0] =	ssyncadd.s32 @!p0 s1  }
0x24e: {  	[bflag:$0x3] =	sbarrier.arrive $0xFFFF  }
0x24f: {  	_ =	shalt  }

// kernel: kernel.7.cloned.1.call-start
scs
__scs_entry_jumppad:
0x0: {  	(pc) =	sbr.rel $0x88, $3  }
0x1: {  	(tag) =	ssettag $0x0;
	lr =	simm.s32 $0x1  }
0x2: {  	[smem:$0x3F8F] =	sst lr;
	_ =	strace $0xD0000000  }
0x3: {  	_ = 	snop  }
0x4: {  	_ = 	snop  }
0x5: {  	_ = 	snop  }
0x6: {  	_ = 	snop  }
0x7: {  	_ = 	snop  }
__scs_overlays_trampoline_lowered:
0x8: {  	[smem:$0x3F9E] =	sst s0  }
0x9: {  	[smem:$0x3F9F] =	sst s1  }
0xa: {  	[smem:$0x3FA0] =	sst s2  }
0xb: {  	[smem:$0x3FA1] =	sst s3  }
0xc: {  	[smem:$0x3FA2] =	sst s4  }
0xd: {  	[smem:$0x3FA3] =	sst s5  }
0xe: {  	[smem:$0x3FA4] =	sst s6  }
0xf: {  	[smem:$0x3FA5] =	sst s7  }
0x10: {  	[smem:$0x3FA6] =	sst s8  }
0x11: {  	[smem:$0x3FA7] =	sst s9;
	s0 =	simm.s32 @!p0 $0x0  }
0x12: {  	s1 =	sld [smem:$0x3F8D];
	s0 =	simm.s32 @p0 $0x1  }
0x13: {  	[smem:$0x3FA8] =	sst s0;
	s0 =	simm.s32 @!p1 $0x0  }
0x14: {  	s2 =	sld [smem:$0x3F8C];
	s0 =	simm.s32 @p1 $0x1  }
0x15: {  	[smem:$0x3FA9] =	sst s0;
	s0 =	simm.s32 @!p2 $0x0  }
0x16: {  	s3 =	sld [smem:$0x3FDB];
	s0 =	simm.s32 @p2 $0x1  }
0x17: {  	s4 =	simm.s32 $0x1BF5;
	[smem:$0x3FAB] =	sst s0  }
0x18: {  	s0 =	sld [smem:$0x3F8E];
	_ =	swait.ge [sflag:s4], $0x0  }
0x19: {  	s7 =	sld [smem:$0x3F8F]  }
0x1a: {  	s8 =	sadd.s32 $0xFFFFE003, lr  }
0x1b: {  	s9 =	sadd.s32 $0xFFFFFEF7, lr;
	s5 =	simm.s32 $0xFFFFFFFF;
	p2 =	slt.u32 s8, $0xFFFFF086  }
0x1c: {  	p1 =	slt.u32 s9, $0xF7A;
	s5 =	simm.s32 @!p2 $0x0  }
0x1d: {  	s5 =	simm.s32 @p1 $0x1;
	p0 =	seq.s32 s7, s2  }
0x1e: {  	s7 =	smul.u32 @!p0 $0xF7A, s2;
	p2 =	seq.s32 @!p0 s5, $0x0  }
0x1f: {  	s9 =	smul.u32 $0xF7A, s1;
	s8 =	simm.s32 @!p0 $0x1BF5;
	p2 =	por !p2, p0  }
0x20: {  	[sflag:s8] =	ssyncset.s32 @!p0 $0xFFFFF086;
	s6 =	sadd.s32 @!p0 s3, s7;
	s7 =	simm.s32 @!p0 $0x108  }
0x21: {  	s3 =	sadd.s32 s3, s9;
	s6 =	sadd.s32 @!p0 $0x88, s6;
	s7 =	simm.s32 @p2 $0x1082  }
0x22: {  	[simem:s7], [sflag:s8] =	dma.local @!p0 [hbm:s6], $0xF7A  }
0x23: {  	s9 =	sor.u32 $0xD0000000, s2;
	s6 =	simm.s32 $0x108;
	_ =	swait.ge @!p0 [sflag:s8], $0x0  }
0x24: {  	s3 =	sadd.s32 $0x88, s3;
	s6 =	simm.s32 @!p1 $0x1082;
	[sflag:s4] =	ssyncset.s32 $0xFFFFF086  }
0x25: {  	[simem:s6], [sflag:s4] =	dma.local [hbm:s3], $0xF7A  }
0x26: {  	[smem:$0x3F8F] =	sst s1;
	(tag) =	ssettag s2;
	_ =	strace s9  }
0x27: {  	s1 =	sld [smem:$0x3F9F]  }
0x28: {  	s2 =	sld [smem:$0x3FA0]  }
0x29: {  	s4 =	sld [smem:$0x3FA2]  }
0x2a: {  	p0 =	seq.s32 s5, $0x0;
	s5 =	sld [smem:$0x3FA3]  }
0x2b: {  	s6 =	sld [smem:$0x3FA4]  }
0x2c: {  	s7 =	sld [smem:$0x3FA5]  }
0x2d: {  	s3 =	simm.s32 $0x108;
	s8 =	sld [smem:$0x3FA6]  }
0x2e: {  	s3 =	simm.s32 @!p0 $0x1082;
	s9 =	sld [smem:$0x3FA7]  }
0x2f: {  	lr =	sadd.s32 s0, s3;
	s0 =	sld [smem:$0x3F9E]  }
0x30: {  	s3 =	sld [smem:$0x3FA1]  }
0x31: {  	[smem:$0x3FAA] =	sst s10  }
0x32: {  	s10 =	sld [smem:$0x3FA8];
	_ =	sdelay $0x3  }
0x33: {  	p0 =	seq.s32 s10, $0x1;
	s10 =	sld [smem:$0x3FAA];
	_ =	sdelay $0x3  }
0x34: {  	[smem:$0x3FAA] =	sst s10  }
0x35: {  	s10 =	sld [smem:$0x3FA9];
	_ =	sdelay $0x3  }
0x36: {  	p1 =	seq.s32 s10, $0x1;
	s10 =	sld [smem:$0x3FAA];
	_ =	sdelay $0x3  }
0x37: {  	[smem:$0x3FAA] =	sst s10  }
0x38: {  	s10 =	sld [smem:$0x3FAB]  }
0x39: {  	_ = 	snop;
	(pc) =	sbr.ind lr, $3  }
0x3a: {  	_ = 	snop  }
0x3b: {  	_ = 	snop  }
0x3c: {  	p2 =	seq.s32 s10, $0x1;
	s10 =	sld [smem:$0x3FAA]  }
0x3d: {  	_ =	shalt  }
0x3e: {  	_ =	shalt  }
0x3f: {  	_ =	shalt  }
0x40: {  	_ =	shalt  }
0x41: {  	_ =	shalt  }
0x42: {  	_ =	shalt  }
0x43: {  	_ =	shalt  }
0x44: {  	_ =	shalt  }
0x45: {  	_ =	shalt  }
0x46: {  	_ =	shalt  }
0x47: {  	_ =	shalt  }
0x48: {  	_ =	shalt  }
0x49: {  	_ =	shalt  }
0x4a: {  	_ =	shalt  }
0x4b: {  	_ =	shalt  }
0x4c: {  	_ =	shalt  }
0x4d: {  	_ =	shalt  }
0x4e: {  	_ =	shalt  }
0x4f: {  	_ =	shalt  }
0x50: {  	_ =	shalt  }
0x51: {  	_ =	shalt  }
0x52: {  	_ =	shalt  }
0x53: {  	_ =	shalt  }
0x54: {  	_ =	shalt  }
0x55: {  	_ =	shalt  }
0x56: {  	_ =	shalt  }
0x57: {  	_ =	shalt  }
0x58: {  	_ =	shalt  }
0x59: {  	_ =	shalt  }
0x5a: {  	_ =	shalt  }
0x5b: {  	_ =	shalt  }
0x5c: {  	_ =	shalt  }
0x5d: {  	_ =	shalt  }
0x5e: {  	_ =	shalt  }
0x5f: {  	_ =	shalt  }
0x60: {  	_ =	shalt  }
0x61: {  	_ =	shalt  }
0x62: {  	_ =	shalt  }
0x63: {  	_ =	shalt  }
0x64: {  	_ =	shalt  }
0x65: {  	_ =	shalt  }
0x66: {  	_ =	shalt  }
0x67: {  	_ =	shalt  }
0x68: {  	_ =	shalt  }
0x69: {  	_ =	shalt  }
0x6a: {  	_ =	shalt  }
0x6b: {  	_ =	shalt  }
0x6c: {  	_ =	shalt  }
0x6d: {  	_ =	shalt  }
0x6e: {  	_ =	shalt  }
0x6f: {  	_ =	shalt  }
0x70: {  	_ =	shalt  }
0x71: {  	_ =	shalt  }
0x72: {  	_ =	shalt  }
0x73: {  	_ =	shalt  }
0x74: {  	_ =	shalt  }
0x75: {  	_ =	shalt  }
0x76: {  	_ =	shalt  }
0x77: {  	_ =	shalt  }
0x78: {  	_ =	shalt  }
0x79: {  	_ =	shalt  }
0x7a: {  	_ =	shalt  }
0x7b: {  	_ =	shalt  }
0x7c: {  	_ =	shalt  }
0x7d: {  	_ =	shalt  }
0x7e: {  	_ =	shalt  }
0x7f: {  	_ =	shalt  }
0x80: {  	_ =	shalt  }
0x81: {  	_ =	shalt  }
0x82: {  	_ =	shalt  }
0x83: {  	_ =	shalt  }
0x84: {  	_ =	shalt  }
0x85: {  	_ =	shalt  }
0x86: {  	_ =	shalt  }
0x87: {  	_ =	shalt  }
.Lfunc_end0:
.L_simem_size_0:
called_computation_lowered:
.L_overlay_start_0:
0x88: {  	s2 =	sld [smem:$0x3FD9]  }
0x89: {  	s3 =	sld [smem:$0x3FFE];
	_ =	sdelay $0x1  }
0x8a: {  	s1 =	srdreg.scid  }
0x8b: {  	s0 =	sand.u32 $0x1, s1  }
0x8c: {  	s16 =	sshll.u32 s0, $0xA;
	s2 =	sadd.s32 s3, s2  }
0x8d: {  	s2 =	sadd.s32 s2, s16  }
0x8e: {  	[smem:$0x3FB6] =	sst s2  }
0x8f: {  	_ = 	snop  }
0x90: {  	(tm) =	ssettm $0x1  }
0x91: {  	s17 =	sld [smem:$0x3FFB];
	_ =	sdelay $0x3  }
0x92: {  	_ =	strace s17  }
0x93: {  	s2 =	sld [smem:$0x3FFC];
	_ =	sdelay $0x3  }
0x94: {  	_ =	strace s2  }
0x95: {  	s2 =	sld [smem:$0x3FFD];
	_ =	sdelay $0x3  }
0x96: {  	_ =	strace s2  }
0x97: {  	_ =	strace $0x8FFFFFFF  }
0x98: {  	s18 =	sld [smem:$0x3FDB];
	_ =	sdelay $0x1  }
0x99: {  	s19 =	simm.s32 $_scs_section_size  }
0x9a: {  	s4 =	simm.s32 $_size__tile_overlayer_lowered;
	s5 =	simm.s32 $_tile_overlayer_lowered  }
0x9b: {  	s22 =	simm.s32 $0x1BFF;
	s21 =	sshll.u32 s5, $0x1;
	s2 =	sadd.s32 s19, s18  }
0x9c: {  	s6 =	simm.s32 $0x0;
	s20 =	sshll.u32 s4, $0x1;
	s4 =	sadd.s32 s21, s2  }
0x9d: {  	[timem:s6], [sflag:s22] =	dma.local [hbm:s4], s20  }
0x9e: {  	_ =	swait.ge [sflag:s22], s20  }
0x9f: {  	s3 =	ssub.s32 $0x0, s20;
	[sflag:s22] =	ssyncset.done $0x0  }
0xa0: {  	[sflag:s22] =	ssyncadd.s32 s3;
	_ =	sdelay $0x1  }
0xa1: {  	s23 =	simm.s32 $0x1B8B  }
0xa2: {  	_ =	swait.ge [sflag:s23], $0x1  }
0xa3: {  	[sflag:s23] =	ssyncset.done $0x0  }
0xa4: {  	s25 =	simm.s32 $0x1B8E;
	s24 =	sld [smem:$0x3FFE];
	[sflag:s23] =	ssyncadd.s32 $0xFFFFFFFF  }
0xa5: {  	s26 =	simm.s32 $execute0_lowered;
	[smem:$0x3FD2] =	sst s25  }
0xa6: {  	s4 =	sshll.u32 s26, $0x1;
	_ =	strace $0x80000046;
	[dreg:$0x1] =	wrdreg $0xFFFFFFFF  }
0xa7: {  	s28 =	simm.s32 $_size_execute0_lowered;
	s2 =	sadd.s32 s2, s4;
	[dreg:$0x0] =	wrdreg $0x0  }
0xa8: {  	s4 =	sshll.u32 s28, $0x1;
	[dreg:$0x2] =	wrdreg s2  }
0xa9: {  	[dreg:$0x3] =	wrdreg s4  }
0xaa: {  	[dreg:$0x4] =	wrdreg $0xC0  }
0xab: {  	_ =	task [dreg:s6], $0x5FFFF  }
0xac: {  	[dreg:$0x1] =	wrdreg $0xFFFFFFFF  }
0xad: {  	[dreg:$0x0] =	wrdreg $0x60  }
0xae: {  	[dreg:$0x2] =	wrdreg s24  }
0xaf: {  	[dreg:$0x3] =	wrdreg $0x84D00  }
0xb0: {  	[dreg:$0x4] =	wrdreg $0x121100  }
0xb1: {  	[dreg:$0x5] =	wrdreg $0x9  }
0xb2: {  	_ =	task.clear_ibuf [dreg:s6], $0x6FFFF;
	_ =	strace $0x90000046  }
0xb3: {  	s29 =	simm.s32 $0x9;
	_ =	strace $0x80000048  }
0xb4: {  	_ =	swait.ge [sflag:s29], $0x1  }
0xb5: {  	[sflag:s29] =	ssyncadd.s32 $0xFFFFFFFF  }
0xb6: {  	_ =	strace $0x90000048  }
0xb7: {  	_ =	sfence  }
0xb8: {  	s30 =	sld [smem:$0x0];
	_ =	sdelay $0x2  }
0xb9: {  	s31 =	sshll.u32 s1, $0xD;
	s1 =	sshrl.u32 s1, $0x2  }
0xba: {  	s3 =	sand.u32 $0x4000, s31;
	s1 =	sadd.s32 s1, s30  }
0xbb: {  	s0 =	sor.u32 s3, s0;
	s1 =	sshll.u32 s1, $0x11  }
0xbc: {  	s0 =	sor.u32 s1, s0  }
0xbd: {  	s0 =	sadd.s32 $0x8F2B, s0  }
0xbe: {  	[sflag:s0] =	ssyncadd.remote.s32 $0x1  }
0xbf: {  	_ =	sfence.sel $0xFFFF  }
0xc0: {  	[dreg:$0x0] =	wrdreg $0xFFFFFFFF;
	(pc) =	sbr.abs _section_cstart, $3  }
0xc1: {  	[dreg:$0x1] =	wrdreg $0xFFFFFFFF  }
0xc2: {  	_ =	task.clear_ibuf [dreg:s6], $0x2FFFF;
	_ =	strace $0x9FFFFFFF  }
0xc3: {  	(tm) =	ssettm $0x7FFFFFFF  }
tec
execute0_lowered:
.L_overlay_start_1:
0x0: {  	(tag) =	ssettag $0x1  }
0x1: {  	s0 =	rddreg [dreg:$0x0]  }
0x2: {  	s1 =	rddreg [dreg:$0x1]  }
0x3: {  	s3 =	rddreg [dreg:$0x2];
	s4 =	simm.s32 $0x0  }
0x4: {  	s2 =	srdreg.scid;
	s16 =	stileid.u32;
	s29 =	simm.s32 $0x50A0  }
0x5: {  	s30 =	simm.s32 $0x69A0;
	s31 =	simm.s32 $0x6B80;
	s6 =	smul.u32 $0xFA00, s16  }
0x6: {  	s28 =	simm.s32 $0x6BD0;
	[smem:$0x7FF] =	sst s4;
	s11 =	smul.u32 $0x3E800, s16  }
0x7: {  	s2 =	sand.u32 $0x1, s2;
	s5 =	sadd.s32 $0x2E00, s0;
	s12 =	smul.u32 $0x4E20, s16  }
0x8: {  	s7 =	sadd.s32 $0x64E00, s0;
	s8 =	sadd.s32 $0x51200, s0;
	s14 =	smul.u32 $0x2710, s16  }
0x9: {  	s10 =	sadd.s32 $0x8CA00, s0;
	s20 =	sadd.s32 $0x8EA00, s0;
	s13 =	smul.u32 $0xFA, s16  }
0xa: {  	p0 =	sgt.u32 s16, $0x9;
	_ =	strace $0x80000047;
	[dreg:$0x4] =	wrdreg s7  }
0xb: {  	s9 =	smul.u32 $0x9C400, s2;
	s7 =	sadd.s32 $0x65800, s0;
	[dreg:$0x5] =	wrdreg s10  }
0xc: {  	[dreg:$0x6] =	wrdreg s20;
	s21 =	ssub.s32 $0x2, s2;
	s26 =	sor.u32 s16, s2  }
0xd: {  	v1 =	vmov s2;
	p1 =	seq.s32 s2, $0x0;
	p2 =	sne.s32 s2, $0x0;
	s2 =	simm.s32 $0x1  }
0xe: {  	s22 =	sshrl.u32 s21, $0x1;
	s23 =	sshrl.u32 s11, $0x2;
	s24 =	sshrl.u32 s6, $0x2  }
0xf: {  	s15 =	sshrl.u32 s12, $0x3;
	s14 =	sadd.s32 s7, s14;
	p3 =	sne.s32 s26, $0x0  }
0x10: {  	s26 =	simm.s32 $0x50;
	s9 =	sadd.s32 s6, s9;
	s10 =	sadd.s32 s23, s1  }
0x11: {  	s11 =	sadd.s32 s24, s3;
	[dreg:$0x8] =	wrdreg s14;
	s25 =	sadd.s32 s8, s15  }
0x12: {  	v0 =	vlaneseq.u32;
	s6 =	sadd.s32 s6, s1;
	s24 =	simm.s32 $0x4;
	s9 =	sshrl.u32 s9, $0x3  }
0x13: {  	v0 =	vmul.u32 $0x10, v0;
	[dreg:$0x9] =	wrdreg s25;
	s9 =	sadd.s32 s9, s0;
	s0 =	sadd.s32 $0xB6400, s0  }
0x14: {  	s23 =	simm.s32 $0x6AE0;
	s14 =	simm.s32 $0x6B30;
	[dreg:$0x7] =	wrdreg s0  }
0x15: {  	v2 =	vimm.f32 $0.0e+00;
	v4 =	vimm.f32 $1.000000000e+00;
	v3 =	vor.u32 $0x1, v0;
	s0 =	ssub.s32 s21, s22;
	s9 =	sadd.s32 $0x8F200, s9;
	s22 =	simm.s32 $0x8  }
0x16: {  	v5 =	vor.u32 $0x2, v0;
	v6 =	vor.u32 $0x3, v0;
	v7 =	vor.u32 $0x100, v0;
	[dreg:$0xa] =	wrdreg s9;
	s9 =	sshll.u32 @!p0 s16, $0x6;
	s0 =	smax.u32 s0, $0x1  }
0x17: {  	v8 =	vor.u32 $0x101, v0;
	v9 =	vor.u32 $0x102, v0;
	v10 =	vor.u32 $0x103, v0;
	s16 =	simm.s32 $0x0;
	[dreg:$0xb] =	wrdreg s0;
	s0 =	sshrl.u32 @!p0 s10, $0x3  }
0x18: {  	v11 =	vor.u32 $0x200, v0;
	v12 =	vor.u32 $0x201, v0;
	v13 =	vor.u32 $0x202, v0;
	s19 =	sor.u32 @!p0 $0x1C09, s9;
	s9 =	simm.s32 $0x5000;
	[dreg:$0xd] =	wrdreg s0  }
0x19: {  	v14 =	vor.u32 $0x203, v0;
	v15 =	vor.u32 $0x300, v0;
	v16 =	vor.u32 $0x301, v0;
	s10 =	simm.s32 $0x7FD0;
	s0 =	sshrl.u32 @!p0 s11, $0x3;
	[dreg:$0xc] =	wrdreg s19  }
0x1a: {  	v17 =	vor.u32 $0x302, v0;
	v18 =	vor.u32 $0x303, v0;
	v19 =	vor.u32 $0x400, v0;
	s11 =	simm.s32 $0x5;
	[dreg:$0xe] =	wrdreg s0;
	s0 =	sshrl.u32 @!p0 s6, $0x3  }
0x1b: {  	v20 =	vor.u32 $0x401, v0;
	v21 =	vor.u32 $0x402, v0;
	v22 =	vor.u32 $0x403, v0;
	s6 =	simm.s32 $0x4E20;
	[dreg:$0xf] =	wrdreg s0;
	s0 =	simm.s32 $0x64A0  }
.LBB2_1:
0x1c: {  	s15 =	rddreg [dreg:$0x5]  }
0x1d: {  	s17 =	rddreg [dreg:$0xd]  }
0x1e: {  	[spmem:s17], [sflag:s19] =	dma.local @!p0 [hbm:s15], $0x1F40  }
0x1f: {  	s15 =	simm.s32 @!p0 $0x9  }
0x20: {  	_ =	swait.ge @!p0 [sflag:s15], $0x1F40  }
0x21: {  	[sflag:s15] =	ssyncset.done @!p0 $0x0;
	s17 =	rddreg [dreg:$0x6]  }
0x22: {  	s18 =	rddreg [dreg:$0xe];
	[sflag:s15] =	ssyncadd.s32 @!p0 $0xFFFFE0C0  }
0x23: {  	[spmem:s18], [sflag:s19] =	dma.local @!p0 [hbm:s17], $0x7D0  }
0x24: {  	_ =	swait.ge @!p0 [sflag:s15], $0x7D0  }
0x25: {  	[sflag:s15] =	ssyncset.done @!p0 $0x0  }
0x26: {  	s25 =	simm.s32 $0x9;
	s21 =	rddreg [dreg:$0x4];
	[sflag:s15] =	ssyncadd.s32 @!p0 $0xFFFFF830  }
0x27: {  	[tilespmem:s4], [sflag:$0x9] =	stream.linear.gather [hbm4b:s21+s4], $0x4E20, $0x38;
	[tilespmem:$0x14820] =	vst v63  }
0x28: {  	_ =	swait.ge [sflag:s25], $0x4E20  }
0x29: {  	[sflag:s25] =	ssyncset.done $0x0  }
0x2a: {  	s17 =	simm.s32 $0x0;
	s15 =	simm.s32 $0x40;
	[sflag:s25] =	ssyncadd.s32 $0xFFFFB1E0  }
.LBB2_2:
0x2b: {  	p4 =	sne.s32 s15, $0x13C0;
	[tilespmem:s17+$0x64A0] =	vst v2;
	s19 =	smov.u32 s15;
	s15 =	sadd.s32 $0x40, s15  }
.Ltmp0:
0x2c: {  	[tilespmem:s17+$0x7FD0] =	vst v2;
	(pc) =	sbr.rel @p4 .LBB2_2-.Ltmp0, $2  }
0x2d: {  	_ =	sdelay $0x2  }
0x2e: {  	s17 =	sshra.s32 s19, $0x2  }
0x2f: {  	[tilespmem:s17+$0x64A0] =	vst v2  }
0x30: {  	[tilespmem:s17+$0x7FD0] =	vst v2  }
0x31: {  	[bflag:$0x0] =	sbarrier.arrive $0xFFFF  }
0x32: {  	s17 =	simm.s32 $0x0;
	s18 =	simm.s32 $0x4E70;
	s15 =	rddreg [dreg:$0x8]  }
0x33: {  	[tilespmem:s18], [sflag:$0x4] =	stream.linear.gather [hbm4b:s15+s17], $0x140, $0x38;
	[tilespmem:$0x14820] =	vst v63  }
0x34: {  	s21 =	simm.s32 $0x5050;
	s20 =	rddreg [dreg:$0x9]  }
0x35: {  	[tilespmem:s21], [sflag:$0x4] =	stream.linear.gather [hbm4b:s20+s17], $0x50, $0x38;
	[tilespmem:$0x14820] =	vst v63  }
0x36: {  	_ =	swait.ge [sflag:s24], $0x140  }
0x37: {  	[sflag:s24] =	ssyncset.done $0x0  }
0x38: {  	[sflag:s24] =	ssyncadd.s32 $0xFFFFFEC0  }
0x39: {  	_ =	swait.ge [sflag:s24], $0x50  }
0x3a: {  	[sflag:s24] =	ssyncset.done $0x0  }
0x3b: {  	[sflag:s24] =	ssyncadd.s32 $0xFFFFFFB0  }
0x3c: {  	v23 =	vld [tilespmem:$0x4E70]  }
0x3d: {  	v24 =	vld [tilespmem:$0x4E80]  }
0x3e: {  	v25 =	vld [tilespmem:$0x4E90]  }
0x3f: {  	v26 =	vld [tilespmem:$0x4EA0]  }
0x40: {  	v27 =	vld [tilespmem:$0x4EB0]  }
0x41: {  	v23 =	vshll.u32 v23, $0x1  }
0x42: {  	v24 =	vshll.u32 v24, $0x1;
	v23 =	vor.u32 v1, v23  }
0x43: {  	v61 =	vshll.u32 v25, $0x1;
	[tilespmem:$0x4FB0] =	vst v23;
	v23 =	vor.u32 v1, v24  }
0x44: {  	v62 =	vshll.u32 v26, $0x1;
	[tilespmem:$0x4FC0] =	vst v23;
	v23 =	vor.u32 v1, v61  }
0x45: {  	v63 =	vshll.u32 v27, $0x1;
	[tilespmem:$0x4FD0] =	vst v23;
	v23 =	vor.u32 v1, v62  }
0x46: {  	[tilespmem:$0x4FE0] =	vst v23;
	v23 =	vor.u32 v1, v63  }
0x47: {  	s25 =	simm.s32 $0x4FB0;
	[tilespmem:$0x4FF0] =	vst v23  }
0x48: {  	[tilespmem:s29], [sflag:$0x1] =	stream.indirect.gather [hbm4b:s5+s26], $0x40, s25, s26, $0xb8;
	[tilespmem:$0x14820] =	vst v63  }
.LBB2_4:
0x49: {  	s15 =	sshllo.u32 s17, $0x1  }
0x4a: {  	s19 =	sadd.s32 s13, s15;
	s15 =	smul.u32 $0x50, s15  }
0x4b: {  	s19 =	smul.u32 $0x28, s19  }
0x4c: {  	p4 =	sne.s32 s17, $0x0;
	s15 =	sadd.s32 s12, s15  }
0x4d: {  	p4 =	por !p1, !p4;
	s19 =	sadd.s32 s7, s19;
	s15 =	sshrl.u32 s15, $0x3  }
0x4e: {  	[tilespmem:s30], [sflag:$0x8] =	stream.linear.gather [hbm4b:s19+s4], $0x140, $0x38;
	[tilespmem:$0x14820] =	vst v63  }
0x4f: {  	p4 =	por !p4, !p4;
	s15 =	sadd.s32 s8, s15  }
0x50: {  	[tilespmem:s31], [sflag:$0x8] =	stream.linear.gather [hbm4b:s15+s4], $0x50, $0x38;
	[tilespmem:$0x14820] =	vst v63  }
0x51: {  	s15 =	simm.s32 @p4 $0x3  }
0x52: {  	_ =	swait.ge @p4 [sflag:s15], $0x500  }
0x53: {  	[sflag:s15] =	ssyncset.done @p4 $0x0  }
0x54: {  	[sflag:s15] =	ssyncadd.s32 @p4 $0xFFFFFB00  }
0x55: {  	v23 =	vld [tilespmem:$0x4E70]  }
0x56: {  	v24 =	vld [tilespmem:$0x4EC0];
	_ =	sdelay $0x4  }
0x57: {  	v23 =	vshll.u32 v23, $0x1;
	v25 =	vshll.u32 v24, $0x1  }
0x58: {  	v25 =	vor.u32 $0x1, v25;
	_ =	sdelay $0x2  }
0x59: {  	[tilespmem:$0x5000] =	vst v24  }
0x5a: {  	v23 =	vld.idx.msk [tilespmem:v23+s4+$0x0], $0xffff  }
0x5b: {  	v24 =	vld.idx.msk [tilespmem:v25+s4+$0x0], $0xffff;
	_ =	sdelay $0x1  }
0x5c: {  	v25 =	vld [tilespmem:$0x5050];
	_ =	sdelay $0x2  }
0x5d: {  	v23 =	vadd.f32 v24, v23;
	_ =	sdelay $0x1  }
0x5e: {  	v23 =	vadd.f32 v25, v23;
	_ =	sdelay $0x1  }
0x5f: {  	v24 =	vmul.f32 $2.000000030e-01, v23;
	_ =	sdelay $0x1  }
0x60: {  	v23 =	vmax.f32 v23, v24  }
0x61: {  	v23 =	vmul.f32 $1.442695020e+00, v23;
	_ =	sdelay $0x1  }
0x62: {  	(erf) = vpow2.f32 v23;
	_ =	sdelay $0x7  }
0x63: {  	v23 =	vld [tilespmem:$0x4F10]  }
0x64: {  	v24 =	vld [tilespmem:$0x4F60];
	v25 =	vpop (erf)  }
0x65: {  	[tilespmem:$0x4E20] =	vst v25  }
0x66: {  	[tilespmem:v0+s0+$0x0] =	vst.idx.msk $0xffff, v25  }
0x67: {  	[tilespmem:v3+s0+$0x0] =	vst.idx.msk $0xffff, v4  }
0x68: {  	[tilespmem:v5+s0+$0x0] =	vst.idx.msk $0xffff, v23  }
0x69: {  	[tilespmem:v6+s0+$0x0] =	vst.idx.msk $0xffff, v24  }
0x6a: {  	v23 =	vld [tilespmem:$0x4E80]  }
0x6b: {  	v24 =	vld [tilespmem:$0x4ED0];
	_ =	sdelay $0x4  }
0x6c: {  	v23 =	vshll.u32 v23, $0x1;
	v25 =	vshll.u32 v24, $0x1  }
0x6d: {  	v25 =	vor.u32 $0x1, v25;
	_ =	sdelay $0x2  }
0x6e: {  	[tilespmem:$0x5010] =	vst v24  }
0x6f: {  	v23 =	vld.idx.msk [tilespmem:v23+s4+$0x0], $0xffff  }
0x70: {  	v24 =	vld.idx.msk [tilespmem:v25+s4+$0x0], $0xffff;
	_ =	sdelay $0x1  }
0x71: {  	v25 =	vld [tilespmem:$0x5060];
	_ =	sdelay $0x2  }
0x72: {  	v23 =	vadd.f32 v24, v23;
	_ =	sdelay $0x1  }
0x73: {  	v23 =	vadd.f32 v25, v23;
	_ =	sdelay $0x1  }
0x74: {  	v24 =	vmul.f32 $2.000000030e-01, v23;
	_ =	sdelay $0x1  }
0x75: {  	v23 =	vmax.f32 v23, v24  }
0x76: {  	v23 =	vmul.f32 $1.442695020e+00, v23;
	_ =	sdelay $0x1  }
0x77: {  	(erf) = vpow2.f32 v23;
	_ =	sdelay $0x7  }
0x78: {  	v23 =	vld [tilespmem:$0x4F20]  }
0x79: {  	v24 =	vld [tilespmem:$0x4F70];
	v25 =	vpop (erf)  }
0x7a: {  	[tilespmem:$0x4E30] =	vst v25  }
0x7b: {  	[tilespmem:v7+s0+$0x0] =	vst.idx.msk $0xffff, v25  }
0x7c: {  	[tilespmem:v8+s0+$0x0] =	vst.idx.msk $0xffff, v4  }
0x7d: {  	[tilespmem:v9+s0+$0x0] =	vst.idx.msk $0xffff, v23  }
0x7e: {  	[tilespmem:v10+s0+$0x0] =	vst.idx.msk $0xffff, v24  }
0x7f: {  	v23 =	vld [tilespmem:$0x4E90]  }
0x80: {  	v24 =	vld [tilespmem:$0x4EE0];
	_ =	sdelay $0x4  }
0x81: {  	v23 =	vshll.u32 v23, $0x1;
	v25 =	vshll.u32 v24, $0x1  }
0x82: {  	v25 =	vor.u32 $0x1, v25;
	_ =	sdelay $0x2  }
0x83: {  	[tilespmem:$0x5020] =	vst v24  }
0x84: {  	v23 =	vld.idx.msk [tilespmem:v23+s4+$0x0], $0xffff  }
0x85: {  	v24 =	vld.idx.msk [tilespmem:v25+s4+$0x0], $0xffff;
	_ =	sdelay $0x1  }
0x86: {  	v25 =	vld [tilespmem:$0x5070];
	_ =	sdelay $0x2  }
0x87: {  	v23 =	vadd.f32 v24, v23;
	_ =	sdelay $0x1  }
0x88: {  	v23 =	vadd.f32 v25, v23;
	_ =	sdelay $0x1  }
0x89: {  	v24 =	vmul.f32 $2.000000030e-01, v23;
	_ =	sdelay $0x1  }
0x8a: {  	v23 =	vmax.f32 v23, v24  }
0x8b: {  	v23 =	vmul.f32 $1.442695020e+00, v23;
	_ =	sdelay $0x1  }
0x8c: {  	(erf) = vpow2.f32 v23;
	_ =	sdelay $0x7  }
0x8d: {  	v23 =	vld [tilespmem:$0x4F30]  }
0x8e: {  	v24 =	vld [tilespmem:$0x4F80];
	v25 =	vpop (erf)  }
0x8f: {  	[tilespmem:$0x4E40] =	vst v25  }
0x90: {  	[tilespmem:v11+s0+$0x0] =	vst.idx.msk $0xffff, v25  }
0x91: {  	[tilespmem:v12+s0+$0x0] =	vst.idx.msk $0xffff, v4  }
0x92: {  	[tilespmem:v13+s0+$0x0] =	vst.idx.msk $0xffff, v23  }
0x93: {  	[tilespmem:v14+s0+$0x0] =	vst.idx.msk $0xffff, v24  }
0x94: {  	v23 =	vld [tilespmem:$0x4EA0]  }
0x95: {  	v24 =	vld [tilespmem:$0x4EF0];
	_ =	sdelay $0x4  }
0x96: {  	v23 =	vshll.u32 v23, $0x1;
	v25 =	vshll.u32 v24, $0x1  }
0x97: {  	v25 =	vor.u32 $0x1, v25;
	_ =	sdelay $0x2  }
0x98: {  	[tilespmem:$0x5030] =	vst v24  }
0x99: {  	v23 =	vld.idx.msk [tilespmem:v23+s4+$0x0], $0xffff  }
0x9a: {  	v24 =	vld.idx.msk [tilespmem:v25+s4+$0x0], $0xffff;
	_ =	sdelay $0x1  }
0x9b: {  	v25 =	vld [tilespmem:$0x5080];
	_ =	sdelay $0x2  }
0x9c: {  	v23 =	vadd.f32 v24, v23;
	_ =	sdelay $0x1  }
0x9d: {  	v23 =	vadd.f32 v25, v23;
	_ =	sdelay $0x1  }
0x9e: {  	v24 =	vmul.f32 $2.000000030e-01, v23;
	_ =	sdelay $0x1  }
0x9f: {  	v23 =	vmax.f32 v23, v24  }
0xa0: {  	v23 =	vmul.f32 $1.442695020e+00, v23;
	_ =	sdelay $0x1  }
0xa1: {  	(erf) = vpow2.f32 v23;
	_ =	sdelay $0x7  }
0xa2: {  	v23 =	vld [tilespmem:$0x4F40]  }
0xa3: {  	v24 =	vld [tilespmem:$0x4F90];
	v25 =	vpop (erf)  }
0xa4: {  	[tilespmem:$0x4E50] =	vst v25  }
0xa5: {  	[tilespmem:v15+s0+$0x0] =	vst.idx.msk $0xffff, v25  }
0xa6: {  	[tilespmem:v16+s0+$0x0] =	vst.idx.msk $0xffff, v4  }
0xa7: {  	[tilespmem:v17+s0+$0x0] =	vst.idx.msk $0xffff, v23  }
0xa8: {  	[tilespmem:v18+s0+$0x0] =	vst.idx.msk $0xffff, v24  }
0xa9: {  	v23 =	vld [tilespmem:$0x4EB0]  }
0xaa: {  	v24 =	vld [tilespmem:$0x4F00];
	_ =	sdelay $0x4  }
0xab: {  	v23 =	vshll.u32 v23, $0x1;
	v25 =	vshll.u32 v24, $0x1  }
0xac: {  	v25 =	vor.u32 $0x1, v25;
	_ =	sdelay $0x2  }
0xad: {  	[tilespmem:$0x5040] =	vst v24  }
0xae: {  	v23 =	vld.idx.msk [tilespmem:v23+s4+$0x0], $0xffff  }
0xaf: {  	v24 =	vld.idx.msk [tilespmem:v25+s4+$0x0], $0xffff;
	_ =	sdelay $0x1  }
0xb0: {  	v25 =	vld [tilespmem:$0x5090];
	_ =	sdelay $0x2  }
0xb1: {  	v23 =	vadd.f32 v24, v23;
	_ =	sdelay $0x1  }
0xb2: {  	v23 =	vadd.f32 v25, v23;
	_ =	sdelay $0x1  }
0xb3: {  	v24 =	vmul.f32 $2.000000030e-01, v23;
	_ =	sdelay $0x1  }
0xb4: {  	v23 =	vmax.f32 v23, v24  }
0xb5: {  	v23 =	vmul.f32 $1.442695020e+00, v23;
	_ =	sdelay $0x1  }
0xb6: {  	(erf) = vpow2.f32 v23;
	_ =	sdelay $0x7  }
0xb7: {  	v23 =	vld [tilespmem:$0x4F50]  }
0xb8: {  	v24 =	vld [tilespmem:$0x4FA0];
	v25 =	vpop (erf)  }
0xb9: {  	[tilespmem:$0x4E60] =	vst v25  }
0xba: {  	[tilespmem:v19+s0+$0x0] =	vst.idx.msk $0xffff, v25  }
0xbb: {  	[tilespmem:v20+s0+$0x0] =	vst.idx.msk $0xffff, v4  }
0xbc: {  	[tilespmem:v21+s0+$0x0] =	vst.idx.msk $0xffff, v23  }
0xbd: {  	[tilespmem:v22+s0+$0x0] =	vst.idx.msk $0xffff, v24  }
0xbe: {  	_ =	swait.ge [sflag:s22], $0x140  }
0xbf: {  	[sflag:s22] =	ssyncset.done $0x0  }
0xc0: {  	[sflag:s22] =	ssyncadd.s32 $0xFFFFFEC0  }
0xc1: {  	_ =	swait.ge [sflag:s22], $0x50  }
0xc2: {  	p5 =	seq.s32 s17, $0x0;
	[sflag:s22] =	ssyncset.done $0x0  }
0xc3: {  	s15 =	simm.s32 @!p5 $0x6;
	[sflag:s22] =	ssyncadd.s32 $0xFFFFFFB0  }
0xc4: {  	_ =	swait.ge @!p5 [sflag:s15], $0x1400  }
0xc5: {  	[sflag:s15] =	ssyncset.done @!p5 $0x0  }
0xc6: {  	[sflag:s15] =	ssyncadd.s32 @!p5 $0xFFFFEC00  }
0xc7: {  	v23 =	vld [tilespmem:$0x69A0]  }
0xc8: {  	v24 =	vld [tilespmem:$0x69B0]  }
0xc9: {  	v25 =	vld [tilespmem:$0x69C0]  }
0xca: {  	v26 =	vld [tilespmem:$0x69D0]  }
0xcb: {  	v27 =	vld [tilespmem:$0x69E0]  }
0xcc: {  	v23 =	vshll.u32 v23, $0x1  }
0xcd: {  	v24 =	vshll.u32 v24, $0x1;
	v23 =	vor.u32 v1, v23  }
0xce: {  	s25 =	simm.s32 $0x0;
	[tilespmem:$0x6AE0] =	vst v23;
	v23 =	vor.u32 v1, v24;
	v24 =	vshll.u32 v25, $0x1  }
0xcf: {  	v25 =	vmov s25;
	[tilespmem:$0x6AF0] =	vst v23;
	v23 =	vor.u32 v1, v24;
	v24 =	vshll.u32 v26, $0x1  }
0xd0: {  	v25 =	vand.u32 $0xFFFFFFFC, v25;
	[tilespmem:$0x6B00] =	vst v23;
	v23 =	vor.u32 v1, v24;
	v24 =	vshll.u32 v27, $0x1  }
0xd1: {  	[tilespmem:$0x6B10] =	vst v23;
	v23 =	vor.u32 v1, v24;
	v24 =	vbroadcast v25, $0x0  }
0xd2: {  	[tilespmem:$0x6B20] =	vst v23  }
0xd3: {  	[tilespmem:s28], [sflag:$0x5] =	stream.indirect.gather [hbm4b:s5+s26], $0x40, s23, s26, $0xb8;
	[tilespmem:$0x14820] =	vst v63  }
0xd4: {  	_ =	swait.ge [sflag:s2], $0x1400  }
0xd5: {  	[sflag:s2] =	ssyncset.done $0x0  }
0xd6: {  	[sflag:s2] =	ssyncadd.s32 $0xFFFFEC00  }
0xd7: {  	s19 =	simm.s32 $0x5120;
	v23 =	vld.idx.msk [tilespmem:v24+s6+$0x0], $0xffff  }
0xd8: {  	v24 =	vld [tilespmem:s19+$0xFFFFFF80]  }
0xd9: {  	v25 =	vld [tilespmem:s19+$0xFFFFFFB0]  }
0xda: {  	s18 =	simm.s32 $0x1;
	v26 =	vld [tilespmem:s19+$0xFFFFFF90]  }
0xdb: {  	v28 =	vmov s18;
	v27 =	vld [tilespmem:s19+$0xFFFFFFA0]  }
0xdc: {  	v28 =	vand.u32 $0xFFFFFFFD, v28  }
0xdd: {  	v28 =	vbroadcast v28, $0x0;
	v24 =	vmul.f32 v24, v23  }
0xde: {  	v25 =	vmul.f32 v25, v23  }
0xdf: {  	[tilespmem:s19+$0xFFFFFF80] =	vst v24;
	v24 =	vmul.f32 v26, v23  }
0xe0: {  	v23 =	vmul.f32 v27, v23;
	[tilespmem:s19+$0xFFFFFFB0] =	vst v25  }
0xe1: {  	[tilespmem:s19+$0xFFFFFF90] =	vst v24  }
0xe2: {  	[tilespmem:s19+$0xFFFFFFA0] =	vst v23;
	v24 =	vld [tilespmem:s19+$0xFFFFFFC0]  }
0xe3: {  	v23 =	vld.idx.msk [tilespmem:v28+s6+$0x0], $0xffff  }
0xe4: {  	v25 =	vld [tilespmem:s19+$0xFFFFFFE0]  }
0xe5: {  	s20 =	simm.s32 $0x2;
	v26 =	vld [tilespmem:s19+$0xFFFFFFF0]  }
0xe6: {  	v63 =	vmov s20;
	v27 =	vld [tilespmem:s19+$0xFFFFFFD0]  }
0xe7: {  	v28 =	vand.u32 $0xFFFFFFFE, v63  }
0xe8: {  	v28 =	vbroadcast v28, $0x0;
	v24 =	vmul.f32 v24, v23  }
0xe9: {  	v25 =	vmul.f32 v25, v23  }
0xea: {  	v26 =	vmul.f32 v26, v23;
	[tilespmem:s19+$0xFFFFFFC0] =	vst v24  }
0xeb: {  	v23 =	vmul.f32 v27, v23;
	[tilespmem:s19+$0xFFFFFFE0] =	vst v25  }
0xec: {  	[tilespmem:s19+$0xFFFFFFF0] =	vst v26  }
0xed: {  	[tilespmem:s19+$0xFFFFFFD0] =	vst v23;
	v23 =	vld [tilespmem:s19+$0x0]  }
0xee: {  	v24 =	vld.idx.msk [tilespmem:v28+s6+$0x0], $0xffff  }
0xef: {  	v25 =	vld [tilespmem:s19+$0x10]  }
0xf0: {  	v26 =	vld [tilespmem:s19+$0x30];
	_ =	sdelay $0x1  }
0xf1: {  	v27 =	vld [tilespmem:s19+$0x20]  }
0xf2: {  	v23 =	vmul.f32 v23, v24  }
0xf3: {  	s21 =	simm.s32 $0x3;
	v25 =	vmul.f32 v25, v24  }
0xf4: {  	v26 =	vmul.f32 v26, v24;
	[tilespmem:s19+$0x0] =	vst v23;
	v23 =	vmov s21  }
0xf5: {  	[tilespmem:s19+$0x10] =	vst v25  }
0xf6: {  	s20 =	sshll.u32 s17, $0x1;
	s25 =	simm.s32 $0x7;
	v24 =	vmul.f32 v27, v24;
	[tilespmem:s19+$0x30] =	vst v26;
	s21 =	simm.s32 $0x5120  }
.LBB2_5:
0xf7: {  	p5 =	sne.s32 s25, $0x4F  }
0xf8: {  	[tilespmem:s19+$0x20] =	vst v24;
	v24 =	vld [tilespmem:s19+$0x60];
	s21 =	sadd.s32 $0x100, s21;
	s15 =	smov.u32 s25;
	s25 =	sadd.s32 $0x4, s25  }
0xf9: {  	v23 =	vld.idx.msk [tilespmem:v23+s6+$0x0], $0xffff  }
0xfa: {  	v25 =	vld [tilespmem:s19+$0x40]  }
0xfb: {  	v26 =	vld [tilespmem:s19+$0x50]  }
0xfc: {  	s18 =	sadd.s32 $0xFFFFFFFD, s15;
	v27 =	vld [tilespmem:s19+$0x70]  }
0xfd: {  	v28 =	vmov s18  }
0xfe: {  	v28 =	vand.u32 $0xFFFFFFFC, v28  }
0xff: {  	v28 =	vbroadcast v28, $0x0;
	v25 =	vmul.f32 v25, v23  }
0x100: {  	v24 =	vmul.f32 v24, v23;
	v26 =	vmul.f32 v26, v23  }
0x101: {  	[tilespmem:s19+$0x40] =	vst v25;
	v23 =	vmul.f32 v27, v23  }
0x102: {  	[tilespmem:s19+$0x60] =	vst v24  }
0x103: {  	v24 =	vld [tilespmem:s21+$0xFFFFFFA0];
	[tilespmem:s19+$0x70] =	vst v23  }
0x104: {  	v23 =	vld [tilespmem:s21+$0xFFFFFFB0];
	[tilespmem:s19+$0x50] =	vst v26;
	s19 =	smov.u32 s21  }
0x105: {  	v25 =	vld.idx.msk [tilespmem:v28+s6+$0x0], $0xffff  }
0x106: {  	v26 =	vld [tilespmem:s21+$0xFFFFFF80]  }
0x107: {  	v27 =	vld [tilespmem:s21+$0xFFFFFF90]  }
0x108: {  	s18 =	sadd.s32 $0xFFFFFFFE, s15  }
0x109: {  	v28 =	vmov s18  }
0x10a: {  	v28 =	vand.u32 $0xFFFFFFFD, v28  }
0x10b: {  	v28 =	vbroadcast v28, $0x0;
	v26 =	vmul.f32 v26, v25  }
0x10c: {  	v24 =	vmul.f32 v24, v25;
	v23 =	vmul.f32 v23, v25  }
0x10d: {  	v25 =	vmul.f32 v27, v25;
	[tilespmem:s21+$0xFFFFFF80] =	vst v26  }
0x10e: {  	[tilespmem:s21+$0xFFFFFFB0] =	vst v23  }
0x10f: {  	[tilespmem:s21+$0xFFFFFF90] =	vst v25;
	v23 =	vld [tilespmem:s21+$0xFFFFFFF0]  }
0x110: {  	[tilespmem:s21+$0xFFFFFFA0] =	vst v24;
	v24 =	vld [tilespmem:s21+$0xFFFFFFD0]  }
0x111: {  	v25 =	vld.idx.msk [tilespmem:v28+s6+$0x0], $0xffff  }
0x112: {  	v26 =	vld [tilespmem:s21+$0xFFFFFFC0]  }
0x113: {  	v27 =	vld [tilespmem:s21+$0xFFFFFFE0]  }
0x114: {  	s18 =	sadd.s32 $0xFFFFFFFF, s15  }
0x115: {  	v28 =	vmov s18  }
0x116: {  	v28 =	vand.u32 $0xFFFFFFFE, v28  }
0x117: {  	v28 =	vbroadcast v28, $0x0;
	v26 =	vmul.f32 v26, v25  }
0x118: {  	v23 =	vmul.f32 v23, v25;
	v27 =	vmul.f32 v27, v25  }
0x119: {  	v24 =	vmul.f32 v24, v25;
	[tilespmem:s21+$0xFFFFFFC0] =	vst v26  }
0x11a: {  	[tilespmem:s21+$0xFFFFFFE0] =	vst v27  }
0x11b: {  	[tilespmem:s21+$0xFFFFFFF0] =	vst v23;
	v23 =	vld [tilespmem:s21+$0x30]  }
0x11c: {  	[tilespmem:s21+$0xFFFFFFD0] =	vst v24;
	v24 =	vld [tilespmem:s21+$0x0]  }
0x11d: {  	v25 =	vld.idx.msk [tilespmem:v28+s6+$0x0], $0xffff  }
0x11e: {  	v26 =	vld [tilespmem:s21+$0x10]  }
0x11f: {  	v27 =	vld [tilespmem:s21+$0x20];
	_ =	sdelay $0x3  }
.Ltmp1:
0x120: {  	v28 =	vmul.f32 v24, v25;
	v26 =	vmul.f32 v26, v25;
	(pc) =	sbr.rel @p5 .LBB2_5-.Ltmp1, $4  }
0x121: {  	v24 =	vmul.f32 v27, v25;
	v25 =	vmul.f32 v23, v25;
	v23 =	vmov s15  }
0x122: {  	[tilespmem:s21+$0x0] =	vst v28  }
0x123: {  	[tilespmem:s21+$0x10] =	vst v26  }
0x124: {  	[tilespmem:s21+$0x30] =	vst v25  }
0x125: {  	_ =	sdelay $0x2  }
0x126: {  	[tilespmem:s19+$0x20] =	vst v24;
	v24 =	vld [tilespmem:s19+$0x40]  }
0x127: {  	v23 =	vld.idx.msk [tilespmem:v23+s6+$0x0], $0xffff  }
0x128: {  	v25 =	vld [tilespmem:s19+$0x60]  }
0x129: {  	v26 =	vld [tilespmem:s19+$0x70]  }
0x12a: {  	v27 =	vld [tilespmem:s19+$0x50];
	_ =	sdelay $0x1  }
0x12b: {  	v24 =	vmul.f32 v24, v23  }
0x12c: {  	v25 =	vmul.f32 v25, v23  }
0x12d: {  	[tilespmem:s19+$0x40] =	vst v24;
	v24 =	vmul.f32 v26, v23  }
0x12e: {  	p5 =	seq.s32 s17, $0x7C;
	v23 =	vmul.f32 v27, v23;
	[tilespmem:s19+$0x60] =	vst v25  }
0x12f: {  	s15 =	sadd.s32 @!p5 $0x2, s20;
	[tilespmem:s19+$0x70] =	vst v24  }
0x130: {  	s18 =	simm.s32 @!p2 $0x50;
	[tilespmem:s19+$0x50] =	vst v23;
	s19 =	sadd.s32 @!p5 s13, s15;
	s15 =	smul.u32 @!p5 $0x50, s15  }
0x131: {  	[spmem:s1] =	stream.indirect.scatter.add.f32 [tilespmem:s29], [sflag:$0x2], $0x40, s9, s26, $0xb8;
	[tilespmem:$0x14820] =	vst v63  }
0x132: {  	s21 =	simm.s32 @!p2 $0x64A0;
	s20 =	simm.s32 @!p2 $0x5000;
	s19 =	smul.u32 @!p5 $0x28, s19  }
0x133: {  	[spmem:s3] =	stream.indirect.scatter.add.f32 @!p2 [tilespmem:s21], [sflag:$0x3], $0x10, s20, s18, $0xb8;
	[tilespmem:$0x14820] =	vst v63  }
0x134: {  	s15 =	sadd.s32 @!p5 s12, s15;
	s18 =	sadd.s32 @!p5 s7, s19  }
0x135: {  	s19 =	simm.s32 @!p5 $0x0;
	s20 =	simm.s32 @!p5 $0x4E70;
	s15 =	sshrl.u32 @!p5 s15, $0x3  }
0x136: {  	[tilespmem:s20], [sflag:$0x4] =	stream.linear.gather @!p5 [hbm4b:s18+s19], $0x140, $0x38;
	[tilespmem:$0x14820] =	vst v63  }
0x137: {  	s15 =	sadd.s32 @!p5 s8, s15;
	s18 =	simm.s32 @!p5 $0x5050  }
0x138: {  	[tilespmem:s18], [sflag:$0x4] =	stream.linear.gather @!p5 [hbm4b:s15+s19], $0x50, $0x38;
	[tilespmem:$0x14820] =	vst v63  }
0x139: {  	s15 =	simm.s32 @p4 $0x7  }
0x13a: {  	_ =	swait.ge @p4 [sflag:s15], $0x500  }
0x13b: {  	[sflag:s15] =	ssyncset.done @p4 $0x0  }
0x13c: {  	[sflag:s15] =	ssyncadd.s32 @p4 $0xFFFFFB00  }
0x13d: {  	v23 =	vld [tilespmem:$0x69A0]  }
0x13e: {  	v24 =	vld [tilespmem:$0x69F0];
	_ =	sdelay $0x4  }
0x13f: {  	v23 =	vshll.u32 v23, $0x1;
	v25 =	vshll.u32 v24, $0x1  }
0x140: {  	v25 =	vor.u32 $0x1, v25;
	_ =	sdelay $0x2  }
0x141: {  	[tilespmem:$0x6B30] =	vst v24  }
0x142: {  	v23 =	vld.idx.msk [tilespmem:v23+s4+$0x0], $0xffff  }
0x143: {  	v24 =	vld.idx.msk [tilespmem:v25+s4+$0x0], $0xffff;
	_ =	sdelay $0x1  }
0x144: {  	v25 =	vld [tilespmem:$0x6B80];
	_ =	sdelay $0x2  }
0x145: {  	v23 =	vadd.f32 v24, v23;
	_ =	sdelay $0x1  }
0x146: {  	v23 =	vadd.f32 v25, v23;
	_ =	sdelay $0x1  }
0x147: {  	v24 =	vmul.f32 $2.000000030e-01, v23;
	_ =	sdelay $0x1  }
0x148: {  	v23 =	vmax.f32 v23, v24  }
0x149: {  	v23 =	vmul.f32 $1.442695020e+00, v23;
	_ =	sdelay $0x1  }
0x14a: {  	(erf) = vpow2.f32 v23;
	_ =	sdelay $0x7  }
0x14b: {  	v23 =	vld [tilespmem:$0x6A40]  }
0x14c: {  	v24 =	vld [tilespmem:$0x6A90];
	v25 =	vpop (erf)  }
0x14d: {  	[tilespmem:$0x4E20] =	vst v25  }
0x14e: {  	[tilespmem:v0+s10+$0x0] =	vst.idx.msk $0xffff, v25  }
0x14f: {  	[tilespmem:v3+s10+$0x0] =	vst.idx.msk $0xffff, v4  }
0x150: {  	[tilespmem:v5+s10+$0x0] =	vst.idx.msk $0xffff, v23  }
0x151: {  	[tilespmem:v6+s10+$0x0] =	vst.idx.msk $0xffff, v24  }
0x152: {  	v23 =	vld [tilespmem:$0x69B0]  }
0x153: {  	v24 =	vld [tilespmem:$0x6A00];
	_ =	sdelay $0x4  }
0x154: {  	v23 =	vshll.u32 v23, $0x1;
	v25 =	vshll.u32 v24, $0x1  }
0x155: {  	v25 =	vor.u32 $0x1, v25;
	_ =	sdelay $0x2  }
0x156: {  	[tilespmem:$0x6B40] =	vst v24  }
0x157: {  	v23 =	vld.idx.msk [tilespmem:v23+s4+$0x0], $0xffff  }
0x158: {  	v24 =	vld.idx.msk [tilespmem:v25+s4+$0x0], $0xffff;
	_ =	sdelay $0x1  }
0x159: {  	v25 =	vld [tilespmem:$0x6B90];
	_ =	sdelay $0x2  }
0x15a: {  	v23 =	vadd.f32 v24, v23;
	_ =	sdelay $0x1  }
0x15b: {  	v23 =	vadd.f32 v25, v23;
	_ =	sdelay $0x1  }
0x15c: {  	v24 =	vmul.f32 $2.000000030e-01, v23;
	_ =	sdelay $0x1  }
0x15d: {  	v23 =	vmax.f32 v23, v24  }
0x15e: {  	v23 =	vmul.f32 $1.442695020e+00, v23;
	_ =	sdelay $0x1  }
0x15f: {  	(erf) = vpow2.f32 v23;
	_ =	sdelay $0x7  }
0x160: {  	v23 =	vld [tilespmem:$0x6A50]  }
0x161: {  	v24 =	vld [tilespmem:$0x6AA0];
	v25 =	vpop (erf)  }
0x162: {  	[tilespmem:$0x4E30] =	vst v25  }
0x163: {  	[tilespmem:v7+s10+$0x0] =	vst.idx.msk $0xffff, v25  }
0x164: {  	[tilespmem:v8+s10+$0x0] =	vst.idx.msk $0xffff, v4  }
0x165: {  	[tilespmem:v9+s10+$0x0] =	vst.idx.msk $0xffff, v23  }
0x166: {  	[tilespmem:v10+s10+$0x0] =	vst.idx.msk $0xffff, v24  }
0x167: {  	v23 =	vld [tilespmem:$0x69C0]  }
0x168: {  	v24 =	vld [tilespmem:$0x6A10];
	_ =	sdelay $0x4  }
0x169: {  	v23 =	vshll.u32 v23, $0x1;
	v25 =	vshll.u32 v24, $0x1  }
0x16a: {  	v25 =	vor.u32 $0x1, v25;
	_ =	sdelay $0x2  }
0x16b: {  	[tilespmem:$0x6B50] =	vst v24  }
0x16c: {  	v23 =	vld.idx.msk [tilespmem:v23+s4+$0x0], $0xffff  }
0x16d: {  	v24 =	vld.idx.msk [tilespmem:v25+s4+$0x0], $0xffff;
	_ =	sdelay $0x1  }
0x16e: {  	v25 =	vld [tilespmem:$0x6BA0];
	_ =	sdelay $0x2  }
0x16f: {  	v23 =	vadd.f32 v24, v23;
	_ =	sdelay $0x1  }
0x170: {  	v23 =	vadd.f32 v25, v23;
	_ =	sdelay $0x1  }
0x171: {  	v24 =	vmul.f32 $2.000000030e-01, v23;
	_ =	sdelay $0x1  }
0x172: {  	v23 =	vmax.f32 v23, v24  }
0x173: {  	v23 =	vmul.f32 $1.442695020e+00, v23;
	_ =	sdelay $0x1  }
0x174: {  	(erf) = vpow2.f32 v23;
	_ =	sdelay $0x7  }
0x175: {  	v23 =	vld [tilespmem:$0x6A60]  }
0x176: {  	v24 =	vld [tilespmem:$0x6AB0];
	v25 =	vpop (erf)  }
0x177: {  	[tilespmem:$0x4E40] =	vst v25  }
0x178: {  	[tilespmem:v11+s10+$0x0] =	vst.idx.msk $0xffff, v25  }
0x179: {  	[tilespmem:v12+s10+$0x0] =	vst.idx.msk $0xffff, v4  }
0x17a: {  	[tilespmem:v13+s10+$0x0] =	vst.idx.msk $0xffff, v23  }
0x17b: {  	[tilespmem:v14+s10+$0x0] =	vst.idx.msk $0xffff, v24  }
0x17c: {  	v23 =	vld [tilespmem:$0x69D0]  }
0x17d: {  	v24 =	vld [tilespmem:$0x6A20];
	_ =	sdelay $0x4  }
0x17e: {  	v23 =	vshll.u32 v23, $0x1;
	v25 =	vshll.u32 v24, $0x1  }
0x17f: {  	v25 =	vor.u32 $0x1, v25;
	_ =	sdelay $0x2  }
0x180: {  	[tilespmem:$0x6B60] =	vst v24  }
0x181: {  	v23 =	vld.idx.msk [tilespmem:v23+s4+$0x0], $0xffff  }
0x182: {  	v24 =	vld.idx.msk [tilespmem:v25+s4+$0x0], $0xffff;
	_ =	sdelay $0x1  }
0x183: {  	v25 =	vld [tilespmem:$0x6BB0];
	_ =	sdelay $0x2  }
0x184: {  	v23 =	vadd.f32 v24, v23;
	_ =	sdelay $0x1  }
0x185: {  	v23 =	vadd.f32 v25, v23;
	_ =	sdelay $0x1  }
0x186: {  	v24 =	vmul.f32 $2.000000030e-01, v23;
	_ =	sdelay $0x1  }
0x187: {  	v23 =	vmax.f32 v23, v24  }
0x188: {  	v23 =	vmul.f32 $1.442695020e+00, v23;
	_ =	sdelay $0x1  }
0x189: {  	(erf) = vpow2.f32 v23;
	_ =	sdelay $0x7  }
0x18a: {  	v23 =	vld [tilespmem:$0x6A70]  }
0x18b: {  	v24 =	vld [tilespmem:$0x6AC0];
	v25 =	vpop (erf)  }
0x18c: {  	[tilespmem:$0x4E50] =	vst v25  }
0x18d: {  	[tilespmem:v15+s10+$0x0] =	vst.idx.msk $0xffff, v25  }
0x18e: {  	[tilespmem:v16+s10+$0x0] =	vst.idx.msk $0xffff, v4  }
0x18f: {  	[tilespmem:v17+s10+$0x0] =	vst.idx.msk $0xffff, v23  }
0x190: {  	[tilespmem:v18+s10+$0x0] =	vst.idx.msk $0xffff, v24  }
0x191: {  	v23 =	vld [tilespmem:$0x69E0]  }
0x192: {  	v24 =	vld [tilespmem:$0x6A30];
	_ =	sdelay $0x4  }
0x193: {  	v23 =	vshll.u32 v23, $0x1;
	v25 =	vshll.u32 v24, $0x1  }
0x194: {  	v25 =	vor.u32 $0x1, v25;
	_ =	sdelay $0x2  }
0x195: {  	[tilespmem:$0x6B70] =	vst v24  }
0x196: {  	v23 =	vld.idx.msk [tilespmem:v23+s4+$0x0], $0xffff  }
0x197: {  	v24 =	vld.idx.msk [tilespmem:v25+s4+$0x0], $0xffff;
	_ =	sdelay $0x1  }
0x198: {  	v25 =	vld [tilespmem:$0x6BC0];
	_ =	sdelay $0x2  }
0x199: {  	v23 =	vadd.f32 v24, v23;
	_ =	sdelay $0x1  }
0x19a: {  	v23 =	vadd.f32 v25, v23;
	_ =	sdelay $0x1  }
0x19b: {  	v24 =	vmul.f32 $2.000000030e-01, v23;
	_ =	sdelay $0x1  }
0x19c: {  	v23 =	vmax.f32 v23, v24  }
0x19d: {  	v23 =	vmul.f32 $1.442695020e+00, v23;
	_ =	sdelay $0x1  }
0x19e: {  	(erf) = vpow2.f32 v23;
	_ =	sdelay $0x7  }
0x19f: {  	v23 =	vld [tilespmem:$0x6A80]  }
0x1a0: {  	v24 =	vld [tilespmem:$0x6AD0];
	v25 =	vpop (erf)  }
0x1a1: {  	[tilespmem:$0x4E60] =	vst v25  }
0x1a2: {  	[tilespmem:v19+s10+$0x0] =	vst.idx.msk $0xffff, v25  }
0x1a3: {  	[tilespmem:v20+s10+$0x0] =	vst.idx.msk $0xffff, v4  }
0x1a4: {  	[tilespmem:v21+s10+$0x0] =	vst.idx.msk $0xffff, v23  }
0x1a5: {  	s15 =	simm.s32 @!p5 $0x4;
	[tilespmem:v22+s10+$0x0] =	vst.idx.msk $0xffff, v24  }
0x1a6: {  	_ =	swait.ge @!p5 [sflag:s15], $0x140  }
0x1a7: {  	[sflag:s15] =	ssyncset.done @!p5 $0x0  }
0x1a8: {  	[sflag:s15] =	ssyncadd.s32 @!p5 $0xFFFFFEC0  }
0x1a9: {  	_ =	swait.ge @!p5 [sflag:s15], $0x50  }
0x1aa: {  	[sflag:s15] =	ssyncset.done @!p5 $0x0  }
0x1ab: {  	[sflag:s15] =	ssyncadd.s32 @!p5 $0xFFFFFFB0;
	s15 =	simm.s32 @!p5 $0x2  }
0x1ac: {  	_ =	swait.ge @!p5 [sflag:s15], $0x1400  }
0x1ad: {  	[sflag:s15] =	ssyncset.done @!p5 $0x0  }
0x1ae: {  	[sflag:s15] =	ssyncadd.s32 @!p5 $0xFFFFEC00  }
0x1af: {  	v23 =	vld @!p5 [tilespmem:$0x4E70]  }
0x1b0: {  	v24 =	vld @!p5 [tilespmem:$0x4E80]  }
0x1b1: {  	v25 =	vld @!p5 [tilespmem:$0x4E90]  }
0x1b2: {  	v26 =	vld @!p5 [tilespmem:$0x4EA0]  }
0x1b3: {  	v27 =	vld @!p5 [tilespmem:$0x4EB0]  }
0x1b4: {  	v23 =	vshll.u32 @!p5 v23, $0x1  }
0x1b5: {  	v24 =	vshll.u32 @!p5 v24, $0x1;
	v23 =	vor.u32 @!p5 v1, v23  }
0x1b6: {  	s19 =	simm.s32 $0x0;
	[tilespmem:$0x4FB0] =	vst @!p5 v23;
	v23 =	vor.u32 @!p5 v1, v24;
	v24 =	vshll.u32 @!p5 v25, $0x1  }
0x1b7: {  	v25 =	vmov s19;
	[tilespmem:$0x4FC0] =	vst @!p5 v23;
	v23 =	vor.u32 @!p5 v1, v24;
	v24 =	vshll.u32 @!p5 v26, $0x1  }
0x1b8: {  	v25 =	vand.u32 $0xFFFFFFFC, v25;
	[tilespmem:$0x4FD0] =	vst @!p5 v23;
	v23 =	vor.u32 @!p5 v1, v24;
	v24 =	vshll.u32 @!p5 v27, $0x1  }
0x1b9: {  	[tilespmem:$0x4FE0] =	vst @!p5 v23;
	v23 =	vor.u32 @!p5 v1, v24;
	v24 =	vbroadcast v25, $0x0  }
0x1ba: {  	s18 =	simm.s32 @!p5 $0x4FB0;
	s15 =	simm.s32 @!p5 $0x50;
	s19 =	simm.s32 @!p5 $0x50A0;
	[tilespmem:$0x4FF0] =	vst @!p5 v23  }
0x1bb: {  	[tilespmem:s19], [sflag:$0x1] =	stream.indirect.gather @!p5 [hbm4b:s5+s15], $0x40, s18, s15, $0xb8;
	[tilespmem:$0x14820] =	vst v63  }
0x1bc: {  	_ =	swait.ge [sflag:s11], $0x1400  }
0x1bd: {  	[sflag:s11] =	ssyncset.done $0x0  }
0x1be: {  	[sflag:s11] =	ssyncadd.s32 $0xFFFFEC00  }
0x1bf: {  	s19 =	simm.s32 $0x6C50;
	v23 =	vld.idx.msk [tilespmem:v24+s6+$0x0], $0xffff  }
0x1c0: {  	v24 =	vld [tilespmem:s19+$0xFFFFFF80]  }
0x1c1: {  	v25 =	vld [tilespmem:s19+$0xFFFFFFB0]  }
0x1c2: {  	s20 =	simm.s32 $0x1;
	v26 =	vld [tilespmem:s19+$0xFFFFFF90]  }
0x1c3: {  	v28 =	vmov s20;
	v27 =	vld [tilespmem:s19+$0xFFFFFFA0]  }
0x1c4: {  	v28 =	vand.u32 $0xFFFFFFFD, v28  }
0x1c5: {  	v28 =	vbroadcast v28, $0x0;
	v24 =	vmul.f32 v24, v23  }
0x1c6: {  	v25 =	vmul.f32 v25, v23  }
0x1c7: {  	[tilespmem:s19+$0xFFFFFF80] =	vst v24;
	v24 =	vmul.f32 v26, v23  }
0x1c8: {  	v23 =	vmul.f32 v27, v23;
	[tilespmem:s19+$0xFFFFFFB0] =	vst v25  }
0x1c9: {  	[tilespmem:s19+$0xFFFFFF90] =	vst v24  }
0x1ca: {  	[tilespmem:s19+$0xFFFFFFA0] =	vst v23;
	v24 =	vld [tilespmem:s19+$0xFFFFFFC0]  }
0x1cb: {  	v23 =	vld.idx.msk [tilespmem:v28+s6+$0x0], $0xffff  }
0x1cc: {  	v25 =	vld [tilespmem:s19+$0xFFFFFFE0]  }
0x1cd: {  	s21 =	simm.s32 $0x2;
	v26 =	vld [tilespmem:s19+$0xFFFFFFF0]  }
0x1ce: {  	v63 =	vmov s21;
	v27 =	vld [tilespmem:s19+$0xFFFFFFD0]  }
0x1cf: {  	v28 =	vand.u32 $0xFFFFFFFE, v63  }
0x1d0: {  	v28 =	vbroadcast v28, $0x0;
	v24 =	vmul.f32 v24, v23  }
0x1d1: {  	v25 =	vmul.f32 v25, v23  }
0x1d2: {  	v26 =	vmul.f32 v26, v23;
	[tilespmem:s19+$0xFFFFFFC0] =	vst v24  }
0x1d3: {  	v23 =	vmul.f32 v27, v23;
	[tilespmem:s19+$0xFFFFFFE0] =	vst v25  }
0x1d4: {  	[tilespmem:s19+$0xFFFFFFF0] =	vst v26  }
0x1d5: {  	[tilespmem:s19+$0xFFFFFFD0] =	vst v23;
	v23 =	vld [tilespmem:s19+$0x0]  }
0x1d6: {  	v24 =	vld.idx.msk [tilespmem:v28+s6+$0x0], $0xffff  }
0x1d7: {  	v25 =	vld [tilespmem:s19+$0x10]  }
0x1d8: {  	v26 =	vld [tilespmem:s19+$0x30];
	_ =	sdelay $0x1  }
0x1d9: {  	v27 =	vld [tilespmem:s19+$0x20]  }
0x1da: {  	v23 =	vmul.f32 v23, v24  }
0x1db: {  	s25 =	simm.s32 $0x3;
	v25 =	vmul.f32 v25, v24  }
0x1dc: {  	v26 =	vmul.f32 v26, v24;
	[tilespmem:s19+$0x0] =	vst v23;
	v23 =	vmov s25  }
0x1dd: {  	[tilespmem:s19+$0x10] =	vst v25  }
0x1de: {  	s21 =	simm.s32 $0x6C50;
	s20 =	simm.s32 $0x7;
	v24 =	vmul.f32 v27, v24;
	[tilespmem:s19+$0x30] =	vst v26  }
.LBB2_7:
0x1df: {  	p4 =	sne.s32 s20, $0x4F  }
0x1e0: {  	[tilespmem:s19+$0x20] =	vst v24;
	v24 =	vld [tilespmem:s19+$0x60];
	s21 =	sadd.s32 $0x100, s21;
	s15 =	smov.u32 s20;
	s20 =	sadd.s32 $0x4, s20  }
0x1e1: {  	v23 =	vld.idx.msk [tilespmem:v23+s6+$0x0], $0xffff  }
0x1e2: {  	v25 =	vld [tilespmem:s19+$0x40]  }
0x1e3: {  	v26 =	vld [tilespmem:s19+$0x50]  }
0x1e4: {  	s18 =	sadd.s32 $0xFFFFFFFD, s15;
	v27 =	vld [tilespmem:s19+$0x70]  }
0x1e5: {  	v28 =	vmov s18  }
0x1e6: {  	v28 =	vand.u32 $0xFFFFFFFC, v28  }
0x1e7: {  	v28 =	vbroadcast v28, $0x0;
	v25 =	vmul.f32 v25, v23  }
0x1e8: {  	v24 =	vmul.f32 v24, v23;
	v26 =	vmul.f32 v26, v23  }
0x1e9: {  	[tilespmem:s19+$0x40] =	vst v25;
	v23 =	vmul.f32 v27, v23  }
0x1ea: {  	[tilespmem:s19+$0x60] =	vst v24  }
0x1eb: {  	v24 =	vld [tilespmem:s21+$0xFFFFFFA0];
	[tilespmem:s19+$0x70] =	vst v23  }
0x1ec: {  	v23 =	vld [tilespmem:s21+$0xFFFFFFB0];
	[tilespmem:s19+$0x50] =	vst v26;
	s19 =	smov.u32 s21  }
0x1ed: {  	v25 =	vld.idx.msk [tilespmem:v28+s6+$0x0], $0xffff  }
0x1ee: {  	v26 =	vld [tilespmem:s21+$0xFFFFFF80]  }
0x1ef: {  	v27 =	vld [tilespmem:s21+$0xFFFFFF90]  }
0x1f0: {  	s18 =	sadd.s32 $0xFFFFFFFE, s15  }
0x1f1: {  	v28 =	vmov s18  }
0x1f2: {  	v28 =	vand.u32 $0xFFFFFFFD, v28  }
0x1f3: {  	v28 =	vbroadcast v28, $0x0;
	v26 =	vmul.f32 v26, v25  }
0x1f4: {  	v24 =	vmul.f32 v24, v25;
	v23 =	vmul.f32 v23, v25  }
0x1f5: {  	v25 =	vmul.f32 v27, v25;
	[tilespmem:s21+$0xFFFFFF80] =	vst v26  }
0x1f6: {  	[tilespmem:s21+$0xFFFFFFB0] =	vst v23  }
0x1f7: {  	[tilespmem:s21+$0xFFFFFF90] =	vst v25;
	v23 =	vld [tilespmem:s21+$0xFFFFFFF0]  }
0x1f8: {  	[tilespmem:s21+$0xFFFFFFA0] =	vst v24;
	v24 =	vld [tilespmem:s21+$0xFFFFFFD0]  }
0x1f9: {  	v25 =	vld.idx.msk [tilespmem:v28+s6+$0x0], $0xffff  }
0x1fa: {  	v26 =	vld [tilespmem:s21+$0xFFFFFFC0]  }
0x1fb: {  	v27 =	vld [tilespmem:s21+$0xFFFFFFE0]  }
0x1fc: {  	s18 =	sadd.s32 $0xFFFFFFFF, s15  }
0x1fd: {  	v28 =	vmov s18  }
0x1fe: {  	v28 =	vand.u32 $0xFFFFFFFE, v28  }
0x1ff: {  	v28 =	vbroadcast v28, $0x0;
	v26 =	vmul.f32 v26, v25  }
0x200: {  	v23 =	vmul.f32 v23, v25;
	v27 =	vmul.f32 v27, v25  }
0x201: {  	v24 =	vmul.f32 v24, v25;
	[tilespmem:s21+$0xFFFFFFC0] =	vst v26  }
0x202: {  	[tilespmem:s21+$0xFFFFFFE0] =	vst v27  }
0x203: {  	[tilespmem:s21+$0xFFFFFFF0] =	vst v23;
	v23 =	vld [tilespmem:s21+$0x30]  }
0x204: {  	[tilespmem:s21+$0xFFFFFFD0] =	vst v24;
	v24 =	vld [tilespmem:s21+$0x0]  }
0x205: {  	v25 =	vld.idx.msk [tilespmem:v28+s6+$0x0], $0xffff  }
0x206: {  	v26 =	vld [tilespmem:s21+$0x10]  }
0x207: {  	v27 =	vld [tilespmem:s21+$0x20];
	_ =	sdelay $0x3  }
.Ltmp2:
0x208: {  	v28 =	vmul.f32 v24, v25;
	v26 =	vmul.f32 v26, v25;
	(pc) =	sbr.rel @p4 .LBB2_7-.Ltmp2, $4  }
0x209: {  	v24 =	vmul.f32 v27, v25;
	v25 =	vmul.f32 v23, v25;
	v23 =	vmov s15  }
0x20a: {  	[tilespmem:s21+$0x0] =	vst v28  }
0x20b: {  	[tilespmem:s21+$0x10] =	vst v26  }
0x20c: {  	[tilespmem:s21+$0x30] =	vst v25  }
0x20d: {  	_ =	sdelay $0x2  }
0x20e: {  	[tilespmem:s19+$0x20] =	vst v24;
	v62 =	vld [tilespmem:s19+$0x40]  }
0x20f: {  	v23 =	vld.idx.msk [tilespmem:v23+s6+$0x0], $0xffff  }
0x210: {  	v25 =	vld [tilespmem:s19+$0x60]  }
0x211: {  	v26 =	vld [tilespmem:s19+$0x70]  }
0x212: {  	v27 =	vld [tilespmem:s19+$0x50];
	_ =	sdelay $0x1  }
0x213: {  	v24 =	vmul.f32 v62, v23  }
0x214: {  	v25 =	vmul.f32 v25, v23  }
0x215: {  	s17 =	sadd.s32 $0x1, s17;
	v63 =	vmul.f32 v26, v23;
	[tilespmem:s19+$0x40] =	vst v24  }
0x216: {  	p4 =	sne.s32 s17, $0x7D;
	v23 =	vmul.f32 v27, v23;
	[tilespmem:s19+$0x60] =	vst v25  }
.Ltmp3:
0x217: {  	[tilespmem:s19+$0x70] =	vst v63;
	(pc) =	sbr.rel @p4 .LBB2_4-.Ltmp3, $4  }
0x218: {  	[tilespmem:s19+$0x50] =	vst v23  }
0x219: {  	[spmem:s1] =	stream.indirect.scatter.add.f32 [tilespmem:s28], [sflag:$0x6], $0x40, s14, s26, $0xb8;
	[tilespmem:$0x14820] =	vst v63  }
0x21a: {  	s15 =	simm.s32 @!p2 $0x50;
	s18 =	simm.s32 @!p2 $0x6B30;
	s19 =	simm.s32 @!p2 $0x7FD0  }
0x21b: {  	[spmem:s3] =	stream.indirect.scatter.add.f32 @!p2 [tilespmem:s19], [sflag:$0x7], $0x10, s18, s15, $0xb8;
	[tilespmem:$0x14820] =	vst v63  }
0x21c: {  	s15 =	simm.s32 $0x2  }
0x21d: {  	_ =	swait.ge [sflag:s15], $0x1400  }
0x21e: {  	[sflag:s15] =	ssyncset.done $0x0  }
0x21f: {  	[sflag:s15] =	ssyncadd.s32 $0xFFFFEC00;
	s15 =	simm.s32 @p2 $0x6  }
0x220: {  	_ =	swait.ge @p2 [sflag:s15], $0x1400  }
0x221: {  	[sflag:s15] =	ssyncset.done @p2 $0x0  }
0x222: {  	[sflag:s15] =	ssyncadd.s32 @p2 $0xFFFFEC00;
	s15 =	simm.s32 @!p2 $0x3  }
0x223: {  	_ =	swait.ge @!p2 [sflag:s15], $0x500  }
0x224: {  	[sflag:s15] =	ssyncset.done @!p2 $0x0  }
0x225: {  	[sflag:s15] =	ssyncadd.s32 @!p2 $0xFFFFFB00;
	s15 =	simm.s32 @!p2 $0x6  }
0x226: {  	_ =	swait.ge @!p2 [sflag:s15], $0x1400  }
0x227: {  	[sflag:s15] =	ssyncset.done @!p2 $0x0  }
0x228: {  	[sflag:s15] =	ssyncadd.s32 @!p2 $0xFFFFEC00;
	s15 =	simm.s32 @!p2 $0x7  }
0x229: {  	_ =	swait.ge @!p2 [sflag:s15], $0x500  }
0x22a: {  	[sflag:s15] =	ssyncset.done @!p2 $0x0  }
0x22b: {  	[sflag:s15] =	ssyncadd.s32 @!p2 $0xFFFFFB00  }
0x22c: {  	[bflag:$0x0] =	sbarrier.arrive $0xFFFF  }
0x22d: {  	s15 =	rddreg [dreg:$0xa]  }
0x22e: {  	s19 =	rddreg [dreg:$0xc]  }
0x22f: {  	s17 =	rddreg [dreg:$0xf]  }
0x230: {  	[hbm:s15], [sflag:s19] =	dma.local @!p0 [spmem:s17], $0x1F40  }
0x231: {  	s15 =	simm.s32 @!p0 $0x9  }
0x232: {  	s17 =	stileid.u32;
	_ =	swait.ge @!p0 [sflag:s15], $0x1F40  }
0x233: {  	s17 =	sshll.u32 @!p3 s17, $0x6;
	[sflag:s15] =	ssyncset.done @!p0 $0x0;
	s18 =	rddreg [dreg:$0x7]  }
0x234: {  	[sflag:s15] =	ssyncadd.s32 @!p0 $0xFFFFE0C0;
	s15 =	sor.u32 @!p3 $0x1C09, s17;
	s17 =	sshrl.u32 @!p3 s3, $0x3  }
0x235: {  	[hbm:s18], [sflag:s15] =	dma.local @!p3 [spmem:s17], $0x4E20  }
0x236: {  	s15 =	simm.s32 @!p3 $0x9  }
0x237: {  	_ =	swait.ge @!p3 [sflag:s15], $0x4E20  }
0x238: {  	s16 =	sadd.s32 $0x1, s16;
	s25 =	rddreg [dreg:$0xb]  }
0x239: {  	p4 =	sne.s32 s16, s25  }
.Ltmp4:
0x23a: {  	_ = 	snop;
	(pc) =	sbr.rel @p4 .LBB2_1-.Ltmp4, $3  }
0x23b: {  	_ =	sdelay $0x1  }
0x23c: {  	[sflag:s15] =	ssyncset.done @!p3 $0x0  }
0x23d: {  	[sflag:s15] =	ssyncadd.s32 @!p3 $0xFFFFB1E0  }
0x23e: {  	_ =	sfence.sel $0x180000  }
0x23f: {  	[bflag:$0x0] =	sbarrier.arrive $0xFFFF  }
0x240: {  	_ =	strace $0x90000047  }
0x241: {  	s0 =	stileid.u32;
	[bflag:$0x2] =	sbarrier.arrive $0xFFFF  }
0x242: {  	p0 =	sne.s32 s0, $0x0;
	s0 =	rddreg [dreg:$0x3]  }
0x243: {  	s0 =	sadd.s32 @!p0 $0x100000, s0  }
0x244: {  	[sflag:s0] =	ssyncadd.tile.s32 @!p0 $0x1;
	_ =	shalt  }
.Lfunc_end2:
_tile_overlayer_lowered:
.L_overlay_start_2:
0x245: {  	(tag) =	ssettag $0x2  }
0x246: {  	s0 =	rddreg [dreg:$0x0];
	s2 =	stileid.u32  }
0x247: {  	s1 =	rddreg [dreg:$0x1];
	p0 =	sne.s32 s2, $0x0  }
0x248: {  	s3 =	rddreg [dreg:$0x2];
	[bflag:$0x3] =	sbarrier.arrive $0xFFFF;
	s2 =	simm.s32 @!p0 $0x1C09  }
0x249: {  	[timem:s3], [sflag:s2] =	dma.local @!p0 [hbm:s0], s1  }
0x24a: {  	s0 =	simm.s32 @!p0 $0x9  }
0x24b: {  	_ =	swait.ge @!p0 [sflag:s0], s1  }
0x24c: {  	s1 =	ssub.s32 @!p0 $0x0, s1;
	[sflag:s0] =	ssyncset.done @!p0 $0x0  }
0x24d: {  	[sflag:s0] =	ssyncadd.s32 @!p0 s1  }
0x24e: {  	[bflag:$0x3] =	sbarrier.arrive $0xFFFF  }
0x24f: {  	_ =	shalt  }

</sc_bundles>
